<compile_context>
chip_gen: v7x
topology: tpu7x:2x2x1
jax: 0.10.2.dev20260603
libtpu: 0.0.44.dev20260713+nightly
codegen_flags: <defaults>
</compile_context>

<pallas_src>
import functools

import jax
import jax.numpy as jnp
from jax import lax
from jax.experimental import pallas as pl
from jax.experimental.pallas import tpu as pltpu
from jax.experimental.pallas import tpu_sc as plsc

_B, _S = 16384, 50
_D = 32
_NW = 32
_CPU = 4
_UN = _CPU * 128


def _transpose_unit(g, st):
    d16 = lax.broadcasted_iota(jnp.int32, (16,), 0)
    i1_lo = d16 // 8
    i1_hi = i1_lo + 2
    i2 = d16 % 8

    def tj(jo, carry):
        cb = jo // 16
        k8 = jo % 16
        row0 = cb * 128 + k8 * 8
        cbv = jnp.full((16,), cb, jnp.int32)
        for u in range(8):
            j = row0 + u
            nnv = jnp.full((16,), k8 * 8 + u, jnp.int32)
            vlo = g[j, pl.ds(0, 16)]
            vhi = g[j, pl.ds(16, 16)]
            plsc.store_scatter(st, [cbv, i1_lo, i2, nnv], vlo)
            plsc.store_scatter(st, [cbv, i1_hi, i2, nnv], vhi)
        return carry

    lax.fori_loop(0, _CPU * 16, tj, 0)


def _body(tok_hbm, table_hbm, out_hbm, tokv, idx_a, idx_b, g_a, g_b,
          st_a, st_b, gs_a, gs_b, ss_a, ss_b):
    cid = lax.axis_index("c")
    sid = lax.axis_index("s")
    wid = sid * 2 + cid
    c0 = wid * _CPU
    pltpu.sync_copy(tok_hbm.at[pl.ds(wid * (_UN * _S // 128), _UN * _S // 128)],
                    tokv)
    iota50 = lax.broadcasted_iota(jnp.int32, (16,), 0) * _S

    def fire(s, idx_v, g, gsem):
        for j in range(_UN // 16):
            off = iota50 + (j * 16 * _S + s)
            idx_v[pl.ds(j * 16, 16)] = plsc.load_gather(
                tokv, [off >> 7, off & 127])
        pltpu.async_copy(table_hbm.at[idx_v], g, gsem)

    def drain(idx_v, g, gsem):
        pltpu.make_async_copy(table_hbm.at[idx_v], g, gsem).wait()

    def store(s, st, ssem):
        for c in range(_CPU):
            for r in range(4):
                pltpu.async_copy(st.at[c, r, :, pl.ds(0, 128)],
                                 out_hbm.at[s, r, c0 + c], ssem)

    def wait_store(st, ssem):
        for c in range(_CPU):
            for r in range(4):
                pltpu.make_async_copy(st.at[c, r, :, pl.ds(0, 128)],
                                      out_hbm.at[0, r, 0], ssem).wait()

    fire(0, idx_a, g_a, gs_a)

    def step(p, carry):
        s0 = 2 * p
        fire(s0 + 1, idx_b, g_b, gs_b)
        drain(idx_a, g_a, gs_a)
        @pl.when(p > 0)
        def _():
            wait_store(st_a, ss_a)
        _transpose_unit(g_a, st_a)
        store(s0, st_a, ss_a)
        @pl.when(p < _S // 2 - 1)
        def _():
            fire(s0 + 2, idx_a, g_a, gs_a)
        drain(idx_b, g_b, gs_b)
        @pl.when(p > 0)
        def _():
            wait_store(st_b, ss_b)
        _transpose_unit(g_b, st_b)
        store(s0 + 1, st_b, ss_b)
        return carry

    lax.fori_loop(0, _S // 2, step, 0)
    wait_store(st_a, ss_a)
    wait_store(st_b, ss_b)


@jax.jit
def _embed(tok2, weight):
    mesh = plsc.VectorSubcoreMesh(core_axis_name="c", subcore_axis_name="s")
    kern = functools.partial(
        pl.kernel,
        mesh=mesh,
        out_type=jax.ShapeDtypeStruct((_S, 4, 128, 8, 128), jnp.float32),
        scratch_types=[
            pltpu.VMEM((_UN * _S // 128, 128), jnp.int32),
            pltpu.VMEM((_UN,), jnp.int32),
            pltpu.VMEM((_UN,), jnp.int32),
            pltpu.VMEM((_UN, _D), jnp.float32),
            pltpu.VMEM((_UN, _D), jnp.float32),
            pltpu.VMEM((_CPU, 4, 8, 133), jnp.float32),
            pltpu.VMEM((_CPU, 4, 8, 133), jnp.float32),
            pltpu.SemaphoreType.DMA,
            pltpu.SemaphoreType.DMA,
            pltpu.SemaphoreType.DMA,
            pltpu.SemaphoreType.DMA,
        ],
        compiler_params=pltpu.CompilerParams(
            use_tc_tiling_on_sc=False, needs_layout_passes=False),
    )(_body)
    return kern(tok2, weight)


def kernel(token_ids, weight):
    tok2 = token_ids.reshape(_B * _S // 128, 128).astype(jnp.int32)
    out5 = _embed(tok2, weight)
    return out5.transpose((2, 4, 0, 1, 3)).reshape(_B, _S, _D)

# --- scband reference (transcript-rebuilt; emitter-appended) ---
"""Pipeline reference for scband-embedding-10703058501696 (READ-ONLY COPY).

The authoritative reference and input builder live on the scoring server;
editing this copy changes nothing except your own understanding.
"""

import jax, jax.numpy as jnp
import numpy as np

NUM_EMBEDDINGS = 1000000
EMBEDDING_DIM = 32

def _trunc_normal(key, shape, mean=0.0, std=1.0, a=-3.0, b=3.0):
    # truncated normal in [a, b] with given mean/std (matches torch.nn.init.trunc_normal_)
    lo = (a - mean) / std
    hi = (b - mean) / std
    x = jax.random.truncated_normal(key, lo, hi, shape, dtype=jnp.float32)
    return x * std + mean

def setup_inputs(seed: int = 0) -> dict:
    key = jax.random.key(seed)
    k_idx, k_w = jax.random.split(key)
    token_ids = jax.random.randint(k_idx, (16384, 50), 0, NUM_EMBEDDINGS, dtype=jnp.int64)
    weight = _trunc_normal(k_w, (NUM_EMBEDDINGS, EMBEDDING_DIM), mean=0.0, std=1.0, a=-3.0, b=3.0)
    return {"token_ids": token_ids, "weight": weight}

def reference(token_ids, weight):
    # Embedding.forward: return self.weight[token_ids]
    return jnp.take(weight, token_ids, axis=0)

if __name__ == "__main__":
    import jax
    _d = setup_inputs()
    print(jax.jit(kernel)(*tuple(_d.values())))

</pallas_src>

<mosaic_0001>
#map = affine_map<(d0, d1) -> (0, 0)>
#map1 = affine_map<(d0, d1) -> (0, 0, 0, 0, 0)>
module attributes {stable_mosaic.version = 14 : i64} {
  func.func @_body(%arg0: i32, %arg1: i32, %arg2: memref<6400x128xi32, #tpu.memory_space<hbm>>, %arg3: memref<1000000x32xf32, #tpu.memory_space<hbm>>, %arg4: memref<50x4x128x8x128xf32, #tpu.memory_space<hbm>>, %arg5: memref<200x128xi32, #tpu.memory_space<vmem>>, %arg6: memref<512xi32, #tpu.memory_space<vmem>>, %arg7: memref<512xi32, #tpu.memory_space<vmem>>, %arg8: memref<512x32xf32, #tpu.memory_space<vmem>>, %arg9: memref<512x32xf32, #tpu.memory_space<vmem>>, %arg10: memref<4x4x8x133xf32, #tpu.memory_space<vmem>>, %arg11: memref<4x4x8x133xf32, #tpu.memory_space<vmem>>, %arg12: memref<!tpu.dma_semaphore, #tpu.memory_space<semaphore_mem>>, %arg13: memref<!tpu.dma_semaphore, #tpu.memory_space<semaphore_mem>>, %arg14: memref<!tpu.dma_semaphore, #tpu.memory_space<semaphore_mem>>, %arg15: memref<!tpu.dma_semaphore, #tpu.memory_space<semaphore_mem>>) attributes {dimension_semantics = [#tpu.dimension_semantics<core_parallel>, #tpu.dimension_semantics<subcore_parallel>], iteration_bounds = array<i64: 2, 16>, scalar_prefetch = 0 : i64, scratch_operands = 11 : i64, tpu.core_type = #tpu.core_type<sc_vector_subcore>, window_params = [{transform_indices = #map}, {transform_indices = #map}, {transform_indices = #map1}]} {
    %mul3A = arith.constant 2 : i32
    %mul3A_0 = arith.muli %arg1, %mul3A : i32
    %add3A = arith.addi %mul3A_0, %arg0 : i32
    %mul3A_1 = arith.constant 4 : i32
    %mul3A_2 = arith.muli %add3A, %mul3A_1 : i32
    %mul3A_3 = arith.constant 200 : i32
    %mul3A_4 = arith.muli %add3A, %mul3A_3 : i32
    "tpu.region"() ({
      %run_scoped3A = tpu.sem_alloc : memref<!tpu.dma_semaphore, #tpu.memory_space<semaphore_mem>>
      %dma_start3A_1066 = arith.constant 0 : i32
      %dma_start3A_1067 = tpu.memref_slice %arg2[%mul3A_4, %dma_start3A_1066] : memref<6400x128xi32, #tpu.memory_space<hbm>> -> memref<200x128xi32, #tpu.memory_space<hbm>>
      %dma_start3A_1068 = arith.constant 0 : i32
      %dma_start3A_1069 = tpu.memref_slice %arg2[%mul3A_4, %dma_start3A_1068] : memref<6400x128xi32, #tpu.memory_space<hbm>> -> memref<200x128xi32, #tpu.memory_space<hbm>>
      tpu.enqueue_dma source(%dma_start3A_1069 : memref<200x128xi32, #tpu.memory_space<hbm>>) target(%arg5 : memref<200x128xi32, #tpu.memory_space<vmem>>) target_semaphore(%run_scoped3A : memref<!tpu.dma_semaphore, #tpu.memory_space<semaphore_mem>>)
      %dma_wait3A_1070 = arith.constant 0 : i32
      %dma_wait3A_1071 = tpu.memref_slice %arg2[%mul3A_4, %dma_wait3A_1070] : memref<6400x128xi32, #tpu.memory_space<hbm>> -> memref<200x128xi32, #tpu.memory_space<hbm>>
      %dma_wait3A_1072 = arith.constant 0 : i32
      %dma_wait3A_1073 = tpu.memref_slice %arg2[%mul3A_4, %dma_wait3A_1072] : memref<6400x128xi32, #tpu.memory_space<hbm>> -> memref<200x128xi32, #tpu.memory_space<hbm>>
      tpu.wait_dma2 semaphore(%run_scoped3A : memref<!tpu.dma_semaphore, #tpu.memory_space<semaphore_mem>>) src(%dma_wait3A_1073 : memref<200x128xi32, #tpu.memory_space<hbm>>) dst(%arg5 : memref<200x128xi32, #tpu.memory_space<vmem>>)
      tpu.yield
    }) : () -> ()
    %iota3A = tpu.iota {dimensions = array<i32: 0>} : vector<16xi32>
    %mul3A_5 = arith.constant 50 : i32
    %mul3A_6 = vector.broadcast %mul3A_5 : i32 to vector<16xi32>
    %mul3A_7 = arith.muli %iota3A, %mul3A_6 : vector<16xi32>
    %add3A_8 = arith.constant 0 : i32
    %add3A_9 = vector.broadcast %add3A_8 : i32 to vector<16xi32>
    %add3A_10 = arith.addi %mul3A_7, %add3A_9 : vector<16xi32>
    %shift_right_arithmetic3A = arith.constant 7 : i32
    %shift_right_arithmetic3A_11 = vector.broadcast %shift_right_arithmetic3A : i32 to vector<16xi32>
    %shift_right_arithmetic3A_12 = arith.shrsi %add3A_10, %shift_right_arithmetic3A_11 : vector<16xi32>
    %and3A = arith.constant 127 : i32
    %and3A_13 = vector.broadcast %and3A : i32 to vector<16xi32>
    %and3A_14 = arith.andi %add3A_10, %and3A_13 : vector<16xi32>
    %gather3A = tpu.vector_load_idx %arg5[%shift_right_arithmetic3A_12, %and3A_14] : memref<200x128xi32, #tpu.memory_space<vmem>>[vector<16xi32>, vector<16xi32>], vector<16xi32>,
    %swap3A = arith.constant 0 : index
    %swap3A_15 = tpu.vector_load %arg6[%swap3A] {strides = array<i32>} : memref<512xi32, #tpu.memory_space<vmem>>, vector<16xi32>,
    tpu.vector_store %arg6[%swap3A], %gather3A {strides = array<i32>} : memref<512xi32, #tpu.memory_space<vmem>>, vector<16xi32>,
    %add3A_16 = arith.constant 800 : i32
    %add3A_17 = vector.broadcast %add3A_16 : i32 to vector<16xi32>
    %add3A_18 = arith.addi %mul3A_7, %add3A_17 : vector<16xi32>
    %shift_right_arithmetic3A_19 = arith.constant 7 : i32
    %shift_right_arithmetic3A_20 = vector.broadcast %shift_right_arithmetic3A_19 : i32 to vector<16xi32>
    %shift_right_arithmetic3A_21 = arith.shrsi %add3A_18, %shift_right_arithmetic3A_20 : vector<16xi32>
    %and3A_22 = arith.constant 127 : i32
    %and3A_23 = vector.broadcast %and3A_22 : i32 to vector<16xi32>
    %and3A_24 = arith.andi %add3A_18, %and3A_23 : vector<16xi32>
    %gather3A_25 = tpu.vector_load_idx %arg5[%shift_right_arithmetic3A_21, %and3A_24] : memref<200x128xi32, #tpu.memory_space<vmem>>[vector<16xi32>, vector<16xi32>], vector<16xi32>,
    %swap3A_26 = arith.constant 16 : index
    %swap3A_27 = tpu.vector_load %arg6[%swap3A_26] {strides = array<i32>} : memref<512xi32, #tpu.memory_space<vmem>>, vector<16xi32>,
    tpu.vector_store %arg6[%swap3A_26], %gather3A_25 {strides = array<i32>} : memref<512xi32, #tpu.memory_space<vmem>>, vector<16xi32>,
    %add3A_28 = arith.constant 1600 : i32
    %add3A_29 = vector.broadcast %add3A_28 : i32 to vector<16xi32>
    %add3A_30 = arith.addi %mul3A_7, %add3A_29 : vector<16xi32>
    %shift_right_arithmetic3A_31 = arith.constant 7 : i32
    %shift_right_arithmetic3A_32 = vector.broadcast %shift_right_arithmetic3A_31 : i32 to vector<16xi32>
    %shift_right_arithmetic3A_33 = arith.shrsi %add3A_30, %shift_right_arithmetic3A_32 : vector<16xi32>
    %and3A_34 = arith.constant 127 : i32
    %and3A_35 = vector.broadcast %and3A_34 : i32 to vector<16xi32>
    %and3A_36 = arith.andi %add3A_30, %and3A_35 : vector<16xi32>
    %gather3A_37 = tpu.vector_load_idx %arg5[%shift_right_arithmetic3A_33, %and3A_36] : memref<200x128xi32, #tpu.memory_space<vmem>>[vector<16xi32>, vector<16xi32>], vector<16xi32>,
    %swap3A_38 = arith.constant 32 : index
    %swap3A_39 = tpu.vector_load %arg6[%swap3A_38] {strides = array<i32>} : memref<512xi32, #tpu.memory_space<vmem>>, vector<16xi32>,
    tpu.vector_store %arg6[%swap3A_38], %gather3A_37 {strides = array<i32>} : memref<512xi32, #tpu.memory_space<vmem>>, vector<16xi32>,
    %add3A_40 = arith.constant 2400 : i32
    %add3A_41 = vector.broadcast %add3A_40 : i32 to vector<16xi32>
    %add3A_42 = arith.addi %mul3A_7, %add3A_41 : vector<16xi32>
    %shift_right_arithmetic3A_43 = arith.constant 7 : i32
    %shift_right_arithmetic3A_44 = vector.broadcast %shift_right_arithmetic3A_43 : i32 to vector<16xi32>
    %shift_right_arithmetic3A_45 = arith.shrsi %add3A_42, %shift_right_arithmetic3A_44 : vector<16xi32>
    %and3A_46 = arith.constant 127 : i32
    %and3A_47 = vector.broadcast %and3A_46 : i32 to vector<16xi32>
    %and3A_48 = arith.andi %add3A_42, %and3A_47 : vector<16xi32>
    %gather3A_49 = tpu.vector_load_idx %arg5[%shift_right_arithmetic3A_45, %and3A_48] : memref<200x128xi32, #tpu.memory_space<vmem>>[vector<16xi32>, vector<16xi32>], vector<16xi32>,
    %swap3A_50 = arith.constant 48 : index
    %swap3A_51 = tpu.vector_load %arg6[%swap3A_50] {strides = array<i32>} : memref<512xi32, #tpu.memory_space<vmem>>, vector<16xi32>,
    tpu.vector_store %arg6[%swap3A_50], %gather3A_49 {strides = array<i32>} : memref<512xi32, #tpu.memory_space<vmem>>, vector<16xi32>,
    %add3A_52 = arith.constant 3200 : i32
    %add3A_53 = vector.broadcast %add3A_52 : i32 to vector<16xi32>
    %add3A_54 = arith.addi %mul3A_7, %add3A_53 : vector<16xi32>
    %shift_right_arithmetic3A_55 = arith.constant 7 : i32
    %shift_right_arithmetic3A_56 = vector.broadcast %shift_right_arithmetic3A_55 : i32 to vector<16xi32>
    %shift_right_arithmetic3A_57 = arith.shrsi %add3A_54, %shift_right_arithmetic3A_56 : vector<16xi32>
    %and3A_58 = arith.constant 127 : i32
    %and3A_59 = vector.broadcast %and3A_58 : i32 to vector<16xi32>
    %and3A_60 = arith.andi %add3A_54, %and3A_59 : vector<16xi32>
    %gather3A_61 = tpu.vector_load_idx %arg5[%shift_right_arithmetic3A_57, %and3A_60] : memref<200x128xi32, #tpu.memory_space<vmem>>[vector<16xi32>, vector<16xi32>], vector<16xi32>,
    %swap3A_62 = arith.constant 64 : index
    %swap3A_63 = tpu.vector_load %arg6[%swap3A_62] {strides = array<i32>} : memref<512xi32, #tpu.memory_space<vmem>>, vector<16xi32>,
    tpu.vector_store %arg6[%swap3A_62], %gather3A_61 {strides = array<i32>} : memref<512xi32, #tpu.memory_space<vmem>>, vector<16xi32>,
    %add3A_64 = arith.constant 4000 : i32
    %add3A_65 = vector.broadcast %add3A_64 : i32 to vector<16xi32>
    %add3A_66 = arith.addi %mul3A_7, %add3A_65 : vector<16xi32>
    %shift_right_arithmetic3A_67 = arith.constant 7 : i32
    %shift_right_arithmetic3A_68 = vector.broadcast %shift_right_arithmetic3A_67 : i32 to vector<16xi32>
    %shift_right_arithmetic3A_69 = arith.shrsi %add3A_66, %shift_right_arithmetic3A_68 : vector<16xi32>
    %and3A_70 = arith.constant 127 : i32
    %and3A_71 = vector.broadcast %and3A_70 : i32 to vector<16xi32>
    %and3A_72 = arith.andi %add3A_66, %and3A_71 : vector<16xi32>
    %gather3A_73 = tpu.vector_load_idx %arg5[%shift_right_arithmetic3A_69, %and3A_72] : memref<200x128xi32, #tpu.memory_space<vmem>>[vector<16xi32>, vector<16xi32>], vector<16xi32>,
    %swap3A_74 = arith.constant 80 : index
    %swap3A_75 = tpu.vector_load %arg6[%swap3A_74] {strides = array<i32>} : memref<512xi32, #tpu.memory_space<vmem>>, vector<16xi32>,
    tpu.vector_store %arg6[%swap3A_74], %gather3A_73 {strides = array<i32>} : memref<512xi32, #tpu.memory_space<vmem>>, vector<16xi32>,
    %add3A_76 = arith.constant 4800 : i32
    %add3A_77 = vector.broadcast %add3A_76 : i32 to vector<16xi32>
    %add3A_78 = arith.addi %mul3A_7, %add3A_77 : vector<16xi32>
    %shift_right_arithmetic3A_79 = arith.constant 7 : i32
    %shift_right_arithmetic3A_80 = vector.broadcast %shift_right_arithmetic3A_79 : i32 to vector<16xi32>
    %shift_right_arithmetic3A_81 = arith.shrsi %add3A_78, %shift_right_arithmetic3A_80 : vector<16xi32>
    %and3A_82 = arith.constant 127 : i32
    %and3A_83 = vector.broadcast %and3A_82 : i32 to vector<16xi32>
    %and3A_84 = arith.andi %add3A_78, %and3A_83 : vector<16xi32>
    %gather3A_85 = tpu.vector_load_idx %arg5[%shift_right_arithmetic3A_81, %and3A_84] : memref<200x128xi32, #tpu.memory_space<vmem>>[vector<16xi32>, vector<16xi32>], vector<16xi32>,
    %swap3A_86 = arith.constant 96 : index
    %swap3A_87 = tpu.vector_load %arg6[%swap3A_86] {strides = array<i32>} : memref<512xi32, #tpu.memory_space<vmem>>, vector<16xi32>,
    tpu.vector_store %arg6[%swap3A_86], %gather3A_85 {strides = array<i32>} : memref<512xi32, #tpu.memory_space<vmem>>, vector<16xi32>,
    %add3A_88 = arith.constant 5600 : i32
    %add3A_89 = vector.broadcast %add3A_88 : i32 to vector<16xi32>
    %add3A_90 = arith.addi %mul3A_7, %add3A_89 : vector<16xi32>
    %shift_right_arithmetic3A_91 = arith.constant 7 : i32
    %shift_right_arithmetic3A_92 = vector.broadcast %shift_right_arithmetic3A_91 : i32 to vector<16xi32>
    %shift_right_arithmetic3A_93 = arith.shrsi %add3A_90, %shift_right_arithmetic3A_92 : vector<16xi32>
    %and3A_94 = arith.constant 127 : i32
    %and3A_95 = vector.broadcast %and3A_94 : i32 to vector<16xi32>
    %and3A_96 = arith.andi %add3A_90, %and3A_95 : vector<16xi32>
    %gather3A_97 = tpu.vector_load_idx %arg5[%shift_right_arithmetic3A_93, %and3A_96] : memref<200x128xi32, #tpu.memory_space<vmem>>[vector<16xi32>, vector<16xi32>], vector<16xi32>,
    %swap3A_98 = arith.constant 112 : index
    %swap3A_99 = tpu.vector_load %arg6[%swap3A_98] {strides = array<i32>} : memref<512xi32, #tpu.memory_space<vmem>>, vector<16xi32>,
    tpu.vector_store %arg6[%swap3A_98], %gather3A_97 {strides = array<i32>} : memref<512xi32, #tpu.memory_space<vmem>>, vector<16xi32>,
    %add3A_100 = arith.constant 6400 : i32
    %add3A_101 = vector.broadcast %add3A_100 : i32 to vector<16xi32>
    %add3A_102 = arith.addi %mul3A_7, %add3A_101 : vector<16xi32>
    %shift_right_arithmetic3A_103 = arith.constant 7 : i32
    %shift_right_arithmetic3A_104 = vector.broadcast %shift_right_arithmetic3A_103 : i32 to vector<16xi32>
    %shift_right_arithmetic3A_105 = arith.shrsi %add3A_102, %shift_right_arithmetic3A_104 : vector<16xi32>
    %and3A_106 = arith.constant 127 : i32
    %and3A_107 = vector.broadcast %and3A_106 : i32 to vector<16xi32>
    %and3A_108 = arith.andi %add3A_102, %and3A_107 : vector<16xi32>
    %gather3A_109 = tpu.vector_load_idx %arg5[%shift_right_arithmetic3A_105, %and3A_108] : memref<200x128xi32, #tpu.memory_space<vmem>>[vector<16xi32>, vector<16xi32>], vector<16xi32>,
    %swap3A_110 = arith.constant 128 : index
    %swap3A_111 = tpu.vector_load %arg6[%swap3A_110] {strides = array<i32>} : memref<512xi32, #tpu.memory_space<vmem>>, vector<16xi32>,
    tpu.vector_store %arg6[%swap3A_110], %gather3A_109 {strides = array<i32>} : memref<512xi32, #tpu.memory_space<vmem>>, vector<16xi32>,
    %add3A_112 = arith.constant 7200 : i32
    %add3A_113 = vector.broadcast %add3A_112 : i32 to vector<16xi32>
    %add3A_114 = arith.addi %mul3A_7, %add3A_113 : vector<16xi32>
    %shift_right_arithmetic3A_115 = arith.constant 7 : i32
    %shift_right_arithmetic3A_116 = vector.broadcast %shift_right_arithmetic3A_115 : i32 to vector<16xi32>
    %shift_right_arithmetic3A_117 = arith.shrsi %add3A_114, %shift_right_arithmetic3A_116 : vector<16xi32>
    %and3A_118 = arith.constant 127 : i32
    %and3A_119 = vector.broadcast %and3A_118 : i32 to vector<16xi32>
    %and3A_120 = arith.andi %add3A_114, %and3A_119 : vector<16xi32>
    %gather3A_121 = tpu.vector_load_idx %arg5[%shift_right_arithmetic3A_117, %and3A_120] : memref<200x128xi32, #tpu.memory_space<vmem>>[vector<16xi32>, vector<16xi32>], vector<16xi32>,
    %swap3A_122 = arith.constant 144 : index
    %swap3A_123 = tpu.vector_load %arg6[%swap3A_122] {strides = array<i32>} : memref<512xi32, #tpu.memory_space<vmem>>, vector<16xi32>,
    tpu.vector_store %arg6[%swap3A_122], %gather3A_121 {strides = array<i32>} : memref<512xi32, #tpu.memory_space<vmem>>, vector<16xi32>,
    %add3A_124 = arith.constant 8000 : i32
    %add3A_125 = vector.broadcast %add3A_124 : i32 to vector<16xi32>
    %add3A_126 = arith.addi %mul3A_7, %add3A_125 : vector<16xi32>
    %shift_right_arithmetic3A_127 = arith.constant 7 : i32
    %shift_right_arithmetic3A_128 = vector.broadcast %shift_right_arithmetic3A_127 : i32 to vector<16xi32>
    %shift_right_arithmetic3A_129 = arith.shrsi %add3A_126, %shift_right_arithmetic3A_128 : vector<16xi32>
    %and3A_130 = arith.constant 127 : i32
    %and3A_131 = vector.broadcast %and3A_130 : i32 to vector<16xi32>
    %and3A_132 = arith.andi %add3A_126, %and3A_131 : vector<16xi32>
    %gather3A_133 = tpu.vector_load_idx %arg5[%shift_right_arithmetic3A_129, %and3A_132] : memref<200x128xi32, #tpu.memory_space<vmem>>[vector<16xi32>, vector<16xi32>], vector<16xi32>,
    %swap3A_134 = arith.constant 160 : index
    %swap3A_135 = tpu.vector_load %arg6[%swap3A_134] {strides = array<i32>} : memref<512xi32, #tpu.memory_space<vmem>>, vector<16xi32>,
    tpu.vector_store %arg6[%swap3A_134], %gather3A_133 {strides = array<i32>} : memref<512xi32, #tpu.memory_space<vmem>>, vector<16xi32>,
    %add3A_136 = arith.constant 8800 : i32
    %add3A_137 = vector.broadcast %add3A_136 : i32 to vector<16xi32>
    %add3A_138 = arith.addi %mul3A_7, %add3A_137 : vector<16xi32>
    %shift_right_arithmetic3A_139 = arith.constant 7 : i32
    %shift_right_arithmetic3A_140 = vector.broadcast %shift_right_arithmetic3A_139 : i32 to vector<16xi32>
    %shift_right_arithmetic3A_141 = arith.shrsi %add3A_138, %shift_right_arithmetic3A_140 : vector<16xi32>
    %and3A_142 = arith.constant 127 : i32
    %and3A_143 = vector.broadcast %and3A_142 : i32 to vector<16xi32>
    %and3A_144 = arith.andi %add3A_138, %and3A_143 : vector<16xi32>
    %gather3A_145 = tpu.vector_load_idx %arg5[%shift_right_arithmetic3A_141, %and3A_144] : memref<200x128xi32, #tpu.memory_space<vmem>>[vector<16xi32>, vector<16xi32>], vector<16xi32>,
    %swap3A_146 = arith.constant 176 : index
    %swap3A_147 = tpu.vector_load %arg6[%swap3A_146] {strides = array<i32>} : memref<512xi32, #tpu.memory_space<vmem>>, vector<16xi32>,
    tpu.vector_store %arg6[%swap3A_146], %gather3A_145 {strides = array<i32>} : memref<512xi32, #tpu.memory_space<vmem>>, vector<16xi32>,
    %add3A_148 = arith.constant 9600 : i32
    %add3A_149 = vector.broadcast %add3A_148 : i32 to vector<16xi32>
    %add3A_150 = arith.addi %mul3A_7, %add3A_149 : vector<16xi32>
    %shift_right_arithmetic3A_151 = arith.constant 7 : i32
    %shift_right_arithmetic3A_152 = vector.broadcast %shift_right_arithmetic3A_151 : i32 to vector<16xi32>
    %shift_right_arithmetic3A_153 = arith.shrsi %add3A_150, %shift_right_arithmetic3A_152 : vector<16xi32>
    %and3A_154 = arith.constant 127 : i32
    %and3A_155 = vector.broadcast %and3A_154 : i32 to vector<16xi32>
    %and3A_156 = arith.andi %add3A_150, %and3A_155 : vector<16xi32>
    %gather3A_157 = tpu.vector_load_idx %arg5[%shift_right_arithmetic3A_153, %and3A_156] : memref<200x128xi32, #tpu.memory_space<vmem>>[vector<16xi32>, vector<16xi32>], vector<16xi32>,
    %swap3A_158 = arith.constant 192 : index
    %swap3A_159 = tpu.vector_load %arg6[%swap3A_158] {strides = array<i32>} : memref<512xi32, #tpu.memory_space<vmem>>, vector<16xi32>,
    tpu.vector_store %arg6[%swap3A_158], %gather3A_157 {strides = array<i32>} : memref<512xi32, #tpu.memory_space<vmem>>, vector<16xi32>,
    %add3A_160 = arith.constant 10400 : i32
    %add3A_161 = vector.broadcast %add3A_160 : i32 to vector<16xi32>
    %add3A_162 = arith.addi %mul3A_7, %add3A_161 : vector<16xi32>
    %shift_right_arithmetic3A_163 = arith.constant 7 : i32
    %shift_right_arithmetic3A_164 = vector.broadcast %shift_right_arithmetic3A_163 : i32 to vector<16xi32>
    %shift_right_arithmetic3A_165 = arith.shrsi %add3A_162, %shift_right_arithmetic3A_164 : vector<16xi32>
    %and3A_166 = arith.constant 127 : i32
    %and3A_167 = vector.broadcast %and3A_166 : i32 to vector<16xi32>
    %and3A_168 = arith.andi %add3A_162, %and3A_167 : vector<16xi32>
    %gather3A_169 = tpu.vector_load_idx %arg5[%shift_right_arithmetic3A_165, %and3A_168] : memref<200x128xi32, #tpu.memory_space<vmem>>[vector<16xi32>, vector<16xi32>], vector<16xi32>,
    %swap3A_170 = arith.constant 208 : index
    %swap3A_171 = tpu.vector_load %arg6[%swap3A_170] {strides = array<i32>} : memref<512xi32, #tpu.memory_space<vmem>>, vector<16xi32>,
    tpu.vector_store %arg6[%swap3A_170], %gather3A_169 {strides = array<i32>} : memref<512xi32, #tpu.memory_space<vmem>>, vector<16xi32>,
    %add3A_172 = arith.constant 11200 : i32
    %add3A_173 = vector.broadcast %add3A_172 : i32 to vector<16xi32>
    %add3A_174 = arith.addi %mul3A_7, %add3A_173 : vector<16xi32>
    %shift_right_arithmetic3A_175 = arith.constant 7 : i32
    %shift_right_arithmetic3A_176 = vector.broadcast %shift_right_arithmetic3A_175 : i32 to vector<16xi32>
    %shift_right_arithmetic3A_177 = arith.shrsi %add3A_174, %shift_right_arithmetic3A_176 : vector<16xi32>
    %and3A_178 = arith.constant 127 : i32
    %and3A_179 = vector.broadcast %and3A_178 : i32 to vector<16xi32>
    %and3A_180 = arith.andi %add3A_174, %and3A_179 : vector<16xi32>
    %gather3A_181 = tpu.vector_load_idx %arg5[%shift_right_arithmetic3A_177, %and3A_180] : memref<200x128xi32, #tpu.memory_space<vmem>>[vector<16xi32>, vector<16xi32>], vector<16xi32>,
    %swap3A_182 = arith.constant 224 : index
    %swap3A_183 = tpu.vector_load %arg6[%swap3A_182] {strides = array<i32>} : memref<512xi32, #tpu.memory_space<vmem>>, vector<16xi32>,
    tpu.vector_store %arg6[%swap3A_182], %gather3A_181 {strides = array<i32>} : memref<512xi32, #tpu.memory_space<vmem>>, vector<16xi32>,
    %add3A_184 = arith.constant 12000 : i32
    %add3A_185 = vector.broadcast %add3A_184 : i32 to vector<16xi32>
    %add3A_186 = arith.addi %mul3A_7, %add3A_185 : vector<16xi32>
    %shift_right_arithmetic3A_187 = arith.constant 7 : i32
    %shift_right_arithmetic3A_188 = vector.broadcast %shift_right_arithmetic3A_187 : i32 to vector<16xi32>
    %shift_right_arithmetic3A_189 = arith.shrsi %add3A_186, %shift_right_arithmetic3A_188 : vector<16xi32>
    %and3A_190 = arith.constant 127 : i32
    %and3A_191 = vector.broadcast %and3A_190 : i32 to vector<16xi32>
    %and3A_192 = arith.andi %add3A_186, %and3A_191 : vector<16xi32>
    %gather3A_193 = tpu.vector_load_idx %arg5[%shift_right_arithmetic3A_189, %and3A_192] : memref<200x128xi32, #tpu.memory_space<vmem>>[vector<16xi32>, vector<16xi32>], vector<16xi32>,
    %swap3A_194 = arith.constant 240 : index
    %swap3A_195 = tpu.vector_load %arg6[%swap3A_194] {strides = array<i32>} : memref<512xi32, #tpu.memory_space<vmem>>, vector<16xi32>,
    tpu.vector_store %arg6[%swap3A_194], %gather3A_193 {strides = array<i32>} : memref<512xi32, #tpu.memory_space<vmem>>, vector<16xi32>,
    %add3A_196 = arith.constant 12800 : i32
    %add3A_197 = vector.broadcast %add3A_196 : i32 to vector<16xi32>
    %add3A_198 = arith.addi %mul3A_7, %add3A_197 : vector<16xi32>
    %shift_right_arithmetic3A_199 = arith.constant 7 : i32
    %shift_right_arithmetic3A_200 = vector.broadcast %shift_right_arithmetic3A_199 : i32 to vector<16xi32>
    %shift_right_arithmetic3A_201 = arith.shrsi %add3A_198, %shift_right_arithmetic3A_200 : vector<16xi32>
    %and3A_202 = arith.constant 127 : i32
    %and3A_203 = vector.broadcast %and3A_202 : i32 to vector<16xi32>
    %and3A_204 = arith.andi %add3A_198, %and3A_203 : vector<16xi32>
    %gather3A_205 = tpu.vector_load_idx %arg5[%shift_right_arithmetic3A_201, %and3A_204] : memref<200x128xi32, #tpu.memory_space<vmem>>[vector<16xi32>, vector<16xi32>], vector<16xi32>,
    %swap3A_206 = arith.constant 256 : index
    %swap3A_207 = tpu.vector_load %arg6[%swap3A_206] {strides = array<i32>} : memref<512xi32, #tpu.memory_space<vmem>>, vector<16xi32>,
    tpu.vector_store %arg6[%swap3A_206], %gather3A_205 {strides = array<i32>} : memref<512xi32, #tpu.memory_space<vmem>>, vector<16xi32>,
    %add3A_208 = arith.constant 13600 : i32
    %add3A_209 = vector.broadcast %add3A_208 : i32 to vector<16xi32>
    %add3A_210 = arith.addi %mul3A_7, %add3A_209 : vector<16xi32>
    %shift_right_arithmetic3A_211 = arith.constant 7 : i32
    %shift_right_arithmetic3A_212 = vector.broadcast %shift_right_arithmetic3A_211 : i32 to vector<16xi32>
    %shift_right_arithmetic3A_213 = arith.shrsi %add3A_210, %shift_right_arithmetic3A_212 : vector<16xi32>
    %and3A_214 = arith.constant 127 : i32
    %and3A_215 = vector.broadcast %and3A_214 : i32 to vector<16xi32>
    %and3A_216 = arith.andi %add3A_210, %and3A_215 : vector<16xi32>
    %gather3A_217 = tpu.vector_load_idx %arg5[%shift_right_arithmetic3A_213, %and3A_216] : memref<200x128xi32, #tpu.memory_space<vmem>>[vector<16xi32>, vector<16xi32>], vector<16xi32>,
    %swap3A_218 = arith.constant 272 : index
    %swap3A_219 = tpu.vector_load %arg6[%swap3A_218] {strides = array<i32>} : memref<512xi32, #tpu.memory_space<vmem>>, vector<16xi32>,
    tpu.vector_store %arg6[%swap3A_218], %gather3A_217 {strides = array<i32>} : memref<512xi32, #tpu.memory_space<vmem>>, vector<16xi32>,
    %add3A_220 = arith.constant 14400 : i32
    %add3A_221 = vector.broadcast %add3A_220 : i32 to vector<16xi32>
    %add3A_222 = arith.addi %mul3A_7, %add3A_221 : vector<16xi32>
    %shift_right_arithmetic3A_223 = arith.constant 7 : i32
    %shift_right_arithmetic3A_224 = vector.broadcast %shift_right_arithmetic3A_223 : i32 to vector<16xi32>
    %shift_right_arithmetic3A_225 = arith.shrsi %add3A_222, %shift_right_arithmetic3A_224 : vector<16xi32>
    %and3A_226 = arith.constant 127 : i32
    %and3A_227 = vector.broadcast %and3A_226 : i32 to vector<16xi32>
    %and3A_228 = arith.andi %add3A_222, %and3A_227 : vector<16xi32>
    %gather3A_229 = tpu.vector_load_idx %arg5[%shift_right_arithmetic3A_225, %and3A_228] : memref<200x128xi32, #tpu.memory_space<vmem>>[vector<16xi32>, vector<16xi32>], vector<16xi32>,
    %swap3A_230 = arith.constant 288 : index
    %swap3A_231 = tpu.vector_load %arg6[%swap3A_230] {strides = array<i32>} : memref<512xi32, #tpu.memory_space<vmem>>, vector<16xi32>,
    tpu.vector_store %arg6[%swap3A_230], %gather3A_229 {strides = array<i32>} : memref<512xi32, #tpu.memory_space<vmem>>, vector<16xi32>,
    %add3A_232 = arith.constant 15200 : i32
    %add3A_233 = vector.broadcast %add3A_232 : i32 to vector<16xi32>
    %add3A_234 = arith.addi %mul3A_7, %add3A_233 : vector<16xi32>
    %shift_right_arithmetic3A_235 = arith.constant 7 : i32
    %shift_right_arithmetic3A_236 = vector.broadcast %shift_right_arithmetic3A_235 : i32 to vector<16xi32>
    %shift_right_arithmetic3A_237 = arith.shrsi %add3A_234, %shift_right_arithmetic3A_236 : vector<16xi32>
    %and3A_238 = arith.constant 127 : i32
    %and3A_239 = vector.broadcast %and3A_238 : i32 to vector<16xi32>
    %and3A_240 = arith.andi %add3A_234, %and3A_239 : vector<16xi32>
    %gather3A_241 = tpu.vector_load_idx %arg5[%shift_right_arithmetic3A_237, %and3A_240] : memref<200x128xi32, #tpu.memory_space<vmem>>[vector<16xi32>, vector<16xi32>], vector<16xi32>,
    %swap3A_242 = arith.constant 304 : index
    %swap3A_243 = tpu.vector_load %arg6[%swap3A_242] {strides = array<i32>} : memref<512xi32, #tpu.memory_space<vmem>>, vector<16xi32>,
    tpu.vector_store %arg6[%swap3A_242], %gather3A_241 {strides = array<i32>} : memref<512xi32, #tpu.memory_space<vmem>>, vector<16xi32>,
    %add3A_244 = arith.constant 16000 : i32
    %add3A_245 = vector.broadcast %add3A_244 : i32 to vector<16xi32>
    %add3A_246 = arith.addi %mul3A_7, %add3A_245 : vector<16xi32>
    %shift_right_arithmetic3A_247 = arith.constant 7 : i32
    %shift_right_arithmetic3A_248 = vector.broadcast %shift_right_arithmetic3A_247 : i32 to vector<16xi32>
    %shift_right_arithmetic3A_249 = arith.shrsi %add3A_246, %shift_right_arithmetic3A_248 : vector<16xi32>
    %and3A_250 = arith.constant 127 : i32
    %and3A_251 = vector.broadcast %and3A_250 : i32 to vector<16xi32>
    %and3A_252 = arith.andi %add3A_246, %and3A_251 : vector<16xi32>
    %gather3A_253 = tpu.vector_load_idx %arg5[%shift_right_arithmetic3A_249, %and3A_252] : memref<200x128xi32, #tpu.memory_space<vmem>>[vector<16xi32>, vector<16xi32>], vector<16xi32>,
    %swap3A_254 = arith.constant 320 : index
    %swap3A_255 = tpu.vector_load %arg6[%swap3A_254] {strides = array<i32>} : memref<512xi32, #tpu.memory_space<vmem>>, vector<16xi32>,
    tpu.vector_store %arg6[%swap3A_254], %gather3A_253 {strides = array<i32>} : memref<512xi32, #tpu.memory_space<vmem>>, vector<16xi32>,
    %add3A_256 = arith.constant 16800 : i32
    %add3A_257 = vector.broadcast %add3A_256 : i32 to vector<16xi32>
    %add3A_258 = arith.addi %mul3A_7, %add3A_257 : vector<16xi32>
    %shift_right_arithmetic3A_259 = arith.constant 7 : i32
    %shift_right_arithmetic3A_260 = vector.broadcast %shift_right_arithmetic3A_259 : i32 to vector<16xi32>
    %shift_right_arithmetic3A_261 = arith.shrsi %add3A_258, %shift_right_arithmetic3A_260 : vector<16xi32>
    %and3A_262 = arith.constant 127 : i32
    %and3A_263 = vector.broadcast %and3A_262 : i32 to vector<16xi32>
    %and3A_264 = arith.andi %add3A_258, %and3A_263 : vector<16xi32>
    %gather3A_265 = tpu.vector_load_idx %arg5[%shift_right_arithmetic3A_261, %and3A_264] : memref<200x128xi32, #tpu.memory_space<vmem>>[vector<16xi32>, vector<16xi32>], vector<16xi32>,
    %swap3A_266 = arith.constant 336 : index
    %swap3A_267 = tpu.vector_load %arg6[%swap3A_266] {strides = array<i32>} : memref<512xi32, #tpu.memory_space<vmem>>, vector<16xi32>,
    tpu.vector_store %arg6[%swap3A_266], %gather3A_265 {strides = array<i32>} : memref<512xi32, #tpu.memory_space<vmem>>, vector<16xi32>,
    %add3A_268 = arith.constant 17600 : i32
    %add3A_269 = vector.broadcast %add3A_268 : i32 to vector<16xi32>
    %add3A_270 = arith.addi %mul3A_7, %add3A_269 : vector<16xi32>
    %shift_right_arithmetic3A_271 = arith.constant 7 : i32
    %shift_right_arithmetic3A_272 = vector.broadcast %shift_right_arithmetic3A_271 : i32 to vector<16xi32>
    %shift_right_arithmetic3A_273 = arith.shrsi %add3A_270, %shift_right_arithmetic3A_272 : vector<16xi32>
    %and3A_274 = arith.constant 127 : i32
    %and3A_275 = vector.broadcast %and3A_274 : i32 to vector<16xi32>
    %and3A_276 = arith.andi %add3A_270, %and3A_275 : vector<16xi32>
    %gather3A_277 = tpu.vector_load_idx %arg5[%shift_right_arithmetic3A_273, %and3A_276] : memref<200x128xi32, #tpu.memory_space<vmem>>[vector<16xi32>, vector<16xi32>], vector<16xi32>,
    %swap3A_278 = arith.constant 352 : index
    %swap3A_279 = tpu.vector_load %arg6[%swap3A_278] {strides = array<i32>} : memref<512xi32, #tpu.memory_space<vmem>>, vector<16xi32>,
    tpu.vector_store %arg6[%swap3A_278], %gather3A_277 {strides = array<i32>} : memref<512xi32, #tpu.memory_space<vmem>>, vector<16xi32>,
    %add3A_280 = arith.constant 18400 : i32
    %add3A_281 = vector.broadcast %add3A_280 : i32 to vector<16xi32>
    %add3A_282 = arith.addi %mul3A_7, %add3A_281 : vector<16xi32>
    %shift_right_arithmetic3A_283 = arith.constant 7 : i32
    %shift_right_arithmetic3A_284 = vector.broadcast %shift_right_arithmetic3A_283 : i32 to vector<16xi32>
    %shift_right_arithmetic3A_285 = arith.shrsi %add3A_282, %shift_right_arithmetic3A_284 : vector<16xi32>
    %and3A_286 = arith.constant 127 : i32
    %and3A_287 = vector.broadcast %and3A_286 : i32 to vector<16xi32>
    %and3A_288 = arith.andi %add3A_282, %and3A_287 : vector<16xi32>
    %gather3A_289 = tpu.vector_load_idx %arg5[%shift_right_arithmetic3A_285, %and3A_288] : memref<200x128xi32, #tpu.memory_space<vmem>>[vector<16xi32>, vector<16xi32>], vector<16xi32>,
    %swap3A_290 = arith.constant 368 : index
    %swap3A_291 = tpu.vector_load %arg6[%swap3A_290] {strides = array<i32>} : memref<512xi32, #tpu.memory_space<vmem>>, vector<16xi32>,
    tpu.vector_store %arg6[%swap3A_290], %gather3A_289 {strides = array<i32>} : memref<512xi32, #tpu.memory_space<vmem>>, vector<16xi32>,
    %add3A_292 = arith.constant 19200 : i32
    %add3A_293 = vector.broadcast %add3A_292 : i32 to vector<16xi32>
    %add3A_294 = arith.addi %mul3A_7, %add3A_293 : vector<16xi32>
    %shift_right_arithmetic3A_295 = arith.constant 7 : i32
    %shift_right_arithmetic3A_296 = vector.broadcast %shift_right_arithmetic3A_295 : i32 to vector<16xi32>
    %shift_right_arithmetic3A_297 = arith.shrsi %add3A_294, %shift_right_arithmetic3A_296 : vector<16xi32>
    %and3A_298 = arith.constant 127 : i32
    %and3A_299 = vector.broadcast %and3A_298 : i32 to vector<16xi32>
    %and3A_300 = arith.andi %add3A_294, %and3A_299 : vector<16xi32>
    %gather3A_301 = tpu.vector_load_idx %arg5[%shift_right_arithmetic3A_297, %and3A_300] : memref<200x128xi32, #tpu.memory_space<vmem>>[vector<16xi32>, vector<16xi32>], vector<16xi32>,
    %swap3A_302 = arith.constant 384 : index
    %swap3A_303 = tpu.vector_load %arg6[%swap3A_302] {strides = array<i32>} : memref<512xi32, #tpu.memory_space<vmem>>, vector<16xi32>,
    tpu.vector_store %arg6[%swap3A_302], %gather3A_301 {strides = array<i32>} : memref<512xi32, #tpu.memory_space<vmem>>, vector<16xi32>,
    %add3A_304 = arith.constant 20000 : i32
    %add3A_305 = vector.broadcast %add3A_304 : i32 to vector<16xi32>
    %add3A_306 = arith.addi %mul3A_7, %add3A_305 : vector<16xi32>
    %shift_right_arithmetic3A_307 = arith.constant 7 : i32
    %shift_right_arithmetic3A_308 = vector.broadcast %shift_right_arithmetic3A_307 : i32 to vector<16xi32>
    %shift_right_arithmetic3A_309 = arith.shrsi %add3A_306, %shift_right_arithmetic3A_308 : vector<16xi32>
    %and3A_310 = arith.constant 127 : i32
    %and3A_311 = vector.broadcast %and3A_310 : i32 to vector<16xi32>
    %and3A_312 = arith.andi %add3A_306, %and3A_311 : vector<16xi32>
    %gather3A_313 = tpu.vector_load_idx %arg5[%shift_right_arithmetic3A_309, %and3A_312] : memref<200x128xi32, #tpu.memory_space<vmem>>[vector<16xi32>, vector<16xi32>], vector<16xi32>,
    %swap3A_314 = arith.constant 400 : index
    %swap3A_315 = tpu.vector_load %arg6[%swap3A_314] {strides = array<i32>} : memref<512xi32, #tpu.memory_space<vmem>>, vector<16xi32>,
    tpu.vector_store %arg6[%swap3A_314], %gather3A_313 {strides = array<i32>} : memref<512xi32, #tpu.memory_space<vmem>>, vector<16xi32>,
    %add3A_316 = arith.constant 20800 : i32
    %add3A_317 = vector.broadcast %add3A_316 : i32 to vector<16xi32>
    %add3A_318 = arith.addi %mul3A_7, %add3A_317 : vector<16xi32>
    %shift_right_arithmetic3A_319 = arith.constant 7 : i32
    %shift_right_arithmetic3A_320 = vector.broadcast %shift_right_arithmetic3A_319 : i32 to vector<16xi32>
    %shift_right_arithmetic3A_321 = arith.shrsi %add3A_318, %shift_right_arithmetic3A_320 : vector<16xi32>
    %and3A_322 = arith.constant 127 : i32
    %and3A_323 = vector.broadcast %and3A_322 : i32 to vector<16xi32>
    %and3A_324 = arith.andi %add3A_318, %and3A_323 : vector<16xi32>
    %gather3A_325 = tpu.vector_load_idx %arg5[%shift_right_arithmetic3A_321, %and3A_324] : memref<200x128xi32, #tpu.memory_space<vmem>>[vector<16xi32>, vector<16xi32>], vector<16xi32>,
    %swap3A_326 = arith.constant 416 : index
    %swap3A_327 = tpu.vector_load %arg6[%swap3A_326] {strides = array<i32>} : memref<512xi32, #tpu.memory_space<vmem>>, vector<16xi32>,
    tpu.vector_store %arg6[%swap3A_326], %gather3A_325 {strides = array<i32>} : memref<512xi32, #tpu.memory_space<vmem>>, vector<16xi32>,
    %add3A_328 = arith.constant 21600 : i32
    %add3A_329 = vector.broadcast %add3A_328 : i32 to vector<16xi32>
    %add3A_330 = arith.addi %mul3A_7, %add3A_329 : vector<16xi32>
    %shift_right_arithmetic3A_331 = arith.constant 7 : i32
    %shift_right_arithmetic3A_332 = vector.broadcast %shift_right_arithmetic3A_331 : i32 to vector<16xi32>
    %shift_right_arithmetic3A_333 = arith.shrsi %add3A_330, %shift_right_arithmetic3A_332 : vector<16xi32>
    %and3A_334 = arith.constant 127 : i32
    %and3A_335 = vector.broadcast %and3A_334 : i32 to vector<16xi32>
    %and3A_336 = arith.andi %add3A_330, %and3A_335 : vector<16xi32>
    %gather3A_337 = tpu.vector_load_idx %arg5[%shift_right_arithmetic3A_333, %and3A_336] : memref<200x128xi32, #tpu.memory_space<vmem>>[vector<16xi32>, vector<16xi32>], vector<16xi32>,
    %swap3A_338 = arith.constant 432 : index
    %swap3A_339 = tpu.vector_load %arg6[%swap3A_338] {strides = array<i32>} : memref<512xi32, #tpu.memory_space<vmem>>, vector<16xi32>,
    tpu.vector_store %arg6[%swap3A_338], %gather3A_337 {strides = array<i32>} : memref<512xi32, #tpu.memory_space<vmem>>, vector<16xi32>,
    %add3A_340 = arith.constant 22400 : i32
    %add3A_341 = vector.broadcast %add3A_340 : i32 to vector<16xi32>
    %add3A_342 = arith.addi %mul3A_7, %add3A_341 : vector<16xi32>
    %shift_right_arithmetic3A_343 = arith.constant 7 : i32
    %shift_right_arithmetic3A_344 = vector.broadcast %shift_right_arithmetic3A_343 : i32 to vector<16xi32>
    %shift_right_arithmetic3A_345 = arith.shrsi %add3A_342, %shift_right_arithmetic3A_344 : vector<16xi32>
    %and3A_346 = arith.constant 127 : i32
    %and3A_347 = vector.broadcast %and3A_346 : i32 to vector<16xi32>
    %and3A_348 = arith.andi %add3A_342, %and3A_347 : vector<16xi32>
    %gather3A_349 = tpu.vector_load_idx %arg5[%shift_right_arithmetic3A_345, %and3A_348] : memref<200x128xi32, #tpu.memory_space<vmem>>[vector<16xi32>, vector<16xi32>], vector<16xi32>,
    %swap3A_350 = arith.constant 448 : index
    %swap3A_351 = tpu.vector_load %arg6[%swap3A_350] {strides = array<i32>} : memref<512xi32, #tpu.memory_space<vmem>>, vector<16xi32>,
    tpu.vector_store %arg6[%swap3A_350], %gather3A_349 {strides = array<i32>} : memref<512xi32, #tpu.memory_space<vmem>>, vector<16xi32>,
    %add3A_352 = arith.constant 23200 : i32
    %add3A_353 = vector.broadcast %add3A_352 : i32 to vector<16xi32>
    %add3A_354 = arith.addi %mul3A_7, %add3A_353 : vector<16xi32>
    %shift_right_arithmetic3A_355 = arith.constant 7 : i32
    %shift_right_arithmetic3A_356 = vector.broadcast %shift_right_arithmetic3A_355 : i32 to vector<16xi32>
    %shift_right_arithmetic3A_357 = arith.shrsi %add3A_354, %shift_right_arithmetic3A_356 : vector<16xi32>
    %and3A_358 = arith.constant 127 : i32
    %and3A_359 = vector.broadcast %and3A_358 : i32 to vector<16xi32>
    %and3A_360 = arith.andi %add3A_354, %and3A_359 : vector<16xi32>
    %gather3A_361 = tpu.vector_load_idx %arg5[%shift_right_arithmetic3A_357, %and3A_360] : memref<200x128xi32, #tpu.memory_space<vmem>>[vector<16xi32>, vector<16xi32>], vector<16xi32>,
    %swap3A_362 = arith.constant 464 : index
    %swap3A_363 = tpu.vector_load %arg6[%swap3A_362] {strides = array<i32>} : memref<512xi32, #tpu.memory_space<vmem>>, vector<16xi32>,
    tpu.vector_store %arg6[%swap3A_362], %gather3A_361 {strides = array<i32>} : memref<512xi32, #tpu.memory_space<vmem>>, vector<16xi32>,
    %add3A_364 = arith.constant 24000 : i32
    %add3A_365 = vector.broadcast %add3A_364 : i32 to vector<16xi32>
    %add3A_366 = arith.addi %mul3A_7, %add3A_365 : vector<16xi32>
    %shift_right_arithmetic3A_367 = arith.constant 7 : i32
    %shift_right_arithmetic3A_368 = vector.broadcast %shift_right_arithmetic3A_367 : i32 to vector<16xi32>
    %shift_right_arithmetic3A_369 = arith.shrsi %add3A_366, %shift_right_arithmetic3A_368 : vector<16xi32>
    %and3A_370 = arith.constant 127 : i32
    %and3A_371 = vector.broadcast %and3A_370 : i32 to vector<16xi32>
    %and3A_372 = arith.andi %add3A_366, %and3A_371 : vector<16xi32>
    %gather3A_373 = tpu.vector_load_idx %arg5[%shift_right_arithmetic3A_369, %and3A_372] : memref<200x128xi32, #tpu.memory_space<vmem>>[vector<16xi32>, vector<16xi32>], vector<16xi32>,
    %swap3A_374 = arith.constant 480 : index
    %swap3A_375 = tpu.vector_load %arg6[%swap3A_374] {strides = array<i32>} : memref<512xi32, #tpu.memory_space<vmem>>, vector<16xi32>,
    tpu.vector_store %arg6[%swap3A_374], %gather3A_373 {strides = array<i32>} : memref<512xi32, #tpu.memory_space<vmem>>, vector<16xi32>,
    %add3A_376 = arith.constant 24800 : i32
    %add3A_377 = vector.broadcast %add3A_376 : i32 to vector<16xi32>
    %add3A_378 = arith.addi %mul3A_7, %add3A_377 : vector<16xi32>
    %shift_right_arithmetic3A_379 = arith.constant 7 : i32
    %shift_right_arithmetic3A_380 = vector.broadcast %shift_right_arithmetic3A_379 : i32 to vector<16xi32>
    %shift_right_arithmetic3A_381 = arith.shrsi %add3A_378, %shift_right_arithmetic3A_380 : vector<16xi32>
    %and3A_382 = arith.constant 127 : i32
    %and3A_383 = vector.broadcast %and3A_382 : i32 to vector<16xi32>
    %and3A_384 = arith.andi %add3A_378, %and3A_383 : vector<16xi32>
    %gather3A_385 = tpu.vector_load_idx %arg5[%shift_right_arithmetic3A_381, %and3A_384] : memref<200x128xi32, #tpu.memory_space<vmem>>[vector<16xi32>, vector<16xi32>], vector<16xi32>,
    %swap3A_386 = arith.constant 496 : index
    %swap3A_387 = tpu.vector_load %arg6[%swap3A_386] {strides = array<i32>} : memref<512xi32, #tpu.memory_space<vmem>>, vector<16xi32>,
    tpu.vector_store %arg6[%swap3A_386], %gather3A_385 {strides = array<i32>} : memref<512xi32, #tpu.memory_space<vmem>>, vector<16xi32>,
    %dma_start3A = arith.constant 0 : i32
    %dma_start3A_388 = arith.constant 0 : i32
    %dma_start3A_389 = tpu.memref_slice %arg3[%dma_start3A, %dma_start3A_388] : memref<1000000x32xf32, #tpu.memory_space<hbm>> -> memref<1000000x32xf32, #tpu.memory_space<hbm>>
    tpu.enqueue_indirect_dma source(%dma_start3A_389 : memref<1000000x32xf32, #tpu.memory_space<hbm>>) target(%arg8 : memref<512x32xf32, #tpu.memory_space<vmem>>) offsets(%arg6 : memref<512xi32, #tpu.memory_space<vmem>>) semaphore(%arg12 : memref<!tpu.dma_semaphore, #tpu.memory_space<semaphore_mem>>)
    %scan3A = arith.constant 0 : i32
    %scan3A_390 = arith.constant 0 : i32
    %scan3A_391 = arith.constant 25 : i32
    %scan3A_392 = arith.addi %scan3A_390, %scan3A_391 : i32
    %scan3A_393 = arith.constant 1 : i32
    scf.for %scan3A_1066 = %scan3A_390 to %scan3A_392 step %scan3A_393  : i32 {
      %mul3A_1067 = arith.constant 2 : i32
      %mul3A_1068 = arith.muli %mul3A_1067, %scan3A_1066 : i32
      %add3A_1069 = arith.constant 1 : i32
      %add3A_1070 = arith.addi %mul3A_1068, %add3A_1069 : i32
      %add3A_1071 = arith.constant 0 : i32
      %add3A_1072 = arith.addi %add3A_1071, %add3A_1070 : i32
      %add3A_1073 = vector.broadcast %add3A_1072 : i32 to vector<16xi32>
      %add3A_1074 = arith.addi %mul3A_7, %add3A_1073 : vector<16xi32>
      %shift_right_arithmetic3A_1075 = arith.constant 7 : i32
      %shift_right_arithmetic3A_1076 = vector.broadcast %shift_right_arithmetic3A_1075 : i32 to vector<16xi32>
      %shift_right_arithmetic3A_1077 = arith.shrsi %add3A_1074, %shift_right_arithmetic3A_1076 : vector<16xi32>
      %and3A_1078 = arith.constant 127 : i32
      %and3A_1079 = vector.broadcast %and3A_1078 : i32 to vector<16xi32>
      %and3A_1080 = arith.andi %add3A_1074, %and3A_1079 : vector<16xi32>
      %gather3A_1081 = tpu.vector_load_idx %arg5[%shift_right_arithmetic3A_1077, %and3A_1080] : memref<200x128xi32, #tpu.memory_space<vmem>>[vector<16xi32>, vector<16xi32>], vector<16xi32>,
      %swap3A_1082 = arith.constant 0 : index
      %swap3A_1083 = tpu.vector_load %arg7[%swap3A_1082] {strides = array<i32>} : memref<512xi32, #tpu.memory_space<vmem>>, vector<16xi32>,
      tpu.vector_store %arg7[%swap3A_1082], %gather3A_1081 {strides = array<i32>} : memref<512xi32, #tpu.memory_space<vmem>>, vector<16xi32>,
      %add3A_1084 = arith.constant 800 : i32
      %add3A_1085 = arith.addi %add3A_1084, %add3A_1070 : i32
      %add3A_1086 = vector.broadcast %add3A_1085 : i32 to vector<16xi32>
      %add3A_1087 = arith.addi %mul3A_7, %add3A_1086 : vector<16xi32>
      %shift_right_arithmetic3A_1088 = arith.constant 7 : i32
      %shift_right_arithmetic3A_1089 = vector.broadcast %shift_right_arithmetic3A_1088 : i32 to vector<16xi32>
      %shift_right_arithmetic3A_1090 = arith.shrsi %add3A_1087, %shift_right_arithmetic3A_1089 : vector<16xi32>
      %and3A_1091 = arith.constant 127 : i32
      %and3A_1092 = vector.broadcast %and3A_1091 : i32 to vector<16xi32>
      %and3A_1093 = arith.andi %add3A_1087, %and3A_1092 : vector<16xi32>
      %gather3A_1094 = tpu.vector_load_idx %arg5[%shift_right_arithmetic3A_1090, %and3A_1093] : memref<200x128xi32, #tpu.memory_space<vmem>>[vector<16xi32>, vector<16xi32>], vector<16xi32>,
      %swap3A_1095 = arith.constant 16 : index
      %swap3A_1096 = tpu.vector_load %arg7[%swap3A_1095] {strides = array<i32>} : memref<512xi32, #tpu.memory_space<vmem>>, vector<16xi32>,
      tpu.vector_store %arg7[%swap3A_1095], %gather3A_1094 {strides = array<i32>} : memref<512xi32, #tpu.memory_space<vmem>>, vector<16xi32>,
      %add3A_1097 = arith.constant 1600 : i32
      %add3A_1098 = arith.addi %add3A_1097, %add3A_1070 : i32
      %add3A_1099 = vector.broadcast %add3A_1098 : i32 to vector<16xi32>
      %add3A_1100 = arith.addi %mul3A_7, %add3A_1099 : vector<16xi32>
      %shift_right_arithmetic3A_1101 = arith.constant 7 : i32
      %shift_right_arithmetic3A_1102 = vector.broadcast %shift_right_arithmetic3A_1101 : i32 to vector<16xi32>
      %shift_right_arithmetic3A_1103 = arith.shrsi %add3A_1100, %shift_right_arithmetic3A_1102 : vector<16xi32>
      %and3A_1104 = arith.constant 127 : i32
      %and3A_1105 = vector.broadcast %and3A_1104 : i32 to vector<16xi32>
      %and3A_1106 = arith.andi %add3A_1100, %and3A_1105 : vector<16xi32>
      %gather3A_1107 = tpu.vector_load_idx %arg5[%shift_right_arithmetic3A_1103, %and3A_1106] : memref<200x128xi32, #tpu.memory_space<vmem>>[vector<16xi32>, vector<16xi32>], vector<16xi32>,
      %swap3A_1108 = arith.constant 32 : index
      %swap3A_1109 = tpu.vector_load %arg7[%swap3A_1108] {strides = array<i32>} : memref<512xi32, #tpu.memory_space<vmem>>, vector<16xi32>,
      tpu.vector_store %arg7[%swap3A_1108], %gather3A_1107 {strides = array<i32>} : memref<512xi32, #tpu.memory_space<vmem>>, vector<16xi32>,
      %add3A_1110 = arith.constant 2400 : i32
      %add3A_1111 = arith.addi %add3A_1110, %add3A_1070 : i32
      %add3A_1112 = vector.broadcast %add3A_1111 : i32 to vector<16xi32>
      %add3A_1113 = arith.addi %mul3A_7, %add3A_1112 : vector<16xi32>
      %shift_right_arithmetic3A_1114 = arith.constant 7 : i32
      %shift_right_arithmetic3A_1115 = vector.broadcast %shift_right_arithmetic3A_1114 : i32 to vector<16xi32>
      %shift_right_arithmetic3A_1116 = arith.shrsi %add3A_1113, %shift_right_arithmetic3A_1115 : vector<16xi32>
      %and3A_1117 = arith.constant 127 : i32
      %and3A_1118 = vector.broadcast %and3A_1117 : i32 to vector<16xi32>
      %and3A_1119 = arith.andi %add3A_1113, %and3A_1118 : vector<16xi32>
      %gather3A_1120 = tpu.vector_load_idx %arg5[%shift_right_arithmetic3A_1116, %and3A_1119] : memref<200x128xi32, #tpu.memory_space<vmem>>[vector<16xi32>, vector<16xi32>], vector<16xi32>,
      %swap3A_1121 = arith.constant 48 : index
      %swap3A_1122 = tpu.vector_load %arg7[%swap3A_1121] {strides = array<i32>} : memref<512xi32, #tpu.memory_space<vmem>>, vector<16xi32>,
      tpu.vector_store %arg7[%swap3A_1121], %gather3A_1120 {strides = array<i32>} : memref<512xi32, #tpu.memory_space<vmem>>, vector<16xi32>,
      %add3A_1123 = arith.constant 3200 : i32
      %add3A_1124 = arith.addi %add3A_1123, %add3A_1070 : i32
      %add3A_1125 = vector.broadcast %add3A_1124 : i32 to vector<16xi32>
      %add3A_1126 = arith.addi %mul3A_7, %add3A_1125 : vector<16xi32>
      %shift_right_arithmetic3A_1127 = arith.constant 7 : i32
      %shift_right_arithmetic3A_1128 = vector.broadcast %shift_right_arithmetic3A_1127 : i32 to vector<16xi32>
      %shift_right_arithmetic3A_1129 = arith.shrsi %add3A_1126, %shift_right_arithmetic3A_1128 : vector<16xi32>
      %and3A_1130 = arith.constant 127 : i32
      %and3A_1131 = vector.broadcast %and3A_1130 : i32 to vector<16xi32>
      %and3A_1132 = arith.andi %add3A_1126, %and3A_1131 : vector<16xi32>
      %gather3A_1133 = tpu.vector_load_idx %arg5[%shift_right_arithmetic3A_1129, %and3A_1132] : memref<200x128xi32, #tpu.memory_space<vmem>>[vector<16xi32>, vector<16xi32>], vector<16xi32>,
      %swap3A_1134 = arith.constant 64 : index
      %swap3A_1135 = tpu.vector_load %arg7[%swap3A_1134] {strides = array<i32>} : memref<512xi32, #tpu.memory_space<vmem>>, vector<16xi32>,
      tpu.vector_store %arg7[%swap3A_1134], %gather3A_1133 {strides = array<i32>} : memref<512xi32, #tpu.memory_space<vmem>>, vector<16xi32>,
      %add3A_1136 = arith.constant 4000 : i32
      %add3A_1137 = arith.addi %add3A_1136, %add3A_1070 : i32
      %add3A_1138 = vector.broadcast %add3A_1137 : i32 to vector<16xi32>
      %add3A_1139 = arith.addi %mul3A_7, %add3A_1138 : vector<16xi32>
      %shift_right_arithmetic3A_1140 = arith.constant 7 : i32
      %shift_right_arithmetic3A_1141 = vector.broadcast %shift_right_arithmetic3A_1140 : i32 to vector<16xi32>
      %shift_right_arithmetic3A_1142 = arith.shrsi %add3A_1139, %shift_right_arithmetic3A_1141 : vector<16xi32>
      %and3A_1143 = arith.constant 127 : i32
      %and3A_1144 = vector.broadcast %and3A_1143 : i32 to vector<16xi32>
      %and3A_1145 = arith.andi %add3A_1139, %and3A_1144 : vector<16xi32>
      %gather3A_1146 = tpu.vector_load_idx %arg5[%shift_right_arithmetic3A_1142, %and3A_1145] : memref<200x128xi32, #tpu.memory_space<vmem>>[vector<16xi32>, vector<16xi32>], vector<16xi32>,
      %swap3A_1147 = arith.constant 80 : index
      %swap3A_1148 = tpu.vector_load %arg7[%swap3A_1147] {strides = array<i32>} : memref<512xi32, #tpu.memory_space<vmem>>, vector<16xi32>,
      tpu.vector_store %arg7[%swap3A_1147], %gather3A_1146 {strides = array<i32>} : memref<512xi32, #tpu.memory_space<vmem>>, vector<16xi32>,
      %add3A_1149 = arith.constant 4800 : i32
      %add3A_1150 = arith.addi %add3A_1149, %add3A_1070 : i32
      %add3A_1151 = vector.broadcast %add3A_1150 : i32 to vector<16xi32>
      %add3A_1152 = arith.addi %mul3A_7, %add3A_1151 : vector<16xi32>
      %shift_right_arithmetic3A_1153 = arith.constant 7 : i32
      %shift_right_arithmetic3A_1154 = vector.broadcast %shift_right_arithmetic3A_1153 : i32 to vector<16xi32>
      %shift_right_arithmetic3A_1155 = arith.shrsi %add3A_1152, %shift_right_arithmetic3A_1154 : vector<16xi32>
      %and3A_1156 = arith.constant 127 : i32
      %and3A_1157 = vector.broadcast %and3A_1156 : i32 to vector<16xi32>
      %and3A_1158 = arith.andi %add3A_1152, %and3A_1157 : vector<16xi32>
      %gather3A_1159 = tpu.vector_load_idx %arg5[%shift_right_arithmetic3A_1155, %and3A_1158] : memref<200x128xi32, #tpu.memory_space<vmem>>[vector<16xi32>, vector<16xi32>], vector<16xi32>,
      %swap3A_1160 = arith.constant 96 : index
      %swap3A_1161 = tpu.vector_load %arg7[%swap3A_1160] {strides = array<i32>} : memref<512xi32, #tpu.memory_space<vmem>>, vector<16xi32>,
      tpu.vector_store %arg7[%swap3A_1160], %gather3A_1159 {strides = array<i32>} : memref<512xi32, #tpu.memory_space<vmem>>, vector<16xi32>,
      %add3A_1162 = arith.constant 5600 : i32
      %add3A_1163 = arith.addi %add3A_1162, %add3A_1070 : i32
      %add3A_1164 = vector.broadcast %add3A_1163 : i32 to vector<16xi32>
      %add3A_1165 = arith.addi %mul3A_7, %add3A_1164 : vector<16xi32>
      %shift_right_arithmetic3A_1166 = arith.constant 7 : i32
      %shift_right_arithmetic3A_1167 = vector.broadcast %shift_right_arithmetic3A_1166 : i32 to vector<16xi32>
      %shift_right_arithmetic3A_1168 = arith.shrsi %add3A_1165, %shift_right_arithmetic3A_1167 : vector<16xi32>
      %and3A_1169 = arith.constant 127 : i32
      %and3A_1170 = vector.broadcast %and3A_1169 : i32 to vector<16xi32>
      %and3A_1171 = arith.andi %add3A_1165, %and3A_1170 : vector<16xi32>
      %gather3A_1172 = tpu.vector_load_idx %arg5[%shift_right_arithmetic3A_1168, %and3A_1171] : memref<200x128xi32, #tpu.memory_space<vmem>>[vector<16xi32>, vector<16xi32>], vector<16xi32>,
      %swap3A_1173 = arith.constant 112 : index
      %swap3A_1174 = tpu.vector_load %arg7[%swap3A_1173] {strides = array<i32>} : memref<512xi32, #tpu.memory_space<vmem>>, vector<16xi32>,
      tpu.vector_store %arg7[%swap3A_1173], %gather3A_1172 {strides = array<i32>} : memref<512xi32, #tpu.memory_space<vmem>>, vector<16xi32>,
      %add3A_1175 = arith.constant 6400 : i32
      %add3A_1176 = arith.addi %add3A_1175, %add3A_1070 : i32
      %add3A_1177 = vector.broadcast %add3A_1176 : i32 to vector<16xi32>
      %add3A_1178 = arith.addi %mul3A_7, %add3A_1177 : vector<16xi32>
      %shift_right_arithmetic3A_1179 = arith.constant 7 : i32
      %shift_right_arithmetic3A_1180 = vector.broadcast %shift_right_arithmetic3A_1179 : i32 to vector<16xi32>
      %shift_right_arithmetic3A_1181 = arith.shrsi %add3A_1178, %shift_right_arithmetic3A_1180 : vector<16xi32>
      %and3A_1182 = arith.constant 127 : i32
      %and3A_1183 = vector.broadcast %and3A_1182 : i32 to vector<16xi32>
      %and3A_1184 = arith.andi %add3A_1178, %and3A_1183 : vector<16xi32>
      %gather3A_1185 = tpu.vector_load_idx %arg5[%shift_right_arithmetic3A_1181, %and3A_1184] : memref<200x128xi32, #tpu.memory_space<vmem>>[vector<16xi32>, vector<16xi32>], vector<16xi32>,
      %swap3A_1186 = arith.constant 128 : index
      %swap3A_1187 = tpu.vector_load %arg7[%swap3A_1186] {strides = array<i32>} : memref<512xi32, #tpu.memory_space<vmem>>, vector<16xi32>,
      tpu.vector_store %arg7[%swap3A_1186], %gather3A_1185 {strides = array<i32>} : memref<512xi32, #tpu.memory_space<vmem>>, vector<16xi32>,
      %add3A_1188 = arith.constant 7200 : i32
      %add3A_1189 = arith.addi %add3A_1188, %add3A_1070 : i32
      %add3A_1190 = vector.broadcast %add3A_1189 : i32 to vector<16xi32>
      %add3A_1191 = arith.addi %mul3A_7, %add3A_1190 : vector<16xi32>
      %shift_right_arithmetic3A_1192 = arith.constant 7 : i32
      %shift_right_arithmetic3A_1193 = vector.broadcast %shift_right_arithmetic3A_1192 : i32 to vector<16xi32>
      %shift_right_arithmetic3A_1194 = arith.shrsi %add3A_1191, %shift_right_arithmetic3A_1193 : vector<16xi32>
      %and3A_1195 = arith.constant 127 : i32
      %and3A_1196 = vector.broadcast %and3A_1195 : i32 to vector<16xi32>
      %and3A_1197 = arith.andi %add3A_1191, %and3A_1196 : vector<16xi32>
      %gather3A_1198 = tpu.vector_load_idx %arg5[%shift_right_arithmetic3A_1194, %and3A_1197] : memref<200x128xi32, #tpu.memory_space<vmem>>[vector<16xi32>, vector<16xi32>], vector<16xi32>,
      %swap3A_1199 = arith.constant 144 : index
      %swap3A_1200 = tpu.vector_load %arg7[%swap3A_1199] {strides = array<i32>} : memref<512xi32, #tpu.memory_space<vmem>>, vector<16xi32>,
      tpu.vector_store %arg7[%swap3A_1199], %gather3A_1198 {strides = array<i32>} : memref<512xi32, #tpu.memory_space<vmem>>, vector<16xi32>,
      %add3A_1201 = arith.constant 8000 : i32
      %add3A_1202 = arith.addi %add3A_1201, %add3A_1070 : i32
      %add3A_1203 = vector.broadcast %add3A_1202 : i32 to vector<16xi32>
      %add3A_1204 = arith.addi %mul3A_7, %add3A_1203 : vector<16xi32>
      %shift_right_arithmetic3A_1205 = arith.constant 7 : i32
      %shift_right_arithmetic3A_1206 = vector.broadcast %shift_right_arithmetic3A_1205 : i32 to vector<16xi32>
      %shift_right_arithmetic3A_1207 = arith.shrsi %add3A_1204, %shift_right_arithmetic3A_1206 : vector<16xi32>
      %and3A_1208 = arith.constant 127 : i32
      %and3A_1209 = vector.broadcast %and3A_1208 : i32 to vector<16xi32>
      %and3A_1210 = arith.andi %add3A_1204, %and3A_1209 : vector<16xi32>
      %gather3A_1211 = tpu.vector_load_idx %arg5[%shift_right_arithmetic3A_1207, %and3A_1210] : memref<200x128xi32, #tpu.memory_space<vmem>>[vector<16xi32>, vector<16xi32>], vector<16xi32>,
      %swap3A_1212 = arith.constant 160 : index
      %swap3A_1213 = tpu.vector_load %arg7[%swap3A_1212] {strides = array<i32>} : memref<512xi32, #tpu.memory_space<vmem>>, vector<16xi32>,
      tpu.vector_store %arg7[%swap3A_1212], %gather3A_1211 {strides = array<i32>} : memref<512xi32, #tpu.memory_space<vmem>>, vector<16xi32>,
      %add3A_1214 = arith.constant 8800 : i32
      %add3A_1215 = arith.addi %add3A_1214, %add3A_1070 : i32
      %add3A_1216 = vector.broadcast %add3A_1215 : i32 to vector<16xi32>
      %add3A_1217 = arith.addi %mul3A_7, %add3A_1216 : vector<16xi32>
      %shift_right_arithmetic3A_1218 = arith.constant 7 : i32
      %shift_right_arithmetic3A_1219 = vector.broadcast %shift_right_arithmetic3A_1218 : i32 to vector<16xi32>
      %shift_right_arithmetic3A_1220 = arith.shrsi %add3A_1217, %shift_right_arithmetic3A_1219 : vector<16xi32>
      %and3A_1221 = arith.constant 127 : i32
      %and3A_1222 = vector.broadcast %and3A_1221 : i32 to vector<16xi32>
      %and3A_1223 = arith.andi %add3A_1217, %and3A_1222 : vector<16xi32>
      %gather3A_1224 = tpu.vector_load_idx %arg5[%shift_right_arithmetic3A_1220, %and3A_1223] : memref<200x128xi32, #tpu.memory_space<vmem>>[vector<16xi32>, vector<16xi32>], vector<16xi32>,
      %swap3A_1225 = arith.constant 176 : index
      %swap3A_1226 = tpu.vector_load %arg7[%swap3A_1225] {strides = array<i32>} : memref<512xi32, #tpu.memory_space<vmem>>, vector<16xi32>,
      tpu.vector_store %arg7[%swap3A_1225], %gather3A_1224 {strides = array<i32>} : memref<512xi32, #tpu.memory_space<vmem>>, vector<16xi32>,
      %add3A_1227 = arith.constant 9600 : i32
      %add3A_1228 = arith.addi %add3A_1227, %add3A_1070 : i32
      %add3A_1229 = vector.broadcast %add3A_1228 : i32 to vector<16xi32>
      %add3A_1230 = arith.addi %mul3A_7, %add3A_1229 : vector<16xi32>
      %shift_right_arithmetic3A_1231 = arith.constant 7 : i32
      %shift_right_arithmetic3A_1232 = vector.broadcast %shift_right_arithmetic3A_1231 : i32 to vector<16xi32>
      %shift_right_arithmetic3A_1233 = arith.shrsi %add3A_1230, %shift_right_arithmetic3A_1232 : vector<16xi32>
      %and3A_1234 = arith.constant 127 : i32
      %and3A_1235 = vector.broadcast %and3A_1234 : i32 to vector<16xi32>
      %and3A_1236 = arith.andi %add3A_1230, %and3A_1235 : vector<16xi32>
      %gather3A_1237 = tpu.vector_load_idx %arg5[%shift_right_arithmetic3A_1233, %and3A_1236] : memref<200x128xi32, #tpu.memory_space<vmem>>[vector<16xi32>, vector<16xi32>], vector<16xi32>,
      %swap3A_1238 = arith.constant 192 : index
      %swap3A_1239 = tpu.vector_load %arg7[%swap3A_1238] {strides = array<i32>} : memref<512xi32, #tpu.memory_space<vmem>>, vector<16xi32>,
      tpu.vector_store %arg7[%swap3A_1238], %gather3A_1237 {strides = array<i32>} : memref<512xi32, #tpu.memory_space<vmem>>, vector<16xi32>,
      %add3A_1240 = arith.constant 10400 : i32
      %add3A_1241 = arith.addi %add3A_1240, %add3A_1070 : i32
      %add3A_1242 = vector.broadcast %add3A_1241 : i32 to vector<16xi32>
      %add3A_1243 = arith.addi %mul3A_7, %add3A_1242 : vector<16xi32>
      %shift_right_arithmetic3A_1244 = arith.constant 7 : i32
      %shift_right_arithmetic3A_1245 = vector.broadcast %shift_right_arithmetic3A_1244 : i32 to vector<16xi32>
      %shift_right_arithmetic3A_1246 = arith.shrsi %add3A_1243, %shift_right_arithmetic3A_1245 : vector<16xi32>
      %and3A_1247 = arith.constant 127 : i32
      %and3A_1248 = vector.broadcast %and3A_1247 : i32 to vector<16xi32>
      %and3A_1249 = arith.andi %add3A_1243, %and3A_1248 : vector<16xi32>
      %gather3A_1250 = tpu.vector_load_idx %arg5[%shift_right_arithmetic3A_1246, %and3A_1249] : memref<200x128xi32, #tpu.memory_space<vmem>>[vector<16xi32>, vector<16xi32>], vector<16xi32>,
      %swap3A_1251 = arith.constant 208 : index
      %swap3A_1252 = tpu.vector_load %arg7[%swap3A_1251] {strides = array<i32>} : memref<512xi32, #tpu.memory_space<vmem>>, vector<16xi32>,
      tpu.vector_store %arg7[%swap3A_1251], %gather3A_1250 {strides = array<i32>} : memref<512xi32, #tpu.memory_space<vmem>>, vector<16xi32>,
      %add3A_1253 = arith.constant 11200 : i32
      %add3A_1254 = arith.addi %add3A_1253, %add3A_1070 : i32
      %add3A_1255 = vector.broadcast %add3A_1254 : i32 to vector<16xi32>
      %add3A_1256 = arith.addi %mul3A_7, %add3A_1255 : vector<16xi32>
      %shift_right_arithmetic3A_1257 = arith.constant 7 : i32
      %shift_right_arithmetic3A_1258 = vector.broadcast %shift_right_arithmetic3A_1257 : i32 to vector<16xi32>
      %shift_right_arithmetic3A_1259 = arith.shrsi %add3A_1256, %shift_right_arithmetic3A_1258 : vector<16xi32>
      %and3A_1260 = arith.constant 127 : i32
      %and3A_1261 = vector.broadcast %and3A_1260 : i32 to vector<16xi32>
      %and3A_1262 = arith.andi %add3A_1256, %and3A_1261 : vector<16xi32>
      %gather3A_1263 = tpu.vector_load_idx %arg5[%shift_right_arithmetic3A_1259, %and3A_1262] : memref<200x128xi32, #tpu.memory_space<vmem>>[vector<16xi32>, vector<16xi32>], vector<16xi32>,
      %swap3A_1264 = arith.constant 224 : index
      %swap3A_1265 = tpu.vector_load %arg7[%swap3A_1264] {strides = array<i32>} : memref<512xi32, #tpu.memory_space<vmem>>, vector<16xi32>,
      tpu.vector_store %arg7[%swap3A_1264], %gather3A_1263 {strides = array<i32>} : memref<512xi32, #tpu.memory_space<vmem>>, vector<16xi32>,
      %add3A_1266 = arith.constant 12000 : i32
      %add3A_1267 = arith.addi %add3A_1266, %add3A_1070 : i32
      %add3A_1268 = vector.broadcast %add3A_1267 : i32 to vector<16xi32>
      %add3A_1269 = arith.addi %mul3A_7, %add3A_1268 : vector<16xi32>
      %shift_right_arithmetic3A_1270 = arith.constant 7 : i32
      %shift_right_arithmetic3A_1271 = vector.broadcast %shift_right_arithmetic3A_1270 : i32 to vector<16xi32>
      %shift_right_arithmetic3A_1272 = arith.shrsi %add3A_1269, %shift_right_arithmetic3A_1271 : vector<16xi32>
      %and3A_1273 = arith.constant 127 : i32
      %and3A_1274 = vector.broadcast %and3A_1273 : i32 to vector<16xi32>
      %and3A_1275 = arith.andi %add3A_1269, %and3A_1274 : vector<16xi32>
      %gather3A_1276 = tpu.vector_load_idx %arg5[%shift_right_arithmetic3A_1272, %and3A_1275] : memref<200x128xi32, #tpu.memory_space<vmem>>[vector<16xi32>, vector<16xi32>], vector<16xi32>,
      %swap3A_1277 = arith.constant 240 : index
      %swap3A_1278 = tpu.vector_load %arg7[%swap3A_1277] {strides = array<i32>} : memref<512xi32, #tpu.memory_space<vmem>>, vector<16xi32>,
      tpu.vector_store %arg7[%swap3A_1277], %gather3A_1276 {strides = array<i32>} : memref<512xi32, #tpu.memory_space<vmem>>, vector<16xi32>,
      %add3A_1279 = arith.constant 12800 : i32
      %add3A_1280 = arith.addi %add3A_1279, %add3A_1070 : i32
      %add3A_1281 = vector.broadcast %add3A_1280 : i32 to vector<16xi32>
      %add3A_1282 = arith.addi %mul3A_7, %add3A_1281 : vector<16xi32>
      %shift_right_arithmetic3A_1283 = arith.constant 7 : i32
      %shift_right_arithmetic3A_1284 = vector.broadcast %shift_right_arithmetic3A_1283 : i32 to vector<16xi32>
      %shift_right_arithmetic3A_1285 = arith.shrsi %add3A_1282, %shift_right_arithmetic3A_1284 : vector<16xi32>
      %and3A_1286 = arith.constant 127 : i32
      %and3A_1287 = vector.broadcast %and3A_1286 : i32 to vector<16xi32>
      %and3A_1288 = arith.andi %add3A_1282, %and3A_1287 : vector<16xi32>
      %gather3A_1289 = tpu.vector_load_idx %arg5[%shift_right_arithmetic3A_1285, %and3A_1288] : memref<200x128xi32, #tpu.memory_space<vmem>>[vector<16xi32>, vector<16xi32>], vector<16xi32>,
      %swap3A_1290 = arith.constant 256 : index
      %swap3A_1291 = tpu.vector_load %arg7[%swap3A_1290] {strides = array<i32>} : memref<512xi32, #tpu.memory_space<vmem>>, vector<16xi32>,
      tpu.vector_store %arg7[%swap3A_1290], %gather3A_1289 {strides = array<i32>} : memref<512xi32, #tpu.memory_space<vmem>>, vector<16xi32>,
      %add3A_1292 = arith.constant 13600 : i32
      %add3A_1293 = arith.addi %add3A_1292, %add3A_1070 : i32
      %add3A_1294 = vector.broadcast %add3A_1293 : i32 to vector<16xi32>
      %add3A_1295 = arith.addi %mul3A_7, %add3A_1294 : vector<16xi32>
      %shift_right_arithmetic3A_1296 = arith.constant 7 : i32
      %shift_right_arithmetic3A_1297 = vector.broadcast %shift_right_arithmetic3A_1296 : i32 to vector<16xi32>
      %shift_right_arithmetic3A_1298 = arith.shrsi %add3A_1295, %shift_right_arithmetic3A_1297 : vector<16xi32>
      %and3A_1299 = arith.constant 127 : i32
      %and3A_1300 = vector.broadcast %and3A_1299 : i32 to vector<16xi32>
      %and3A_1301 = arith.andi %add3A_1295, %and3A_1300 : vector<16xi32>
      %gather3A_1302 = tpu.vector_load_idx %arg5[%shift_right_arithmetic3A_1298, %and3A_1301] : memref<200x128xi32, #tpu.memory_space<vmem>>[vector<16xi32>, vector<16xi32>], vector<16xi32>,
      %swap3A_1303 = arith.constant 272 : index
      %swap3A_1304 = tpu.vector_load %arg7[%swap3A_1303] {strides = array<i32>} : memref<512xi32, #tpu.memory_space<vmem>>, vector<16xi32>,
      tpu.vector_store %arg7[%swap3A_1303], %gather3A_1302 {strides = array<i32>} : memref<512xi32, #tpu.memory_space<vmem>>, vector<16xi32>,
      %add3A_1305 = arith.constant 14400 : i32
      %add3A_1306 = arith.addi %add3A_1305, %add3A_1070 : i32
      %add3A_1307 = vector.broadcast %add3A_1306 : i32 to vector<16xi32>
      %add3A_1308 = arith.addi %mul3A_7, %add3A_1307 : vector<16xi32>
      %shift_right_arithmetic3A_1309 = arith.constant 7 : i32
      %shift_right_arithmetic3A_1310 = vector.broadcast %shift_right_arithmetic3A_1309 : i32 to vector<16xi32>
      %shift_right_arithmetic3A_1311 = arith.shrsi %add3A_1308, %shift_right_arithmetic3A_1310 : vector<16xi32>
      %and3A_1312 = arith.constant 127 : i32
      %and3A_1313 = vector.broadcast %and3A_1312 : i32 to vector<16xi32>
      %and3A_1314 = arith.andi %add3A_1308, %and3A_1313 : vector<16xi32>
      %gather3A_1315 = tpu.vector_load_idx %arg5[%shift_right_arithmetic3A_1311, %and3A_1314] : memref<200x128xi32, #tpu.memory_space<vmem>>[vector<16xi32>, vector<16xi32>], vector<16xi32>,
      %swap3A_1316 = arith.constant 288 : index
      %swap3A_1317 = tpu.vector_load %arg7[%swap3A_1316] {strides = array<i32>} : memref<512xi32, #tpu.memory_space<vmem>>, vector<16xi32>,
      tpu.vector_store %arg7[%swap3A_1316], %gather3A_1315 {strides = array<i32>} : memref<512xi32, #tpu.memory_space<vmem>>, vector<16xi32>,
      %add3A_1318 = arith.constant 15200 : i32
      %add3A_1319 = arith.addi %add3A_1318, %add3A_1070 : i32
      %add3A_1320 = vector.broadcast %add3A_1319 : i32 to vector<16xi32>
      %add3A_1321 = arith.addi %mul3A_7, %add3A_1320 : vector<16xi32>
      %shift_right_arithmetic3A_1322 = arith.constant 7 : i32
      %shift_right_arithmetic3A_1323 = vector.broadcast %shift_right_arithmetic3A_1322 : i32 to vector<16xi32>
      %shift_right_arithmetic3A_1324 = arith.shrsi %add3A_1321, %shift_right_arithmetic3A_1323 : vector<16xi32>
      %and3A_1325 = arith.constant 127 : i32
      %and3A_1326 = vector.broadcast %and3A_1325 : i32 to vector<16xi32>
      %and3A_1327 = arith.andi %add3A_1321, %and3A_1326 : vector<16xi32>
      %gather3A_1328 = tpu.vector_load_idx %arg5[%shift_right_arithmetic3A_1324, %and3A_1327] : memref<200x128xi32, #tpu.memory_space<vmem>>[vector<16xi32>, vector<16xi32>], vector<16xi32>,
      %swap3A_1329 = arith.constant 304 : index
      %swap3A_1330 = tpu.vector_load %arg7[%swap3A_1329] {strides = array<i32>} : memref<512xi32, #tpu.memory_space<vmem>>, vector<16xi32>,
      tpu.vector_store %arg7[%swap3A_1329], %gather3A_1328 {strides = array<i32>} : memref<512xi32, #tpu.memory_space<vmem>>, vector<16xi32>,
      %add3A_1331 = arith.constant 16000 : i32
      %add3A_1332 = arith.addi %add3A_1331, %add3A_1070 : i32
      %add3A_1333 = vector.broadcast %add3A_1332 : i32 to vector<16xi32>
      %add3A_1334 = arith.addi %mul3A_7, %add3A_1333 : vector<16xi32>
      %shift_right_arithmetic3A_1335 = arith.constant 7 : i32
      %shift_right_arithmetic3A_1336 = vector.broadcast %shift_right_arithmetic3A_1335 : i32 to vector<16xi32>
      %shift_right_arithmetic3A_1337 = arith.shrsi %add3A_1334, %shift_right_arithmetic3A_1336 : vector<16xi32>
      %and3A_1338 = arith.constant 127 : i32
      %and3A_1339 = vector.broadcast %and3A_1338 : i32 to vector<16xi32>
      %and3A_1340 = arith.andi %add3A_1334, %and3A_1339 : vector<16xi32>
      %gather3A_1341 = tpu.vector_load_idx %arg5[%shift_right_arithmetic3A_1337, %and3A_1340] : memref<200x128xi32, #tpu.memory_space<vmem>>[vector<16xi32>, vector<16xi32>], vector<16xi32>,
      %swap3A_1342 = arith.constant 320 : index
      %swap3A_1343 = tpu.vector_load %arg7[%swap3A_1342] {strides = array<i32>} : memref<512xi32, #tpu.memory_space<vmem>>, vector<16xi32>,
      tpu.vector_store %arg7[%swap3A_1342], %gather3A_1341 {strides = array<i32>} : memref<512xi32, #tpu.memory_space<vmem>>, vector<16xi32>,
      %add3A_1344 = arith.constant 16800 : i32
      %add3A_1345 = arith.addi %add3A_1344, %add3A_1070 : i32
      %add3A_1346 = vector.broadcast %add3A_1345 : i32 to vector<16xi32>
      %add3A_1347 = arith.addi %mul3A_7, %add3A_1346 : vector<16xi32>
      %shift_right_arithmetic3A_1348 = arith.constant 7 : i32
      %shift_right_arithmetic3A_1349 = vector.broadcast %shift_right_arithmetic3A_1348 : i32 to vector<16xi32>
      %shift_right_arithmetic3A_1350 = arith.shrsi %add3A_1347, %shift_right_arithmetic3A_1349 : vector<16xi32>
      %and3A_1351 = arith.constant 127 : i32
      %and3A_1352 = vector.broadcast %and3A_1351 : i32 to vector<16xi32>
      %and3A_1353 = arith.andi %add3A_1347, %and3A_1352 : vector<16xi32>
      %gather3A_1354 = tpu.vector_load_idx %arg5[%shift_right_arithmetic3A_1350, %and3A_1353] : memref<200x128xi32, #tpu.memory_space<vmem>>[vector<16xi32>, vector<16xi32>], vector<16xi32>,
      %swap3A_1355 = arith.constant 336 : index
      %swap3A_1356 = tpu.vector_load %arg7[%swap3A_1355] {strides = array<i32>} : memref<512xi32, #tpu.memory_space<vmem>>, vector<16xi32>,
      tpu.vector_store %arg7[%swap3A_1355], %gather3A_1354 {strides = array<i32>} : memref<512xi32, #tpu.memory_space<vmem>>, vector<16xi32>,
      %add3A_1357 = arith.constant 17600 : i32
      %add3A_1358 = arith.addi %add3A_1357, %add3A_1070 : i32
      %add3A_1359 = vector.broadcast %add3A_1358 : i32 to vector<16xi32>
      %add3A_1360 = arith.addi %mul3A_7, %add3A_1359 : vector<16xi32>
      %shift_right_arithmetic3A_1361 = arith.constant 7 : i32
      %shift_right_arithmetic3A_1362 = vector.broadcast %shift_right_arithmetic3A_1361 : i32 to vector<16xi32>
      %shift_right_arithmetic3A_1363 = arith.shrsi %add3A_1360, %shift_right_arithmetic3A_1362 : vector<16xi32>
      %and3A_1364 = arith.constant 127 : i32
      %and3A_1365 = vector.broadcast %and3A_1364 : i32 to vector<16xi32>
      %and3A_1366 = arith.andi %add3A_1360, %and3A_1365 : vector<16xi32>
      %gather3A_1367 = tpu.vector_load_idx %arg5[%shift_right_arithmetic3A_1363, %and3A_1366] : memref<200x128xi32, #tpu.memory_space<vmem>>[vector<16xi32>, vector<16xi32>], vector<16xi32>,
      %swap3A_1368 = arith.constant 352 : index
      %swap3A_1369 = tpu.vector_load %arg7[%swap3A_1368] {strides = array<i32>} : memref<512xi32, #tpu.memory_space<vmem>>, vector<16xi32>,
      tpu.vector_store %arg7[%swap3A_1368], %gather3A_1367 {strides = array<i32>} : memref<512xi32, #tpu.memory_space<vmem>>, vector<16xi32>,
      %add3A_1370 = arith.constant 18400 : i32
      %add3A_1371 = arith.addi %add3A_1370, %add3A_1070 : i32
      %add3A_1372 = vector.broadcast %add3A_1371 : i32 to vector<16xi32>
      %add3A_1373 = arith.addi %mul3A_7, %add3A_1372 : vector<16xi32>
      %shift_right_arithmetic3A_1374 = arith.constant 7 : i32
      %shift_right_arithmetic3A_1375 = vector.broadcast %shift_right_arithmetic3A_1374 : i32 to vector<16xi32>
      %shift_right_arithmetic3A_1376 = arith.shrsi %add3A_1373, %shift_right_arithmetic3A_1375 : vector<16xi32>
      %and3A_1377 = arith.constant 127 : i32
      %and3A_1378 = vector.broadcast %and3A_1377 : i32 to vector<16xi32>
      %and3A_1379 = arith.andi %add3A_1373, %and3A_1378 : vector<16xi32>
      %gather3A_1380 = tpu.vector_load_idx %arg5[%shift_right_arithmetic3A_1376, %and3A_1379] : memref<200x128xi32, #tpu.memory_space<vmem>>[vector<16xi32>, vector<16xi32>], vector<16xi32>,
      %swap3A_1381 = arith.constant 368 : index
      %swap3A_1382 = tpu.vector_load %arg7[%swap3A_1381] {strides = array<i32>} : memref<512xi32, #tpu.memory_space<vmem>>, vector<16xi32>,
      tpu.vector_store %arg7[%swap3A_1381], %gather3A_1380 {strides = array<i32>} : memref<512xi32, #tpu.memory_space<vmem>>, vector<16xi32>,
      %add3A_1383 = arith.constant 19200 : i32
      %add3A_1384 = arith.addi %add3A_1383, %add3A_1070 : i32
      %add3A_1385 = vector.broadcast %add3A_1384 : i32 to vector<16xi32>
      %add3A_1386 = arith.addi %mul3A_7, %add3A_1385 : vector<16xi32>
      %shift_right_arithmetic3A_1387 = arith.constant 7 : i32
      %shift_right_arithmetic3A_1388 = vector.broadcast %shift_right_arithmetic3A_1387 : i32 to vector<16xi32>
      %shift_right_arithmetic3A_1389 = arith.shrsi %add3A_1386, %shift_right_arithmetic3A_1388 : vector<16xi32>
      %and3A_1390 = arith.constant 127 : i32
      %and3A_1391 = vector.broadcast %and3A_1390 : i32 to vector<16xi32>
      %and3A_1392 = arith.andi %add3A_1386, %and3A_1391 : vector<16xi32>
      %gather3A_1393 = tpu.vector_load_idx %arg5[%shift_right_arithmetic3A_1389, %and3A_1392] : memref<200x128xi32, #tpu.memory_space<vmem>>[vector<16xi32>, vector<16xi32>], vector<16xi32>,
      %swap3A_1394 = arith.constant 384 : index
      %swap3A_1395 = tpu.vector_load %arg7[%swap3A_1394] {strides = array<i32>} : memref<512xi32, #tpu.memory_space<vmem>>, vector<16xi32>,
      tpu.vector_store %arg7[%swap3A_1394], %gather3A_1393 {strides = array<i32>} : memref<512xi32, #tpu.memory_space<vmem>>, vector<16xi32>,
      %add3A_1396 = arith.constant 20000 : i32
      %add3A_1397 = arith.addi %add3A_1396, %add3A_1070 : i32
      %add3A_1398 = vector.broadcast %add3A_1397 : i32 to vector<16xi32>
      %add3A_1399 = arith.addi %mul3A_7, %add3A_1398 : vector<16xi32>
      %shift_right_arithmetic3A_1400 = arith.constant 7 : i32
      %shift_right_arithmetic3A_1401 = vector.broadcast %shift_right_arithmetic3A_1400 : i32 to vector<16xi32>
      %shift_right_arithmetic3A_1402 = arith.shrsi %add3A_1399, %shift_right_arithmetic3A_1401 : vector<16xi32>
      %and3A_1403 = arith.constant 127 : i32
      %and3A_1404 = vector.broadcast %and3A_1403 : i32 to vector<16xi32>
      %and3A_1405 = arith.andi %add3A_1399, %and3A_1404 : vector<16xi32>
      %gather3A_1406 = tpu.vector_load_idx %arg5[%shift_right_arithmetic3A_1402, %and3A_1405] : memref<200x128xi32, #tpu.memory_space<vmem>>[vector<16xi32>, vector<16xi32>], vector<16xi32>,
      %swap3A_1407 = arith.constant 400 : index
      %swap3A_1408 = tpu.vector_load %arg7[%swap3A_1407] {strides = array<i32>} : memref<512xi32, #tpu.memory_space<vmem>>, vector<16xi32>,
      tpu.vector_store %arg7[%swap3A_1407], %gather3A_1406 {strides = array<i32>} : memref<512xi32, #tpu.memory_space<vmem>>, vector<16xi32>,
      %add3A_1409 = arith.constant 20800 : i32
      %add3A_1410 = arith.addi %add3A_1409, %add3A_1070 : i32
      %add3A_1411 = vector.broadcast %add3A_1410 : i32 to vector<16xi32>
      %add3A_1412 = arith.addi %mul3A_7, %add3A_1411 : vector<16xi32>
      %shift_right_arithmetic3A_1413 = arith.constant 7 : i32
      %shift_right_arithmetic3A_1414 = vector.broadcast %shift_right_arithmetic3A_1413 : i32 to vector<16xi32>
      %shift_right_arithmetic3A_1415 = arith.shrsi %add3A_1412, %shift_right_arithmetic3A_1414 : vector<16xi32>
      %and3A_1416 = arith.constant 127 : i32
      %and3A_1417 = vector.broadcast %and3A_1416 : i32 to vector<16xi32>
      %and3A_1418 = arith.andi %add3A_1412, %and3A_1417 : vector<16xi32>
      %gather3A_1419 = tpu.vector_load_idx %arg5[%shift_right_arithmetic3A_1415, %and3A_1418] : memref<200x128xi32, #tpu.memory_space<vmem>>[vector<16xi32>, vector<16xi32>], vector<16xi32>,
      %swap3A_1420 = arith.constant 416 : index
      %swap3A_1421 = tpu.vector_load %arg7[%swap3A_1420] {strides = array<i32>} : memref<512xi32, #tpu.memory_space<vmem>>, vector<16xi32>,
      tpu.vector_store %arg7[%swap3A_1420], %gather3A_1419 {strides = array<i32>} : memref<512xi32, #tpu.memory_space<vmem>>, vector<16xi32>,
      %add3A_1422 = arith.constant 21600 : i32
      %add3A_1423 = arith.addi %add3A_1422, %add3A_1070 : i32
      %add3A_1424 = vector.broadcast %add3A_1423 : i32 to vector<16xi32>
      %add3A_1425 = arith.addi %mul3A_7, %add3A_1424 : vector<16xi32>
      %shift_right_arithmetic3A_1426 = arith.constant 7 : i32
      %shift_right_arithmetic3A_1427 = vector.broadcast %shift_right_arithmetic3A_1426 : i32 to vector<16xi32>
      %shift_right_arithmetic3A_1428 = arith.shrsi %add3A_1425, %shift_right_arithmetic3A_1427 : vector<16xi32>
      %and3A_1429 = arith.constant 127 : i32
      %and3A_1430 = vector.broadcast %and3A_1429 : i32 to vector<16xi32>
      %and3A_1431 = arith.andi %add3A_1425, %and3A_1430 : vector<16xi32>
      %gather3A_1432 = tpu.vector_load_idx %arg5[%shift_right_arithmetic3A_1428, %and3A_1431] : memref<200x128xi32, #tpu.memory_space<vmem>>[vector<16xi32>, vector<16xi32>], vector<16xi32>,
      %swap3A_1433 = arith.constant 432 : index
      %swap3A_1434 = tpu.vector_load %arg7[%swap3A_1433] {strides = array<i32>} : memref<512xi32, #tpu.memory_space<vmem>>, vector<16xi32>,
      tpu.vector_store %arg7[%swap3A_1433], %gather3A_1432 {strides = array<i32>} : memref<512xi32, #tpu.memory_space<vmem>>, vector<16xi32>,
      %add3A_1435 = arith.constant 22400 : i32
      %add3A_1436 = arith.addi %add3A_1435, %add3A_1070 : i32
      %add3A_1437 = vector.broadcast %add3A_1436 : i32 to vector<16xi32>
      %add3A_1438 = arith.addi %mul3A_7, %add3A_1437 : vector<16xi32>
      %shift_right_arithmetic3A_1439 = arith.constant 7 : i32
      %shift_right_arithmetic3A_1440 = vector.broadcast %shift_right_arithmetic3A_1439 : i32 to vector<16xi32>
      %shift_right_arithmetic3A_1441 = arith.shrsi %add3A_1438, %shift_right_arithmetic3A_1440 : vector<16xi32>
      %and3A_1442 = arith.constant 127 : i32
      %and3A_1443 = vector.broadcast %and3A_1442 : i32 to vector<16xi32>
      %and3A_1444 = arith.andi %add3A_1438, %and3A_1443 : vector<16xi32>
      %gather3A_1445 = tpu.vector_load_idx %arg5[%shift_right_arithmetic3A_1441, %and3A_1444] : memref<200x128xi32, #tpu.memory_space<vmem>>[vector<16xi32>, vector<16xi32>], vector<16xi32>,
      %swap3A_1446 = arith.constant 448 : index
      %swap3A_1447 = tpu.vector_load %arg7[%swap3A_1446] {strides = array<i32>} : memref<512xi32, #tpu.memory_space<vmem>>, vector<16xi32>,
      tpu.vector_store %arg7[%swap3A_1446], %gather3A_1445 {strides = array<i32>} : memref<512xi32, #tpu.memory_space<vmem>>, vector<16xi32>,
      %add3A_1448 = arith.constant 23200 : i32
      %add3A_1449 = arith.addi %add3A_1448, %add3A_1070 : i32
      %add3A_1450 = vector.broadcast %add3A_1449 : i32 to vector<16xi32>
      %add3A_1451 = arith.addi %mul3A_7, %add3A_1450 : vector<16xi32>
      %shift_right_arithmetic3A_1452 = arith.constant 7 : i32
      %shift_right_arithmetic3A_1453 = vector.broadcast %shift_right_arithmetic3A_1452 : i32 to vector<16xi32>
      %shift_right_arithmetic3A_1454 = arith.shrsi %add3A_1451, %shift_right_arithmetic3A_1453 : vector<16xi32>
      %and3A_1455 = arith.constant 127 : i32
      %and3A_1456 = vector.broadcast %and3A_1455 : i32 to vector<16xi32>
      %and3A_1457 = arith.andi %add3A_1451, %and3A_1456 : vector<16xi32>
      %gather3A_1458 = tpu.vector_load_idx %arg5[%shift_right_arithmetic3A_1454, %and3A_1457] : memref<200x128xi32, #tpu.memory_space<vmem>>[vector<16xi32>, vector<16xi32>], vector<16xi32>,
      %swap3A_1459 = arith.constant 464 : index
      %swap3A_1460 = tpu.vector_load %arg7[%swap3A_1459] {strides = array<i32>} : memref<512xi32, #tpu.memory_space<vmem>>, vector<16xi32>,
      tpu.vector_store %arg7[%swap3A_1459], %gather3A_1458 {strides = array<i32>} : memref<512xi32, #tpu.memory_space<vmem>>, vector<16xi32>,
      %add3A_1461 = arith.constant 24000 : i32
      %add3A_1462 = arith.addi %add3A_1461, %add3A_1070 : i32
      %add3A_1463 = vector.broadcast %add3A_1462 : i32 to vector<16xi32>
      %add3A_1464 = arith.addi %mul3A_7, %add3A_1463 : vector<16xi32>
      %shift_right_arithmetic3A_1465 = arith.constant 7 : i32
      %shift_right_arithmetic3A_1466 = vector.broadcast %shift_right_arithmetic3A_1465 : i32 to vector<16xi32>
      %shift_right_arithmetic3A_1467 = arith.shrsi %add3A_1464, %shift_right_arithmetic3A_1466 : vector<16xi32>
      %and3A_1468 = arith.constant 127 : i32
      %and3A_1469 = vector.broadcast %and3A_1468 : i32 to vector<16xi32>
      %and3A_1470 = arith.andi %add3A_1464, %and3A_1469 : vector<16xi32>
      %gather3A_1471 = tpu.vector_load_idx %arg5[%shift_right_arithmetic3A_1467, %and3A_1470] : memref<200x128xi32, #tpu.memory_space<vmem>>[vector<16xi32>, vector<16xi32>], vector<16xi32>,
      %swap3A_1472 = arith.constant 480 : index
      %swap3A_1473 = tpu.vector_load %arg7[%swap3A_1472] {strides = array<i32>} : memref<512xi32, #tpu.memory_space<vmem>>, vector<16xi32>,
      tpu.vector_store %arg7[%swap3A_1472], %gather3A_1471 {strides = array<i32>} : memref<512xi32, #tpu.memory_space<vmem>>, vector<16xi32>,
      %add3A_1474 = arith.constant 24800 : i32
      %add3A_1475 = arith.addi %add3A_1474, %add3A_1070 : i32
      %add3A_1476 = vector.broadcast %add3A_1475 : i32 to vector<16xi32>
      %add3A_1477 = arith.addi %mul3A_7, %add3A_1476 : vector<16xi32>
      %shift_right_arithmetic3A_1478 = arith.constant 7 : i32
      %shift_right_arithmetic3A_1479 = vector.broadcast %shift_right_arithmetic3A_1478 : i32 to vector<16xi32>
      %shift_right_arithmetic3A_1480 = arith.shrsi %add3A_1477, %shift_right_arithmetic3A_1479 : vector<16xi32>
      %and3A_1481 = arith.constant 127 : i32
      %and3A_1482 = vector.broadcast %and3A_1481 : i32 to vector<16xi32>
      %and3A_1483 = arith.andi %add3A_1477, %and3A_1482 : vector<16xi32>
      %gather3A_1484 = tpu.vector_load_idx %arg5[%shift_right_arithmetic3A_1480, %and3A_1483] : memref<200x128xi32, #tpu.memory_space<vmem>>[vector<16xi32>, vector<16xi32>], vector<16xi32>,
      %swap3A_1485 = arith.constant 496 : index
      %swap3A_1486 = tpu.vector_load %arg7[%swap3A_1485] {strides = array<i32>} : memref<512xi32, #tpu.memory_space<vmem>>, vector<16xi32>,
      tpu.vector_store %arg7[%swap3A_1485], %gather3A_1484 {strides = array<i32>} : memref<512xi32, #tpu.memory_space<vmem>>, vector<16xi32>,
      %dma_start3A_1487 = arith.constant 0 : i32
      %dma_start3A_1488 = arith.constant 0 : i32
      %dma_start3A_1489 = tpu.memref_slice %arg3[%dma_start3A_1487, %dma_start3A_1488] : memref<1000000x32xf32, #tpu.memory_space<hbm>> -> memref<1000000x32xf32, #tpu.memory_space<hbm>>
      tpu.enqueue_indirect_dma source(%dma_start3A_1489 : memref<1000000x32xf32, #tpu.memory_space<hbm>>) target(%arg9 : memref<512x32xf32, #tpu.memory_space<vmem>>) offsets(%arg7 : memref<512xi32, #tpu.memory_space<vmem>>) semaphore(%arg13 : memref<!tpu.dma_semaphore, #tpu.memory_space<semaphore_mem>>)
      %dma_wait3A_1490 = arith.constant 0 : i32
      %dma_wait3A_1491 = arith.constant 0 : i32
      %dma_wait3A_1492 = tpu.memref_slice %arg3[%dma_wait3A_1490, %dma_wait3A_1491] : memref<1000000x32xf32, #tpu.memory_space<hbm>> -> memref<1000000x32xf32, #tpu.memory_space<hbm>>
      tpu.wait_indirect_dma semaphore(%arg12 : memref<!tpu.dma_semaphore, #tpu.memory_space<semaphore_mem>>) src(%dma_wait3A_1492 : memref<1000000x32xf32, #tpu.memory_space<hbm>>) dst(%arg8 : memref<512x32xf32, #tpu.memory_space<vmem>>)
      %gt3A = arith.constant 0 : i32
      %gt3A_1493 = arith.cmpi sgt, %scan3A_1066, %gt3A : i32
      %convert_element_type3A = arith.extui %gt3A_1493 : i1 to i32
      %cond3A = arith.constant 0 : i32
      %cond3A_1494 = arith.cmpi ne, %convert_element_type3A, %cond3A : i32
      scf.if %cond3A_1494 {
        %dma_wait3A_2299 = arith.constant 0 : i32
        %dma_wait3A_2300 = arith.constant 0 : i32
        %dma_wait3A_2301 = arith.constant 0 : i32
        %dma_wait3A_2302 = arith.constant 0 : i32
        %dma_wait3A_2303 = arith.constant 0 : i32
        %dma_wait3A_2304 = arith.constant 0 : i32
        %dma_wait3A_2305 = arith.constant 0 : i32
        %dma_wait3A_2306 = tpu.memref_slice %arg10[%dma_wait3A_2299, %dma_wait3A_2300, %dma_wait3A_2304, %dma_wait3A_2305] : memref<4x4x8x133xf32, #tpu.memory_space<vmem>> -> memref<1x1x8x128xf32, #tpu.memory_space<vmem>>
        %dma_wait3A_2307 = tpu.memref_squeeze %dma_wait3A_2306 : memref<1x1x8x128xf32, #tpu.memory_space<vmem>> -> memref<8x128xf32, #tpu.memory_space<vmem>>
        %dma_wait3A_2308 = arith.constant 0 : i32
        %dma_wait3A_2309 = arith.constant 0 : i32
        %dma_wait3A_2310 = tpu.memref_slice %arg4[%dma_wait3A_2301, %dma_wait3A_2302, %dma_wait3A_2303, %dma_wait3A_2308, %dma_wait3A_2309] : memref<50x4x128x8x128xf32, #tpu.memory_space<hbm>> -> memref<1x1x1x8x128xf32, #tpu.memory_space<hbm>>
        %dma_wait3A_2311 = tpu.memref_squeeze %dma_wait3A_2310 : memref<1x1x1x8x128xf32, #tpu.memory_space<hbm>> -> memref<8x128xf32, #tpu.memory_space<hbm>>
        %dma_wait3A_2312 = arith.constant 0 : i32
        %dma_wait3A_2313 = arith.constant 0 : i32
        %dma_wait3A_2314 = tpu.memref_slice %arg4[%dma_wait3A_2301, %dma_wait3A_2302, %dma_wait3A_2303, %dma_wait3A_2312, %dma_wait3A_2313] : memref<50x4x128x8x128xf32, #tpu.memory_space<hbm>> -> memref<1x1x1x8x128xf32, #tpu.memory_space<hbm>>
        %dma_wait3A_2315 = tpu.memref_squeeze %dma_wait3A_2314 : memref<1x1x1x8x128xf32, #tpu.memory_space<hbm>> -> memref<8x128xf32, #tpu.memory_space<hbm>>
        %dma_wait3A_2316 = arith.constant 0 : i32
        %dma_wait3A_2317 = arith.constant 0 : i32
        %dma_wait3A_2318 = tpu.memref_slice %arg10[%dma_wait3A_2299, %dma_wait3A_2300, %dma_wait3A_2316, %dma_wait3A_2317] : memref<4x4x8x133xf32, #tpu.memory_space<vmem>> -> memref<1x1x8x128xf32, #tpu.memory_space<vmem>>
        %dma_wait3A_2319 = tpu.memref_squeeze %dma_wait3A_2318 : memref<1x1x8x128xf32, #tpu.memory_space<vmem>> -> memref<8x128xf32, #tpu.memory_space<vmem>>
        tpu.wait_dma2 semaphore(%arg14 : memref<!tpu.dma_semaphore, #tpu.memory_space<semaphore_mem>>) src(%dma_wait3A_2319 : memref<8x128xf32, #tpu.memory_space<vmem>>) dst(%dma_wait3A_2315 : memref<8x128xf32, #tpu.memory_space<hbm>>)
        %dma_wait3A_2320 = arith.constant 0 : i32
        %dma_wait3A_2321 = arith.constant 1 : i32
        %dma_wait3A_2322 = arith.constant 0 : i32
        %dma_wait3A_2323 = arith.constant 1 : i32
        %dma_wait3A_2324 = arith.constant 0 : i32
        %dma_wait3A_2325 = arith.constant 0 : i32
        %dma_wait3A_2326 = arith.constant 0 : i32
        %dma_wait3A_2327 = tpu.memref_slice %arg10[%dma_wait3A_2320, %dma_wait3A_2321, %dma_wait3A_2325, %dma_wait3A_2326] : memref<4x4x8x133xf32, #tpu.memory_space<vmem>> -> memref<1x1x8x128xf32, #tpu.memory_space<vmem>>
        %dma_wait3A_2328 = tpu.memref_squeeze %dma_wait3A_2327 : memref<1x1x8x128xf32, #tpu.memory_space<vmem>> -> memref<8x128xf32, #tpu.memory_space<vmem>>
        %dma_wait3A_2329 = arith.constant 0 : i32
        %dma_wait3A_2330 = arith.constant 0 : i32
        %dma_wait3A_2331 = tpu.memref_slice %arg4[%dma_wait3A_2322, %dma_wait3A_2323, %dma_wait3A_2324, %dma_wait3A_2329, %dma_wait3A_2330] : memref<50x4x128x8x128xf32, #tpu.memory_space<hbm>> -> memref<1x1x1x8x128xf32, #tpu.memory_space<hbm>>
        %dma_wait3A_2332 = tpu.memref_squeeze %dma_wait3A_2331 : memref<1x1x1x8x128xf32, #tpu.memory_space<hbm>> -> memref<8x128xf32, #tpu.memory_space<hbm>>
        %dma_wait3A_2333 = arith.constant 0 : i32
        %dma_wait3A_2334 = arith.constant 0 : i32
        %dma_wait3A_2335 = tpu.memref_slice %arg4[%dma_wait3A_2322, %dma_wait3A_2323, %dma_wait3A_2324, %dma_wait3A_2333, %dma_wait3A_2334] : memref<50x4x128x8x128xf32, #tpu.memory_space<hbm>> -> memref<1x1x1x8x128xf32, #tpu.memory_space<hbm>>
        %dma_wait3A_2336 = tpu.memref_squeeze %dma_wait3A_2335 : memref<1x1x1x8x128xf32, #tpu.memory_space<hbm>> -> memref<8x128xf32, #tpu.memory_space<hbm>>
        %dma_wait3A_2337 = arith.constant 0 : i32
        %dma_wait3A_2338 = arith.constant 0 : i32
        %dma_wait3A_2339 = tpu.memref_slice %arg10[%dma_wait3A_2320, %dma_wait3A_2321, %dma_wait3A_2337, %dma_wait3A_2338] : memref<4x4x8x133xf32, #tpu.memory_space<vmem>> -> memref<1x1x8x128xf32, #tpu.memory_space<vmem>>
        %dma_wait3A_2340 = tpu.memref_squeeze %dma_wait3A_2339 : memref<1x1x8x128xf32, #tpu.memory_space<vmem>> -> memref<8x128xf32, #tpu.memory_space<vmem>>
        tpu.wait_dma2 semaphore(%arg14 : memref<!tpu.dma_semaphore, #tpu.memory_space<semaphore_mem>>) src(%dma_wait3A_2340 : memref<8x128xf32, #tpu.memory_space<vmem>>) dst(%dma_wait3A_2336 : memref<8x128xf32, #tpu.memory_space<hbm>>)
        %dma_wait3A_2341 = arith.constant 0 : i32
        %dma_wait3A_2342 = arith.constant 2 : i32
        %dma_wait3A_2343 = arith.constant 0 : i32
        %dma_wait3A_2344 = arith.constant 2 : i32
        %dma_wait3A_2345 = arith.constant 0 : i32
        %dma_wait3A_2346 = arith.constant 0 : i32
        %dma_wait3A_2347 = arith.constant 0 : i32
        %dma_wait3A_2348 = tpu.memref_slice %arg10[%dma_wait3A_2341, %dma_wait3A_2342, %dma_wait3A_2346, %dma_wait3A_2347] : memref<4x4x8x133xf32, #tpu.memory_space<vmem>> -> memref<1x1x8x128xf32, #tpu.memory_space<vmem>>
        %dma_wait3A_2349 = tpu.memref_squeeze %dma_wait3A_2348 : memref<1x1x8x128xf32, #tpu.memory_space<vmem>> -> memref<8x128xf32, #tpu.memory_space<vmem>>
        %dma_wait3A_2350 = arith.constant 0 : i32
        %dma_wait3A_2351 = arith.constant 0 : i32
        %dma_wait3A_2352 = tpu.memref_slice %arg4[%dma_wait3A_2343, %dma_wait3A_2344, %dma_wait3A_2345, %dma_wait3A_2350, %dma_wait3A_2351] : memref<50x4x128x8x128xf32, #tpu.memory_space<hbm>> -> memref<1x1x1x8x128xf32, #tpu.memory_space<hbm>>
        %dma_wait3A_2353 = tpu.memref_squeeze %dma_wait3A_2352 : memref<1x1x1x8x128xf32, #tpu.memory_space<hbm>> -> memref<8x128xf32, #tpu.memory_space<hbm>>
        %dma_wait3A_2354 = arith.constant 0 : i32
        %dma_wait3A_2355 = arith.constant 0 : i32
        %dma_wait3A_2356 = tpu.memref_slice %arg4[%dma_wait3A_2343, %dma_wait3A_2344, %dma_wait3A_2345, %dma_wait3A_2354, %dma_wait3A_2355] : memref<50x4x128x8x128xf32, #tpu.memory_space<hbm>> -> memref<1x1x1x8x128xf32, #tpu.memory_space<hbm>>
        %dma_wait3A_2357 = tpu.memref_squeeze %dma_wait3A_2356 : memref<1x1x1x8x128xf32, #tpu.memory_space<hbm>> -> memref<8x128xf32, #tpu.memory_space<hbm>>
        %dma_wait3A_2358 = arith.constant 0 : i32
        %dma_wait3A_2359 = arith.constant 0 : i32
        %dma_wait3A_2360 = tpu.memref_slice %arg10[%dma_wait3A_2341, %dma_wait3A_2342, %dma_wait3A_2358, %dma_wait3A_2359] : memref<4x4x8x133xf32, #tpu.memory_space<vmem>> -> memref<1x1x8x128xf32, #tpu.memory_space<vmem>>
        %dma_wait3A_2361 = tpu.memref_squeeze %dma_wait3A_2360 : memref<1x1x8x128xf32, #tpu.memory_space<vmem>> -> memref<8x128xf32, #tpu.memory_space<vmem>>
        tpu.wait_dma2 semaphore(%arg14 : memref<!tpu.dma_semaphore, #tpu.memory_space<semaphore_mem>>) src(%dma_wait3A_2361 : memref<8x128xf32, #tpu.memory_space<vmem>>) dst(%dma_wait3A_2357 : memref<8x128xf32, #tpu.memory_space<hbm>>)
        %dma_wait3A_2362 = arith.constant 0 : i32
        %dma_wait3A_2363 = arith.constant 3 : i32
        %dma_wait3A_2364 = arith.constant 0 : i32
        %dma_wait3A_2365 = arith.constant 3 : i32
        %dma_wait3A_2366 = arith.constant 0 : i32
        %dma_wait3A_2367 = arith.constant 0 : i32
        %dma_wait3A_2368 = arith.constant 0 : i32
        %dma_wait3A_2369 = tpu.memref_slice %arg10[%dma_wait3A_2362, %dma_wait3A_2363, %dma_wait3A_2367, %dma_wait3A_2368] : memref<4x4x8x133xf32, #tpu.memory_space<vmem>> -> memref<1x1x8x128xf32, #tpu.memory_space<vmem>>
        %dma_wait3A_2370 = tpu.memref_squeeze %dma_wait3A_2369 : memref<1x1x8x128xf32, #tpu.memory_space<vmem>> -> memref<8x128xf32, #tpu.memory_space<vmem>>
        %dma_wait3A_2371 = arith.constant 0 : i32
        %dma_wait3A_2372 = arith.constant 0 : i32
        %dma_wait3A_2373 = tpu.memref_slice %arg4[%dma_wait3A_2364, %dma_wait3A_2365, %dma_wait3A_2366, %dma_wait3A_2371, %dma_wait3A_2372] : memref<50x4x128x8x128xf32, #tpu.memory_space<hbm>> -> memref<1x1x1x8x128xf32, #tpu.memory_space<hbm>>
        %dma_wait3A_2374 = tpu.memref_squeeze %dma_wait3A_2373 : memref<1x1x1x8x128xf32, #tpu.memory_space<hbm>> -> memref<8x128xf32, #tpu.memory_space<hbm>>
        %dma_wait3A_2375 = arith.constant 0 : i32
        %dma_wait3A_2376 = arith.constant 0 : i32
        %dma_wait3A_2377 = tpu.memref_slice %arg4[%dma_wait3A_2364, %dma_wait3A_2365, %dma_wait3A_2366, %dma_wait3A_2375, %dma_wait3A_2376] : memref<50x4x128x8x128xf32, #tpu.memory_space<hbm>> -> memref<1x1x1x8x128xf32, #tpu.memory_space<hbm>>
        %dma_wait3A_2378 = tpu.memref_squeeze %dma_wait3A_2377 : memref<1x1x1x8x128xf32, #tpu.memory_space<hbm>> -> memref<8x128xf32, #tpu.memory_space<hbm>>
        %dma_wait3A_2379 = arith.constant 0 : i32
        %dma_wait3A_2380 = arith.constant 0 : i32
        %dma_wait3A_2381 = tpu.memref_slice %arg10[%dma_wait3A_2362, %dma_wait3A_2363, %dma_wait3A_2379, %dma_wait3A_2380] : memref<4x4x8x133xf32, #tpu.memory_space<vmem>> -> memref<1x1x8x128xf32, #tpu.memory_space<vmem>>
        %dma_wait3A_2382 = tpu.memref_squeeze %dma_wait3A_2381 : memref<1x1x8x128xf32, #tpu.memory_space<vmem>> -> memref<8x128xf32, #tpu.memory_space<vmem>>
        tpu.wait_dma2 semaphore(%arg14 : memref<!tpu.dma_semaphore, #tpu.memory_space<semaphore_mem>>) src(%dma_wait3A_2382 : memref<8x128xf32, #tpu.memory_space<vmem>>) dst(%dma_wait3A_2378 : memref<8x128xf32, #tpu.memory_space<hbm>>)
        %dma_wait3A_2383 = arith.constant 1 : i32
        %dma_wait3A_2384 = arith.constant 0 : i32
        %dma_wait3A_2385 = arith.constant 0 : i32
        %dma_wait3A_2386 = arith.constant 0 : i32
        %dma_wait3A_2387 = arith.constant 0 : i32
        %dma_wait3A_2388 = arith.constant 0 : i32
        %dma_wait3A_2389 = arith.constant 0 : i32
        %dma_wait3A_2390 = tpu.memref_slice %arg10[%dma_wait3A_2383, %dma_wait3A_2384, %dma_wait3A_2388, %dma_wait3A_2389] : memref<4x4x8x133xf32, #tpu.memory_space<vmem>> -> memref<1x1x8x128xf32, #tpu.memory_space<vmem>>
        %dma_wait3A_2391 = tpu.memref_squeeze %dma_wait3A_2390 : memref<1x1x8x128xf32, #tpu.memory_space<vmem>> -> memref<8x128xf32, #tpu.memory_space<vmem>>
        %dma_wait3A_2392 = arith.constant 0 : i32
        %dma_wait3A_2393 = arith.constant 0 : i32
        %dma_wait3A_2394 = tpu.memref_slice %arg4[%dma_wait3A_2385, %dma_wait3A_2386, %dma_wait3A_2387, %dma_wait3A_2392, %dma_wait3A_2393] : memref<50x4x128x8x128xf32, #tpu.memory_space<hbm>> -> memref<1x1x1x8x128xf32, #tpu.memory_space<hbm>>
        %dma_wait3A_2395 = tpu.memref_squeeze %dma_wait3A_2394 : memref<1x1x1x8x128xf32, #tpu.memory_space<hbm>> -> memref<8x128xf32, #tpu.memory_space<hbm>>
        %dma_wait3A_2396 = arith.constant 0 : i32
        %dma_wait3A_2397 = arith.constant 0 : i32
        %dma_wait3A_2398 = tpu.memref_slice %arg4[%dma_wait3A_2385, %dma_wait3A_2386, %dma_wait3A_2387, %dma_wait3A_2396, %dma_wait3A_2397] : memref<50x4x128x8x128xf32, #tpu.memory_space<hbm>> -> memref<1x1x1x8x128xf32, #tpu.memory_space<hbm>>
        %dma_wait3A_2399 = tpu.memref_squeeze %dma_wait3A_2398 : memref<1x1x1x8x128xf32, #tpu.memory_space<hbm>> -> memref<8x128xf32, #tpu.memory_space<hbm>>
        %dma_wait3A_2400 = arith.constant 0 : i32
        %dma_wait3A_2401 = arith.constant 0 : i32
        %dma_wait3A_2402 = tpu.memref_slice %arg10[%dma_wait3A_2383, %dma_wait3A_2384, %dma_wait3A_2400, %dma_wait3A_2401] : memref<4x4x8x133xf32, #tpu.memory_space<vmem>> -> memref<1x1x8x128xf32, #tpu.memory_space<vmem>>
        %dma_wait3A_2403 = tpu.memref_squeeze %dma_wait3A_2402 : memref<1x1x8x128xf32, #tpu.memory_space<vmem>> -> memref<8x128xf32, #tpu.memory_space<vmem>>
        tpu.wait_dma2 semaphore(%arg14 : memref<!tpu.dma_semaphore, #tpu.memory_space<semaphore_mem>>) src(%dma_wait3A_2403 : memref<8x128xf32, #tpu.memory_space<vmem>>) dst(%dma_wait3A_2399 : memref<8x128xf32, #tpu.memory_space<hbm>>)
        %dma_wait3A_2404 = arith.constant 1 : i32
        %dma_wait3A_2405 = arith.constant 1 : i32
        %dma_wait3A_2406 = arith.constant 0 : i32
        %dma_wait3A_2407 = arith.constant 1 : i32
        %dma_wait3A_2408 = arith.constant 0 : i32
        %dma_wait3A_2409 = arith.constant 0 : i32
        %dma_wait3A_2410 = arith.constant 0 : i32
        %dma_wait3A_2411 = tpu.memref_slice %arg10[%dma_wait3A_2404, %dma_wait3A_2405, %dma_wait3A_2409, %dma_wait3A_2410] : memref<4x4x8x133xf32, #tpu.memory_space<vmem>> -> memref<1x1x8x128xf32, #tpu.memory_space<vmem>>
        %dma_wait3A_2412 = tpu.memref_squeeze %dma_wait3A_2411 : memref<1x1x8x128xf32, #tpu.memory_space<vmem>> -> memref<8x128xf32, #tpu.memory_space<vmem>>
        %dma_wait3A_2413 = arith.constant 0 : i32
        %dma_wait3A_2414 = arith.constant 0 : i32
        %dma_wait3A_2415 = tpu.memref_slice %arg4[%dma_wait3A_2406, %dma_wait3A_2407, %dma_wait3A_2408, %dma_wait3A_2413, %dma_wait3A_2414] : memref<50x4x128x8x128xf32, #tpu.memory_space<hbm>> -> memref<1x1x1x8x128xf32, #tpu.memory_space<hbm>>
        %dma_wait3A_2416 = tpu.memref_squeeze %dma_wait3A_2415 : memref<1x1x1x8x128xf32, #tpu.memory_space<hbm>> -> memref<8x128xf32, #tpu.memory_space<hbm>>
        %dma_wait3A_2417 = arith.constant 0 : i32
        %dma_wait3A_2418 = arith.constant 0 : i32
        %dma_wait3A_2419 = tpu.memref_slice %arg4[%dma_wait3A_2406, %dma_wait3A_2407, %dma_wait3A_2408, %dma_wait3A_2417, %dma_wait3A_2418] : memref<50x4x128x8x128xf32, #tpu.memory_space<hbm>> -> memref<1x1x1x8x128xf32, #tpu.memory_space<hbm>>
        %dma_wait3A_2420 = tpu.memref_squeeze %dma_wait3A_2419 : memref<1x1x1x8x128xf32, #tpu.memory_space<hbm>> -> memref<8x128xf32, #tpu.memory_space<hbm>>
        %dma_wait3A_2421 = arith.constant 0 : i32
        %dma_wait3A_2422 = arith.constant 0 : i32
        %dma_wait3A_2423 = tpu.memref_slice %arg10[%dma_wait3A_2404, %dma_wait3A_2405, %dma_wait3A_2421, %dma_wait3A_2422] : memref<4x4x8x133xf32, #tpu.memory_space<vmem>> -> memref<1x1x8x128xf32, #tpu.memory_space<vmem>>
        %dma_wait3A_2424 = tpu.memref_squeeze %dma_wait3A_2423 : memref<1x1x8x128xf32, #tpu.memory_space<vmem>> -> memref<8x128xf32, #tpu.memory_space<vmem>>
        tpu.wait_dma2 semaphore(%arg14 : memref<!tpu.dma_semaphore, #tpu.memory_space<semaphore_mem>>) src(%dma_wait3A_2424 : memref<8x128xf32, #tpu.memory_space<vmem>>) dst(%dma_wait3A_2420 : memref<8x128xf32, #tpu.memory_space<hbm>>)
        %dma_wait3A_2425 = arith.constant 1 : i32
        %dma_wait3A_2426 = arith.constant 2 : i32
        %dma_wait3A_2427 = arith.constant 0 : i32
        %dma_wait3A_2428 = arith.constant 2 : i32
        %dma_wait3A_2429 = arith.constant 0 : i32
        %dma_wait3A_2430 = arith.constant 0 : i32
        %dma_wait3A_2431 = arith.constant 0 : i32
        %dma_wait3A_2432 = tpu.memref_slice %arg10[%dma_wait3A_2425, %dma_wait3A_2426, %dma_wait3A_2430, %dma_wait3A_2431] : memref<4x4x8x133xf32, #tpu.memory_space<vmem>> -> memref<1x1x8x128xf32, #tpu.memory_space<vmem>>
        %dma_wait3A_2433 = tpu.memref_squeeze %dma_wait3A_2432 : memref<1x1x8x128xf32, #tpu.memory_space<vmem>> -> memref<8x128xf32, #tpu.memory_space<vmem>>
        %dma_wait3A_2434 = arith.constant 0 : i32
        %dma_wait3A_2435 = arith.constant 0 : i32
        %dma_wait3A_2436 = tpu.memref_slice %arg4[%dma_wait3A_2427, %dma_wait3A_2428, %dma_wait3A_2429, %dma_wait3A_2434, %dma_wait3A_2435] : memref<50x4x128x8x128xf32, #tpu.memory_space<hbm>> -> memref<1x1x1x8x128xf32, #tpu.memory_space<hbm>>
        %dma_wait3A_2437 = tpu.memref_squeeze %dma_wait3A_2436 : memref<1x1x1x8x128xf32, #tpu.memory_space<hbm>> -> memref<8x128xf32, #tpu.memory_space<hbm>>
        %dma_wait3A_2438 = arith.constant 0 : i32
        %dma_wait3A_2439 = arith.constant 0 : i32
        %dma_wait3A_2440 = tpu.memref_slice %arg4[%dma_wait3A_2427, %dma_wait3A_2428, %dma_wait3A_2429, %dma_wait3A_2438, %dma_wait3A_2439] : memref<50x4x128x8x128xf32, #tpu.memory_space<hbm>> -> memref<1x1x1x8x128xf32, #tpu.memory_space<hbm>>
        %dma_wait3A_2441 = tpu.memref_squeeze %dma_wait3A_2440 : memref<1x1x1x8x128xf32, #tpu.memory_space<hbm>> -> memref<8x128xf32, #tpu.memory_space<hbm>>
        %dma_wait3A_2442 = arith.constant 0 : i32
        %dma_wait3A_2443 = arith.constant 0 : i32
        %dma_wait3A_2444 = tpu.memref_slice %arg10[%dma_wait3A_2425, %dma_wait3A_2426, %dma_wait3A_2442, %dma_wait3A_2443] : memref<4x4x8x133xf32, #tpu.memory_space<vmem>> -> memref<1x1x8x128xf32, #tpu.memory_space<vmem>>
        %dma_wait3A_2445 = tpu.memref_squeeze %dma_wait3A_2444 : memref<1x1x8x128xf32, #tpu.memory_space<vmem>> -> memref<8x128xf32, #tpu.memory_space<vmem>>
        tpu.wait_dma2 semaphore(%arg14 : memref<!tpu.dma_semaphore, #tpu.memory_space<semaphore_mem>>) src(%dma_wait3A_2445 : memref<8x128xf32, #tpu.memory_space<vmem>>) dst(%dma_wait3A_2441 : memref<8x128xf32, #tpu.memory_space<hbm>>)
        %dma_wait3A_2446 = arith.constant 1 : i32
        %dma_wait3A_2447 = arith.constant 3 : i32
        %dma_wait3A_2448 = arith.constant 0 : i32
        %dma_wait3A_2449 = arith.constant 3 : i32
        %dma_wait3A_2450 = arith.constant 0 : i32
        %dma_wait3A_2451 = arith.constant 0 : i32
        %dma_wait3A_2452 = arith.constant 0 : i32
        %dma_wait3A_2453 = tpu.memref_slice %arg10[%dma_wait3A_2446, %dma_wait3A_2447, %dma_wait3A_2451, %dma_wait3A_2452] : memref<4x4x8x133xf32, #tpu.memory_space<vmem>> -> memref<1x1x8x128xf32, #tpu.memory_space<vmem>>
        %dma_wait3A_2454 = tpu.memref_squeeze %dma_wait3A_2453 : memref<1x1x8x128xf32, #tpu.memory_space<vmem>> -> memref<8x128xf32, #tpu.memory_space<vmem>>
        %dma_wait3A_2455 = arith.constant 0 : i32
        %dma_wait3A_2456 = arith.constant 0 : i32
        %dma_wait3A_2457 = tpu.memref_slice %arg4[%dma_wait3A_2448, %dma_wait3A_2449, %dma_wait3A_2450, %dma_wait3A_2455, %dma_wait3A_2456] : memref<50x4x128x8x128xf32, #tpu.memory_space<hbm>> -> memref<1x1x1x8x128xf32, #tpu.memory_space<hbm>>
        %dma_wait3A_2458 = tpu.memref_squeeze %dma_wait3A_2457 : memref<1x1x1x8x128xf32, #tpu.memory_space<hbm>> -> memref<8x128xf32, #tpu.memory_space<hbm>>
        %dma_wait3A_2459 = arith.constant 0 : i32
        %dma_wait3A_2460 = arith.constant 0 : i32
        %dma_wait3A_2461 = tpu.memref_slice %arg4[%dma_wait3A_2448, %dma_wait3A_2449, %dma_wait3A_2450, %dma_wait3A_2459, %dma_wait3A_2460] : memref<50x4x128x8x128xf32, #tpu.memory_space<hbm>> -> memref<1x1x1x8x128xf32, #tpu.memory_space<hbm>>
        %dma_wait3A_2462 = tpu.memref_squeeze %dma_wait3A_2461 : memref<1x1x1x8x128xf32, #tpu.memory_space<hbm>> -> memref<8x128xf32, #tpu.memory_space<hbm>>
        %dma_wait3A_2463 = arith.constant 0 : i32
        %dma_wait3A_2464 = arith.constant 0 : i32
        %dma_wait3A_2465 = tpu.memref_slice %arg10[%dma_wait3A_2446, %dma_wait3A_2447, %dma_wait3A_2463, %dma_wait3A_2464] : memref<4x4x8x133xf32, #tpu.memory_space<vmem>> -> memref<1x1x8x128xf32, #tpu.memory_space<vmem>>
        %dma_wait3A_2466 = tpu.memref_squeeze %dma_wait3A_2465 : memref<1x1x8x128xf32, #tpu.memory_space<vmem>> -> memref<8x128xf32, #tpu.memory_space<vmem>>
        tpu.wait_dma2 semaphore(%arg14 : memref<!tpu.dma_semaphore, #tpu.memory_space<semaphore_mem>>) src(%dma_wait3A_2466 : memref<8x128xf32, #tpu.memory_space<vmem>>) dst(%dma_wait3A_2462 : memref<8x128xf32, #tpu.memory_space<hbm>>)
        %dma_wait3A_2467 = arith.constant 2 : i32
        %dma_wait3A_2468 = arith.constant 0 : i32
        %dma_wait3A_2469 = arith.constant 0 : i32
        %dma_wait3A_2470 = arith.constant 0 : i32
        %dma_wait3A_2471 = arith.constant 0 : i32
        %dma_wait3A_2472 = arith.constant 0 : i32
        %dma_wait3A_2473 = arith.constant 0 : i32
        %dma_wait3A_2474 = tpu.memref_slice %arg10[%dma_wait3A_2467, %dma_wait3A_2468, %dma_wait3A_2472, %dma_wait3A_2473] : memref<4x4x8x133xf32, #tpu.memory_space<vmem>> -> memref<1x1x8x128xf32, #tpu.memory_space<vmem>>
        %dma_wait3A_2475 = tpu.memref_squeeze %dma_wait3A_2474 : memref<1x1x8x128xf32, #tpu.memory_space<vmem>> -> memref<8x128xf32, #tpu.memory_space<vmem>>
        %dma_wait3A_2476 = arith.constant 0 : i32
        %dma_wait3A_2477 = arith.constant 0 : i32
        %dma_wait3A_2478 = tpu.memref_slice %arg4[%dma_wait3A_2469, %dma_wait3A_2470, %dma_wait3A_2471, %dma_wait3A_2476, %dma_wait3A_2477] : memref<50x4x128x8x128xf32, #tpu.memory_space<hbm>> -> memref<1x1x1x8x128xf32, #tpu.memory_space<hbm>>
        %dma_wait3A_2479 = tpu.memref_squeeze %dma_wait3A_2478 : memref<1x1x1x8x128xf32, #tpu.memory_space<hbm>> -> memref<8x128xf32, #tpu.memory_space<hbm>>
        %dma_wait3A_2480 = arith.constant 0 : i32
        %dma_wait3A_2481 = arith.constant 0 : i32
        %dma_wait3A_2482 = tpu.memref_slice %arg4[%dma_wait3A_2469, %dma_wait3A_2470, %dma_wait3A_2471, %dma_wait3A_2480, %dma_wait3A_2481] : memref<50x4x128x8x128xf32, #tpu.memory_space<hbm>> -> memref<1x1x1x8x128xf32, #tpu.memory_space<hbm>>
        %dma_wait3A_2483 = tpu.memref_squeeze %dma_wait3A_2482 : memref<1x1x1x8x128xf32, #tpu.memory_space<hbm>> -> memref<8x128xf32, #tpu.memory_space<hbm>>
        %dma_wait3A_2484 = arith.constant 0 : i32
        %dma_wait3A_2485 = arith.constant 0 : i32
        %dma_wait3A_2486 = tpu.memref_slice %arg10[%dma_wait3A_2467, %dma_wait3A_2468, %dma_wait3A_2484, %dma_wait3A_2485] : memref<4x4x8x133xf32, #tpu.memory_space<vmem>> -> memref<1x1x8x128xf32, #tpu.memory_space<vmem>>
        %dma_wait3A_2487 = tpu.memref_squeeze %dma_wait3A_2486 : memref<1x1x8x128xf32, #tpu.memory_space<vmem>> -> memref<8x128xf32, #tpu.memory_space<vmem>>
        tpu.wait_dma2 semaphore(%arg14 : memref<!tpu.dma_semaphore, #tpu.memory_space<semaphore_mem>>) src(%dma_wait3A_2487 : memref<8x128xf32, #tpu.memory_space<vmem>>) dst(%dma_wait3A_2483 : memref<8x128xf32, #tpu.memory_space<hbm>>)
        %dma_wait3A_2488 = arith.constant 2 : i32
        %dma_wait3A_2489 = arith.constant 1 : i32
        %dma_wait3A_2490 = arith.constant 0 : i32
        %dma_wait3A_2491 = arith.constant 1 : i32
        %dma_wait3A_2492 = arith.constant 0 : i32
        %dma_wait3A_2493 = arith.constant 0 : i32
        %dma_wait3A_2494 = arith.constant 0 : i32
        %dma_wait3A_2495 = tpu.memref_slice %arg10[%dma_wait3A_2488, %dma_wait3A_2489, %dma_wait3A_2493, %dma_wait3A_2494] : memref<4x4x8x133xf32, #tpu.memory_space<vmem>> -> memref<1x1x8x128xf32, #tpu.memory_space<vmem>>
        %dma_wait3A_2496 = tpu.memref_squeeze %dma_wait3A_2495 : memref<1x1x8x128xf32, #tpu.memory_space<vmem>> -> memref<8x128xf32, #tpu.memory_space<vmem>>
        %dma_wait3A_2497 = arith.constant 0 : i32
        %dma_wait3A_2498 = arith.constant 0 : i32
        %dma_wait3A_2499 = tpu.memref_slice %arg4[%dma_wait3A_2490, %dma_wait3A_2491, %dma_wait3A_2492, %dma_wait3A_2497, %dma_wait3A_2498] : memref<50x4x128x8x128xf32, #tpu.memory_space<hbm>> -> memref<1x1x1x8x128xf32, #tpu.memory_space<hbm>>
        %dma_wait3A_2500 = tpu.memref_squeeze %dma_wait3A_2499 : memref<1x1x1x8x128xf32, #tpu.memory_space<hbm>> -> memref<8x128xf32, #tpu.memory_space<hbm>>
        %dma_wait3A_2501 = arith.constant 0 : i32
        %dma_wait3A_2502 = arith.constant 0 : i32
        %dma_wait3A_2503 = tpu.memref_slice %arg4[%dma_wait3A_2490, %dma_wait3A_2491, %dma_wait3A_2492, %dma_wait3A_2501, %dma_wait3A_2502] : memref<50x4x128x8x128xf32, #tpu.memory_space<hbm>> -> memref<1x1x1x8x128xf32, #tpu.memory_space<hbm>>
        %dma_wait3A_2504 = tpu.memref_squeeze %dma_wait3A_2503 : memref<1x1x1x8x128xf32, #tpu.memory_space<hbm>> -> memref<8x128xf32, #tpu.memory_space<hbm>>
        %dma_wait3A_2505 = arith.constant 0 : i32
        %dma_wait3A_2506 = arith.constant 0 : i32
        %dma_wait3A_2507 = tpu.memref_slice %arg10[%dma_wait3A_2488, %dma_wait3A_2489, %dma_wait3A_2505, %dma_wait3A_2506] : memref<4x4x8x133xf32, #tpu.memory_space<vmem>> -> memref<1x1x8x128xf32, #tpu.memory_space<vmem>>
        %dma_wait3A_2508 = tpu.memref_squeeze %dma_wait3A_2507 : memref<1x1x8x128xf32, #tpu.memory_space<vmem>> -> memref<8x128xf32, #tpu.memory_space<vmem>>
        tpu.wait_dma2 semaphore(%arg14 : memref<!tpu.dma_semaphore, #tpu.memory_space<semaphore_mem>>) src(%dma_wait3A_2508 : memref<8x128xf32, #tpu.memory_space<vmem>>) dst(%dma_wait3A_2504 : memref<8x128xf32, #tpu.memory_space<hbm>>)
        %dma_wait3A_2509 = arith.constant 2 : i32
        %dma_wait3A_2510 = arith.constant 2 : i32
        %dma_wait3A_2511 = arith.constant 0 : i32
        %dma_wait3A_2512 = arith.constant 2 : i32
        %dma_wait3A_2513 = arith.constant 0 : i32
        %dma_wait3A_2514 = arith.constant 0 : i32
        %dma_wait3A_2515 = arith.constant 0 : i32
        %dma_wait3A_2516 = tpu.memref_slice %arg10[%dma_wait3A_2509, %dma_wait3A_2510, %dma_wait3A_2514, %dma_wait3A_2515] : memref<4x4x8x133xf32, #tpu.memory_space<vmem>> -> memref<1x1x8x128xf32, #tpu.memory_space<vmem>>
        %dma_wait3A_2517 = tpu.memref_squeeze %dma_wait3A_2516 : memref<1x1x8x128xf32, #tpu.memory_space<vmem>> -> memref<8x128xf32, #tpu.memory_space<vmem>>
        %dma_wait3A_2518 = arith.constant 0 : i32
        %dma_wait3A_2519 = arith.constant 0 : i32
        %dma_wait3A_2520 = tpu.memref_slice %arg4[%dma_wait3A_2511, %dma_wait3A_2512, %dma_wait3A_2513, %dma_wait3A_2518, %dma_wait3A_2519] : memref<50x4x128x8x128xf32, #tpu.memory_space<hbm>> -> memref<1x1x1x8x128xf32, #tpu.memory_space<hbm>>
        %dma_wait3A_2521 = tpu.memref_squeeze %dma_wait3A_2520 : memref<1x1x1x8x128xf32, #tpu.memory_space<hbm>> -> memref<8x128xf32, #tpu.memory_space<hbm>>
        %dma_wait3A_2522 = arith.constant 0 : i32
        %dma_wait3A_2523 = arith.constant 0 : i32
        %dma_wait3A_2524 = tpu.memref_slice %arg4[%dma_wait3A_2511, %dma_wait3A_2512, %dma_wait3A_2513, %dma_wait3A_2522, %dma_wait3A_2523] : memref<50x4x128x8x128xf32, #tpu.memory_space<hbm>> -> memref<1x1x1x8x128xf32, #tpu.memory_space<hbm>>
        %dma_wait3A_2525 = tpu.memref_squeeze %dma_wait3A_2524 : memref<1x1x1x8x128xf32, #tpu.memory_space<hbm>> -> memref<8x128xf32, #tpu.memory_space<hbm>>
        %dma_wait3A_2526 = arith.constant 0 : i32
        %dma_wait3A_2527 = arith.constant 0 : i32
        %dma_wait3A_2528 = tpu.memref_slice %arg10[%dma_wait3A_2509, %dma_wait3A_2510, %dma_wait3A_2526, %dma_wait3A_2527] : memref<4x4x8x133xf32, #tpu.memory_space<vmem>> -> memref<1x1x8x128xf32, #tpu.memory_space<vmem>>
        %dma_wait3A_2529 = tpu.memref_squeeze %dma_wait3A_2528 : memref<1x1x8x128xf32, #tpu.memory_space<vmem>> -> memref<8x128xf32, #tpu.memory_space<vmem>>
        tpu.wait_dma2 semaphore(%arg14 : memref<!tpu.dma_semaphore, #tpu.memory_space<semaphore_mem>>) src(%dma_wait3A_2529 : memref<8x128xf32, #tpu.memory_space<vmem>>) dst(%dma_wait3A_2525 : memref<8x128xf32, #tpu.memory_space<hbm>>)
        %dma_wait3A_2530 = arith.constant 2 : i32
        %dma_wait3A_2531 = arith.constant 3 : i32
        %dma_wait3A_2532 = arith.constant 0 : i32
        %dma_wait3A_2533 = arith.constant 3 : i32
        %dma_wait3A_2534 = arith.constant 0 : i32
        %dma_wait3A_2535 = arith.constant 0 : i32
        %dma_wait3A_2536 = arith.constant 0 : i32
        %dma_wait3A_2537 = tpu.memref_slice %arg10[%dma_wait3A_2530, %dma_wait3A_2531, %dma_wait3A_2535, %dma_wait3A_2536] : memref<4x4x8x133xf32, #tpu.memory_space<vmem>> -> memref<1x1x8x128xf32, #tpu.memory_space<vmem>>
        %dma_wait3A_2538 = tpu.memref_squeeze %dma_wait3A_2537 : memref<1x1x8x128xf32, #tpu.memory_space<vmem>> -> memref<8x128xf32, #tpu.memory_space<vmem>>
        %dma_wait3A_2539 = arith.constant 0 : i32
        %dma_wait3A_2540 = arith.constant 0 : i32
        %dma_wait3A_2541 = tpu.memref_slice %arg4[%dma_wait3A_2532, %dma_wait3A_2533, %dma_wait3A_2534, %dma_wait3A_2539, %dma_wait3A_2540] : memref<50x4x128x8x128xf32, #tpu.memory_space<hbm>> -> memref<1x1x1x8x128xf32, #tpu.memory_space<hbm>>
        %dma_wait3A_2542 = tpu.memref_squeeze %dma_wait3A_2541 : memref<1x1x1x8x128xf32, #tpu.memory_space<hbm>> -> memref<8x128xf32, #tpu.memory_space<hbm>>
        %dma_wait3A_2543 = arith.constant 0 : i32
        %dma_wait3A_2544 = arith.constant 0 : i32
        %dma_wait3A_2545 = tpu.memref_slice %arg4[%dma_wait3A_2532, %dma_wait3A_2533, %dma_wait3A_2534, %dma_wait3A_2543, %dma_wait3A_2544] : memref<50x4x128x8x128xf32, #tpu.memory_space<hbm>> -> memref<1x1x1x8x128xf32, #tpu.memory_space<hbm>>
        %dma_wait3A_2546 = tpu.memref_squeeze %dma_wait3A_2545 : memref<1x1x1x8x128xf32, #tpu.memory_space<hbm>> -> memref<8x128xf32, #tpu.memory_space<hbm>>
        %dma_wait3A_2547 = arith.constant 0 : i32
        %dma_wait3A_2548 = arith.constant 0 : i32
        %dma_wait3A_2549 = tpu.memref_slice %arg10[%dma_wait3A_2530, %dma_wait3A_2531, %dma_wait3A_2547, %dma_wait3A_2548] : memref<4x4x8x133xf32, #tpu.memory_space<vmem>> -> memref<1x1x8x128xf32, #tpu.memory_space<vmem>>
        %dma_wait3A_2550 = tpu.memref_squeeze %dma_wait3A_2549 : memref<1x1x8x128xf32, #tpu.memory_space<vmem>> -> memref<8x128xf32, #tpu.memory_space<vmem>>
        tpu.wait_dma2 semaphore(%arg14 : memref<!tpu.dma_semaphore, #tpu.memory_space<semaphore_mem>>) src(%dma_wait3A_2550 : memref<8x128xf32, #tpu.memory_space<vmem>>) dst(%dma_wait3A_2546 : memref<8x128xf32, #tpu.memory_space<hbm>>)
        %dma_wait3A_2551 = arith.constant 3 : i32
        %dma_wait3A_2552 = arith.constant 0 : i32
        %dma_wait3A_2553 = arith.constant 0 : i32
        %dma_wait3A_2554 = arith.constant 0 : i32
        %dma_wait3A_2555 = arith.constant 0 : i32
        %dma_wait3A_2556 = arith.constant 0 : i32
        %dma_wait3A_2557 = arith.constant 0 : i32
        %dma_wait3A_2558 = tpu.memref_slice %arg10[%dma_wait3A_2551, %dma_wait3A_2552, %dma_wait3A_2556, %dma_wait3A_2557] : memref<4x4x8x133xf32, #tpu.memory_space<vmem>> -> memref<1x1x8x128xf32, #tpu.memory_space<vmem>>
        %dma_wait3A_2559 = tpu.memref_squeeze %dma_wait3A_2558 : memref<1x1x8x128xf32, #tpu.memory_space<vmem>> -> memref<8x128xf32, #tpu.memory_space<vmem>>
        %dma_wait3A_2560 = arith.constant 0 : i32
        %dma_wait3A_2561 = arith.constant 0 : i32
        %dma_wait3A_2562 = tpu.memref_slice %arg4[%dma_wait3A_2553, %dma_wait3A_2554, %dma_wait3A_2555, %dma_wait3A_2560, %dma_wait3A_2561] : memref<50x4x128x8x128xf32, #tpu.memory_space<hbm>> -> memref<1x1x1x8x128xf32, #tpu.memory_space<hbm>>
        %dma_wait3A_2563 = tpu.memref_squeeze %dma_wait3A_2562 : memref<1x1x1x8x128xf32, #tpu.memory_space<hbm>> -> memref<8x128xf32, #tpu.memory_space<hbm>>
        %dma_wait3A_2564 = arith.constant 0 : i32
        %dma_wait3A_2565 = arith.constant 0 : i32
        %dma_wait3A_2566 = tpu.memref_slice %arg4[%dma_wait3A_2553, %dma_wait3A_2554, %dma_wait3A_2555, %dma_wait3A_2564, %dma_wait3A_2565] : memref<50x4x128x8x128xf32, #tpu.memory_space<hbm>> -> memref<1x1x1x8x128xf32, #tpu.memory_space<hbm>>
        %dma_wait3A_2567 = tpu.memref_squeeze %dma_wait3A_2566 : memref<1x1x1x8x128xf32, #tpu.memory_space<hbm>> -> memref<8x128xf32, #tpu.memory_space<hbm>>
        %dma_wait3A_2568 = arith.constant 0 : i32
        %dma_wait3A_2569 = arith.constant 0 : i32
        %dma_wait3A_2570 = tpu.memref_slice %arg10[%dma_wait3A_2551, %dma_wait3A_2552, %dma_wait3A_2568, %dma_wait3A_2569] : memref<4x4x8x133xf32, #tpu.memory_space<vmem>> -> memref<1x1x8x128xf32, #tpu.memory_space<vmem>>
        %dma_wait3A_2571 = tpu.memref_squeeze %dma_wait3A_2570 : memref<1x1x8x128xf32, #tpu.memory_space<vmem>> -> memref<8x128xf32, #tpu.memory_space<vmem>>
        tpu.wait_dma2 semaphore(%arg14 : memref<!tpu.dma_semaphore, #tpu.memory_space<semaphore_mem>>) src(%dma_wait3A_2571 : memref<8x128xf32, #tpu.memory_space<vmem>>) dst(%dma_wait3A_2567 : memref<8x128xf32, #tpu.memory_space<hbm>>)
        %dma_wait3A_2572 = arith.constant 3 : i32
        %dma_wait3A_2573 = arith.constant 1 : i32
        %dma_wait3A_2574 = arith.constant 0 : i32
        %dma_wait3A_2575 = arith.constant 1 : i32
        %dma_wait3A_2576 = arith.constant 0 : i32
        %dma_wait3A_2577 = arith.constant 0 : i32
        %dma_wait3A_2578 = arith.constant 0 : i32
        %dma_wait3A_2579 = tpu.memref_slice %arg10[%dma_wait3A_2572, %dma_wait3A_2573, %dma_wait3A_2577, %dma_wait3A_2578] : memref<4x4x8x133xf32, #tpu.memory_space<vmem>> -> memref<1x1x8x128xf32, #tpu.memory_space<vmem>>
        %dma_wait3A_2580 = tpu.memref_squeeze %dma_wait3A_2579 : memref<1x1x8x128xf32, #tpu.memory_space<vmem>> -> memref<8x128xf32, #tpu.memory_space<vmem>>
        %dma_wait3A_2581 = arith.constant 0 : i32
        %dma_wait3A_2582 = arith.constant 0 : i32
        %dma_wait3A_2583 = tpu.memref_slice %arg4[%dma_wait3A_2574, %dma_wait3A_2575, %dma_wait3A_2576, %dma_wait3A_2581, %dma_wait3A_2582] : memref<50x4x128x8x128xf32, #tpu.memory_space<hbm>> -> memref<1x1x1x8x128xf32, #tpu.memory_space<hbm>>
        %dma_wait3A_2584 = tpu.memref_squeeze %dma_wait3A_2583 : memref<1x1x1x8x128xf32, #tpu.memory_space<hbm>> -> memref<8x128xf32, #tpu.memory_space<hbm>>
        %dma_wait3A_2585 = arith.constant 0 : i32
        %dma_wait3A_2586 = arith.constant 0 : i32
        %dma_wait3A_2587 = tpu.memref_slice %arg4[%dma_wait3A_2574, %dma_wait3A_2575, %dma_wait3A_2576, %dma_wait3A_2585, %dma_wait3A_2586] : memref<50x4x128x8x128xf32, #tpu.memory_space<hbm>> -> memref<1x1x1x8x128xf32, #tpu.memory_space<hbm>>
        %dma_wait3A_2588 = tpu.memref_squeeze %dma_wait3A_2587 : memref<1x1x1x8x128xf32, #tpu.memory_space<hbm>> -> memref<8x128xf32, #tpu.memory_space<hbm>>
        %dma_wait3A_2589 = arith.constant 0 : i32
        %dma_wait3A_2590 = arith.constant 0 : i32
        %dma_wait3A_2591 = tpu.memref_slice %arg10[%dma_wait3A_2572, %dma_wait3A_2573, %dma_wait3A_2589, %dma_wait3A_2590] : memref<4x4x8x133xf32, #tpu.memory_space<vmem>> -> memref<1x1x8x128xf32, #tpu.memory_space<vmem>>
        %dma_wait3A_2592 = tpu.memref_squeeze %dma_wait3A_2591 : memref<1x1x8x128xf32, #tpu.memory_space<vmem>> -> memref<8x128xf32, #tpu.memory_space<vmem>>
        tpu.wait_dma2 semaphore(%arg14 : memref<!tpu.dma_semaphore, #tpu.memory_space<semaphore_mem>>) src(%dma_wait3A_2592 : memref<8x128xf32, #tpu.memory_space<vmem>>) dst(%dma_wait3A_2588 : memref<8x128xf32, #tpu.memory_space<hbm>>)
        %dma_wait3A_2593 = arith.constant 3 : i32
        %dma_wait3A_2594 = arith.constant 2 : i32
        %dma_wait3A_2595 = arith.constant 0 : i32
        %dma_wait3A_2596 = arith.constant 2 : i32
        %dma_wait3A_2597 = arith.constant 0 : i32
        %dma_wait3A_2598 = arith.constant 0 : i32
        %dma_wait3A_2599 = arith.constant 0 : i32
        %dma_wait3A_2600 = tpu.memref_slice %arg10[%dma_wait3A_2593, %dma_wait3A_2594, %dma_wait3A_2598, %dma_wait3A_2599] : memref<4x4x8x133xf32, #tpu.memory_space<vmem>> -> memref<1x1x8x128xf32, #tpu.memory_space<vmem>>
        %dma_wait3A_2601 = tpu.memref_squeeze %dma_wait3A_2600 : memref<1x1x8x128xf32, #tpu.memory_space<vmem>> -> memref<8x128xf32, #tpu.memory_space<vmem>>
        %dma_wait3A_2602 = arith.constant 0 : i32
        %dma_wait3A_2603 = arith.constant 0 : i32
        %dma_wait3A_2604 = tpu.memref_slice %arg4[%dma_wait3A_2595, %dma_wait3A_2596, %dma_wait3A_2597, %dma_wait3A_2602, %dma_wait3A_2603] : memref<50x4x128x8x128xf32, #tpu.memory_space<hbm>> -> memref<1x1x1x8x128xf32, #tpu.memory_space<hbm>>
        %dma_wait3A_2605 = tpu.memref_squeeze %dma_wait3A_2604 : memref<1x1x1x8x128xf32, #tpu.memory_space<hbm>> -> memref<8x128xf32, #tpu.memory_space<hbm>>
        %dma_wait3A_2606 = arith.constant 0 : i32
        %dma_wait3A_2607 = arith.constant 0 : i32
        %dma_wait3A_2608 = tpu.memref_slice %arg4[%dma_wait3A_2595, %dma_wait3A_2596, %dma_wait3A_2597, %dma_wait3A_2606, %dma_wait3A_2607] : memref<50x4x128x8x128xf32, #tpu.memory_space<hbm>> -> memref<1x1x1x8x128xf32, #tpu.memory_space<hbm>>
        %dma_wait3A_2609 = tpu.memref_squeeze %dma_wait3A_2608 : memref<1x1x1x8x128xf32, #tpu.memory_space<hbm>> -> memref<8x128xf32, #tpu.memory_space<hbm>>
        %dma_wait3A_2610 = arith.constant 0 : i32
        %dma_wait3A_2611 = arith.constant 0 : i32
        %dma_wait3A_2612 = tpu.memref_slice %arg10[%dma_wait3A_2593, %dma_wait3A_2594, %dma_wait3A_2610, %dma_wait3A_2611] : memref<4x4x8x133xf32, #tpu.memory_space<vmem>> -> memref<1x1x8x128xf32, #tpu.memory_space<vmem>>
        %dma_wait3A_2613 = tpu.memref_squeeze %dma_wait3A_2612 : memref<1x1x8x128xf32, #tpu.memory_space<vmem>> -> memref<8x128xf32, #tpu.memory_space<vmem>>
        tpu.wait_dma2 semaphore(%arg14 : memref<!tpu.dma_semaphore, #tpu.memory_space<semaphore_mem>>) src(%dma_wait3A_2613 : memref<8x128xf32, #tpu.memory_space<vmem>>) dst(%dma_wait3A_2609 : memref<8x128xf32, #tpu.memory_space<hbm>>)
        %dma_wait3A_2614 = arith.constant 3 : i32
        %dma_wait3A_2615 = arith.constant 3 : i32
        %dma_wait3A_2616 = arith.constant 0 : i32
        %dma_wait3A_2617 = arith.constant 3 : i32
        %dma_wait3A_2618 = arith.constant 0 : i32
        %dma_wait3A_2619 = arith.constant 0 : i32
        %dma_wait3A_2620 = arith.constant 0 : i32
        %dma_wait3A_2621 = tpu.memref_slice %arg10[%dma_wait3A_2614, %dma_wait3A_2615, %dma_wait3A_2619, %dma_wait3A_2620] : memref<4x4x8x133xf32, #tpu.memory_space<vmem>> -> memref<1x1x8x128xf32, #tpu.memory_space<vmem>>
        %dma_wait3A_2622 = tpu.memref_squeeze %dma_wait3A_2621 : memref<1x1x8x128xf32, #tpu.memory_space<vmem>> -> memref<8x128xf32, #tpu.memory_space<vmem>>
        %dma_wait3A_2623 = arith.constant 0 : i32
        %dma_wait3A_2624 = arith.constant 0 : i32
        %dma_wait3A_2625 = tpu.memref_slice %arg4[%dma_wait3A_2616, %dma_wait3A_2617, %dma_wait3A_2618, %dma_wait3A_2623, %dma_wait3A_2624] : memref<50x4x128x8x128xf32, #tpu.memory_space<hbm>> -> memref<1x1x1x8x128xf32, #tpu.memory_space<hbm>>
        %dma_wait3A_2626 = tpu.memref_squeeze %dma_wait3A_2625 : memref<1x1x1x8x128xf32, #tpu.memory_space<hbm>> -> memref<8x128xf32, #tpu.memory_space<hbm>>
        %dma_wait3A_2627 = arith.constant 0 : i32
        %dma_wait3A_2628 = arith.constant 0 : i32
        %dma_wait3A_2629 = tpu.memref_slice %arg4[%dma_wait3A_2616, %dma_wait3A_2617, %dma_wait3A_2618, %dma_wait3A_2627, %dma_wait3A_2628] : memref<50x4x128x8x128xf32, #tpu.memory_space<hbm>> -> memref<1x1x1x8x128xf32, #tpu.memory_space<hbm>>
        %dma_wait3A_2630 = tpu.memref_squeeze %dma_wait3A_2629 : memref<1x1x1x8x128xf32, #tpu.memory_space<hbm>> -> memref<8x128xf32, #tpu.memory_space<hbm>>
        %dma_wait3A_2631 = arith.constant 0 : i32
        %dma_wait3A_2632 = arith.constant 0 : i32
        %dma_wait3A_2633 = tpu.memref_slice %arg10[%dma_wait3A_2614, %dma_wait3A_2615, %dma_wait3A_2631, %dma_wait3A_2632] : memref<4x4x8x133xf32, #tpu.memory_space<vmem>> -> memref<1x1x8x128xf32, #tpu.memory_space<vmem>>
        %dma_wait3A_2634 = tpu.memref_squeeze %dma_wait3A_2633 : memref<1x1x8x128xf32, #tpu.memory_space<vmem>> -> memref<8x128xf32, #tpu.memory_space<vmem>>
        tpu.wait_dma2 semaphore(%arg14 : memref<!tpu.dma_semaphore, #tpu.memory_space<semaphore_mem>>) src(%dma_wait3A_2634 : memref<8x128xf32, #tpu.memory_space<vmem>>) dst(%dma_wait3A_2630 : memref<8x128xf32, #tpu.memory_space<hbm>>)
      } else {
      }
      %iota3A_1495 = tpu.iota {dimensions = array<i32: 0>} : vector<16xi32>
      %jit3A = arith.constant 8 : i32
      %div3A = vector.broadcast %jit3A : i32 to vector<16xi32>
      %div3A_1496 = arith.divsi %iota3A_1495, %div3A : vector<16xi32>
      %sign3A = arith.constant 0 : i32
      %sign3A_1497 = vector.broadcast %sign3A : i32 to vector<16xi32>
      %sign3A_1498 = arith.cmpi sgt, %iota3A_1495, %sign3A_1497 : vector<16xi32>
      %sign3A_1499 = arith.extui %sign3A_1498 : vector<16xi1> to vector<16xi32>
      %sign3A_1500 = arith.constant 0 : i32
      %sign3A_1501 = vector.broadcast %sign3A_1500 : i32 to vector<16xi32>
      %sign3A_1502 = arith.cmpi slt, %iota3A_1495, %sign3A_1501 : vector<16xi32>
      %sign3A_1503 = arith.extui %sign3A_1502 : vector<16xi1> to vector<16xi32>
      %sign3A_1504 = arith.subi %sign3A_1499, %sign3A_1503 : vector<16xi32>
      %sign3A_1505 = arith.constant 0 : i32
      %sign3A_1506 = arith.cmpi sgt, %jit3A, %sign3A_1505 : i32
      %sign3A_1507 = arith.extui %sign3A_1506 : i1 to i32
      %sign3A_1508 = arith.constant 0 : i32
      %sign3A_1509 = arith.cmpi slt, %jit3A, %sign3A_1508 : i32
      %sign3A_1510 = arith.extui %sign3A_1509 : i1 to i32
      %sign3A_1511 = arith.subi %sign3A_1507, %sign3A_1510 : i32
      %ne3A = vector.broadcast %sign3A_1511 : i32 to vector<16xi32>
      %ne3A_1512 = arith.cmpi ne, %sign3A_1504, %ne3A : vector<16xi32>
      %rem3A = vector.broadcast %jit3A : i32 to vector<16xi32>
      %rem3A_1513 = arith.remsi %iota3A_1495, %rem3A : vector<16xi32>
      %ne3A_1514 = arith.constant 0 : i32
      %ne3A_1515 = vector.broadcast %ne3A_1514 : i32 to vector<16xi32>
      %ne3A_1516 = arith.cmpi ne, %rem3A_1513, %ne3A_1515 : vector<16xi32>
      %and3A_1517 = arith.andi %ne3A_1512, %ne3A_1516 : vector<16xi1>
      %sub3A = arith.constant 1 : i32
      %sub3A_1518 = vector.broadcast %sub3A : i32 to vector<16xi32>
      %sub3A_1519 = arith.subi %div3A_1496, %sub3A_1518 : vector<16xi32>
      %select_n3A = arith.select %and3A_1517, %sub3A_1519, %div3A_1496 : vector<16xi1>, vector<16xi32>
      %add3A_1520 = arith.constant 2 : i32
      %add3A_1521 = vector.broadcast %add3A_1520 : i32 to vector<16xi32>
      %add3A_1522 = arith.addi %select_n3A, %add3A_1521 : vector<16xi32>
      %jit3A_1523 = arith.constant 8 : i32
      %eq3A = arith.constant 0 : i32
      %eq3A_1524 = arith.cmpi eq, %jit3A_1523, %eq3A : i32
      %jit3A_1525 = arith.constant 1 : i32
      %select_n3A_1526 = arith.select %eq3A_1524, %jit3A_1525, %jit3A_1523 : i32
      %rem3A_1527 = vector.broadcast %select_n3A_1526 : i32 to vector<16xi32>
      %rem3A_1528 = arith.remsi %iota3A_1495, %rem3A_1527 : vector<16xi32>
      %ne3A_1529 = arith.constant 0 : i32
      %ne3A_1530 = vector.broadcast %ne3A_1529 : i32 to vector<16xi32>
      %ne3A_1531 = arith.cmpi ne, %rem3A_1528, %ne3A_1530 : vector<16xi32>
      %lt3A = arith.constant 0 : i32
      %lt3A_1532 = vector.broadcast %lt3A : i32 to vector<16xi32>
      %lt3A_1533 = arith.cmpi slt, %rem3A_1528, %lt3A_1532 : vector<16xi32>
      %lt3A_1534 = arith.constant 0 : i32
      %lt3A_1535 = arith.cmpi slt, %select_n3A_1526, %lt3A_1534 : i32
      %ne3A_1536 = vector.broadcast %lt3A_1535 : i1 to vector<16xi1>
      %ne3A_1537 = vector.broadcast %ne3A_1536 : vector<16xi1> to vector<16xi1>
      %ne3A_1538 = arith.xori %lt3A_1533, %ne3A_1537 : vector<16xi1>
      %and3A_1539 = arith.andi %ne3A_1538, %ne3A_1531 : vector<16xi1>
      %add3A_1540 = vector.broadcast %select_n3A_1526 : i32 to vector<16xi32>
      %add3A_1541 = arith.addi %rem3A_1528, %add3A_1540 : vector<16xi32>
      %select_n3A_1542 = arith.select %and3A_1539, %add3A_1541, %rem3A_1528 : vector<16xi1>, vector<16xi32>
      %scan3A_1543 = arith.constant 0 : i32
      %scan3A_1544 = arith.constant 0 : i32
      %scan3A_1545 = arith.constant 64 : i32
      %scan3A_1546 = arith.addi %scan3A_1544, %scan3A_1545 : i32
      %scan3A_1547 = arith.constant 1 : i32
      scf.for %scan3A_2299 = %scan3A_1544 to %scan3A_1546 step %scan3A_1547  : i32 {
        %jit3A_2300 = arith.constant 16 : i32
        %div3A_2301 = arith.divsi %scan3A_2299, %jit3A_2300 : i32
        %sign3A_2302 = arith.constant 0 : i32
        %sign3A_2303 = arith.cmpi sgt, %scan3A_2299, %sign3A_2302 : i32
        %sign3A_2304 = arith.extui %sign3A_2303 : i1 to i32
        %sign3A_2305 = arith.constant 0 : i32
        %sign3A_2306 = arith.cmpi slt, %scan3A_2299, %sign3A_2305 : i32
        %sign3A_2307 = arith.extui %sign3A_2306 : i1 to i32
        %sign3A_2308 = arith.subi %sign3A_2304, %sign3A_2307 : i32
        %sign3A_2309 = arith.constant 0 : i32
        %sign3A_2310 = arith.cmpi sgt, %jit3A_2300, %sign3A_2309 : i32
        %sign3A_2311 = arith.extui %sign3A_2310 : i1 to i32
        %sign3A_2312 = arith.constant 0 : i32
        %sign3A_2313 = arith.cmpi slt, %jit3A_2300, %sign3A_2312 : i32
        %sign3A_2314 = arith.extui %sign3A_2313 : i1 to i32
        %sign3A_2315 = arith.subi %sign3A_2311, %sign3A_2314 : i32
        %ne3A_2316 = arith.cmpi ne, %sign3A_2308, %sign3A_2315 : i32
        %rem3A_2317 = arith.remsi %scan3A_2299, %jit3A_2300 : i32
        %ne3A_2318 = arith.constant 0 : i32
        %ne3A_2319 = arith.cmpi ne, %rem3A_2317, %ne3A_2318 : i32
        %and3A_2320 = arith.andi %ne3A_2316, %ne3A_2319 : i1
        %sub3A_2321 = arith.constant 1 : i32
        %sub3A_2322 = arith.subi %div3A_2301, %sub3A_2321 : i32
        %select_n3A_2323 = arith.select %and3A_2320, %sub3A_2322, %div3A_2301 : i32
        %jit3A_2324 = arith.constant 16 : i32
        %eq3A_2325 = arith.constant 0 : i32
        %eq3A_2326 = arith.cmpi eq, %jit3A_2324, %eq3A_2325 : i32
        %jit3A_2327 = arith.constant 1 : i32
        %select_n3A_2328 = arith.select %eq3A_2326, %jit3A_2327, %jit3A_2324 : i32
        %rem3A_2329 = arith.remsi %scan3A_2299, %select_n3A_2328 : i32
        %ne3A_2330 = arith.constant 0 : i32
        %ne3A_2331 = arith.cmpi ne, %rem3A_2329, %ne3A_2330 : i32
        %lt3A_2332 = arith.constant 0 : i32
        %lt3A_2333 = arith.cmpi slt, %rem3A_2329, %lt3A_2332 : i32
        %lt3A_2334 = arith.constant 0 : i32
        %lt3A_2335 = arith.cmpi slt, %select_n3A_2328, %lt3A_2334 : i32
        %ne3A_2336 = arith.xori %lt3A_2333, %lt3A_2335 : i1
        %and3A_2337 = arith.andi %ne3A_2336, %ne3A_2331 : i1
        %add3A_2338 = arith.addi %rem3A_2329, %select_n3A_2328 : i32
        %select_n3A_2339 = arith.select %and3A_2337, %add3A_2338, %rem3A_2329 : i32
        %mul3A_2340 = arith.constant 128 : i32
        %mul3A_2341 = arith.muli %select_n3A_2323, %mul3A_2340 : i32
        %mul3A_2342 = arith.constant 8 : i32
        %mul3A_2343 = arith.muli %select_n3A_2339, %mul3A_2342 : i32
        %add3A_2344 = arith.addi %mul3A_2341, %mul3A_2343 : i32
        %broadcast_in_dim3A = vector.broadcast %select_n3A_2323 : i32 to vector<16xi32>
        %add3A_2345 = arith.constant 0 : i32
        %add3A_2346 = arith.addi %add3A_2344, %add3A_2345 : i32
        %mul3A_2347 = arith.constant 8 : i32
        %mul3A_2348 = arith.muli %select_n3A_2339, %mul3A_2347 : i32
        %add3A_2349 = arith.constant 0 : i32
        %add3A_2350 = arith.addi %mul3A_2348, %add3A_2349 : i32
        %broadcast_in_dim3A_2351 = vector.broadcast %add3A_2350 : i32 to vector<16xi32>
        %get3A = arith.index_cast %add3A_2346 : i32 to index
        %get3A_2352 = arith.constant 0 : index
        %get3A_2353 = tpu.vector_load %arg8[%get3A, %get3A_2352] {strides = array<i32>} : memref<512x32xf32, #tpu.memory_space<vmem>>, vector<16xf32>,
        %get3A_2354 = arith.index_cast %add3A_2346 : i32 to index
        %get3A_2355 = arith.constant 16 : index
        %get3A_2356 = tpu.vector_load %arg8[%get3A_2354, %get3A_2355] {strides = array<i32>} : memref<512x32xf32, #tpu.memory_space<vmem>>, vector<16xf32>,
        tpu.vector_store_idx %arg10[%broadcast_in_dim3A, %select_n3A, %select_n3A_1542, %broadcast_in_dim3A_2351], %get3A_2353 : memref<4x4x8x133xf32, #tpu.memory_space<vmem>>[vector<16xi32>, vector<16xi32>, vector<16xi32>, vector<16xi32>], vector<16xf32>,
        tpu.vector_store_idx %arg10[%broadcast_in_dim3A, %add3A_1522, %select_n3A_1542, %broadcast_in_dim3A_2351], %get3A_2356 : memref<4x4x8x133xf32, #tpu.memory_space<vmem>>[vector<16xi32>, vector<16xi32>, vector<16xi32>, vector<16xi32>], vector<16xf32>,
        %add3A_2357 = arith.constant 1 : i32
        %add3A_2358 = arith.addi %add3A_2344, %add3A_2357 : i32
        %mul3A_2359 = arith.constant 8 : i32
        %mul3A_2360 = arith.muli %select_n3A_2339, %mul3A_2359 : i32
        %add3A_2361 = arith.constant 1 : i32
        %add3A_2362 = arith.addi %mul3A_2360, %add3A_2361 : i32
        %broadcast_in_dim3A_2363 = vector.broadcast %add3A_2362 : i32 to vector<16xi32>
        %get3A_2364 = arith.index_cast %add3A_2358 : i32 to index
        %get3A_2365 = arith.constant 0 : index
        %get3A_2366 = tpu.vector_load %arg8[%get3A_2364, %get3A_2365] {strides = array<i32>} : memref<512x32xf32, #tpu.memory_space<vmem>>, vector<16xf32>,
        %get3A_2367 = arith.index_cast %add3A_2358 : i32 to index
        %get3A_2368 = arith.constant 16 : index
        %get3A_2369 = tpu.vector_load %arg8[%get3A_2367, %get3A_2368] {strides = array<i32>} : memref<512x32xf32, #tpu.memory_space<vmem>>, vector<16xf32>,
        tpu.vector_store_idx %arg10[%broadcast_in_dim3A, %select_n3A, %select_n3A_1542, %broadcast_in_dim3A_2363], %get3A_2366 : memref<4x4x8x133xf32, #tpu.memory_space<vmem>>[vector<16xi32>, vector<16xi32>, vector<16xi32>, vector<16xi32>], vector<16xf32>,
        tpu.vector_store_idx %arg10[%broadcast_in_dim3A, %add3A_1522, %select_n3A_1542, %broadcast_in_dim3A_2363], %get3A_2369 : memref<4x4x8x133xf32, #tpu.memory_space<vmem>>[vector<16xi32>, vector<16xi32>, vector<16xi32>, vector<16xi32>], vector<16xf32>,
        %add3A_2370 = arith.constant 2 : i32
        %add3A_2371 = arith.addi %add3A_2344, %add3A_2370 : i32
        %mul3A_2372 = arith.constant 8 : i32
        %mul3A_2373 = arith.muli %select_n3A_2339, %mul3A_2372 : i32
        %add3A_2374 = arith.constant 2 : i32
        %add3A_2375 = arith.addi %mul3A_2373, %add3A_2374 : i32
        %broadcast_in_dim3A_2376 = vector.broadcast %add3A_2375 : i32 to vector<16xi32>
        %get3A_2377 = arith.index_cast %add3A_2371 : i32 to index
        %get3A_2378 = arith.constant 0 : index
        %get3A_2379 = tpu.vector_load %arg8[%get3A_2377, %get3A_2378] {strides = array<i32>} : memref<512x32xf32, #tpu.memory_space<vmem>>, vector<16xf32>,
        %get3A_2380 = arith.index_cast %add3A_2371 : i32 to index
        %get3A_2381 = arith.constant 16 : index
        %get3A_2382 = tpu.vector_load %arg8[%get3A_2380, %get3A_2381] {strides = array<i32>} : memref<512x32xf32, #tpu.memory_space<vmem>>, vector<16xf32>,
        tpu.vector_store_idx %arg10[%broadcast_in_dim3A, %select_n3A, %select_n3A_1542, %broadcast_in_dim3A_2376], %get3A_2379 : memref<4x4x8x133xf32, #tpu.memory_space<vmem>>[vector<16xi32>, vector<16xi32>, vector<16xi32>, vector<16xi32>], vector<16xf32>,
        tpu.vector_store_idx %arg10[%broadcast_in_dim3A, %add3A_1522, %select_n3A_1542, %broadcast_in_dim3A_2376], %get3A_2382 : memref<4x4x8x133xf32, #tpu.memory_space<vmem>>[vector<16xi32>, vector<16xi32>, vector<16xi32>, vector<16xi32>], vector<16xf32>,
        %add3A_2383 = arith.constant 3 : i32
        %add3A_2384 = arith.addi %add3A_2344, %add3A_2383 : i32
        %mul3A_2385 = arith.constant 8 : i32
        %mul3A_2386 = arith.muli %select_n3A_2339, %mul3A_2385 : i32
        %add3A_2387 = arith.constant 3 : i32
        %add3A_2388 = arith.addi %mul3A_2386, %add3A_2387 : i32
        %broadcast_in_dim3A_2389 = vector.broadcast %add3A_2388 : i32 to vector<16xi32>
        %get3A_2390 = arith.index_cast %add3A_2384 : i32 to index
        %get3A_2391 = arith.constant 0 : index
        %get3A_2392 = tpu.vector_load %arg8[%get3A_2390, %get3A_2391] {strides = array<i32>} : memref<512x32xf32, #tpu.memory_space<vmem>>, vector<16xf32>,
        %get3A_2393 = arith.index_cast %add3A_2384 : i32 to index
        %get3A_2394 = arith.constant 16 : index
        %get3A_2395 = tpu.vector_load %arg8[%get3A_2393, %get3A_2394] {strides = array<i32>} : memref<512x32xf32, #tpu.memory_space<vmem>>, vector<16xf32>,
        tpu.vector_store_idx %arg10[%broadcast_in_dim3A, %select_n3A, %select_n3A_1542, %broadcast_in_dim3A_2389], %get3A_2392 : memref<4x4x8x133xf32, #tpu.memory_space<vmem>>[vector<16xi32>, vector<16xi32>, vector<16xi32>, vector<16xi32>], vector<16xf32>,
        tpu.vector_store_idx %arg10[%broadcast_in_dim3A, %add3A_1522, %select_n3A_1542, %broadcast_in_dim3A_2389], %get3A_2395 : memref<4x4x8x133xf32, #tpu.memory_space<vmem>>[vector<16xi32>, vector<16xi32>, vector<16xi32>, vector<16xi32>], vector<16xf32>,
        %add3A_2396 = arith.constant 4 : i32
        %add3A_2397 = arith.addi %add3A_2344, %add3A_2396 : i32
        %mul3A_2398 = arith.constant 8 : i32
        %mul3A_2399 = arith.muli %select_n3A_2339, %mul3A_2398 : i32
        %add3A_2400 = arith.constant 4 : i32
        %add3A_2401 = arith.addi %mul3A_2399, %add3A_2400 : i32
        %broadcast_in_dim3A_2402 = vector.broadcast %add3A_2401 : i32 to vector<16xi32>
        %get3A_2403 = arith.index_cast %add3A_2397 : i32 to index
        %get3A_2404 = arith.constant 0 : index
        %get3A_2405 = tpu.vector_load %arg8[%get3A_2403, %get3A_2404] {strides = array<i32>} : memref<512x32xf32, #tpu.memory_space<vmem>>, vector<16xf32>,
        %get3A_2406 = arith.index_cast %add3A_2397 : i32 to index
        %get3A_2407 = arith.constant 16 : index
        %get3A_2408 = tpu.vector_load %arg8[%get3A_2406, %get3A_2407] {strides = array<i32>} : memref<512x32xf32, #tpu.memory_space<vmem>>, vector<16xf32>,
        tpu.vector_store_idx %arg10[%broadcast_in_dim3A, %select_n3A, %select_n3A_1542, %broadcast_in_dim3A_2402], %get3A_2405 : memref<4x4x8x133xf32, #tpu.memory_space<vmem>>[vector<16xi32>, vector<16xi32>, vector<16xi32>, vector<16xi32>], vector<16xf32>,
        tpu.vector_store_idx %arg10[%broadcast_in_dim3A, %add3A_1522, %select_n3A_1542, %broadcast_in_dim3A_2402], %get3A_2408 : memref<4x4x8x133xf32, #tpu.memory_space<vmem>>[vector<16xi32>, vector<16xi32>, vector<16xi32>, vector<16xi32>], vector<16xf32>,
        %add3A_2409 = arith.constant 5 : i32
        %add3A_2410 = arith.addi %add3A_2344, %add3A_2409 : i32
        %mul3A_2411 = arith.constant 8 : i32
        %mul3A_2412 = arith.muli %select_n3A_2339, %mul3A_2411 : i32
        %add3A_2413 = arith.constant 5 : i32
        %add3A_2414 = arith.addi %mul3A_2412, %add3A_2413 : i32
        %broadcast_in_dim3A_2415 = vector.broadcast %add3A_2414 : i32 to vector<16xi32>
        %get3A_2416 = arith.index_cast %add3A_2410 : i32 to index
        %get3A_2417 = arith.constant 0 : index
        %get3A_2418 = tpu.vector_load %arg8[%get3A_2416, %get3A_2417] {strides = array<i32>} : memref<512x32xf32, #tpu.memory_space<vmem>>, vector<16xf32>,
        %get3A_2419 = arith.index_cast %add3A_2410 : i32 to index
        %get3A_2420 = arith.constant 16 : index
        %get3A_2421 = tpu.vector_load %arg8[%get3A_2419, %get3A_2420] {strides = array<i32>} : memref<512x32xf32, #tpu.memory_space<vmem>>, vector<16xf32>,
        tpu.vector_store_idx %arg10[%broadcast_in_dim3A, %select_n3A, %select_n3A_1542, %broadcast_in_dim3A_2415], %get3A_2418 : memref<4x4x8x133xf32, #tpu.memory_space<vmem>>[vector<16xi32>, vector<16xi32>, vector<16xi32>, vector<16xi32>], vector<16xf32>,
        tpu.vector_store_idx %arg10[%broadcast_in_dim3A, %add3A_1522, %select_n3A_1542, %broadcast_in_dim3A_2415], %get3A_2421 : memref<4x4x8x133xf32, #tpu.memory_space<vmem>>[vector<16xi32>, vector<16xi32>, vector<16xi32>, vector<16xi32>], vector<16xf32>,
        %add3A_2422 = arith.constant 6 : i32
        %add3A_2423 = arith.addi %add3A_2344, %add3A_2422 : i32
        %mul3A_2424 = arith.constant 8 : i32
        %mul3A_2425 = arith.muli %select_n3A_2339, %mul3A_2424 : i32
        %add3A_2426 = arith.constant 6 : i32
        %add3A_2427 = arith.addi %mul3A_2425, %add3A_2426 : i32
        %broadcast_in_dim3A_2428 = vector.broadcast %add3A_2427 : i32 to vector<16xi32>
        %get3A_2429 = arith.index_cast %add3A_2423 : i32 to index
        %get3A_2430 = arith.constant 0 : index
        %get3A_2431 = tpu.vector_load %arg8[%get3A_2429, %get3A_2430] {strides = array<i32>} : memref<512x32xf32, #tpu.memory_space<vmem>>, vector<16xf32>,
        %get3A_2432 = arith.index_cast %add3A_2423 : i32 to index
        %get3A_2433 = arith.constant 16 : index
        %get3A_2434 = tpu.vector_load %arg8[%get3A_2432, %get3A_2433] {strides = array<i32>} : memref<512x32xf32, #tpu.memory_space<vmem>>, vector<16xf32>,
        tpu.vector_store_idx %arg10[%broadcast_in_dim3A, %select_n3A, %select_n3A_1542, %broadcast_in_dim3A_2428], %get3A_2431 : memref<4x4x8x133xf32, #tpu.memory_space<vmem>>[vector<16xi32>, vector<16xi32>, vector<16xi32>, vector<16xi32>], vector<16xf32>,
        tpu.vector_store_idx %arg10[%broadcast_in_dim3A, %add3A_1522, %select_n3A_1542, %broadcast_in_dim3A_2428], %get3A_2434 : memref<4x4x8x133xf32, #tpu.memory_space<vmem>>[vector<16xi32>, vector<16xi32>, vector<16xi32>, vector<16xi32>], vector<16xf32>,
        %add3A_2435 = arith.constant 7 : i32
        %add3A_2436 = arith.addi %add3A_2344, %add3A_2435 : i32
        %mul3A_2437 = arith.constant 8 : i32
        %mul3A_2438 = arith.muli %select_n3A_2339, %mul3A_2437 : i32
        %add3A_2439 = arith.constant 7 : i32
        %add3A_2440 = arith.addi %mul3A_2438, %add3A_2439 : i32
        %broadcast_in_dim3A_2441 = vector.broadcast %add3A_2440 : i32 to vector<16xi32>
        %get3A_2442 = arith.index_cast %add3A_2436 : i32 to index
        %get3A_2443 = arith.constant 0 : index
        %get3A_2444 = tpu.vector_load %arg8[%get3A_2442, %get3A_2443] {strides = array<i32>} : memref<512x32xf32, #tpu.memory_space<vmem>>, vector<16xf32>,
        %get3A_2445 = arith.index_cast %add3A_2436 : i32 to index
        %get3A_2446 = arith.constant 16 : index
        %get3A_2447 = tpu.vector_load %arg8[%get3A_2445, %get3A_2446] {strides = array<i32>} : memref<512x32xf32, #tpu.memory_space<vmem>>, vector<16xf32>,
        tpu.vector_store_idx %arg10[%broadcast_in_dim3A, %select_n3A, %select_n3A_1542, %broadcast_in_dim3A_2441], %get3A_2444 : memref<4x4x8x133xf32, #tpu.memory_space<vmem>>[vector<16xi32>, vector<16xi32>, vector<16xi32>, vector<16xi32>], vector<16xf32>,
        tpu.vector_store_idx %arg10[%broadcast_in_dim3A, %add3A_1522, %select_n3A_1542, %broadcast_in_dim3A_2441], %get3A_2447 : memref<4x4x8x133xf32, #tpu.memory_space<vmem>>[vector<16xi32>, vector<16xi32>, vector<16xi32>, vector<16xi32>], vector<16xf32>,
      }
      %scan3A_1548 = arith.constant 64 : i32
      %add3A_1549 = arith.constant 0 : i32
      %add3A_1550 = arith.addi %mul3A_2, %add3A_1549 : i32
      %dma_start3A_1551 = arith.constant 0 : i32
      %dma_start3A_1552 = arith.constant 0 : i32
      %dma_start3A_1553 = arith.constant 0 : i32
      %dma_start3A_1554 = arith.constant 0 : i32
      %dma_start3A_1555 = arith.constant 0 : i32
      %dma_start3A_1556 = tpu.memref_slice %arg10[%dma_start3A_1551, %dma_start3A_1552, %dma_start3A_1554, %dma_start3A_1555] : memref<4x4x8x133xf32, #tpu.memory_space<vmem>> -> memref<1x1x8x128xf32, #tpu.memory_space<vmem>>
      %dma_start3A_1557 = tpu.memref_squeeze %dma_start3A_1556 : memref<1x1x8x128xf32, #tpu.memory_space<vmem>> -> memref<8x128xf32, #tpu.memory_space<vmem>>
      %dma_start3A_1558 = arith.constant 0 : i32
      %dma_start3A_1559 = arith.constant 0 : i32
      %dma_start3A_1560 = tpu.memref_slice %arg4[%mul3A_1068, %dma_start3A_1553, %add3A_1550, %dma_start3A_1558, %dma_start3A_1559] : memref<50x4x128x8x128xf32, #tpu.memory_space<hbm>> -> memref<1x1x1x8x128xf32, #tpu.memory_space<hbm>>
      %dma_start3A_1561 = tpu.memref_squeeze %dma_start3A_1560 : memref<1x1x1x8x128xf32, #tpu.memory_space<hbm>> -> memref<8x128xf32, #tpu.memory_space<hbm>>
      %dma_start3A_1562 = arith.constant 0 : i32
      %dma_start3A_1563 = arith.constant 0 : i32
      %dma_start3A_1564 = tpu.memref_slice %arg4[%mul3A_1068, %dma_start3A_1553, %add3A_1550, %dma_start3A_1562, %dma_start3A_1563] : memref<50x4x128x8x128xf32, #tpu.memory_space<hbm>> -> memref<1x1x1x8x128xf32, #tpu.memory_space<hbm>>
      %dma_start3A_1565 = tpu.memref_squeeze %dma_start3A_1564 : memref<1x1x1x8x128xf32, #tpu.memory_space<hbm>> -> memref<8x128xf32, #tpu.memory_space<hbm>>
      %dma_start3A_1566 = arith.constant 0 : i32
      %dma_start3A_1567 = arith.constant 0 : i32
      %dma_start3A_1568 = tpu.memref_slice %arg10[%dma_start3A_1551, %dma_start3A_1552, %dma_start3A_1566, %dma_start3A_1567] : memref<4x4x8x133xf32, #tpu.memory_space<vmem>> -> memref<1x1x8x128xf32, #tpu.memory_space<vmem>>
      %dma_start3A_1569 = tpu.memref_squeeze %dma_start3A_1568 : memref<1x1x8x128xf32, #tpu.memory_space<vmem>> -> memref<8x128xf32, #tpu.memory_space<vmem>>
      tpu.enqueue_dma source(%dma_start3A_1569 : memref<8x128xf32, #tpu.memory_space<vmem>>) target(%dma_start3A_1565 : memref<8x128xf32, #tpu.memory_space<hbm>>) target_semaphore(%arg14 : memref<!tpu.dma_semaphore, #tpu.memory_space<semaphore_mem>>)
      %add3A_1570 = arith.constant 0 : i32
      %add3A_1571 = arith.addi %mul3A_2, %add3A_1570 : i32
      %dma_start3A_1572 = arith.constant 0 : i32
      %dma_start3A_1573 = arith.constant 1 : i32
      %dma_start3A_1574 = arith.constant 1 : i32
      %dma_start3A_1575 = arith.constant 0 : i32
      %dma_start3A_1576 = arith.constant 0 : i32
      %dma_start3A_1577 = tpu.memref_slice %arg10[%dma_start3A_1572, %dma_start3A_1573, %dma_start3A_1575, %dma_start3A_1576] : memref<4x4x8x133xf32, #tpu.memory_space<vmem>> -> memref<1x1x8x128xf32, #tpu.memory_space<vmem>>
      %dma_start3A_1578 = tpu.memref_squeeze %dma_start3A_1577 : memref<1x1x8x128xf32, #tpu.memory_space<vmem>> -> memref<8x128xf32, #tpu.memory_space<vmem>>
      %dma_start3A_1579 = arith.constant 0 : i32
      %dma_start3A_1580 = arith.constant 0 : i32
      %dma_start3A_1581 = tpu.memref_slice %arg4[%mul3A_1068, %dma_start3A_1574, %add3A_1571, %dma_start3A_1579, %dma_start3A_1580] : memref<50x4x128x8x128xf32, #tpu.memory_space<hbm>> -> memref<1x1x1x8x128xf32, #tpu.memory_space<hbm>>
      %dma_start3A_1582 = tpu.memref_squeeze %dma_start3A_1581 : memref<1x1x1x8x128xf32, #tpu.memory_space<hbm>> -> memref<8x128xf32, #tpu.memory_space<hbm>>
      %dma_start3A_1583 = arith.constant 0 : i32
      %dma_start3A_1584 = arith.constant 0 : i32
      %dma_start3A_1585 = tpu.memref_slice %arg4[%mul3A_1068, %dma_start3A_1574, %add3A_1571, %dma_start3A_1583, %dma_start3A_1584] : memref<50x4x128x8x128xf32, #tpu.memory_space<hbm>> -> memref<1x1x1x8x128xf32, #tpu.memory_space<hbm>>
      %dma_start3A_1586 = tpu.memref_squeeze %dma_start3A_1585 : memref<1x1x1x8x128xf32, #tpu.memory_space<hbm>> -> memref<8x128xf32, #tpu.memory_space<hbm>>
      %dma_start3A_1587 = arith.constant 0 : i32
      %dma_start3A_1588 = arith.constant 0 : i32
      %dma_start3A_1589 = tpu.memref_slice %arg10[%dma_start3A_1572, %dma_start3A_1573, %dma_start3A_1587, %dma_start3A_1588] : memref<4x4x8x133xf32, #tpu.memory_space<vmem>> -> memref<1x1x8x128xf32, #tpu.memory_space<vmem>>
      %dma_start3A_1590 = tpu.memref_squeeze %dma_start3A_1589 : memref<1x1x8x128xf32, #tpu.memory_space<vmem>> -> memref<8x128xf32, #tpu.memory_space<vmem>>
      tpu.enqueue_dma source(%dma_start3A_1590 : memref<8x128xf32, #tpu.memory_space<vmem>>) target(%dma_start3A_1586 : memref<8x128xf32, #tpu.memory_space<hbm>>) target_semaphore(%arg14 : memref<!tpu.dma_semaphore, #tpu.memory_space<semaphore_mem>>)
      %add3A_1591 = arith.constant 0 : i32
      %add3A_1592 = arith.addi %mul3A_2, %add3A_1591 : i32
      %dma_start3A_1593 = arith.constant 0 : i32
      %dma_start3A_1594 = arith.constant 2 : i32
      %dma_start3A_1595 = arith.constant 2 : i32
      %dma_start3A_1596 = arith.constant 0 : i32
      %dma_start3A_1597 = arith.constant 0 : i32
      %dma_start3A_1598 = tpu.memref_slice %arg10[%dma_start3A_1593, %dma_start3A_1594, %dma_start3A_1596, %dma_start3A_1597] : memref<4x4x8x133xf32, #tpu.memory_space<vmem>> -> memref<1x1x8x128xf32, #tpu.memory_space<vmem>>
      %dma_start3A_1599 = tpu.memref_squeeze %dma_start3A_1598 : memref<1x1x8x128xf32, #tpu.memory_space<vmem>> -> memref<8x128xf32, #tpu.memory_space<vmem>>
      %dma_start3A_1600 = arith.constant 0 : i32
      %dma_start3A_1601 = arith.constant 0 : i32
      %dma_start3A_1602 = tpu.memref_slice %arg4[%mul3A_1068, %dma_start3A_1595, %add3A_1592, %dma_start3A_1600, %dma_start3A_1601] : memref<50x4x128x8x128xf32, #tpu.memory_space<hbm>> -> memref<1x1x1x8x128xf32, #tpu.memory_space<hbm>>
      %dma_start3A_1603 = tpu.memref_squeeze %dma_start3A_1602 : memref<1x1x1x8x128xf32, #tpu.memory_space<hbm>> -> memref<8x128xf32, #tpu.memory_space<hbm>>
      %dma_start3A_1604 = arith.constant 0 : i32
      %dma_start3A_1605 = arith.constant 0 : i32
      %dma_start3A_1606 = tpu.memref_slice %arg4[%mul3A_1068, %dma_start3A_1595, %add3A_1592, %dma_start3A_1604, %dma_start3A_1605] : memref<50x4x128x8x128xf32, #tpu.memory_space<hbm>> -> memref<1x1x1x8x128xf32, #tpu.memory_space<hbm>>
      %dma_start3A_1607 = tpu.memref_squeeze %dma_start3A_1606 : memref<1x1x1x8x128xf32, #tpu.memory_space<hbm>> -> memref<8x128xf32, #tpu.memory_space<hbm>>
      %dma_start3A_1608 = arith.constant 0 : i32
      %dma_start3A_1609 = arith.constant 0 : i32
      %dma_start3A_1610 = tpu.memref_slice %arg10[%dma_start3A_1593, %dma_start3A_1594, %dma_start3A_1608, %dma_start3A_1609] : memref<4x4x8x133xf32, #tpu.memory_space<vmem>> -> memref<1x1x8x128xf32, #tpu.memory_space<vmem>>
      %dma_start3A_1611 = tpu.memref_squeeze %dma_start3A_1610 : memref<1x1x8x128xf32, #tpu.memory_space<vmem>> -> memref<8x128xf32, #tpu.memory_space<vmem>>
      tpu.enqueue_dma source(%dma_start3A_1611 : memref<8x128xf32, #tpu.memory_space<vmem>>) target(%dma_start3A_1607 : memref<8x128xf32, #tpu.memory_space<hbm>>) target_semaphore(%arg14 : memref<!tpu.dma_semaphore, #tpu.memory_space<semaphore_mem>>)
      %add3A_1612 = arith.constant 0 : i32
      %add3A_1613 = arith.addi %mul3A_2, %add3A_1612 : i32
      %dma_start3A_1614 = arith.constant 0 : i32
      %dma_start3A_1615 = arith.constant 3 : i32
      %dma_start3A_1616 = arith.constant 3 : i32
      %dma_start3A_1617 = arith.constant 0 : i32
      %dma_start3A_1618 = arith.constant 0 : i32
      %dma_start3A_1619 = tpu.memref_slice %arg10[%dma_start3A_1614, %dma_start3A_1615, %dma_start3A_1617, %dma_start3A_1618] : memref<4x4x8x133xf32, #tpu.memory_space<vmem>> -> memref<1x1x8x128xf32, #tpu.memory_space<vmem>>
      %dma_start3A_1620 = tpu.memref_squeeze %dma_start3A_1619 : memref<1x1x8x128xf32, #tpu.memory_space<vmem>> -> memref<8x128xf32, #tpu.memory_space<vmem>>
      %dma_start3A_1621 = arith.constant 0 : i32
      %dma_start3A_1622 = arith.constant 0 : i32
      %dma_start3A_1623 = tpu.memref_slice %arg4[%mul3A_1068, %dma_start3A_1616, %add3A_1613, %dma_start3A_1621, %dma_start3A_1622] : memref<50x4x128x8x128xf32, #tpu.memory_space<hbm>> -> memref<1x1x1x8x128xf32, #tpu.memory_space<hbm>>
      %dma_start3A_1624 = tpu.memref_squeeze %dma_start3A_1623 : memref<1x1x1x8x128xf32, #tpu.memory_space<hbm>> -> memref<8x128xf32, #tpu.memory_space<hbm>>
      %dma_start3A_1625 = arith.constant 0 : i32
      %dma_start3A_1626 = arith.constant 0 : i32
      %dma_start3A_1627 = tpu.memref_slice %arg4[%mul3A_1068, %dma_start3A_1616, %add3A_1613, %dma_start3A_1625, %dma_start3A_1626] : memref<50x4x128x8x128xf32, #tpu.memory_space<hbm>> -> memref<1x1x1x8x128xf32, #tpu.memory_space<hbm>>
      %dma_start3A_1628 = tpu.memref_squeeze %dma_start3A_1627 : memref<1x1x1x8x128xf32, #tpu.memory_space<hbm>> -> memref<8x128xf32, #tpu.memory_space<hbm>>
      %dma_start3A_1629 = arith.constant 0 : i32
      %dma_start3A_1630 = arith.constant 0 : i32
      %dma_start3A_1631 = tpu.memref_slice %arg10[%dma_start3A_1614, %dma_start3A_1615, %dma_start3A_1629, %dma_start3A_1630] : memref<4x4x8x133xf32, #tpu.memory_space<vmem>> -> memref<1x1x8x128xf32, #tpu.memory_space<vmem>>
      %dma_start3A_1632 = tpu.memref_squeeze %dma_start3A_1631 : memref<1x1x8x128xf32, #tpu.memory_space<vmem>> -> memref<8x128xf32, #tpu.memory_space<vmem>>
      tpu.enqueue_dma source(%dma_start3A_1632 : memref<8x128xf32, #tpu.memory_space<vmem>>) target(%dma_start3A_1628 : memref<8x128xf32, #tpu.memory_space<hbm>>) target_semaphore(%arg14 : memref<!tpu.dma_semaphore, #tpu.memory_space<semaphore_mem>>)
      %add3A_1633 = arith.constant 1 : i32
      %add3A_1634 = arith.addi %mul3A_2, %add3A_1633 : i32
      %dma_start3A_1635 = arith.constant 1 : i32
      %dma_start3A_1636 = arith.constant 0 : i32
      %dma_start3A_1637 = arith.constant 0 : i32
      %dma_start3A_1638 = arith.constant 0 : i32
      %dma_start3A_1639 = arith.constant 0 : i32
      %dma_start3A_1640 = tpu.memref_slice %arg10[%dma_start3A_1635, %dma_start3A_1636, %dma_start3A_1638, %dma_start3A_1639] : memref<4x4x8x133xf32, #tpu.memory_space<vmem>> -> memref<1x1x8x128xf32, #tpu.memory_space<vmem>>
      %dma_start3A_1641 = tpu.memref_squeeze %dma_start3A_1640 : memref<1x1x8x128xf32, #tpu.memory_space<vmem>> -> memref<8x128xf32, #tpu.memory_space<vmem>>
      %dma_start3A_1642 = arith.constant 0 : i32
      %dma_start3A_1643 = arith.constant 0 : i32
      %dma_start3A_1644 = tpu.memref_slice %arg4[%mul3A_1068, %dma_start3A_1637, %add3A_1634, %dma_start3A_1642, %dma_start3A_1643] : memref<50x4x128x8x128xf32, #tpu.memory_space<hbm>> -> memref<1x1x1x8x128xf32, #tpu.memory_space<hbm>>
      %dma_start3A_1645 = tpu.memref_squeeze %dma_start3A_1644 : memref<1x1x1x8x128xf32, #tpu.memory_space<hbm>> -> memref<8x128xf32, #tpu.memory_space<hbm>>
      %dma_start3A_1646 = arith.constant 0 : i32
      %dma_start3A_1647 = arith.constant 0 : i32
      %dma_start3A_1648 = tpu.memref_slice %arg4[%mul3A_1068, %dma_start3A_1637, %add3A_1634, %dma_start3A_1646, %dma_start3A_1647] : memref<50x4x128x8x128xf32, #tpu.memory_space<hbm>> -> memref<1x1x1x8x128xf32, #tpu.memory_space<hbm>>
      %dma_start3A_1649 = tpu.memref_squeeze %dma_start3A_1648 : memref<1x1x1x8x128xf32, #tpu.memory_space<hbm>> -> memref<8x128xf32, #tpu.memory_space<hbm>>
      %dma_start3A_1650 = arith.constant 0 : i32
      %dma_start3A_1651 = arith.constant 0 : i32
      %dma_start3A_1652 = tpu.memref_slice %arg10[%dma_start3A_1635, %dma_start3A_1636, %dma_start3A_1650, %dma_start3A_1651] : memref<4x4x8x133xf32, #tpu.memory_space<vmem>> -> memref<1x1x8x128xf32, #tpu.memory_space<vmem>>
      %dma_start3A_1653 = tpu.memref_squeeze %dma_start3A_1652 : memref<1x1x8x128xf32, #tpu.memory_space<vmem>> -> memref<8x128xf32, #tpu.memory_space<vmem>>
      tpu.enqueue_dma source(%dma_start3A_1653 : memref<8x128xf32, #tpu.memory_space<vmem>>) target(%dma_start3A_1649 : memref<8x128xf32, #tpu.memory_space<hbm>>) target_semaphore(%arg14 : memref<!tpu.dma_semaphore, #tpu.memory_space<semaphore_mem>>)
      %add3A_1654 = arith.constant 1 : i32
      %add3A_1655 = arith.addi %mul3A_2, %add3A_1654 : i32
      %dma_start3A_1656 = arith.constant 1 : i32
      %dma_start3A_1657 = arith.constant 1 : i32
      %dma_start3A_1658 = arith.constant 1 : i32
      %dma_start3A_1659 = arith.constant 0 : i32
      %dma_start3A_1660 = arith.constant 0 : i32
      %dma_start3A_1661 = tpu.memref_slice %arg10[%dma_start3A_1656, %dma_start3A_1657, %dma_start3A_1659, %dma_start3A_1660] : memref<4x4x8x133xf32, #tpu.memory_space<vmem>> -> memref<1x1x8x128xf32, #tpu.memory_space<vmem>>
      %dma_start3A_1662 = tpu.memref_squeeze %dma_start3A_1661 : memref<1x1x8x128xf32, #tpu.memory_space<vmem>> -> memref<8x128xf32, #tpu.memory_space<vmem>>
      %dma_start3A_1663 = arith.constant 0 : i32
      %dma_start3A_1664 = arith.constant 0 : i32
      %dma_start3A_1665 = tpu.memref_slice %arg4[%mul3A_1068, %dma_start3A_1658, %add3A_1655, %dma_start3A_1663, %dma_start3A_1664] : memref<50x4x128x8x128xf32, #tpu.memory_space<hbm>> -> memref<1x1x1x8x128xf32, #tpu.memory_space<hbm>>
      %dma_start3A_1666 = tpu.memref_squeeze %dma_start3A_1665 : memref<1x1x1x8x128xf32, #tpu.memory_space<hbm>> -> memref<8x128xf32, #tpu.memory_space<hbm>>
      %dma_start3A_1667 = arith.constant 0 : i32
      %dma_start3A_1668 = arith.constant 0 : i32
      %dma_start3A_1669 = tpu.memref_slice %arg4[%mul3A_1068, %dma_start3A_1658, %add3A_1655, %dma_start3A_1667, %dma_start3A_1668] : memref<50x4x128x8x128xf32, #tpu.memory_space<hbm>> -> memref<1x1x1x8x128xf32, #tpu.memory_space<hbm>>
      %dma_start3A_1670 = tpu.memref_squeeze %dma_start3A_1669 : memref<1x1x1x8x128xf32, #tpu.memory_space<hbm>> -> memref<8x128xf32, #tpu.memory_space<hbm>>
      %dma_start3A_1671 = arith.constant 0 : i32
      %dma_start3A_1672 = arith.constant 0 : i32
      %dma_start3A_1673 = tpu.memref_slice %arg10[%dma_start3A_1656, %dma_start3A_1657, %dma_start3A_1671, %dma_start3A_1672] : memref<4x4x8x133xf32, #tpu.memory_space<vmem>> -> memref<1x1x8x128xf32, #tpu.memory_space<vmem>>
      %dma_start3A_1674 = tpu.memref_squeeze %dma_start3A_1673 : memref<1x1x8x128xf32, #tpu.memory_space<vmem>> -> memref<8x128xf32, #tpu.memory_space<vmem>>
      tpu.enqueue_dma source(%dma_start3A_1674 : memref<8x128xf32, #tpu.memory_space<vmem>>) target(%dma_start3A_1670 : memref<8x128xf32, #tpu.memory_space<hbm>>) target_semaphore(%arg14 : memref<!tpu.dma_semaphore, #tpu.memory_space<semaphore_mem>>)
      %add3A_1675 = arith.constant 1 : i32
      %add3A_1676 = arith.addi %mul3A_2, %add3A_1675 : i32
      %dma_start3A_1677 = arith.constant 1 : i32
      %dma_start3A_1678 = arith.constant 2 : i32
      %dma_start3A_1679 = arith.constant 2 : i32
      %dma_start3A_1680 = arith.constant 0 : i32
      %dma_start3A_1681 = arith.constant 0 : i32
      %dma_start3A_1682 = tpu.memref_slice %arg10[%dma_start3A_1677, %dma_start3A_1678, %dma_start3A_1680, %dma_start3A_1681] : memref<4x4x8x133xf32, #tpu.memory_space<vmem>> -> memref<1x1x8x128xf32, #tpu.memory_space<vmem>>
      %dma_start3A_1683 = tpu.memref_squeeze %dma_start3A_1682 : memref<1x1x8x128xf32, #tpu.memory_space<vmem>> -> memref<8x128xf32, #tpu.memory_space<vmem>>
      %dma_start3A_1684 = arith.constant 0 : i32
      %dma_start3A_1685 = arith.constant 0 : i32
      %dma_start3A_1686 = tpu.memref_slice %arg4[%mul3A_1068, %dma_start3A_1679, %add3A_1676, %dma_start3A_1684, %dma_start3A_1685] : memref<50x4x128x8x128xf32, #tpu.memory_space<hbm>> -> memref<1x1x1x8x128xf32, #tpu.memory_space<hbm>>
      %dma_start3A_1687 = tpu.memref_squeeze %dma_start3A_1686 : memref<1x1x1x8x128xf32, #tpu.memory_space<hbm>> -> memref<8x128xf32, #tpu.memory_space<hbm>>
      %dma_start3A_1688 = arith.constant 0 : i32
      %dma_start3A_1689 = arith.constant 0 : i32
      %dma_start3A_1690 = tpu.memref_slice %arg4[%mul3A_1068, %dma_start3A_1679, %add3A_1676, %dma_start3A_1688, %dma_start3A_1689] : memref<50x4x128x8x128xf32, #tpu.memory_space<hbm>> -> memref<1x1x1x8x128xf32, #tpu.memory_space<hbm>>
      %dma_start3A_1691 = tpu.memref_squeeze %dma_start3A_1690 : memref<1x1x1x8x128xf32, #tpu.memory_space<hbm>> -> memref<8x128xf32, #tpu.memory_space<hbm>>
      %dma_start3A_1692 = arith.constant 0 : i32
      %dma_start3A_1693 = arith.constant 0 : i32
      %dma_start3A_1694 = tpu.memref_slice %arg10[%dma_start3A_1677, %dma_start3A_1678, %dma_start3A_1692, %dma_start3A_1693] : memref<4x4x8x133xf32, #tpu.memory_space<vmem>> -> memref<1x1x8x128xf32, #tpu.memory_space<vmem>>
      %dma_start3A_1695 = tpu.memref_squeeze %dma_start3A_1694 : memref<1x1x8x128xf32, #tpu.memory_space<vmem>> -> memref<8x128xf32, #tpu.memory_space<vmem>>
      tpu.enqueue_dma source(%dma_start3A_1695 : memref<8x128xf32, #tpu.memory_space<vmem>>) target(%dma_start3A_1691 : memref<8x128xf32, #tpu.memory_space<hbm>>) target_semaphore(%arg14 : memref<!tpu.dma_semaphore, #tpu.memory_space<semaphore_mem>>)
      %add3A_1696 = arith.constant 1 : i32
      %add3A_1697 = arith.addi %mul3A_2, %add3A_1696 : i32
      %dma_start3A_1698 = arith.constant 1 : i32
      %dma_start3A_1699 = arith.constant 3 : i32
      %dma_start3A_1700 = arith.constant 3 : i32
      %dma_start3A_1701 = arith.constant 0 : i32
      %dma_start3A_1702 = arith.constant 0 : i32
      %dma_start3A_1703 = tpu.memref_slice %arg10[%dma_start3A_1698, %dma_start3A_1699, %dma_start3A_1701, %dma_start3A_1702] : memref<4x4x8x133xf32, #tpu.memory_space<vmem>> -> memref<1x1x8x128xf32, #tpu.memory_space<vmem>>
      %dma_start3A_1704 = tpu.memref_squeeze %dma_start3A_1703 : memref<1x1x8x128xf32, #tpu.memory_space<vmem>> -> memref<8x128xf32, #tpu.memory_space<vmem>>
      %dma_start3A_1705 = arith.constant 0 : i32
      %dma_start3A_1706 = arith.constant 0 : i32
      %dma_start3A_1707 = tpu.memref_slice %arg4[%mul3A_1068, %dma_start3A_1700, %add3A_1697, %dma_start3A_1705, %dma_start3A_1706] : memref<50x4x128x8x128xf32, #tpu.memory_space<hbm>> -> memref<1x1x1x8x128xf32, #tpu.memory_space<hbm>>
      %dma_start3A_1708 = tpu.memref_squeeze %dma_start3A_1707 : memref<1x1x1x8x128xf32, #tpu.memory_space<hbm>> -> memref<8x128xf32, #tpu.memory_space<hbm>>
      %dma_start3A_1709 = arith.constant 0 : i32
      %dma_start3A_1710 = arith.constant 0 : i32
      %dma_start3A_1711 = tpu.memref_slice %arg4[%mul3A_1068, %dma_start3A_1700, %add3A_1697, %dma_start3A_1709, %dma_start3A_1710] : memref<50x4x128x8x128xf32, #tpu.memory_space<hbm>> -> memref<1x1x1x8x128xf32, #tpu.memory_space<hbm>>
      %dma_start3A_1712 = tpu.memref_squeeze %dma_start3A_1711 : memref<1x1x1x8x128xf32, #tpu.memory_space<hbm>> -> memref<8x128xf32, #tpu.memory_space<hbm>>
      %dma_start3A_1713 = arith.constant 0 : i32
      %dma_start3A_1714 = arith.constant 0 : i32
      %dma_start3A_1715 = tpu.memref_slice %arg10[%dma_start3A_1698, %dma_start3A_1699, %dma_start3A_1713, %dma_start3A_1714] : memref<4x4x8x133xf32, #tpu.memory_space<vmem>> -> memref<1x1x8x128xf32, #tpu.memory_space<vmem>>
      %dma_start3A_1716 = tpu.memref_squeeze %dma_start3A_1715 : memref<1x1x8x128xf32, #tpu.memory_space<vmem>> -> memref<8x128xf32, #tpu.memory_space<vmem>>
      tpu.enqueue_dma source(%dma_start3A_1716 : memref<8x128xf32, #tpu.memory_space<vmem>>) target(%dma_start3A_1712 : memref<8x128xf32, #tpu.memory_space<hbm>>) target_semaphore(%arg14 : memref<!tpu.dma_semaphore, #tpu.memory_space<semaphore_mem>>)
      %add3A_1717 = arith.constant 2 : i32
      %add3A_1718 = arith.addi %mul3A_2, %add3A_1717 : i32
      %dma_start3A_1719 = arith.constant 2 : i32
      %dma_start3A_1720 = arith.constant 0 : i32
      %dma_start3A_1721 = arith.constant 0 : i32
      %dma_start3A_1722 = arith.constant 0 : i32
      %dma_start3A_1723 = arith.constant 0 : i32
      %dma_start3A_1724 = tpu.memref_slice %arg10[%dma_start3A_1719, %dma_start3A_1720, %dma_start3A_1722, %dma_start3A_1723] : memref<4x4x8x133xf32, #tpu.memory_space<vmem>> -> memref<1x1x8x128xf32, #tpu.memory_space<vmem>>
      %dma_start3A_1725 = tpu.memref_squeeze %dma_start3A_1724 : memref<1x1x8x128xf32, #tpu.memory_space<vmem>> -> memref<8x128xf32, #tpu.memory_space<vmem>>
      %dma_start3A_1726 = arith.constant 0 : i32
      %dma_start3A_1727 = arith.constant 0 : i32
      %dma_start3A_1728 = tpu.memref_slice %arg4[%mul3A_1068, %dma_start3A_1721, %add3A_1718, %dma_start3A_1726, %dma_start3A_1727] : memref<50x4x128x8x128xf32, #tpu.memory_space<hbm>> -> memref<1x1x1x8x128xf32, #tpu.memory_space<hbm>>
      %dma_start3A_1729 = tpu.memref_squeeze %dma_start3A_1728 : memref<1x1x1x8x128xf32, #tpu.memory_space<hbm>> -> memref<8x128xf32, #tpu.memory_space<hbm>>
      %dma_start3A_1730 = arith.constant 0 : i32
      %dma_start3A_1731 = arith.constant 0 : i32
      %dma_start3A_1732 = tpu.memref_slice %arg4[%mul3A_1068, %dma_start3A_1721, %add3A_1718, %dma_start3A_1730, %dma_start3A_1731] : memref<50x4x128x8x128xf32, #tpu.memory_space<hbm>> -> memref<1x1x1x8x128xf32, #tpu.memory_space<hbm>>
      %dma_start3A_1733 = tpu.memref_squeeze %dma_start3A_1732 : memref<1x1x1x8x128xf32, #tpu.memory_space<hbm>> -> memref<8x128xf32, #tpu.memory_space<hbm>>
      %dma_start3A_1734 = arith.constant 0 : i32
      %dma_start3A_1735 = arith.constant 0 : i32
      %dma_start3A_1736 = tpu.memref_slice %arg10[%dma_start3A_1719, %dma_start3A_1720, %dma_start3A_1734, %dma_start3A_1735] : memref<4x4x8x133xf32, #tpu.memory_space<vmem>> -> memref<1x1x8x128xf32, #tpu.memory_space<vmem>>
      %dma_start3A_1737 = tpu.memref_squeeze %dma_start3A_1736 : memref<1x1x8x128xf32, #tpu.memory_space<vmem>> -> memref<8x128xf32, #tpu.memory_space<vmem>>
      tpu.enqueue_dma source(%dma_start3A_1737 : memref<8x128xf32, #tpu.memory_space<vmem>>) target(%dma_start3A_1733 : memref<8x128xf32, #tpu.memory_space<hbm>>) target_semaphore(%arg14 : memref<!tpu.dma_semaphore, #tpu.memory_space<semaphore_mem>>)
      %add3A_1738 = arith.constant 2 : i32
      %add3A_1739 = arith.addi %mul3A_2, %add3A_1738 : i32
      %dma_start3A_1740 = arith.constant 2 : i32
      %dma_start3A_1741 = arith.constant 1 : i32
      %dma_start3A_1742 = arith.constant 1 : i32
      %dma_start3A_1743 = arith.constant 0 : i32
      %dma_start3A_1744 = arith.constant 0 : i32
      %dma_start3A_1745 = tpu.memref_slice %arg10[%dma_start3A_1740, %dma_start3A_1741, %dma_start3A_1743, %dma_start3A_1744] : memref<4x4x8x133xf32, #tpu.memory_space<vmem>> -> memref<1x1x8x128xf32, #tpu.memory_space<vmem>>
      %dma_start3A_1746 = tpu.memref_squeeze %dma_start3A_1745 : memref<1x1x8x128xf32, #tpu.memory_space<vmem>> -> memref<8x128xf32, #tpu.memory_space<vmem>>
      %dma_start3A_1747 = arith.constant 0 : i32
      %dma_start3A_1748 = arith.constant 0 : i32
      %dma_start3A_1749 = tpu.memref_slice %arg4[%mul3A_1068, %dma_start3A_1742, %add3A_1739, %dma_start3A_1747, %dma_start3A_1748] : memref<50x4x128x8x128xf32, #tpu.memory_space<hbm>> -> memref<1x1x1x8x128xf32, #tpu.memory_space<hbm>>
      %dma_start3A_1750 = tpu.memref_squeeze %dma_start3A_1749 : memref<1x1x1x8x128xf32, #tpu.memory_space<hbm>> -> memref<8x128xf32, #tpu.memory_space<hbm>>
      %dma_start3A_1751 = arith.constant 0 : i32
      %dma_start3A_1752 = arith.constant 0 : i32
      %dma_start3A_1753 = tpu.memref_slice %arg4[%mul3A_1068, %dma_start3A_1742, %add3A_1739, %dma_start3A_1751, %dma_start3A_1752] : memref<50x4x128x8x128xf32, #tpu.memory_space<hbm>> -> memref<1x1x1x8x128xf32, #tpu.memory_space<hbm>>
      %dma_start3A_1754 = tpu.memref_squeeze %dma_start3A_1753 : memref<1x1x1x8x128xf32, #tpu.memory_space<hbm>> -> memref<8x128xf32, #tpu.memory_space<hbm>>
      %dma_start3A_1755 = arith.constant 0 : i32
      %dma_start3A_1756 = arith.constant 0 : i32
      %dma_start3A_1757 = tpu.memref_slice %arg10[%dma_start3A_1740, %dma_start3A_1741, %dma_start3A_1755, %dma_start3A_1756] : memref<4x4x8x133xf32, #tpu.memory_space<vmem>> -> memref<1x1x8x128xf32, #tpu.memory_space<vmem>>
      %dma_start3A_1758 = tpu.memref_squeeze %dma_start3A_1757 : memref<1x1x8x128xf32, #tpu.memory_space<vmem>> -> memref<8x128xf32, #tpu.memory_space<vmem>>
      tpu.enqueue_dma source(%dma_start3A_1758 : memref<8x128xf32, #tpu.memory_space<vmem>>) target(%dma_start3A_1754 : memref<8x128xf32, #tpu.memory_space<hbm>>) target_semaphore(%arg14 : memref<!tpu.dma_semaphore, #tpu.memory_space<semaphore_mem>>)
      %add3A_1759 = arith.constant 2 : i32
      %add3A_1760 = arith.addi %mul3A_2, %add3A_1759 : i32
      %dma_start3A_1761 = arith.constant 2 : i32
      %dma_start3A_1762 = arith.constant 2 : i32
      %dma_start3A_1763 = arith.constant 2 : i32
      %dma_start3A_1764 = arith.constant 0 : i32
      %dma_start3A_1765 = arith.constant 0 : i32
      %dma_start3A_1766 = tpu.memref_slice %arg10[%dma_start3A_1761, %dma_start3A_1762, %dma_start3A_1764, %dma_start3A_1765] : memref<4x4x8x133xf32, #tpu.memory_space<vmem>> -> memref<1x1x8x128xf32, #tpu.memory_space<vmem>>
      %dma_start3A_1767 = tpu.memref_squeeze %dma_start3A_1766 : memref<1x1x8x128xf32, #tpu.memory_space<vmem>> -> memref<8x128xf32, #tpu.memory_space<vmem>>
      %dma_start3A_1768 = arith.constant 0 : i32
      %dma_start3A_1769 = arith.constant 0 : i32
      %dma_start3A_1770 = tpu.memref_slice %arg4[%mul3A_1068, %dma_start3A_1763, %add3A_1760, %dma_start3A_1768, %dma_start3A_1769] : memref<50x4x128x8x128xf32, #tpu.memory_space<hbm>> -> memref<1x1x1x8x128xf32, #tpu.memory_space<hbm>>
      %dma_start3A_1771 = tpu.memref_squeeze %dma_start3A_1770 : memref<1x1x1x8x128xf32, #tpu.memory_space<hbm>> -> memref<8x128xf32, #tpu.memory_space<hbm>>
      %dma_start3A_1772 = arith.constant 0 : i32
      %dma_start3A_1773 = arith.constant 0 : i32
      %dma_start3A_1774 = tpu.memref_slice %arg4[%mul3A_1068, %dma_start3A_1763, %add3A_1760, %dma_start3A_1772, %dma_start3A_1773] : memref<50x4x128x8x128xf32, #tpu.memory_space<hbm>> -> memref<1x1x1x8x128xf32, #tpu.memory_space<hbm>>
      %dma_start3A_1775 = tpu.memref_squeeze %dma_start3A_1774 : memref<1x1x1x8x128xf32, #tpu.memory_space<hbm>> -> memref<8x128xf32, #tpu.memory_space<hbm>>
      %dma_start3A_1776 = arith.constant 0 : i32
      %dma_start3A_1777 = arith.constant 0 : i32
      %dma_start3A_1778 = tpu.memref_slice %arg10[%dma_start3A_1761, %dma_start3A_1762, %dma_start3A_1776, %dma_start3A_1777] : memref<4x4x8x133xf32, #tpu.memory_space<vmem>> -> memref<1x1x8x128xf32, #tpu.memory_space<vmem>>
      %dma_start3A_1779 = tpu.memref_squeeze %dma_start3A_1778 : memref<1x1x8x128xf32, #tpu.memory_space<vmem>> -> memref<8x128xf32, #tpu.memory_space<vmem>>
      tpu.enqueue_dma source(%dma_start3A_1779 : memref<8x128xf32, #tpu.memory_space<vmem>>) target(%dma_start3A_1775 : memref<8x128xf32, #tpu.memory_space<hbm>>) target_semaphore(%arg14 : memref<!tpu.dma_semaphore, #tpu.memory_space<semaphore_mem>>)
      %add3A_1780 = arith.constant 2 : i32
      %add3A_1781 = arith.addi %mul3A_2, %add3A_1780 : i32
      %dma_start3A_1782 = arith.constant 2 : i32
      %dma_start3A_1783 = arith.constant 3 : i32
      %dma_start3A_1784 = arith.constant 3 : i32
      %dma_start3A_1785 = arith.constant 0 : i32
      %dma_start3A_1786 = arith.constant 0 : i32
      %dma_start3A_1787 = tpu.memref_slice %arg10[%dma_start3A_1782, %dma_start3A_1783, %dma_start3A_1785, %dma_start3A_1786] : memref<4x4x8x133xf32, #tpu.memory_space<vmem>> -> memref<1x1x8x128xf32, #tpu.memory_space<vmem>>
      %dma_start3A_1788 = tpu.memref_squeeze %dma_start3A_1787 : memref<1x1x8x128xf32, #tpu.memory_space<vmem>> -> memref<8x128xf32, #tpu.memory_space<vmem>>
      %dma_start3A_1789 = arith.constant 0 : i32
      %dma_start3A_1790 = arith.constant 0 : i32
      %dma_start3A_1791 = tpu.memref_slice %arg4[%mul3A_1068, %dma_start3A_1784, %add3A_1781, %dma_start3A_1789, %dma_start3A_1790] : memref<50x4x128x8x128xf32, #tpu.memory_space<hbm>> -> memref<1x1x1x8x128xf32, #tpu.memory_space<hbm>>
      %dma_start3A_1792 = tpu.memref_squeeze %dma_start3A_1791 : memref<1x1x1x8x128xf32, #tpu.memory_space<hbm>> -> memref<8x128xf32, #tpu.memory_space<hbm>>
      %dma_start3A_1793 = arith.constant 0 : i32
      %dma_start3A_1794 = arith.constant 0 : i32
      %dma_start3A_1795 = tpu.memref_slice %arg4[%mul3A_1068, %dma_start3A_1784, %add3A_1781, %dma_start3A_1793, %dma_start3A_1794] : memref<50x4x128x8x128xf32, #tpu.memory_space<hbm>> -> memref<1x1x1x8x128xf32, #tpu.memory_space<hbm>>
      %dma_start3A_1796 = tpu.memref_squeeze %dma_start3A_1795 : memref<1x1x1x8x128xf32, #tpu.memory_space<hbm>> -> memref<8x128xf32, #tpu.memory_space<hbm>>
      %dma_start3A_1797 = arith.constant 0 : i32
      %dma_start3A_1798 = arith.constant 0 : i32
      %dma_start3A_1799 = tpu.memref_slice %arg10[%dma_start3A_1782, %dma_start3A_1783, %dma_start3A_1797, %dma_start3A_1798] : memref<4x4x8x133xf32, #tpu.memory_space<vmem>> -> memref<1x1x8x128xf32, #tpu.memory_space<vmem>>
      %dma_start3A_1800 = tpu.memref_squeeze %dma_start3A_1799 : memref<1x1x8x128xf32, #tpu.memory_space<vmem>> -> memref<8x128xf32, #tpu.memory_space<vmem>>
      tpu.enqueue_dma source(%dma_start3A_1800 : memref<8x128xf32, #tpu.memory_space<vmem>>) target(%dma_start3A_1796 : memref<8x128xf32, #tpu.memory_space<hbm>>) target_semaphore(%arg14 : memref<!tpu.dma_semaphore, #tpu.memory_space<semaphore_mem>>)
      %add3A_1801 = arith.constant 3 : i32
      %add3A_1802 = arith.addi %mul3A_2, %add3A_1801 : i32
      %dma_start3A_1803 = arith.constant 3 : i32
      %dma_start3A_1804 = arith.constant 0 : i32
      %dma_start3A_1805 = arith.constant 0 : i32
      %dma_start3A_1806 = arith.constant 0 : i32
      %dma_start3A_1807 = arith.constant 0 : i32
      %dma_start3A_1808 = tpu.memref_slice %arg10[%dma_start3A_1803, %dma_start3A_1804, %dma_start3A_1806, %dma_start3A_1807] : memref<4x4x8x133xf32, #tpu.memory_space<vmem>> -> memref<1x1x8x128xf32, #tpu.memory_space<vmem>>
      %dma_start3A_1809 = tpu.memref_squeeze %dma_start3A_1808 : memref<1x1x8x128xf32, #tpu.memory_space<vmem>> -> memref<8x128xf32, #tpu.memory_space<vmem>>
      %dma_start3A_1810 = arith.constant 0 : i32
      %dma_start3A_1811 = arith.constant 0 : i32
      %dma_start3A_1812 = tpu.memref_slice %arg4[%mul3A_1068, %dma_start3A_1805, %add3A_1802, %dma_start3A_1810, %dma_start3A_1811] : memref<50x4x128x8x128xf32, #tpu.memory_space<hbm>> -> memref<1x1x1x8x128xf32, #tpu.memory_space<hbm>>
      %dma_start3A_1813 = tpu.memref_squeeze %dma_start3A_1812 : memref<1x1x1x8x128xf32, #tpu.memory_space<hbm>> -> memref<8x128xf32, #tpu.memory_space<hbm>>
      %dma_start3A_1814 = arith.constant 0 : i32
      %dma_start3A_1815 = arith.constant 0 : i32
      %dma_start3A_1816 = tpu.memref_slice %arg4[%mul3A_1068, %dma_start3A_1805, %add3A_1802, %dma_start3A_1814, %dma_start3A_1815] : memref<50x4x128x8x128xf32, #tpu.memory_space<hbm>> -> memref<1x1x1x8x128xf32, #tpu.memory_space<hbm>>
      %dma_start3A_1817 = tpu.memref_squeeze %dma_start3A_1816 : memref<1x1x1x8x128xf32, #tpu.memory_space<hbm>> -> memref<8x128xf32, #tpu.memory_space<hbm>>
      %dma_start3A_1818 = arith.constant 0 : i32
      %dma_start3A_1819 = arith.constant 0 : i32
      %dma_start3A_1820 = tpu.memref_slice %arg10[%dma_start3A_1803, %dma_start3A_1804, %dma_start3A_1818, %dma_start3A_1819] : memref<4x4x8x133xf32, #tpu.memory_space<vmem>> -> memref<1x1x8x128xf32, #tpu.memory_space<vmem>>
      %dma_start3A_1821 = tpu.memref_squeeze %dma_start3A_1820 : memref<1x1x8x128xf32, #tpu.memory_space<vmem>> -> memref<8x128xf32, #tpu.memory_space<vmem>>
      tpu.enqueue_dma source(%dma_start3A_1821 : memref<8x128xf32, #tpu.memory_space<vmem>>) target(%dma_start3A_1817 : memref<8x128xf32, #tpu.memory_space<hbm>>) target_semaphore(%arg14 : memref<!tpu.dma_semaphore, #tpu.memory_space<semaphore_mem>>)
      %add3A_1822 = arith.constant 3 : i32
      %add3A_1823 = arith.addi %mul3A_2, %add3A_1822 : i32
      %dma_start3A_1824 = arith.constant 3 : i32
      %dma_start3A_1825 = arith.constant 1 : i32
      %dma_start3A_1826 = arith.constant 1 : i32
      %dma_start3A_1827 = arith.constant 0 : i32
      %dma_start3A_1828 = arith.constant 0 : i32
      %dma_start3A_1829 = tpu.memref_slice %arg10[%dma_start3A_1824, %dma_start3A_1825, %dma_start3A_1827, %dma_start3A_1828] : memref<4x4x8x133xf32, #tpu.memory_space<vmem>> -> memref<1x1x8x128xf32, #tpu.memory_space<vmem>>
      %dma_start3A_1830 = tpu.memref_squeeze %dma_start3A_1829 : memref<1x1x8x128xf32, #tpu.memory_space<vmem>> -> memref<8x128xf32, #tpu.memory_space<vmem>>
      %dma_start3A_1831 = arith.constant 0 : i32
      %dma_start3A_1832 = arith.constant 0 : i32
      %dma_start3A_1833 = tpu.memref_slice %arg4[%mul3A_1068, %dma_start3A_1826, %add3A_1823, %dma_start3A_1831, %dma_start3A_1832] : memref<50x4x128x8x128xf32, #tpu.memory_space<hbm>> -> memref<1x1x1x8x128xf32, #tpu.memory_space<hbm>>
      %dma_start3A_1834 = tpu.memref_squeeze %dma_start3A_1833 : memref<1x1x1x8x128xf32, #tpu.memory_space<hbm>> -> memref<8x128xf32, #tpu.memory_space<hbm>>
      %dma_start3A_1835 = arith.constant 0 : i32
      %dma_start3A_1836 = arith.constant 0 : i32
      %dma_start3A_1837 = tpu.memref_slice %arg4[%mul3A_1068, %dma_start3A_1826, %add3A_1823, %dma_start3A_1835, %dma_start3A_1836] : memref<50x4x128x8x128xf32, #tpu.memory_space<hbm>> -> memref<1x1x1x8x128xf32, #tpu.memory_space<hbm>>
      %dma_start3A_1838 = tpu.memref_squeeze %dma_start3A_1837 : memref<1x1x1x8x128xf32, #tpu.memory_space<hbm>> -> memref<8x128xf32, #tpu.memory_space<hbm>>
      %dma_start3A_1839 = arith.constant 0 : i32
      %dma_start3A_1840 = arith.constant 0 : i32
      %dma_start3A_1841 = tpu.memref_slice %arg10[%dma_start3A_1824, %dma_start3A_1825, %dma_start3A_1839, %dma_start3A_1840] : memref<4x4x8x133xf32, #tpu.memory_space<vmem>> -> memref<1x1x8x128xf32, #tpu.memory_space<vmem>>
      %dma_start3A_1842 = tpu.memref_squeeze %dma_start3A_1841 : memref<1x1x8x128xf32, #tpu.memory_space<vmem>> -> memref<8x128xf32, #tpu.memory_space<vmem>>
      tpu.enqueue_dma source(%dma_start3A_1842 : memref<8x128xf32, #tpu.memory_space<vmem>>) target(%dma_start3A_1838 : memref<8x128xf32, #tpu.memory_space<hbm>>) target_semaphore(%arg14 : memref<!tpu.dma_semaphore, #tpu.memory_space<semaphore_mem>>)
      %add3A_1843 = arith.constant 3 : i32
      %add3A_1844 = arith.addi %mul3A_2, %add3A_1843 : i32
      %dma_start3A_1845 = arith.constant 3 : i32
      %dma_start3A_1846 = arith.constant 2 : i32
      %dma_start3A_1847 = arith.constant 2 : i32
      %dma_start3A_1848 = arith.constant 0 : i32
      %dma_start3A_1849 = arith.constant 0 : i32
      %dma_start3A_1850 = tpu.memref_slice %arg10[%dma_start3A_1845, %dma_start3A_1846, %dma_start3A_1848, %dma_start3A_1849] : memref<4x4x8x133xf32, #tpu.memory_space<vmem>> -> memref<1x1x8x128xf32, #tpu.memory_space<vmem>>
      %dma_start3A_1851 = tpu.memref_squeeze %dma_start3A_1850 : memref<1x1x8x128xf32, #tpu.memory_space<vmem>> -> memref<8x128xf32, #tpu.memory_space<vmem>>
      %dma_start3A_1852 = arith.constant 0 : i32
      %dma_start3A_1853 = arith.constant 0 : i32
      %dma_start3A_1854 = tpu.memref_slice %arg4[%mul3A_1068, %dma_start3A_1847, %add3A_1844, %dma_start3A_1852, %dma_start3A_1853] : memref<50x4x128x8x128xf32, #tpu.memory_space<hbm>> -> memref<1x1x1x8x128xf32, #tpu.memory_space<hbm>>
      %dma_start3A_1855 = tpu.memref_squeeze %dma_start3A_1854 : memref<1x1x1x8x128xf32, #tpu.memory_space<hbm>> -> memref<8x128xf32, #tpu.memory_space<hbm>>
      %dma_start3A_1856 = arith.constant 0 : i32
      %dma_start3A_1857 = arith.constant 0 : i32
      %dma_start3A_1858 = tpu.memref_slice %arg4[%mul3A_1068, %dma_start3A_1847, %add3A_1844, %dma_start3A_1856, %dma_start3A_1857] : memref<50x4x128x8x128xf32, #tpu.memory_space<hbm>> -> memref<1x1x1x8x128xf32, #tpu.memory_space<hbm>>
      %dma_start3A_1859 = tpu.memref_squeeze %dma_start3A_1858 : memref<1x1x1x8x128xf32, #tpu.memory_space<hbm>> -> memref<8x128xf32, #tpu.memory_space<hbm>>
      %dma_start3A_1860 = arith.constant 0 : i32
      %dma_start3A_1861 = arith.constant 0 : i32
      %dma_start3A_1862 = tpu.memref_slice %arg10[%dma_start3A_1845, %dma_start3A_1846, %dma_start3A_1860, %dma_start3A_1861] : memref<4x4x8x133xf32, #tpu.memory_space<vmem>> -> memref<1x1x8x128xf32, #tpu.memory_space<vmem>>
      %dma_start3A_1863 = tpu.memref_squeeze %dma_start3A_1862 : memref<1x1x8x128xf32, #tpu.memory_space<vmem>> -> memref<8x128xf32, #tpu.memory_space<vmem>>
      tpu.enqueue_dma source(%dma_start3A_1863 : memref<8x128xf32, #tpu.memory_space<vmem>>) target(%dma_start3A_1859 : memref<8x128xf32, #tpu.memory_space<hbm>>) target_semaphore(%arg14 : memref<!tpu.dma_semaphore, #tpu.memory_space<semaphore_mem>>)
      %add3A_1864 = arith.constant 3 : i32
      %add3A_1865 = arith.addi %mul3A_2, %add3A_1864 : i32
      %dma_start3A_1866 = arith.constant 3 : i32
      %dma_start3A_1867 = arith.constant 3 : i32
      %dma_start3A_1868 = arith.constant 3 : i32
      %dma_start3A_1869 = arith.constant 0 : i32
      %dma_start3A_1870 = arith.constant 0 : i32
      %dma_start3A_1871 = tpu.memref_slice %arg10[%dma_start3A_1866, %dma_start3A_1867, %dma_start3A_1869, %dma_start3A_1870] : memref<4x4x8x133xf32, #tpu.memory_space<vmem>> -> memref<1x1x8x128xf32, #tpu.memory_space<vmem>>
      %dma_start3A_1872 = tpu.memref_squeeze %dma_start3A_1871 : memref<1x1x8x128xf32, #tpu.memory_space<vmem>> -> memref<8x128xf32, #tpu.memory_space<vmem>>
      %dma_start3A_1873 = arith.constant 0 : i32
      %dma_start3A_1874 = arith.constant 0 : i32
      %dma_start3A_1875 = tpu.memref_slice %arg4[%mul3A_1068, %dma_start3A_1868, %add3A_1865, %dma_start3A_1873, %dma_start3A_1874] : memref<50x4x128x8x128xf32, #tpu.memory_space<hbm>> -> memref<1x1x1x8x128xf32, #tpu.memory_space<hbm>>
      %dma_start3A_1876 = tpu.memref_squeeze %dma_start3A_1875 : memref<1x1x1x8x128xf32, #tpu.memory_space<hbm>> -> memref<8x128xf32, #tpu.memory_space<hbm>>
      %dma_start3A_1877 = arith.constant 0 : i32
      %dma_start3A_1878 = arith.constant 0 : i32
      %dma_start3A_1879 = tpu.memref_slice %arg4[%mul3A_1068, %dma_start3A_1868, %add3A_1865, %dma_start3A_1877, %dma_start3A_1878] : memref<50x4x128x8x128xf32, #tpu.memory_space<hbm>> -> memref<1x1x1x8x128xf32, #tpu.memory_space<hbm>>
      %dma_start3A_1880 = tpu.memref_squeeze %dma_start3A_1879 : memref<1x1x1x8x128xf32, #tpu.memory_space<hbm>> -> memref<8x128xf32, #tpu.memory_space<hbm>>
      %dma_start3A_1881 = arith.constant 0 : i32
      %dma_start3A_1882 = arith.constant 0 : i32
      %dma_start3A_1883 = tpu.memref_slice %arg10[%dma_start3A_1866, %dma_start3A_1867, %dma_start3A_1881, %dma_start3A_1882] : memref<4x4x8x133xf32, #tpu.memory_space<vmem>> -> memref<1x1x8x128xf32, #tpu.memory_space<vmem>>
      %dma_start3A_1884 = tpu.memref_squeeze %dma_start3A_1883 : memref<1x1x8x128xf32, #tpu.memory_space<vmem>> -> memref<8x128xf32, #tpu.memory_space<vmem>>
      tpu.enqueue_dma source(%dma_start3A_1884 : memref<8x128xf32, #tpu.memory_space<vmem>>) target(%dma_start3A_1880 : memref<8x128xf32, #tpu.memory_space<hbm>>) target_semaphore(%arg14 : memref<!tpu.dma_semaphore, #tpu.memory_space<semaphore_mem>>)
      %lt3A_1885 = arith.constant 24 : i32
      %lt3A_1886 = arith.cmpi slt, %scan3A_1066, %lt3A_1885 : i32
      %convert_element_type3A_1887 = arith.extui %lt3A_1886 : i1 to i32
      %cond3A_1888 = arith.constant 0 : i32
      %cond3A_1889 = arith.cmpi ne, %convert_element_type3A_1887, %cond3A_1888 : i32
      scf.if %cond3A_1889 {
        %add3A_2299 = arith.constant 2 : i32
        %add3A_2300 = arith.addi %mul3A_1068, %add3A_2299 : i32
        %add3A_2301 = arith.constant 0 : i32
        %add3A_2302 = arith.addi %add3A_2301, %add3A_2300 : i32
        %add3A_2303 = vector.broadcast %add3A_2302 : i32 to vector<16xi32>
        %add3A_2304 = arith.addi %mul3A_7, %add3A_2303 : vector<16xi32>
        %shift_right_arithmetic3A_2305 = arith.constant 7 : i32
        %shift_right_arithmetic3A_2306 = vector.broadcast %shift_right_arithmetic3A_2305 : i32 to vector<16xi32>
        %shift_right_arithmetic3A_2307 = arith.shrsi %add3A_2304, %shift_right_arithmetic3A_2306 : vector<16xi32>
        %and3A_2308 = arith.constant 127 : i32
        %and3A_2309 = vector.broadcast %and3A_2308 : i32 to vector<16xi32>
        %and3A_2310 = arith.andi %add3A_2304, %and3A_2309 : vector<16xi32>
        %gather3A_2311 = tpu.vector_load_idx %arg5[%shift_right_arithmetic3A_2307, %and3A_2310] : memref<200x128xi32, #tpu.memory_space<vmem>>[vector<16xi32>, vector<16xi32>], vector<16xi32>,
        %swap3A_2312 = arith.constant 0 : index
        %swap3A_2313 = tpu.vector_load %arg6[%swap3A_2312] {strides = array<i32>} : memref<512xi32, #tpu.memory_space<vmem>>, vector<16xi32>,
        tpu.vector_store %arg6[%swap3A_2312], %gather3A_2311 {strides = array<i32>} : memref<512xi32, #tpu.memory_space<vmem>>, vector<16xi32>,
        %add3A_2314 = arith.constant 800 : i32
        %add3A_2315 = arith.addi %add3A_2314, %add3A_2300 : i32
        %add3A_2316 = vector.broadcast %add3A_2315 : i32 to vector<16xi32>
        %add3A_2317 = arith.addi %mul3A_7, %add3A_2316 : vector<16xi32>
        %shift_right_arithmetic3A_2318 = arith.constant 7 : i32
        %shift_right_arithmetic3A_2319 = vector.broadcast %shift_right_arithmetic3A_2318 : i32 to vector<16xi32>
        %shift_right_arithmetic3A_2320 = arith.shrsi %add3A_2317, %shift_right_arithmetic3A_2319 : vector<16xi32>
        %and3A_2321 = arith.constant 127 : i32
        %and3A_2322 = vector.broadcast %and3A_2321 : i32 to vector<16xi32>
        %and3A_2323 = arith.andi %add3A_2317, %and3A_2322 : vector<16xi32>
        %gather3A_2324 = tpu.vector_load_idx %arg5[%shift_right_arithmetic3A_2320, %and3A_2323] : memref<200x128xi32, #tpu.memory_space<vmem>>[vector<16xi32>, vector<16xi32>], vector<16xi32>,
        %swap3A_2325 = arith.constant 16 : index
        %swap3A_2326 = tpu.vector_load %arg6[%swap3A_2325] {strides = array<i32>} : memref<512xi32, #tpu.memory_space<vmem>>, vector<16xi32>,
        tpu.vector_store %arg6[%swap3A_2325], %gather3A_2324 {strides = array<i32>} : memref<512xi32, #tpu.memory_space<vmem>>, vector<16xi32>,
        %add3A_2327 = arith.constant 1600 : i32
        %add3A_2328 = arith.addi %add3A_2327, %add3A_2300 : i32
        %add3A_2329 = vector.broadcast %add3A_2328 : i32 to vector<16xi32>
        %add3A_2330 = arith.addi %mul3A_7, %add3A_2329 : vector<16xi32>
        %shift_right_arithmetic3A_2331 = arith.constant 7 : i32
        %shift_right_arithmetic3A_2332 = vector.broadcast %shift_right_arithmetic3A_2331 : i32 to vector<16xi32>
        %shift_right_arithmetic3A_2333 = arith.shrsi %add3A_2330, %shift_right_arithmetic3A_2332 : vector<16xi32>
        %and3A_2334 = arith.constant 127 : i32
        %and3A_2335 = vector.broadcast %and3A_2334 : i32 to vector<16xi32>
        %and3A_2336 = arith.andi %add3A_2330, %and3A_2335 : vector<16xi32>
        %gather3A_2337 = tpu.vector_load_idx %arg5[%shift_right_arithmetic3A_2333, %and3A_2336] : memref<200x128xi32, #tpu.memory_space<vmem>>[vector<16xi32>, vector<16xi32>], vector<16xi32>,
        %swap3A_2338 = arith.constant 32 : index
        %swap3A_2339 = tpu.vector_load %arg6[%swap3A_2338] {strides = array<i32>} : memref<512xi32, #tpu.memory_space<vmem>>, vector<16xi32>,
        tpu.vector_store %arg6[%swap3A_2338], %gather3A_2337 {strides = array<i32>} : memref<512xi32, #tpu.memory_space<vmem>>, vector<16xi32>,
        %add3A_2340 = arith.constant 2400 : i32
        %add3A_2341 = arith.addi %add3A_2340, %add3A_2300 : i32
        %add3A_2342 = vector.broadcast %add3A_2341 : i32 to vector<16xi32>
        %add3A_2343 = arith.addi %mul3A_7, %add3A_2342 : vector<16xi32>
        %shift_right_arithmetic3A_2344 = arith.constant 7 : i32
        %shift_right_arithmetic3A_2345 = vector.broadcast %shift_right_arithmetic3A_2344 : i32 to vector<16xi32>
        %shift_right_arithmetic3A_2346 = arith.shrsi %add3A_2343, %shift_right_arithmetic3A_2345 : vector<16xi32>
        %and3A_2347 = arith.constant 127 : i32
        %and3A_2348 = vector.broadcast %and3A_2347 : i32 to vector<16xi32>
        %and3A_2349 = arith.andi %add3A_2343, %and3A_2348 : vector<16xi32>
        %gather3A_2350 = tpu.vector_load_idx %arg5[%shift_right_arithmetic3A_2346, %and3A_2349] : memref<200x128xi32, #tpu.memory_space<vmem>>[vector<16xi32>, vector<16xi32>], vector<16xi32>,
        %swap3A_2351 = arith.constant 48 : index
        %swap3A_2352 = tpu.vector_load %arg6[%swap3A_2351] {strides = array<i32>} : memref<512xi32, #tpu.memory_space<vmem>>, vector<16xi32>,
        tpu.vector_store %arg6[%swap3A_2351], %gather3A_2350 {strides = array<i32>} : memref<512xi32, #tpu.memory_space<vmem>>, vector<16xi32>,
        %add3A_2353 = arith.constant 3200 : i32
        %add3A_2354 = arith.addi %add3A_2353, %add3A_2300 : i32
        %add3A_2355 = vector.broadcast %add3A_2354 : i32 to vector<16xi32>
        %add3A_2356 = arith.addi %mul3A_7, %add3A_2355 : vector<16xi32>
        %shift_right_arithmetic3A_2357 = arith.constant 7 : i32
        %shift_right_arithmetic3A_2358 = vector.broadcast %shift_right_arithmetic3A_2357 : i32 to vector<16xi32>
        %shift_right_arithmetic3A_2359 = arith.shrsi %add3A_2356, %shift_right_arithmetic3A_2358 : vector<16xi32>
        %and3A_2360 = arith.constant 127 : i32
        %and3A_2361 = vector.broadcast %and3A_2360 : i32 to vector<16xi32>
        %and3A_2362 = arith.andi %add3A_2356, %and3A_2361 : vector<16xi32>
        %gather3A_2363 = tpu.vector_load_idx %arg5[%shift_right_arithmetic3A_2359, %and3A_2362] : memref<200x128xi32, #tpu.memory_space<vmem>>[vector<16xi32>, vector<16xi32>], vector<16xi32>,
        %swap3A_2364 = arith.constant 64 : index
        %swap3A_2365 = tpu.vector_load %arg6[%swap3A_2364] {strides = array<i32>} : memref<512xi32, #tpu.memory_space<vmem>>, vector<16xi32>,
        tpu.vector_store %arg6[%swap3A_2364], %gather3A_2363 {strides = array<i32>} : memref<512xi32, #tpu.memory_space<vmem>>, vector<16xi32>,
        %add3A_2366 = arith.constant 4000 : i32
        %add3A_2367 = arith.addi %add3A_2366, %add3A_2300 : i32
        %add3A_2368 = vector.broadcast %add3A_2367 : i32 to vector<16xi32>
        %add3A_2369 = arith.addi %mul3A_7, %add3A_2368 : vector<16xi32>
        %shift_right_arithmetic3A_2370 = arith.constant 7 : i32
        %shift_right_arithmetic3A_2371 = vector.broadcast %shift_right_arithmetic3A_2370 : i32 to vector<16xi32>
        %shift_right_arithmetic3A_2372 = arith.shrsi %add3A_2369, %shift_right_arithmetic3A_2371 : vector<16xi32>
        %and3A_2373 = arith.constant 127 : i32
        %and3A_2374 = vector.broadcast %and3A_2373 : i32 to vector<16xi32>
        %and3A_2375 = arith.andi %add3A_2369, %and3A_2374 : vector<16xi32>
        %gather3A_2376 = tpu.vector_load_idx %arg5[%shift_right_arithmetic3A_2372, %and3A_2375] : memref<200x128xi32, #tpu.memory_space<vmem>>[vector<16xi32>, vector<16xi32>], vector<16xi32>,
        %swap3A_2377 = arith.constant 80 : index
        %swap3A_2378 = tpu.vector_load %arg6[%swap3A_2377] {strides = array<i32>} : memref<512xi32, #tpu.memory_space<vmem>>, vector<16xi32>,
        tpu.vector_store %arg6[%swap3A_2377], %gather3A_2376 {strides = array<i32>} : memref<512xi32, #tpu.memory_space<vmem>>, vector<16xi32>,
        %add3A_2379 = arith.constant 4800 : i32
        %add3A_2380 = arith.addi %add3A_2379, %add3A_2300 : i32
        %add3A_2381 = vector.broadcast %add3A_2380 : i32 to vector<16xi32>
        %add3A_2382 = arith.addi %mul3A_7, %add3A_2381 : vector<16xi32>
        %shift_right_arithmetic3A_2383 = arith.constant 7 : i32
        %shift_right_arithmetic3A_2384 = vector.broadcast %shift_right_arithmetic3A_2383 : i32 to vector<16xi32>
        %shift_right_arithmetic3A_2385 = arith.shrsi %add3A_2382, %shift_right_arithmetic3A_2384 : vector<16xi32>
        %and3A_2386 = arith.constant 127 : i32
        %and3A_2387 = vector.broadcast %and3A_2386 : i32 to vector<16xi32>
        %and3A_2388 = arith.andi %add3A_2382, %and3A_2387 : vector<16xi32>
        %gather3A_2389 = tpu.vector_load_idx %arg5[%shift_right_arithmetic3A_2385, %and3A_2388] : memref<200x128xi32, #tpu.memory_space<vmem>>[vector<16xi32>, vector<16xi32>], vector<16xi32>,
        %swap3A_2390 = arith.constant 96 : index
        %swap3A_2391 = tpu.vector_load %arg6[%swap3A_2390] {strides = array<i32>} : memref<512xi32, #tpu.memory_space<vmem>>, vector<16xi32>,
        tpu.vector_store %arg6[%swap3A_2390], %gather3A_2389 {strides = array<i32>} : memref<512xi32, #tpu.memory_space<vmem>>, vector<16xi32>,
        %add3A_2392 = arith.constant 5600 : i32
        %add3A_2393 = arith.addi %add3A_2392, %add3A_2300 : i32
        %add3A_2394 = vector.broadcast %add3A_2393 : i32 to vector<16xi32>
        %add3A_2395 = arith.addi %mul3A_7, %add3A_2394 : vector<16xi32>
        %shift_right_arithmetic3A_2396 = arith.constant 7 : i32
        %shift_right_arithmetic3A_2397 = vector.broadcast %shift_right_arithmetic3A_2396 : i32 to vector<16xi32>
        %shift_right_arithmetic3A_2398 = arith.shrsi %add3A_2395, %shift_right_arithmetic3A_2397 : vector<16xi32>
        %and3A_2399 = arith.constant 127 : i32
        %and3A_2400 = vector.broadcast %and3A_2399 : i32 to vector<16xi32>
        %and3A_2401 = arith.andi %add3A_2395, %and3A_2400 : vector<16xi32>
        %gather3A_2402 = tpu.vector_load_idx %arg5[%shift_right_arithmetic3A_2398, %and3A_2401] : memref<200x128xi32, #tpu.memory_space<vmem>>[vector<16xi32>, vector<16xi32>], vector<16xi32>,
        %swap3A_2403 = arith.constant 112 : index
        %swap3A_2404 = tpu.vector_load %arg6[%swap3A_2403] {strides = array<i32>} : memref<512xi32, #tpu.memory_space<vmem>>, vector<16xi32>,
        tpu.vector_store %arg6[%swap3A_2403], %gather3A_2402 {strides = array<i32>} : memref<512xi32, #tpu.memory_space<vmem>>, vector<16xi32>,
        %add3A_2405 = arith.constant 6400 : i32
        %add3A_2406 = arith.addi %add3A_2405, %add3A_2300 : i32
        %add3A_2407 = vector.broadcast %add3A_2406 : i32 to vector<16xi32>
        %add3A_2408 = arith.addi %mul3A_7, %add3A_2407 : vector<16xi32>
        %shift_right_arithmetic3A_2409 = arith.constant 7 : i32
        %shift_right_arithmetic3A_2410 = vector.broadcast %shift_right_arithmetic3A_2409 : i32 to vector<16xi32>
        %shift_right_arithmetic3A_2411 = arith.shrsi %add3A_2408, %shift_right_arithmetic3A_2410 : vector<16xi32>
        %and3A_2412 = arith.constant 127 : i32
        %and3A_2413 = vector.broadcast %and3A_2412 : i32 to vector<16xi32>
        %and3A_2414 = arith.andi %add3A_2408, %and3A_2413 : vector<16xi32>
        %gather3A_2415 = tpu.vector_load_idx %arg5[%shift_right_arithmetic3A_2411, %and3A_2414] : memref<200x128xi32, #tpu.memory_space<vmem>>[vector<16xi32>, vector<16xi32>], vector<16xi32>,
        %swap3A_2416 = arith.constant 128 : index
        %swap3A_2417 = tpu.vector_load %arg6[%swap3A_2416] {strides = array<i32>} : memref<512xi32, #tpu.memory_space<vmem>>, vector<16xi32>,
        tpu.vector_store %arg6[%swap3A_2416], %gather3A_2415 {strides = array<i32>} : memref<512xi32, #tpu.memory_space<vmem>>, vector<16xi32>,
        %add3A_2418 = arith.constant 7200 : i32
        %add3A_2419 = arith.addi %add3A_2418, %add3A_2300 : i32
        %add3A_2420 = vector.broadcast %add3A_2419 : i32 to vector<16xi32>
        %add3A_2421 = arith.addi %mul3A_7, %add3A_2420 : vector<16xi32>
        %shift_right_arithmetic3A_2422 = arith.constant 7 : i32
        %shift_right_arithmetic3A_2423 = vector.broadcast %shift_right_arithmetic3A_2422 : i32 to vector<16xi32>
        %shift_right_arithmetic3A_2424 = arith.shrsi %add3A_2421, %shift_right_arithmetic3A_2423 : vector<16xi32>
        %and3A_2425 = arith.constant 127 : i32
        %and3A_2426 = vector.broadcast %and3A_2425 : i32 to vector<16xi32>
        %and3A_2427 = arith.andi %add3A_2421, %and3A_2426 : vector<16xi32>
        %gather3A_2428 = tpu.vector_load_idx %arg5[%shift_right_arithmetic3A_2424, %and3A_2427] : memref<200x128xi32, #tpu.memory_space<vmem>>[vector<16xi32>, vector<16xi32>], vector<16xi32>,
        %swap3A_2429 = arith.constant 144 : index
        %swap3A_2430 = tpu.vector_load %arg6[%swap3A_2429] {strides = array<i32>} : memref<512xi32, #tpu.memory_space<vmem>>, vector<16xi32>,
        tpu.vector_store %arg6[%swap3A_2429], %gather3A_2428 {strides = array<i32>} : memref<512xi32, #tpu.memory_space<vmem>>, vector<16xi32>,
        %add3A_2431 = arith.constant 8000 : i32
        %add3A_2432 = arith.addi %add3A_2431, %add3A_2300 : i32
        %add3A_2433 = vector.broadcast %add3A_2432 : i32 to vector<16xi32>
        %add3A_2434 = arith.addi %mul3A_7, %add3A_2433 : vector<16xi32>
        %shift_right_arithmetic3A_2435 = arith.constant 7 : i32
        %shift_right_arithmetic3A_2436 = vector.broadcast %shift_right_arithmetic3A_2435 : i32 to vector<16xi32>
        %shift_right_arithmetic3A_2437 = arith.shrsi %add3A_2434, %shift_right_arithmetic3A_2436 : vector<16xi32>
        %and3A_2438 = arith.constant 127 : i32
        %and3A_2439 = vector.broadcast %and3A_2438 : i32 to vector<16xi32>
        %and3A_2440 = arith.andi %add3A_2434, %and3A_2439 : vector<16xi32>
        %gather3A_2441 = tpu.vector_load_idx %arg5[%shift_right_arithmetic3A_2437, %and3A_2440] : memref<200x128xi32, #tpu.memory_space<vmem>>[vector<16xi32>, vector<16xi32>], vector<16xi32>,
        %swap3A_2442 = arith.constant 160 : index
        %swap3A_2443 = tpu.vector_load %arg6[%swap3A_2442] {strides = array<i32>} : memref<512xi32, #tpu.memory_space<vmem>>, vector<16xi32>,
        tpu.vector_store %arg6[%swap3A_2442], %gather3A_2441 {strides = array<i32>} : memref<512xi32, #tpu.memory_space<vmem>>, vector<16xi32>,
        %add3A_2444 = arith.constant 8800 : i32
        %add3A_2445 = arith.addi %add3A_2444, %add3A_2300 : i32
        %add3A_2446 = vector.broadcast %add3A_2445 : i32 to vector<16xi32>
        %add3A_2447 = arith.addi %mul3A_7, %add3A_2446 : vector<16xi32>
        %shift_right_arithmetic3A_2448 = arith.constant 7 : i32
        %shift_right_arithmetic3A_2449 = vector.broadcast %shift_right_arithmetic3A_2448 : i32 to vector<16xi32>
        %shift_right_arithmetic3A_2450 = arith.shrsi %add3A_2447, %shift_right_arithmetic3A_2449 : vector<16xi32>
        %and3A_2451 = arith.constant 127 : i32
        %and3A_2452 = vector.broadcast %and3A_2451 : i32 to vector<16xi32>
        %and3A_2453 = arith.andi %add3A_2447, %and3A_2452 : vector<16xi32>
        %gather3A_2454 = tpu.vector_load_idx %arg5[%shift_right_arithmetic3A_2450, %and3A_2453] : memref<200x128xi32, #tpu.memory_space<vmem>>[vector<16xi32>, vector<16xi32>], vector<16xi32>,
        %swap3A_2455 = arith.constant 176 : index
        %swap3A_2456 = tpu.vector_load %arg6[%swap3A_2455] {strides = array<i32>} : memref<512xi32, #tpu.memory_space<vmem>>, vector<16xi32>,
        tpu.vector_store %arg6[%swap3A_2455], %gather3A_2454 {strides = array<i32>} : memref<512xi32, #tpu.memory_space<vmem>>, vector<16xi32>,
        %add3A_2457 = arith.constant 9600 : i32
        %add3A_2458 = arith.addi %add3A_2457, %add3A_2300 : i32
        %add3A_2459 = vector.broadcast %add3A_2458 : i32 to vector<16xi32>
        %add3A_2460 = arith.addi %mul3A_7, %add3A_2459 : vector<16xi32>
        %shift_right_arithmetic3A_2461 = arith.constant 7 : i32
        %shift_right_arithmetic3A_2462 = vector.broadcast %shift_right_arithmetic3A_2461 : i32 to vector<16xi32>
        %shift_right_arithmetic3A_2463 = arith.shrsi %add3A_2460, %shift_right_arithmetic3A_2462 : vector<16xi32>
        %and3A_2464 = arith.constant 127 : i32
        %and3A_2465 = vector.broadcast %and3A_2464 : i32 to vector<16xi32>
        %and3A_2466 = arith.andi %add3A_2460, %and3A_2465 : vector<16xi32>
        %gather3A_2467 = tpu.vector_load_idx %arg5[%shift_right_arithmetic3A_2463, %and3A_2466] : memref<200x128xi32, #tpu.memory_space<vmem>>[vector<16xi32>, vector<16xi32>], vector<16xi32>,
        %swap3A_2468 = arith.constant 192 : index
        %swap3A_2469 = tpu.vector_load %arg6[%swap3A_2468] {strides = array<i32>} : memref<512xi32, #tpu.memory_space<vmem>>, vector<16xi32>,
        tpu.vector_store %arg6[%swap3A_2468], %gather3A_2467 {strides = array<i32>} : memref<512xi32, #tpu.memory_space<vmem>>, vector<16xi32>,
        %add3A_2470 = arith.constant 10400 : i32
        %add3A_2471 = arith.addi %add3A_2470, %add3A_2300 : i32
        %add3A_2472 = vector.broadcast %add3A_2471 : i32 to vector<16xi32>
        %add3A_2473 = arith.addi %mul3A_7, %add3A_2472 : vector<16xi32>
        %shift_right_arithmetic3A_2474 = arith.constant 7 : i32
        %shift_right_arithmetic3A_2475 = vector.broadcast %shift_right_arithmetic3A_2474 : i32 to vector<16xi32>
        %shift_right_arithmetic3A_2476 = arith.shrsi %add3A_2473, %shift_right_arithmetic3A_2475 : vector<16xi32>
        %and3A_2477 = arith.constant 127 : i32
        %and3A_2478 = vector.broadcast %and3A_2477 : i32 to vector<16xi32>
        %and3A_2479 = arith.andi %add3A_2473, %and3A_2478 : vector<16xi32>
        %gather3A_2480 = tpu.vector_load_idx %arg5[%shift_right_arithmetic3A_2476, %and3A_2479] : memref<200x128xi32, #tpu.memory_space<vmem>>[vector<16xi32>, vector<16xi32>], vector<16xi32>,
        %swap3A_2481 = arith.constant 208 : index
        %swap3A_2482 = tpu.vector_load %arg6[%swap3A_2481] {strides = array<i32>} : memref<512xi32, #tpu.memory_space<vmem>>, vector<16xi32>,
        tpu.vector_store %arg6[%swap3A_2481], %gather3A_2480 {strides = array<i32>} : memref<512xi32, #tpu.memory_space<vmem>>, vector<16xi32>,
        %add3A_2483 = arith.constant 11200 : i32
        %add3A_2484 = arith.addi %add3A_2483, %add3A_2300 : i32
        %add3A_2485 = vector.broadcast %add3A_2484 : i32 to vector<16xi32>
        %add3A_2486 = arith.addi %mul3A_7, %add3A_2485 : vector<16xi32>
        %shift_right_arithmetic3A_2487 = arith.constant 7 : i32
        %shift_right_arithmetic3A_2488 = vector.broadcast %shift_right_arithmetic3A_2487 : i32 to vector<16xi32>
        %shift_right_arithmetic3A_2489 = arith.shrsi %add3A_2486, %shift_right_arithmetic3A_2488 : vector<16xi32>
        %and3A_2490 = arith.constant 127 : i32
        %and3A_2491 = vector.broadcast %and3A_2490 : i32 to vector<16xi32>
        %and3A_2492 = arith.andi %add3A_2486, %and3A_2491 : vector<16xi32>
        %gather3A_2493 = tpu.vector_load_idx %arg5[%shift_right_arithmetic3A_2489, %and3A_2492] : memref<200x128xi32, #tpu.memory_space<vmem>>[vector<16xi32>, vector<16xi32>], vector<16xi32>,
        %swap3A_2494 = arith.constant 224 : index
        %swap3A_2495 = tpu.vector_load %arg6[%swap3A_2494] {strides = array<i32>} : memref<512xi32, #tpu.memory_space<vmem>>, vector<16xi32>,
        tpu.vector_store %arg6[%swap3A_2494], %gather3A_2493 {strides = array<i32>} : memref<512xi32, #tpu.memory_space<vmem>>, vector<16xi32>,
        %add3A_2496 = arith.constant 12000 : i32
        %add3A_2497 = arith.addi %add3A_2496, %add3A_2300 : i32
        %add3A_2498 = vector.broadcast %add3A_2497 : i32 to vector<16xi32>
        %add3A_2499 = arith.addi %mul3A_7, %add3A_2498 : vector<16xi32>
        %shift_right_arithmetic3A_2500 = arith.constant 7 : i32
        %shift_right_arithmetic3A_2501 = vector.broadcast %shift_right_arithmetic3A_2500 : i32 to vector<16xi32>
        %shift_right_arithmetic3A_2502 = arith.shrsi %add3A_2499, %shift_right_arithmetic3A_2501 : vector<16xi32>
        %and3A_2503 = arith.constant 127 : i32
        %and3A_2504 = vector.broadcast %and3A_2503 : i32 to vector<16xi32>
        %and3A_2505 = arith.andi %add3A_2499, %and3A_2504 : vector<16xi32>
        %gather3A_2506 = tpu.vector_load_idx %arg5[%shift_right_arithmetic3A_2502, %and3A_2505] : memref<200x128xi32, #tpu.memory_space<vmem>>[vector<16xi32>, vector<16xi32>], vector<16xi32>,
        %swap3A_2507 = arith.constant 240 : index
        %swap3A_2508 = tpu.vector_load %arg6[%swap3A_2507] {strides = array<i32>} : memref<512xi32, #tpu.memory_space<vmem>>, vector<16xi32>,
        tpu.vector_store %arg6[%swap3A_2507], %gather3A_2506 {strides = array<i32>} : memref<512xi32, #tpu.memory_space<vmem>>, vector<16xi32>,
        %add3A_2509 = arith.constant 12800 : i32
        %add3A_2510 = arith.addi %add3A_2509, %add3A_2300 : i32
        %add3A_2511 = vector.broadcast %add3A_2510 : i32 to vector<16xi32>
        %add3A_2512 = arith.addi %mul3A_7, %add3A_2511 : vector<16xi32>
        %shift_right_arithmetic3A_2513 = arith.constant 7 : i32
        %shift_right_arithmetic3A_2514 = vector.broadcast %shift_right_arithmetic3A_2513 : i32 to vector<16xi32>
        %shift_right_arithmetic3A_2515 = arith.shrsi %add3A_2512, %shift_right_arithmetic3A_2514 : vector<16xi32>
        %and3A_2516 = arith.constant 127 : i32
        %and3A_2517 = vector.broadcast %and3A_2516 : i32 to vector<16xi32>
        %and3A_2518 = arith.andi %add3A_2512, %and3A_2517 : vector<16xi32>
        %gather3A_2519 = tpu.vector_load_idx %arg5[%shift_right_arithmetic3A_2515, %and3A_2518] : memref<200x128xi32, #tpu.memory_space<vmem>>[vector<16xi32>, vector<16xi32>], vector<16xi32>,
        %swap3A_2520 = arith.constant 256 : index
        %swap3A_2521 = tpu.vector_load %arg6[%swap3A_2520] {strides = array<i32>} : memref<512xi32, #tpu.memory_space<vmem>>, vector<16xi32>,
        tpu.vector_store %arg6[%swap3A_2520], %gather3A_2519 {strides = array<i32>} : memref<512xi32, #tpu.memory_space<vmem>>, vector<16xi32>,
        %add3A_2522 = arith.constant 13600 : i32
        %add3A_2523 = arith.addi %add3A_2522, %add3A_2300 : i32
        %add3A_2524 = vector.broadcast %add3A_2523 : i32 to vector<16xi32>
        %add3A_2525 = arith.addi %mul3A_7, %add3A_2524 : vector<16xi32>
        %shift_right_arithmetic3A_2526 = arith.constant 7 : i32
        %shift_right_arithmetic3A_2527 = vector.broadcast %shift_right_arithmetic3A_2526 : i32 to vector<16xi32>
        %shift_right_arithmetic3A_2528 = arith.shrsi %add3A_2525, %shift_right_arithmetic3A_2527 : vector<16xi32>
        %and3A_2529 = arith.constant 127 : i32
        %and3A_2530 = vector.broadcast %and3A_2529 : i32 to vector<16xi32>
        %and3A_2531 = arith.andi %add3A_2525, %and3A_2530 : vector<16xi32>
        %gather3A_2532 = tpu.vector_load_idx %arg5[%shift_right_arithmetic3A_2528, %and3A_2531] : memref<200x128xi32, #tpu.memory_space<vmem>>[vector<16xi32>, vector<16xi32>], vector<16xi32>,
        %swap3A_2533 = arith.constant 272 : index
        %swap3A_2534 = tpu.vector_load %arg6[%swap3A_2533] {strides = array<i32>} : memref<512xi32, #tpu.memory_space<vmem>>, vector<16xi32>,
        tpu.vector_store %arg6[%swap3A_2533], %gather3A_2532 {strides = array<i32>} : memref<512xi32, #tpu.memory_space<vmem>>, vector<16xi32>,
        %add3A_2535 = arith.constant 14400 : i32
        %add3A_2536 = arith.addi %add3A_2535, %add3A_2300 : i32
        %add3A_2537 = vector.broadcast %add3A_2536 : i32 to vector<16xi32>
        %add3A_2538 = arith.addi %mul3A_7, %add3A_2537 : vector<16xi32>
        %shift_right_arithmetic3A_2539 = arith.constant 7 : i32
        %shift_right_arithmetic3A_2540 = vector.broadcast %shift_right_arithmetic3A_2539 : i32 to vector<16xi32>
        %shift_right_arithmetic3A_2541 = arith.shrsi %add3A_2538, %shift_right_arithmetic3A_2540 : vector<16xi32>
        %and3A_2542 = arith.constant 127 : i32
        %and3A_2543 = vector.broadcast %and3A_2542 : i32 to vector<16xi32>
        %and3A_2544 = arith.andi %add3A_2538, %and3A_2543 : vector<16xi32>
        %gather3A_2545 = tpu.vector_load_idx %arg5[%shift_right_arithmetic3A_2541, %and3A_2544] : memref<200x128xi32, #tpu.memory_space<vmem>>[vector<16xi32>, vector<16xi32>], vector<16xi32>,
        %swap3A_2546 = arith.constant 288 : index
        %swap3A_2547 = tpu.vector_load %arg6[%swap3A_2546] {strides = array<i32>} : memref<512xi32, #tpu.memory_space<vmem>>, vector<16xi32>,
        tpu.vector_store %arg6[%swap3A_2546], %gather3A_2545 {strides = array<i32>} : memref<512xi32, #tpu.memory_space<vmem>>, vector<16xi32>,
        %add3A_2548 = arith.constant 15200 : i32
        %add3A_2549 = arith.addi %add3A_2548, %add3A_2300 : i32
        %add3A_2550 = vector.broadcast %add3A_2549 : i32 to vector<16xi32>
        %add3A_2551 = arith.addi %mul3A_7, %add3A_2550 : vector<16xi32>
        %shift_right_arithmetic3A_2552 = arith.constant 7 : i32
        %shift_right_arithmetic3A_2553 = vector.broadcast %shift_right_arithmetic3A_2552 : i32 to vector<16xi32>
        %shift_right_arithmetic3A_2554 = arith.shrsi %add3A_2551, %shift_right_arithmetic3A_2553 : vector<16xi32>
        %and3A_2555 = arith.constant 127 : i32
        %and3A_2556 = vector.broadcast %and3A_2555 : i32 to vector<16xi32>
        %and3A_2557 = arith.andi %add3A_2551, %and3A_2556 : vector<16xi32>
        %gather3A_2558 = tpu.vector_load_idx %arg5[%shift_right_arithmetic3A_2554, %and3A_2557] : memref<200x128xi32, #tpu.memory_space<vmem>>[vector<16xi32>, vector<16xi32>], vector<16xi32>,
        %swap3A_2559 = arith.constant 304 : index
        %swap3A_2560 = tpu.vector_load %arg6[%swap3A_2559] {strides = array<i32>} : memref<512xi32, #tpu.memory_space<vmem>>, vector<16xi32>,
        tpu.vector_store %arg6[%swap3A_2559], %gather3A_2558 {strides = array<i32>} : memref<512xi32, #tpu.memory_space<vmem>>, vector<16xi32>,
        %add3A_2561 = arith.constant 16000 : i32
        %add3A_2562 = arith.addi %add3A_2561, %add3A_2300 : i32
        %add3A_2563 = vector.broadcast %add3A_2562 : i32 to vector<16xi32>
        %add3A_2564 = arith.addi %mul3A_7, %add3A_2563 : vector<16xi32>
        %shift_right_arithmetic3A_2565 = arith.constant 7 : i32
        %shift_right_arithmetic3A_2566 = vector.broadcast %shift_right_arithmetic3A_2565 : i32 to vector<16xi32>
        %shift_right_arithmetic3A_2567 = arith.shrsi %add3A_2564, %shift_right_arithmetic3A_2566 : vector<16xi32>
        %and3A_2568 = arith.constant 127 : i32
        %and3A_2569 = vector.broadcast %and3A_2568 : i32 to vector<16xi32>
        %and3A_2570 = arith.andi %add3A_2564, %and3A_2569 : vector<16xi32>
        %gather3A_2571 = tpu.vector_load_idx %arg5[%shift_right_arithmetic3A_2567, %and3A_2570] : memref<200x128xi32, #tpu.memory_space<vmem>>[vector<16xi32>, vector<16xi32>], vector<16xi32>,
        %swap3A_2572 = arith.constant 320 : index
        %swap3A_2573 = tpu.vector_load %arg6[%swap3A_2572] {strides = array<i32>} : memref<512xi32, #tpu.memory_space<vmem>>, vector<16xi32>,
        tpu.vector_store %arg6[%swap3A_2572], %gather3A_2571 {strides = array<i32>} : memref<512xi32, #tpu.memory_space<vmem>>, vector<16xi32>,
        %add3A_2574 = arith.constant 16800 : i32
        %add3A_2575 = arith.addi %add3A_2574, %add3A_2300 : i32
        %add3A_2576 = vector.broadcast %add3A_2575 : i32 to vector<16xi32>
        %add3A_2577 = arith.addi %mul3A_7, %add3A_2576 : vector<16xi32>
        %shift_right_arithmetic3A_2578 = arith.constant 7 : i32
        %shift_right_arithmetic3A_2579 = vector.broadcast %shift_right_arithmetic3A_2578 : i32 to vector<16xi32>
        %shift_right_arithmetic3A_2580 = arith.shrsi %add3A_2577, %shift_right_arithmetic3A_2579 : vector<16xi32>
        %and3A_2581 = arith.constant 127 : i32
        %and3A_2582 = vector.broadcast %and3A_2581 : i32 to vector<16xi32>
        %and3A_2583 = arith.andi %add3A_2577, %and3A_2582 : vector<16xi32>
        %gather3A_2584 = tpu.vector_load_idx %arg5[%shift_right_arithmetic3A_2580, %and3A_2583] : memref<200x128xi32, #tpu.memory_space<vmem>>[vector<16xi32>, vector<16xi32>], vector<16xi32>,
        %swap3A_2585 = arith.constant 336 : index
        %swap3A_2586 = tpu.vector_load %arg6[%swap3A_2585] {strides = array<i32>} : memref<512xi32, #tpu.memory_space<vmem>>, vector<16xi32>,
        tpu.vector_store %arg6[%swap3A_2585], %gather3A_2584 {strides = array<i32>} : memref<512xi32, #tpu.memory_space<vmem>>, vector<16xi32>,
        %add3A_2587 = arith.constant 17600 : i32
        %add3A_2588 = arith.addi %add3A_2587, %add3A_2300 : i32
        %add3A_2589 = vector.broadcast %add3A_2588 : i32 to vector<16xi32>
        %add3A_2590 = arith.addi %mul3A_7, %add3A_2589 : vector<16xi32>
        %shift_right_arithmetic3A_2591 = arith.constant 7 : i32
        %shift_right_arithmetic3A_2592 = vector.broadcast %shift_right_arithmetic3A_2591 : i32 to vector<16xi32>
        %shift_right_arithmetic3A_2593 = arith.shrsi %add3A_2590, %shift_right_arithmetic3A_2592 : vector<16xi32>
        %and3A_2594 = arith.constant 127 : i32
        %and3A_2595 = vector.broadcast %and3A_2594 : i32 to vector<16xi32>
        %and3A_2596 = arith.andi %add3A_2590, %and3A_2595 : vector<16xi32>
        %gather3A_2597 = tpu.vector_load_idx %arg5[%shift_right_arithmetic3A_2593, %and3A_2596] : memref<200x128xi32, #tpu.memory_space<vmem>>[vector<16xi32>, vector<16xi32>], vector<16xi32>,
        %swap3A_2598 = arith.constant 352 : index
        %swap3A_2599 = tpu.vector_load %arg6[%swap3A_2598] {strides = array<i32>} : memref<512xi32, #tpu.memory_space<vmem>>, vector<16xi32>,
        tpu.vector_store %arg6[%swap3A_2598], %gather3A_2597 {strides = array<i32>} : memref<512xi32, #tpu.memory_space<vmem>>, vector<16xi32>,
        %add3A_2600 = arith.constant 18400 : i32
        %add3A_2601 = arith.addi %add3A_2600, %add3A_2300 : i32
        %add3A_2602 = vector.broadcast %add3A_2601 : i32 to vector<16xi32>
        %add3A_2603 = arith.addi %mul3A_7, %add3A_2602 : vector<16xi32>
        %shift_right_arithmetic3A_2604 = arith.constant 7 : i32
        %shift_right_arithmetic3A_2605 = vector.broadcast %shift_right_arithmetic3A_2604 : i32 to vector<16xi32>
        %shift_right_arithmetic3A_2606 = arith.shrsi %add3A_2603, %shift_right_arithmetic3A_2605 : vector<16xi32>
        %and3A_2607 = arith.constant 127 : i32
        %and3A_2608 = vector.broadcast %and3A_2607 : i32 to vector<16xi32>
        %and3A_2609 = arith.andi %add3A_2603, %and3A_2608 : vector<16xi32>
        %gather3A_2610 = tpu.vector_load_idx %arg5[%shift_right_arithmetic3A_2606, %and3A_2609] : memref<200x128xi32, #tpu.memory_space<vmem>>[vector<16xi32>, vector<16xi32>], vector<16xi32>,
        %swap3A_2611 = arith.constant 368 : index
        %swap3A_2612 = tpu.vector_load %arg6[%swap3A_2611] {strides = array<i32>} : memref<512xi32, #tpu.memory_space<vmem>>, vector<16xi32>,
        tpu.vector_store %arg6[%swap3A_2611], %gather3A_2610 {strides = array<i32>} : memref<512xi32, #tpu.memory_space<vmem>>, vector<16xi32>,
        %add3A_2613 = arith.constant 19200 : i32
        %add3A_2614 = arith.addi %add3A_2613, %add3A_2300 : i32
        %add3A_2615 = vector.broadcast %add3A_2614 : i32 to vector<16xi32>
        %add3A_2616 = arith.addi %mul3A_7, %add3A_2615 : vector<16xi32>
        %shift_right_arithmetic3A_2617 = arith.constant 7 : i32
        %shift_right_arithmetic3A_2618 = vector.broadcast %shift_right_arithmetic3A_2617 : i32 to vector<16xi32>
        %shift_right_arithmetic3A_2619 = arith.shrsi %add3A_2616, %shift_right_arithmetic3A_2618 : vector<16xi32>
        %and3A_2620 = arith.constant 127 : i32
        %and3A_2621 = vector.broadcast %and3A_2620 : i32 to vector<16xi32>
        %and3A_2622 = arith.andi %add3A_2616, %and3A_2621 : vector<16xi32>
        %gather3A_2623 = tpu.vector_load_idx %arg5[%shift_right_arithmetic3A_2619, %and3A_2622] : memref<200x128xi32, #tpu.memory_space<vmem>>[vector<16xi32>, vector<16xi32>], vector<16xi32>,
        %swap3A_2624 = arith.constant 384 : index
        %swap3A_2625 = tpu.vector_load %arg6[%swap3A_2624] {strides = array<i32>} : memref<512xi32, #tpu.memory_space<vmem>>, vector<16xi32>,
        tpu.vector_store %arg6[%swap3A_2624], %gather3A_2623 {strides = array<i32>} : memref<512xi32, #tpu.memory_space<vmem>>, vector<16xi32>,
        %add3A_2626 = arith.constant 20000 : i32
        %add3A_2627 = arith.addi %add3A_2626, %add3A_2300 : i32
        %add3A_2628 = vector.broadcast %add3A_2627 : i32 to vector<16xi32>
        %add3A_2629 = arith.addi %mul3A_7, %add3A_2628 : vector<16xi32>
        %shift_right_arithmetic3A_2630 = arith.constant 7 : i32
        %shift_right_arithmetic3A_2631 = vector.broadcast %shift_right_arithmetic3A_2630 : i32 to vector<16xi32>
        %shift_right_arithmetic3A_2632 = arith.shrsi %add3A_2629, %shift_right_arithmetic3A_2631 : vector<16xi32>
        %and3A_2633 = arith.constant 127 : i32
        %and3A_2634 = vector.broadcast %and3A_2633 : i32 to vector<16xi32>
        %and3A_2635 = arith.andi %add3A_2629, %and3A_2634 : vector<16xi32>
        %gather3A_2636 = tpu.vector_load_idx %arg5[%shift_right_arithmetic3A_2632, %and3A_2635] : memref<200x128xi32, #tpu.memory_space<vmem>>[vector<16xi32>, vector<16xi32>], vector<16xi32>,
        %swap3A_2637 = arith.constant 400 : index
        %swap3A_2638 = tpu.vector_load %arg6[%swap3A_2637] {strides = array<i32>} : memref<512xi32, #tpu.memory_space<vmem>>, vector<16xi32>,
        tpu.vector_store %arg6[%swap3A_2637], %gather3A_2636 {strides = array<i32>} : memref<512xi32, #tpu.memory_space<vmem>>, vector<16xi32>,
        %add3A_2639 = arith.constant 20800 : i32
        %add3A_2640 = arith.addi %add3A_2639, %add3A_2300 : i32
        %add3A_2641 = vector.broadcast %add3A_2640 : i32 to vector<16xi32>
        %add3A_2642 = arith.addi %mul3A_7, %add3A_2641 : vector<16xi32>
        %shift_right_arithmetic3A_2643 = arith.constant 7 : i32
        %shift_right_arithmetic3A_2644 = vector.broadcast %shift_right_arithmetic3A_2643 : i32 to vector<16xi32>
        %shift_right_arithmetic3A_2645 = arith.shrsi %add3A_2642, %shift_right_arithmetic3A_2644 : vector<16xi32>
        %and3A_2646 = arith.constant 127 : i32
        %and3A_2647 = vector.broadcast %and3A_2646 : i32 to vector<16xi32>
        %and3A_2648 = arith.andi %add3A_2642, %and3A_2647 : vector<16xi32>
        %gather3A_2649 = tpu.vector_load_idx %arg5[%shift_right_arithmetic3A_2645, %and3A_2648] : memref<200x128xi32, #tpu.memory_space<vmem>>[vector<16xi32>, vector<16xi32>], vector<16xi32>,
        %swap3A_2650 = arith.constant 416 : index
        %swap3A_2651 = tpu.vector_load %arg6[%swap3A_2650] {strides = array<i32>} : memref<512xi32, #tpu.memory_space<vmem>>, vector<16xi32>,
        tpu.vector_store %arg6[%swap3A_2650], %gather3A_2649 {strides = array<i32>} : memref<512xi32, #tpu.memory_space<vmem>>, vector<16xi32>,
        %add3A_2652 = arith.constant 21600 : i32
        %add3A_2653 = arith.addi %add3A_2652, %add3A_2300 : i32
        %add3A_2654 = vector.broadcast %add3A_2653 : i32 to vector<16xi32>
        %add3A_2655 = arith.addi %mul3A_7, %add3A_2654 : vector<16xi32>
        %shift_right_arithmetic3A_2656 = arith.constant 7 : i32
        %shift_right_arithmetic3A_2657 = vector.broadcast %shift_right_arithmetic3A_2656 : i32 to vector<16xi32>
        %shift_right_arithmetic3A_2658 = arith.shrsi %add3A_2655, %shift_right_arithmetic3A_2657 : vector<16xi32>
        %and3A_2659 = arith.constant 127 : i32
        %and3A_2660 = vector.broadcast %and3A_2659 : i32 to vector<16xi32>
        %and3A_2661 = arith.andi %add3A_2655, %and3A_2660 : vector<16xi32>
        %gather3A_2662 = tpu.vector_load_idx %arg5[%shift_right_arithmetic3A_2658, %and3A_2661] : memref<200x128xi32, #tpu.memory_space<vmem>>[vector<16xi32>, vector<16xi32>], vector<16xi32>,
        %swap3A_2663 = arith.constant 432 : index
        %swap3A_2664 = tpu.vector_load %arg6[%swap3A_2663] {strides = array<i32>} : memref<512xi32, #tpu.memory_space<vmem>>, vector<16xi32>,
        tpu.vector_store %arg6[%swap3A_2663], %gather3A_2662 {strides = array<i32>} : memref<512xi32, #tpu.memory_space<vmem>>, vector<16xi32>,
        %add3A_2665 = arith.constant 22400 : i32
        %add3A_2666 = arith.addi %add3A_2665, %add3A_2300 : i32
        %add3A_2667 = vector.broadcast %add3A_2666 : i32 to vector<16xi32>
        %add3A_2668 = arith.addi %mul3A_7, %add3A_2667 : vector<16xi32>
        %shift_right_arithmetic3A_2669 = arith.constant 7 : i32
        %shift_right_arithmetic3A_2670 = vector.broadcast %shift_right_arithmetic3A_2669 : i32 to vector<16xi32>
        %shift_right_arithmetic3A_2671 = arith.shrsi %add3A_2668, %shift_right_arithmetic3A_2670 : vector<16xi32>
        %and3A_2672 = arith.constant 127 : i32
        %and3A_2673 = vector.broadcast %and3A_2672 : i32 to vector<16xi32>
        %and3A_2674 = arith.andi %add3A_2668, %and3A_2673 : vector<16xi32>
        %gather3A_2675 = tpu.vector_load_idx %arg5[%shift_right_arithmetic3A_2671, %and3A_2674] : memref<200x128xi32, #tpu.memory_space<vmem>>[vector<16xi32>, vector<16xi32>], vector<16xi32>,
        %swap3A_2676 = arith.constant 448 : index
        %swap3A_2677 = tpu.vector_load %arg6[%swap3A_2676] {strides = array<i32>} : memref<512xi32, #tpu.memory_space<vmem>>, vector<16xi32>,
        tpu.vector_store %arg6[%swap3A_2676], %gather3A_2675 {strides = array<i32>} : memref<512xi32, #tpu.memory_space<vmem>>, vector<16xi32>,
        %add3A_2678 = arith.constant 23200 : i32
        %add3A_2679 = arith.addi %add3A_2678, %add3A_2300 : i32
        %add3A_2680 = vector.broadcast %add3A_2679 : i32 to vector<16xi32>
        %add3A_2681 = arith.addi %mul3A_7, %add3A_2680 : vector<16xi32>
        %shift_right_arithmetic3A_2682 = arith.constant 7 : i32
        %shift_right_arithmetic3A_2683 = vector.broadcast %shift_right_arithmetic3A_2682 : i32 to vector<16xi32>
        %shift_right_arithmetic3A_2684 = arith.shrsi %add3A_2681, %shift_right_arithmetic3A_2683 : vector<16xi32>
        %and3A_2685 = arith.constant 127 : i32
        %and3A_2686 = vector.broadcast %and3A_2685 : i32 to vector<16xi32>
        %and3A_2687 = arith.andi %add3A_2681, %and3A_2686 : vector<16xi32>
        %gather3A_2688 = tpu.vector_load_idx %arg5[%shift_right_arithmetic3A_2684, %and3A_2687] : memref<200x128xi32, #tpu.memory_space<vmem>>[vector<16xi32>, vector<16xi32>], vector<16xi32>,
        %swap3A_2689 = arith.constant 464 : index
        %swap3A_2690 = tpu.vector_load %arg6[%swap3A_2689] {strides = array<i32>} : memref<512xi32, #tpu.memory_space<vmem>>, vector<16xi32>,
        tpu.vector_store %arg6[%swap3A_2689], %gather3A_2688 {strides = array<i32>} : memref<512xi32, #tpu.memory_space<vmem>>, vector<16xi32>,
        %add3A_2691 = arith.constant 24000 : i32
        %add3A_2692 = arith.addi %add3A_2691, %add3A_2300 : i32
        %add3A_2693 = vector.broadcast %add3A_2692 : i32 to vector<16xi32>
        %add3A_2694 = arith.addi %mul3A_7, %add3A_2693 : vector<16xi32>
        %shift_right_arithmetic3A_2695 = arith.constant 7 : i32
        %shift_right_arithmetic3A_2696 = vector.broadcast %shift_right_arithmetic3A_2695 : i32 to vector<16xi32>
        %shift_right_arithmetic3A_2697 = arith.shrsi %add3A_2694, %shift_right_arithmetic3A_2696 : vector<16xi32>
        %and3A_2698 = arith.constant 127 : i32
        %and3A_2699 = vector.broadcast %and3A_2698 : i32 to vector<16xi32>
        %and3A_2700 = arith.andi %add3A_2694, %and3A_2699 : vector<16xi32>
        %gather3A_2701 = tpu.vector_load_idx %arg5[%shift_right_arithmetic3A_2697, %and3A_2700] : memref<200x128xi32, #tpu.memory_space<vmem>>[vector<16xi32>, vector<16xi32>], vector<16xi32>,
        %swap3A_2702 = arith.constant 480 : index
        %swap3A_2703 = tpu.vector_load %arg6[%swap3A_2702] {strides = array<i32>} : memref<512xi32, #tpu.memory_space<vmem>>, vector<16xi32>,
        tpu.vector_store %arg6[%swap3A_2702], %gather3A_2701 {strides = array<i32>} : memref<512xi32, #tpu.memory_space<vmem>>, vector<16xi32>,
        %add3A_2704 = arith.constant 24800 : i32
        %add3A_2705 = arith.addi %add3A_2704, %add3A_2300 : i32
        %add3A_2706 = vector.broadcast %add3A_2705 : i32 to vector<16xi32>
        %add3A_2707 = arith.addi %mul3A_7, %add3A_2706 : vector<16xi32>
        %shift_right_arithmetic3A_2708 = arith.constant 7 : i32
        %shift_right_arithmetic3A_2709 = vector.broadcast %shift_right_arithmetic3A_2708 : i32 to vector<16xi32>
        %shift_right_arithmetic3A_2710 = arith.shrsi %add3A_2707, %shift_right_arithmetic3A_2709 : vector<16xi32>
        %and3A_2711 = arith.constant 127 : i32
        %and3A_2712 = vector.broadcast %and3A_2711 : i32 to vector<16xi32>
        %and3A_2713 = arith.andi %add3A_2707, %and3A_2712 : vector<16xi32>
        %gather3A_2714 = tpu.vector_load_idx %arg5[%shift_right_arithmetic3A_2710, %and3A_2713] : memref<200x128xi32, #tpu.memory_space<vmem>>[vector<16xi32>, vector<16xi32>], vector<16xi32>,
        %swap3A_2715 = arith.constant 496 : index
        %swap3A_2716 = tpu.vector_load %arg6[%swap3A_2715] {strides = array<i32>} : memref<512xi32, #tpu.memory_space<vmem>>, vector<16xi32>,
        tpu.vector_store %arg6[%swap3A_2715], %gather3A_2714 {strides = array<i32>} : memref<512xi32, #tpu.memory_space<vmem>>, vector<16xi32>,
        %dma_start3A_2717 = arith.constant 0 : i32
        %dma_start3A_2718 = arith.constant 0 : i32
        %dma_start3A_2719 = tpu.memref_slice %arg3[%dma_start3A_2717, %dma_start3A_2718] : memref<1000000x32xf32, #tpu.memory_space<hbm>> -> memref<1000000x32xf32, #tpu.memory_space<hbm>>
        tpu.enqueue_indirect_dma source(%dma_start3A_2719 : memref<1000000x32xf32, #tpu.memory_space<hbm>>) target(%arg8 : memref<512x32xf32, #tpu.memory_space<vmem>>) offsets(%arg6 : memref<512xi32, #tpu.memory_space<vmem>>) semaphore(%arg12 : memref<!tpu.dma_semaphore, #tpu.memory_space<semaphore_mem>>)
      } else {
      }
      %dma_wait3A_1890 = arith.constant 0 : i32
      %dma_wait3A_1891 = arith.constant 0 : i32
      %dma_wait3A_1892 = tpu.memref_slice %arg3[%dma_wait3A_1890, %dma_wait3A_1891] : memref<1000000x32xf32, #tpu.memory_space<hbm>> -> memref<1000000x32xf32, #tpu.memory_space<hbm>>
      tpu.wait_indirect_dma semaphore(%arg13 : memref<!tpu.dma_semaphore, #tpu.memory_space<semaphore_mem>>) src(%dma_wait3A_1892 : memref<1000000x32xf32, #tpu.memory_space<hbm>>) dst(%arg9 : memref<512x32xf32, #tpu.memory_space<vmem>>)
      %gt3A_1893 = arith.constant 0 : i32
      %gt3A_1894 = arith.cmpi sgt, %scan3A_1066, %gt3A_1893 : i32
      %convert_element_type3A_1895 = arith.extui %gt3A_1894 : i1 to i32
      %cond3A_1896 = arith.constant 0 : i32
      %cond3A_1897 = arith.cmpi ne, %convert_element_type3A_1895, %cond3A_1896 : i32
      scf.if %cond3A_1897 {
        %dma_wait3A_2299 = arith.constant 0 : i32
        %dma_wait3A_2300 = arith.constant 0 : i32
        %dma_wait3A_2301 = arith.constant 0 : i32
        %dma_wait3A_2302 = arith.constant 0 : i32
        %dma_wait3A_2303 = arith.constant 0 : i32
        %dma_wait3A_2304 = arith.constant 0 : i32
        %dma_wait3A_2305 = arith.constant 0 : i32
        %dma_wait3A_2306 = tpu.memref_slice %arg11[%dma_wait3A_2299, %dma_wait3A_2300, %dma_wait3A_2304, %dma_wait3A_2305] : memref<4x4x8x133xf32, #tpu.memory_space<vmem>> -> memref<1x1x8x128xf32, #tpu.memory_space<vmem>>
        %dma_wait3A_2307 = tpu.memref_squeeze %dma_wait3A_2306 : memref<1x1x8x128xf32, #tpu.memory_space<vmem>> -> memref<8x128xf32, #tpu.memory_space<vmem>>
        %dma_wait3A_2308 = arith.constant 0 : i32
        %dma_wait3A_2309 = arith.constant 0 : i32
        %dma_wait3A_2310 = tpu.memref_slice %arg4[%dma_wait3A_2301, %dma_wait3A_2302, %dma_wait3A_2303, %dma_wait3A_2308, %dma_wait3A_2309] : memref<50x4x128x8x128xf32, #tpu.memory_space<hbm>> -> memref<1x1x1x8x128xf32, #tpu.memory_space<hbm>>
        %dma_wait3A_2311 = tpu.memref_squeeze %dma_wait3A_2310 : memref<1x1x1x8x128xf32, #tpu.memory_space<hbm>> -> memref<8x128xf32, #tpu.memory_space<hbm>>
        %dma_wait3A_2312 = arith.constant 0 : i32
        %dma_wait3A_2313 = arith.constant 0 : i32
        %dma_wait3A_2314 = tpu.memref_slice %arg4[%dma_wait3A_2301, %dma_wait3A_2302, %dma_wait3A_2303, %dma_wait3A_2312, %dma_wait3A_2313] : memref<50x4x128x8x128xf32, #tpu.memory_space<hbm>> -> memref<1x1x1x8x128xf32, #tpu.memory_space<hbm>>
        %dma_wait3A_2315 = tpu.memref_squeeze %dma_wait3A_2314 : memref<1x1x1x8x128xf32, #tpu.memory_space<hbm>> -> memref<8x128xf32, #tpu.memory_space<hbm>>
        %dma_wait3A_2316 = arith.constant 0 : i32
        %dma_wait3A_2317 = arith.constant 0 : i32
        %dma_wait3A_2318 = tpu.memref_slice %arg11[%dma_wait3A_2299, %dma_wait3A_2300, %dma_wait3A_2316, %dma_wait3A_2317] : memref<4x4x8x133xf32, #tpu.memory_space<vmem>> -> memref<1x1x8x128xf32, #tpu.memory_space<vmem>>
        %dma_wait3A_2319 = tpu.memref_squeeze %dma_wait3A_2318 : memref<1x1x8x128xf32, #tpu.memory_space<vmem>> -> memref<8x128xf32, #tpu.memory_space<vmem>>
        tpu.wait_dma2 semaphore(%arg15 : memref<!tpu.dma_semaphore, #tpu.memory_space<semaphore_mem>>) src(%dma_wait3A_2319 : memref<8x128xf32, #tpu.memory_space<vmem>>) dst(%dma_wait3A_2315 : memref<8x128xf32, #tpu.memory_space<hbm>>)
        %dma_wait3A_2320 = arith.constant 0 : i32
        %dma_wait3A_2321 = arith.constant 1 : i32
        %dma_wait3A_2322 = arith.constant 0 : i32
        %dma_wait3A_2323 = arith.constant 1 : i32
        %dma_wait3A_2324 = arith.constant 0 : i32
        %dma_wait3A_2325 = arith.constant 0 : i32
        %dma_wait3A_2326 = arith.constant 0 : i32
        %dma_wait3A_2327 = tpu.memref_slice %arg11[%dma_wait3A_2320, %dma_wait3A_2321, %dma_wait3A_2325, %dma_wait3A_2326] : memref<4x4x8x133xf32, #tpu.memory_space<vmem>> -> memref<1x1x8x128xf32, #tpu.memory_space<vmem>>
        %dma_wait3A_2328 = tpu.memref_squeeze %dma_wait3A_2327 : memref<1x1x8x128xf32, #tpu.memory_space<vmem>> -> memref<8x128xf32, #tpu.memory_space<vmem>>
        %dma_wait3A_2329 = arith.constant 0 : i32
        %dma_wait3A_2330 = arith.constant 0 : i32
        %dma_wait3A_2331 = tpu.memref_slice %arg4[%dma_wait3A_2322, %dma_wait3A_2323, %dma_wait3A_2324, %dma_wait3A_2329, %dma_wait3A_2330] : memref<50x4x128x8x128xf32, #tpu.memory_space<hbm>> -> memref<1x1x1x8x128xf32, #tpu.memory_space<hbm>>
        %dma_wait3A_2332 = tpu.memref_squeeze %dma_wait3A_2331 : memref<1x1x1x8x128xf32, #tpu.memory_space<hbm>> -> memref<8x128xf32, #tpu.memory_space<hbm>>
        %dma_wait3A_2333 = arith.constant 0 : i32
        %dma_wait3A_2334 = arith.constant 0 : i32
        %dma_wait3A_2335 = tpu.memref_slice %arg4[%dma_wait3A_2322, %dma_wait3A_2323, %dma_wait3A_2324, %dma_wait3A_2333, %dma_wait3A_2334] : memref<50x4x128x8x128xf32, #tpu.memory_space<hbm>> -> memref<1x1x1x8x128xf32, #tpu.memory_space<hbm>>
        %dma_wait3A_2336 = tpu.memref_squeeze %dma_wait3A_2335 : memref<1x1x1x8x128xf32, #tpu.memory_space<hbm>> -> memref<8x128xf32, #tpu.memory_space<hbm>>
        %dma_wait3A_2337 = arith.constant 0 : i32
        %dma_wait3A_2338 = arith.constant 0 : i32
        %dma_wait3A_2339 = tpu.memref_slice %arg11[%dma_wait3A_2320, %dma_wait3A_2321, %dma_wait3A_2337, %dma_wait3A_2338] : memref<4x4x8x133xf32, #tpu.memory_space<vmem>> -> memref<1x1x8x128xf32, #tpu.memory_space<vmem>>
        %dma_wait3A_2340 = tpu.memref_squeeze %dma_wait3A_2339 : memref<1x1x8x128xf32, #tpu.memory_space<vmem>> -> memref<8x128xf32, #tpu.memory_space<vmem>>
        tpu.wait_dma2 semaphore(%arg15 : memref<!tpu.dma_semaphore, #tpu.memory_space<semaphore_mem>>) src(%dma_wait3A_2340 : memref<8x128xf32, #tpu.memory_space<vmem>>) dst(%dma_wait3A_2336 : memref<8x128xf32, #tpu.memory_space<hbm>>)
        %dma_wait3A_2341 = arith.constant 0 : i32
        %dma_wait3A_2342 = arith.constant 2 : i32
        %dma_wait3A_2343 = arith.constant 0 : i32
        %dma_wait3A_2344 = arith.constant 2 : i32
        %dma_wait3A_2345 = arith.constant 0 : i32
        %dma_wait3A_2346 = arith.constant 0 : i32
        %dma_wait3A_2347 = arith.constant 0 : i32
        %dma_wait3A_2348 = tpu.memref_slice %arg11[%dma_wait3A_2341, %dma_wait3A_2342, %dma_wait3A_2346, %dma_wait3A_2347] : memref<4x4x8x133xf32, #tpu.memory_space<vmem>> -> memref<1x1x8x128xf32, #tpu.memory_space<vmem>>
        %dma_wait3A_2349 = tpu.memref_squeeze %dma_wait3A_2348 : memref<1x1x8x128xf32, #tpu.memory_space<vmem>> -> memref<8x128xf32, #tpu.memory_space<vmem>>
        %dma_wait3A_2350 = arith.constant 0 : i32
        %dma_wait3A_2351 = arith.constant 0 : i32
        %dma_wait3A_2352 = tpu.memref_slice %arg4[%dma_wait3A_2343, %dma_wait3A_2344, %dma_wait3A_2345, %dma_wait3A_2350, %dma_wait3A_2351] : memref<50x4x128x8x128xf32, #tpu.memory_space<hbm>> -> memref<1x1x1x8x128xf32, #tpu.memory_space<hbm>>
        %dma_wait3A_2353 = tpu.memref_squeeze %dma_wait3A_2352 : memref<1x1x1x8x128xf32, #tpu.memory_space<hbm>> -> memref<8x128xf32, #tpu.memory_space<hbm>>
        %dma_wait3A_2354 = arith.constant 0 : i32
        %dma_wait3A_2355 = arith.constant 0 : i32
        %dma_wait3A_2356 = tpu.memref_slice %arg4[%dma_wait3A_2343, %dma_wait3A_2344, %dma_wait3A_2345, %dma_wait3A_2354, %dma_wait3A_2355] : memref<50x4x128x8x128xf32, #tpu.memory_space<hbm>> -> memref<1x1x1x8x128xf32, #tpu.memory_space<hbm>>
        %dma_wait3A_2357 = tpu.memref_squeeze %dma_wait3A_2356 : memref<1x1x1x8x128xf32, #tpu.memory_space<hbm>> -> memref<8x128xf32, #tpu.memory_space<hbm>>
        %dma_wait3A_2358 = arith.constant 0 : i32
        %dma_wait3A_2359 = arith.constant 0 : i32
        %dma_wait3A_2360 = tpu.memref_slice %arg11[%dma_wait3A_2341, %dma_wait3A_2342, %dma_wait3A_2358, %dma_wait3A_2359] : memref<4x4x8x133xf32, #tpu.memory_space<vmem>> -> memref<1x1x8x128xf32, #tpu.memory_space<vmem>>
        %dma_wait3A_2361 = tpu.memref_squeeze %dma_wait3A_2360 : memref<1x1x8x128xf32, #tpu.memory_space<vmem>> -> memref<8x128xf32, #tpu.memory_space<vmem>>
        tpu.wait_dma2 semaphore(%arg15 : memref<!tpu.dma_semaphore, #tpu.memory_space<semaphore_mem>>) src(%dma_wait3A_2361 : memref<8x128xf32, #tpu.memory_space<vmem>>) dst(%dma_wait3A_2357 : memref<8x128xf32, #tpu.memory_space<hbm>>)
        %dma_wait3A_2362 = arith.constant 0 : i32
        %dma_wait3A_2363 = arith.constant 3 : i32
        %dma_wait3A_2364 = arith.constant 0 : i32
        %dma_wait3A_2365 = arith.constant 3 : i32
        %dma_wait3A_2366 = arith.constant 0 : i32
        %dma_wait3A_2367 = arith.constant 0 : i32
        %dma_wait3A_2368 = arith.constant 0 : i32
        %dma_wait3A_2369 = tpu.memref_slice %arg11[%dma_wait3A_2362, %dma_wait3A_2363, %dma_wait3A_2367, %dma_wait3A_2368] : memref<4x4x8x133xf32, #tpu.memory_space<vmem>> -> memref<1x1x8x128xf32, #tpu.memory_space<vmem>>
        %dma_wait3A_2370 = tpu.memref_squeeze %dma_wait3A_2369 : memref<1x1x8x128xf32, #tpu.memory_space<vmem>> -> memref<8x128xf32, #tpu.memory_space<vmem>>
        %dma_wait3A_2371 = arith.constant 0 : i32
        %dma_wait3A_2372 = arith.constant 0 : i32
        %dma_wait3A_2373 = tpu.memref_slice %arg4[%dma_wait3A_2364, %dma_wait3A_2365, %dma_wait3A_2366, %dma_wait3A_2371, %dma_wait3A_2372] : memref<50x4x128x8x128xf32, #tpu.memory_space<hbm>> -> memref<1x1x1x8x128xf32, #tpu.memory_space<hbm>>
        %dma_wait3A_2374 = tpu.memref_squeeze %dma_wait3A_2373 : memref<1x1x1x8x128xf32, #tpu.memory_space<hbm>> -> memref<8x128xf32, #tpu.memory_space<hbm>>
        %dma_wait3A_2375 = arith.constant 0 : i32
        %dma_wait3A_2376 = arith.constant 0 : i32
        %dma_wait3A_2377 = tpu.memref_slice %arg4[%dma_wait3A_2364, %dma_wait3A_2365, %dma_wait3A_2366, %dma_wait3A_2375, %dma_wait3A_2376] : memref<50x4x128x8x128xf32, #tpu.memory_space<hbm>> -> memref<1x1x1x8x128xf32, #tpu.memory_space<hbm>>
        %dma_wait3A_2378 = tpu.memref_squeeze %dma_wait3A_2377 : memref<1x1x1x8x128xf32, #tpu.memory_space<hbm>> -> memref<8x128xf32, #tpu.memory_space<hbm>>
        %dma_wait3A_2379 = arith.constant 0 : i32
        %dma_wait3A_2380 = arith.constant 0 : i32
        %dma_wait3A_2381 = tpu.memref_slice %arg11[%dma_wait3A_2362, %dma_wait3A_2363, %dma_wait3A_2379, %dma_wait3A_2380] : memref<4x4x8x133xf32, #tpu.memory_space<vmem>> -> memref<1x1x8x128xf32, #tpu.memory_space<vmem>>
        %dma_wait3A_2382 = tpu.memref_squeeze %dma_wait3A_2381 : memref<1x1x8x128xf32, #tpu.memory_space<vmem>> -> memref<8x128xf32, #tpu.memory_space<vmem>>
        tpu.wait_dma2 semaphore(%arg15 : memref<!tpu.dma_semaphore, #tpu.memory_space<semaphore_mem>>) src(%dma_wait3A_2382 : memref<8x128xf32, #tpu.memory_space<vmem>>) dst(%dma_wait3A_2378 : memref<8x128xf32, #tpu.memory_space<hbm>>)
        %dma_wait3A_2383 = arith.constant 1 : i32
        %dma_wait3A_2384 = arith.constant 0 : i32
        %dma_wait3A_2385 = arith.constant 0 : i32
        %dma_wait3A_2386 = arith.constant 0 : i32
        %dma_wait3A_2387 = arith.constant 0 : i32
        %dma_wait3A_2388 = arith.constant 0 : i32
        %dma_wait3A_2389 = arith.constant 0 : i32
        %dma_wait3A_2390 = tpu.memref_slice %arg11[%dma_wait3A_2383, %dma_wait3A_2384, %dma_wait3A_2388, %dma_wait3A_2389] : memref<4x4x8x133xf32, #tpu.memory_space<vmem>> -> memref<1x1x8x128xf32, #tpu.memory_space<vmem>>
        %dma_wait3A_2391 = tpu.memref_squeeze %dma_wait3A_2390 : memref<1x1x8x128xf32, #tpu.memory_space<vmem>> -> memref<8x128xf32, #tpu.memory_space<vmem>>
        %dma_wait3A_2392 = arith.constant 0 : i32
        %dma_wait3A_2393 = arith.constant 0 : i32
        %dma_wait3A_2394 = tpu.memref_slice %arg4[%dma_wait3A_2385, %dma_wait3A_2386, %dma_wait3A_2387, %dma_wait3A_2392, %dma_wait3A_2393] : memref<50x4x128x8x128xf32, #tpu.memory_space<hbm>> -> memref<1x1x1x8x128xf32, #tpu.memory_space<hbm>>
        %dma_wait3A_2395 = tpu.memref_squeeze %dma_wait3A_2394 : memref<1x1x1x8x128xf32, #tpu.memory_space<hbm>> -> memref<8x128xf32, #tpu.memory_space<hbm>>
        %dma_wait3A_2396 = arith.constant 0 : i32
        %dma_wait3A_2397 = arith.constant 0 : i32
        %dma_wait3A_2398 = tpu.memref_slice %arg4[%dma_wait3A_2385, %dma_wait3A_2386, %dma_wait3A_2387, %dma_wait3A_2396, %dma_wait3A_2397] : memref<50x4x128x8x128xf32, #tpu.memory_space<hbm>> -> memref<1x1x1x8x128xf32, #tpu.memory_space<hbm>>
        %dma_wait3A_2399 = tpu.memref_squeeze %dma_wait3A_2398 : memref<1x1x1x8x128xf32, #tpu.memory_space<hbm>> -> memref<8x128xf32, #tpu.memory_space<hbm>>
        %dma_wait3A_2400 = arith.constant 0 : i32
        %dma_wait3A_2401 = arith.constant 0 : i32
        %dma_wait3A_2402 = tpu.memref_slice %arg11[%dma_wait3A_2383, %dma_wait3A_2384, %dma_wait3A_2400, %dma_wait3A_2401] : memref<4x4x8x133xf32, #tpu.memory_space<vmem>> -> memref<1x1x8x128xf32, #tpu.memory_space<vmem>>
        %dma_wait3A_2403 = tpu.memref_squeeze %dma_wait3A_2402 : memref<1x1x8x128xf32, #tpu.memory_space<vmem>> -> memref<8x128xf32, #tpu.memory_space<vmem>>
        tpu.wait_dma2 semaphore(%arg15 : memref<!tpu.dma_semaphore, #tpu.memory_space<semaphore_mem>>) src(%dma_wait3A_2403 : memref<8x128xf32, #tpu.memory_space<vmem>>) dst(%dma_wait3A_2399 : memref<8x128xf32, #tpu.memory_space<hbm>>)
        %dma_wait3A_2404 = arith.constant 1 : i32
        %dma_wait3A_2405 = arith.constant 1 : i32
        %dma_wait3A_2406 = arith.constant 0 : i32
        %dma_wait3A_2407 = arith.constant 1 : i32
        %dma_wait3A_2408 = arith.constant 0 : i32
        %dma_wait3A_2409 = arith.constant 0 : i32
        %dma_wait3A_2410 = arith.constant 0 : i32
        %dma_wait3A_2411 = tpu.memref_slice %arg11[%dma_wait3A_2404, %dma_wait3A_2405, %dma_wait3A_2409, %dma_wait3A_2410] : memref<4x4x8x133xf32, #tpu.memory_space<vmem>> -> memref<1x1x8x128xf32, #tpu.memory_space<vmem>>
        %dma_wait3A_2412 = tpu.memref_squeeze %dma_wait3A_2411 : memref<1x1x8x128xf32, #tpu.memory_space<vmem>> -> memref<8x128xf32, #tpu.memory_space<vmem>>
        %dma_wait3A_2413 = arith.constant 0 : i32
        %dma_wait3A_2414 = arith.constant 0 : i32
        %dma_wait3A_2415 = tpu.memref_slice %arg4[%dma_wait3A_2406, %dma_wait3A_2407, %dma_wait3A_2408, %dma_wait3A_2413, %dma_wait3A_2414] : memref<50x4x128x8x128xf32, #tpu.memory_space<hbm>> -> memref<1x1x1x8x128xf32, #tpu.memory_space<hbm>>
        %dma_wait3A_2416 = tpu.memref_squeeze %dma_wait3A_2415 : memref<1x1x1x8x128xf32, #tpu.memory_space<hbm>> -> memref<8x128xf32, #tpu.memory_space<hbm>>
        %dma_wait3A_2417 = arith.constant 0 : i32
        %dma_wait3A_2418 = arith.constant 0 : i32
        %dma_wait3A_2419 = tpu.memref_slice %arg4[%dma_wait3A_2406, %dma_wait3A_2407, %dma_wait3A_2408, %dma_wait3A_2417, %dma_wait3A_2418] : memref<50x4x128x8x128xf32, #tpu.memory_space<hbm>> -> memref<1x1x1x8x128xf32, #tpu.memory_space<hbm>>
        %dma_wait3A_2420 = tpu.memref_squeeze %dma_wait3A_2419 : memref<1x1x1x8x128xf32, #tpu.memory_space<hbm>> -> memref<8x128xf32, #tpu.memory_space<hbm>>
        %dma_wait3A_2421 = arith.constant 0 : i32
        %dma_wait3A_2422 = arith.constant 0 : i32
        %dma_wait3A_2423 = tpu.memref_slice %arg11[%dma_wait3A_2404, %dma_wait3A_2405, %dma_wait3A_2421, %dma_wait3A_2422] : memref<4x4x8x133xf32, #tpu.memory_space<vmem>> -> memref<1x1x8x128xf32, #tpu.memory_space<vmem>>
        %dma_wait3A_2424 = tpu.memref_squeeze %dma_wait3A_2423 : memref<1x1x8x128xf32, #tpu.memory_space<vmem>> -> memref<8x128xf32, #tpu.memory_space<vmem>>
        tpu.wait_dma2 semaphore(%arg15 : memref<!tpu.dma_semaphore, #tpu.memory_space<semaphore_mem>>) src(%dma_wait3A_2424 : memref<8x128xf32, #tpu.memory_space<vmem>>) dst(%dma_wait3A_2420 : memref<8x128xf32, #tpu.memory_space<hbm>>)
        %dma_wait3A_2425 = arith.constant 1 : i32
        %dma_wait3A_2426 = arith.constant 2 : i32
        %dma_wait3A_2427 = arith.constant 0 : i32
        %dma_wait3A_2428 = arith.constant 2 : i32
        %dma_wait3A_2429 = arith.constant 0 : i32
        %dma_wait3A_2430 = arith.constant 0 : i32
        %dma_wait3A_2431 = arith.constant 0 : i32
        %dma_wait3A_2432 = tpu.memref_slice %arg11[%dma_wait3A_2425, %dma_wait3A_2426, %dma_wait3A_2430, %dma_wait3A_2431] : memref<4x4x8x133xf32, #tpu.memory_space<vmem>> -> memref<1x1x8x128xf32, #tpu.memory_space<vmem>>
        %dma_wait3A_2433 = tpu.memref_squeeze %dma_wait3A_2432 : memref<1x1x8x128xf32, #tpu.memory_space<vmem>> -> memref<8x128xf32, #tpu.memory_space<vmem>>
        %dma_wait3A_2434 = arith.constant 0 : i32
        %dma_wait3A_2435 = arith.constant 0 : i32
        %dma_wait3A_2436 = tpu.memref_slice %arg4[%dma_wait3A_2427, %dma_wait3A_2428, %dma_wait3A_2429, %dma_wait3A_2434, %dma_wait3A_2435] : memref<50x4x128x8x128xf32, #tpu.memory_space<hbm>> -> memref<1x1x1x8x128xf32, #tpu.memory_space<hbm>>
        %dma_wait3A_2437 = tpu.memref_squeeze %dma_wait3A_2436 : memref<1x1x1x8x128xf32, #tpu.memory_space<hbm>> -> memref<8x128xf32, #tpu.memory_space<hbm>>
        %dma_wait3A_2438 = arith.constant 0 : i32
        %dma_wait3A_2439 = arith.constant 0 : i32
        %dma_wait3A_2440 = tpu.memref_slice %arg4[%dma_wait3A_2427, %dma_wait3A_2428, %dma_wait3A_2429, %dma_wait3A_2438, %dma_wait3A_2439] : memref<50x4x128x8x128xf32, #tpu.memory_space<hbm>> -> memref<1x1x1x8x128xf32, #tpu.memory_space<hbm>>
        %dma_wait3A_2441 = tpu.memref_squeeze %dma_wait3A_2440 : memref<1x1x1x8x128xf32, #tpu.memory_space<hbm>> -> memref<8x128xf32, #tpu.memory_space<hbm>>
        %dma_wait3A_2442 = arith.constant 0 : i32
        %dma_wait3A_2443 = arith.constant 0 : i32
        %dma_wait3A_2444 = tpu.memref_slice %arg11[%dma_wait3A_2425, %dma_wait3A_2426, %dma_wait3A_2442, %dma_wait3A_2443] : memref<4x4x8x133xf32, #tpu.memory_space<vmem>> -> memref<1x1x8x128xf32, #tpu.memory_space<vmem>>
        %dma_wait3A_2445 = tpu.memref_squeeze %dma_wait3A_2444 : memref<1x1x8x128xf32, #tpu.memory_space<vmem>> -> memref<8x128xf32, #tpu.memory_space<vmem>>
        tpu.wait_dma2 semaphore(%arg15 : memref<!tpu.dma_semaphore, #tpu.memory_space<semaphore_mem>>) src(%dma_wait3A_2445 : memref<8x128xf32, #tpu.memory_space<vmem>>) dst(%dma_wait3A_2441 : memref<8x128xf32, #tpu.memory_space<hbm>>)
        %dma_wait3A_2446 = arith.constant 1 : i32
        %dma_wait3A_2447 = arith.constant 3 : i32
        %dma_wait3A_2448 = arith.constant 0 : i32
        %dma_wait3A_2449 = arith.constant 3 : i32
        %dma_wait3A_2450 = arith.constant 0 : i32
        %dma_wait3A_2451 = arith.constant 0 : i32
        %dma_wait3A_2452 = arith.constant 0 : i32
        %dma_wait3A_2453 = tpu.memref_slice %arg11[%dma_wait3A_2446, %dma_wait3A_2447, %dma_wait3A_2451, %dma_wait3A_2452] : memref<4x4x8x133xf32, #tpu.memory_space<vmem>> -> memref<1x1x8x128xf32, #tpu.memory_space<vmem>>
        %dma_wait3A_2454 = tpu.memref_squeeze %dma_wait3A_2453 : memref<1x1x8x128xf32, #tpu.memory_space<vmem>> -> memref<8x128xf32, #tpu.memory_space<vmem>>
        %dma_wait3A_2455 = arith.constant 0 : i32
        %dma_wait3A_2456 = arith.constant 0 : i32
        %dma_wait3A_2457 = tpu.memref_slice %arg4[%dma_wait3A_2448, %dma_wait3A_2449, %dma_wait3A_2450, %dma_wait3A_2455, %dma_wait3A_2456] : memref<50x4x128x8x128xf32, #tpu.memory_space<hbm>> -> memref<1x1x1x8x128xf32, #tpu.memory_space<hbm>>
        %dma_wait3A_2458 = tpu.memref_squeeze %dma_wait3A_2457 : memref<1x1x1x8x128xf32, #tpu.memory_space<hbm>> -> memref<8x128xf32, #tpu.memory_space<hbm>>
        %dma_wait3A_2459 = arith.constant 0 : i32
        %dma_wait3A_2460 = arith.constant 0 : i32
        %dma_wait3A_2461 = tpu.memref_slice %arg4[%dma_wait3A_2448, %dma_wait3A_2449, %dma_wait3A_2450, %dma_wait3A_2459, %dma_wait3A_2460] : memref<50x4x128x8x128xf32, #tpu.memory_space<hbm>> -> memref<1x1x1x8x128xf32, #tpu.memory_space<hbm>>
        %dma_wait3A_2462 = tpu.memref_squeeze %dma_wait3A_2461 : memref<1x1x1x8x128xf32, #tpu.memory_space<hbm>> -> memref<8x128xf32, #tpu.memory_space<hbm>>
        %dma_wait3A_2463 = arith.constant 0 : i32
        %dma_wait3A_2464 = arith.constant 0 : i32
        %dma_wait3A_2465 = tpu.memref_slice %arg11[%dma_wait3A_2446, %dma_wait3A_2447, %dma_wait3A_2463, %dma_wait3A_2464] : memref<4x4x8x133xf32, #tpu.memory_space<vmem>> -> memref<1x1x8x128xf32, #tpu.memory_space<vmem>>
        %dma_wait3A_2466 = tpu.memref_squeeze %dma_wait3A_2465 : memref<1x1x8x128xf32, #tpu.memory_space<vmem>> -> memref<8x128xf32, #tpu.memory_space<vmem>>
        tpu.wait_dma2 semaphore(%arg15 : memref<!tpu.dma_semaphore, #tpu.memory_space<semaphore_mem>>) src(%dma_wait3A_2466 : memref<8x128xf32, #tpu.memory_space<vmem>>) dst(%dma_wait3A_2462 : memref<8x128xf32, #tpu.memory_space<hbm>>)
        %dma_wait3A_2467 = arith.constant 2 : i32
        %dma_wait3A_2468 = arith.constant 0 : i32
        %dma_wait3A_2469 = arith.constant 0 : i32
        %dma_wait3A_2470 = arith.constant 0 : i32
        %dma_wait3A_2471 = arith.constant 0 : i32
        %dma_wait3A_2472 = arith.constant 0 : i32
        %dma_wait3A_2473 = arith.constant 0 : i32
        %dma_wait3A_2474 = tpu.memref_slice %arg11[%dma_wait3A_2467, %dma_wait3A_2468, %dma_wait3A_2472, %dma_wait3A_2473] : memref<4x4x8x133xf32, #tpu.memory_space<vmem>> -> memref<1x1x8x128xf32, #tpu.memory_space<vmem>>
        %dma_wait3A_2475 = tpu.memref_squeeze %dma_wait3A_2474 : memref<1x1x8x128xf32, #tpu.memory_space<vmem>> -> memref<8x128xf32, #tpu.memory_space<vmem>>
        %dma_wait3A_2476 = arith.constant 0 : i32
        %dma_wait3A_2477 = arith.constant 0 : i32
        %dma_wait3A_2478 = tpu.memref_slice %arg4[%dma_wait3A_2469, %dma_wait3A_2470, %dma_wait3A_2471, %dma_wait3A_2476, %dma_wait3A_2477] : memref<50x4x128x8x128xf32, #tpu.memory_space<hbm>> -> memref<1x1x1x8x128xf32, #tpu.memory_space<hbm>>
        %dma_wait3A_2479 = tpu.memref_squeeze %dma_wait3A_2478 : memref<1x1x1x8x128xf32, #tpu.memory_space<hbm>> -> memref<8x128xf32, #tpu.memory_space<hbm>>
        %dma_wait3A_2480 = arith.constant 0 : i32
        %dma_wait3A_2481 = arith.constant 0 : i32
        %dma_wait3A_2482 = tpu.memref_slice %arg4[%dma_wait3A_2469, %dma_wait3A_2470, %dma_wait3A_2471, %dma_wait3A_2480, %dma_wait3A_2481] : memref<50x4x128x8x128xf32, #tpu.memory_space<hbm>> -> memref<1x1x1x8x128xf32, #tpu.memory_space<hbm>>
        %dma_wait3A_2483 = tpu.memref_squeeze %dma_wait3A_2482 : memref<1x1x1x8x128xf32, #tpu.memory_space<hbm>> -> memref<8x128xf32, #tpu.memory_space<hbm>>
        %dma_wait3A_2484 = arith.constant 0 : i32
        %dma_wait3A_2485 = arith.constant 0 : i32
        %dma_wait3A_2486 = tpu.memref_slice %arg11[%dma_wait3A_2467, %dma_wait3A_2468, %dma_wait3A_2484, %dma_wait3A_2485] : memref<4x4x8x133xf32, #tpu.memory_space<vmem>> -> memref<1x1x8x128xf32, #tpu.memory_space<vmem>>
        %dma_wait3A_2487 = tpu.memref_squeeze %dma_wait3A_2486 : memref<1x1x8x128xf32, #tpu.memory_space<vmem>> -> memref<8x128xf32, #tpu.memory_space<vmem>>
        tpu.wait_dma2 semaphore(%arg15 : memref<!tpu.dma_semaphore, #tpu.memory_space<semaphore_mem>>) src(%dma_wait3A_2487 : memref<8x128xf32, #tpu.memory_space<vmem>>) dst(%dma_wait3A_2483 : memref<8x128xf32, #tpu.memory_space<hbm>>)
        %dma_wait3A_2488 = arith.constant 2 : i32
        %dma_wait3A_2489 = arith.constant 1 : i32
        %dma_wait3A_2490 = arith.constant 0 : i32
        %dma_wait3A_2491 = arith.constant 1 : i32
        %dma_wait3A_2492 = arith.constant 0 : i32
        %dma_wait3A_2493 = arith.constant 0 : i32
        %dma_wait3A_2494 = arith.constant 0 : i32
        %dma_wait3A_2495 = tpu.memref_slice %arg11[%dma_wait3A_2488, %dma_wait3A_2489, %dma_wait3A_2493, %dma_wait3A_2494] : memref<4x4x8x133xf32, #tpu.memory_space<vmem>> -> memref<1x1x8x128xf32, #tpu.memory_space<vmem>>
        %dma_wait3A_2496 = tpu.memref_squeeze %dma_wait3A_2495 : memref<1x1x8x128xf32, #tpu.memory_space<vmem>> -> memref<8x128xf32, #tpu.memory_space<vmem>>
        %dma_wait3A_2497 = arith.constant 0 : i32
        %dma_wait3A_2498 = arith.constant 0 : i32
        %dma_wait3A_2499 = tpu.memref_slice %arg4[%dma_wait3A_2490, %dma_wait3A_2491, %dma_wait3A_2492, %dma_wait3A_2497, %dma_wait3A_2498] : memref<50x4x128x8x128xf32, #tpu.memory_space<hbm>> -> memref<1x1x1x8x128xf32, #tpu.memory_space<hbm>>
        %dma_wait3A_2500 = tpu.memref_squeeze %dma_wait3A_2499 : memref<1x1x1x8x128xf32, #tpu.memory_space<hbm>> -> memref<8x128xf32, #tpu.memory_space<hbm>>
        %dma_wait3A_2501 = arith.constant 0 : i32
        %dma_wait3A_2502 = arith.constant 0 : i32
        %dma_wait3A_2503 = tpu.memref_slice %arg4[%dma_wait3A_2490, %dma_wait3A_2491, %dma_wait3A_2492, %dma_wait3A_2501, %dma_wait3A_2502] : memref<50x4x128x8x128xf32, #tpu.memory_space<hbm>> -> memref<1x1x1x8x128xf32, #tpu.memory_space<hbm>>
        %dma_wait3A_2504 = tpu.memref_squeeze %dma_wait3A_2503 : memref<1x1x1x8x128xf32, #tpu.memory_space<hbm>> -> memref<8x128xf32, #tpu.memory_space<hbm>>
        %dma_wait3A_2505 = arith.constant 0 : i32
        %dma_wait3A_2506 = arith.constant 0 : i32
        %dma_wait3A_2507 = tpu.memref_slice %arg11[%dma_wait3A_2488, %dma_wait3A_2489, %dma_wait3A_2505, %dma_wait3A_2506] : memref<4x4x8x133xf32, #tpu.memory_space<vmem>> -> memref<1x1x8x128xf32, #tpu.memory_space<vmem>>
        %dma_wait3A_2508 = tpu.memref_squeeze %dma_wait3A_2507 : memref<1x1x8x128xf32, #tpu.memory_space<vmem>> -> memref<8x128xf32, #tpu.memory_space<vmem>>
        tpu.wait_dma2 semaphore(%arg15 : memref<!tpu.dma_semaphore, #tpu.memory_space<semaphore_mem>>) src(%dma_wait3A_2508 : memref<8x128xf32, #tpu.memory_space<vmem>>) dst(%dma_wait3A_2504 : memref<8x128xf32, #tpu.memory_space<hbm>>)
        %dma_wait3A_2509 = arith.constant 2 : i32
        %dma_wait3A_2510 = arith.constant 2 : i32
        %dma_wait3A_2511 = arith.constant 0 : i32
        %dma_wait3A_2512 = arith.constant 2 : i32
        %dma_wait3A_2513 = arith.constant 0 : i32
        %dma_wait3A_2514 = arith.constant 0 : i32
        %dma_wait3A_2515 = arith.constant 0 : i32
        %dma_wait3A_2516 = tpu.memref_slice %arg11[%dma_wait3A_2509, %dma_wait3A_2510, %dma_wait3A_2514, %dma_wait3A_2515] : memref<4x4x8x133xf32, #tpu.memory_space<vmem>> -> memref<1x1x8x128xf32, #tpu.memory_space<vmem>>
        %dma_wait3A_2517 = tpu.memref_squeeze %dma_wait3A_2516 : memref<1x1x8x128xf32, #tpu.memory_space<vmem>> -> memref<8x128xf32, #tpu.memory_space<vmem>>
        %dma_wait3A_2518 = arith.constant 0 : i32
        %dma_wait3A_2519 = arith.constant 0 : i32
        %dma_wait3A_2520 = tpu.memref_slice %arg4[%dma_wait3A_2511, %dma_wait3A_2512, %dma_wait3A_2513, %dma_wait3A_2518, %dma_wait3A_2519] : memref<50x4x128x8x128xf32, #tpu.memory_space<hbm>> -> memref<1x1x1x8x128xf32, #tpu.memory_space<hbm>>
        %dma_wait3A_2521 = tpu.memref_squeeze %dma_wait3A_2520 : memref<1x1x1x8x128xf32, #tpu.memory_space<hbm>> -> memref<8x128xf32, #tpu.memory_space<hbm>>
        %dma_wait3A_2522 = arith.constant 0 : i32
        %dma_wait3A_2523 = arith.constant 0 : i32
        %dma_wait3A_2524 = tpu.memref_slice %arg4[%dma_wait3A_2511, %dma_wait3A_2512, %dma_wait3A_2513, %dma_wait3A_2522, %dma_wait3A_2523] : memref<50x4x128x8x128xf32, #tpu.memory_space<hbm>> -> memref<1x1x1x8x128xf32, #tpu.memory_space<hbm>>
        %dma_wait3A_2525 = tpu.memref_squeeze %dma_wait3A_2524 : memref<1x1x1x8x128xf32, #tpu.memory_space<hbm>> -> memref<8x128xf32, #tpu.memory_space<hbm>>
        %dma_wait3A_2526 = arith.constant 0 : i32
        %dma_wait3A_2527 = arith.constant 0 : i32
        %dma_wait3A_2528 = tpu.memref_slice %arg11[%dma_wait3A_2509, %dma_wait3A_2510, %dma_wait3A_2526, %dma_wait3A_2527] : memref<4x4x8x133xf32, #tpu.memory_space<vmem>> -> memref<1x1x8x128xf32, #tpu.memory_space<vmem>>
        %dma_wait3A_2529 = tpu.memref_squeeze %dma_wait3A_2528 : memref<1x1x8x128xf32, #tpu.memory_space<vmem>> -> memref<8x128xf32, #tpu.memory_space<vmem>>
        tpu.wait_dma2 semaphore(%arg15 : memref<!tpu.dma_semaphore, #tpu.memory_space<semaphore_mem>>) src(%dma_wait3A_2529 : memref<8x128xf32, #tpu.memory_space<vmem>>) dst(%dma_wait3A_2525 : memref<8x128xf32, #tpu.memory_space<hbm>>)
        %dma_wait3A_2530 = arith.constant 2 : i32
        %dma_wait3A_2531 = arith.constant 3 : i32
        %dma_wait3A_2532 = arith.constant 0 : i32
        %dma_wait3A_2533 = arith.constant 3 : i32
        %dma_wait3A_2534 = arith.constant 0 : i32
        %dma_wait3A_2535 = arith.constant 0 : i32
        %dma_wait3A_2536 = arith.constant 0 : i32
        %dma_wait3A_2537 = tpu.memref_slice %arg11[%dma_wait3A_2530, %dma_wait3A_2531, %dma_wait3A_2535, %dma_wait3A_2536] : memref<4x4x8x133xf32, #tpu.memory_space<vmem>> -> memref<1x1x8x128xf32, #tpu.memory_space<vmem>>
        %dma_wait3A_2538 = tpu.memref_squeeze %dma_wait3A_2537 : memref<1x1x8x128xf32, #tpu.memory_space<vmem>> -> memref<8x128xf32, #tpu.memory_space<vmem>>
        %dma_wait3A_2539 = arith.constant 0 : i32
        %dma_wait3A_2540 = arith.constant 0 : i32
        %dma_wait3A_2541 = tpu.memref_slice %arg4[%dma_wait3A_2532, %dma_wait3A_2533, %dma_wait3A_2534, %dma_wait3A_2539, %dma_wait3A_2540] : memref<50x4x128x8x128xf32, #tpu.memory_space<hbm>> -> memref<1x1x1x8x128xf32, #tpu.memory_space<hbm>>
        %dma_wait3A_2542 = tpu.memref_squeeze %dma_wait3A_2541 : memref<1x1x1x8x128xf32, #tpu.memory_space<hbm>> -> memref<8x128xf32, #tpu.memory_space<hbm>>
        %dma_wait3A_2543 = arith.constant 0 : i32
        %dma_wait3A_2544 = arith.constant 0 : i32
        %dma_wait3A_2545 = tpu.memref_slice %arg4[%dma_wait3A_2532, %dma_wait3A_2533, %dma_wait3A_2534, %dma_wait3A_2543, %dma_wait3A_2544] : memref<50x4x128x8x128xf32, #tpu.memory_space<hbm>> -> memref<1x1x1x8x128xf32, #tpu.memory_space<hbm>>
        %dma_wait3A_2546 = tpu.memref_squeeze %dma_wait3A_2545 : memref<1x1x1x8x128xf32, #tpu.memory_space<hbm>> -> memref<8x128xf32, #tpu.memory_space<hbm>>
        %dma_wait3A_2547 = arith.constant 0 : i32
        %dma_wait3A_2548 = arith.constant 0 : i32
        %dma_wait3A_2549 = tpu.memref_slice %arg11[%dma_wait3A_2530, %dma_wait3A_2531, %dma_wait3A_2547, %dma_wait3A_2548] : memref<4x4x8x133xf32, #tpu.memory_space<vmem>> -> memref<1x1x8x128xf32, #tpu.memory_space<vmem>>
        %dma_wait3A_2550 = tpu.memref_squeeze %dma_wait3A_2549 : memref<1x1x8x128xf32, #tpu.memory_space<vmem>> -> memref<8x128xf32, #tpu.memory_space<vmem>>
        tpu.wait_dma2 semaphore(%arg15 : memref<!tpu.dma_semaphore, #tpu.memory_space<semaphore_mem>>) src(%dma_wait3A_2550 : memref<8x128xf32, #tpu.memory_space<vmem>>) dst(%dma_wait3A_2546 : memref<8x128xf32, #tpu.memory_space<hbm>>)
        %dma_wait3A_2551 = arith.constant 3 : i32
        %dma_wait3A_2552 = arith.constant 0 : i32
        %dma_wait3A_2553 = arith.constant 0 : i32
        %dma_wait3A_2554 = arith.constant 0 : i32
        %dma_wait3A_2555 = arith.constant 0 : i32
        %dma_wait3A_2556 = arith.constant 0 : i32
        %dma_wait3A_2557 = arith.constant 0 : i32
        %dma_wait3A_2558 = tpu.memref_slice %arg11[%dma_wait3A_2551, %dma_wait3A_2552, %dma_wait3A_2556, %dma_wait3A_2557] : memref<4x4x8x133xf32, #tpu.memory_space<vmem>> -> memref<1x1x8x128xf32, #tpu.memory_space<vmem>>
        %dma_wait3A_2559 = tpu.memref_squeeze %dma_wait3A_2558 : memref<1x1x8x128xf32, #tpu.memory_space<vmem>> -> memref<8x128xf32, #tpu.memory_space<vmem>>
        %dma_wait3A_2560 = arith.constant 0 : i32
        %dma_wait3A_2561 = arith.constant 0 : i32
        %dma_wait3A_2562 = tpu.memref_slice %arg4[%dma_wait3A_2553, %dma_wait3A_2554, %dma_wait3A_2555, %dma_wait3A_2560, %dma_wait3A_2561] : memref<50x4x128x8x128xf32, #tpu.memory_space<hbm>> -> memref<1x1x1x8x128xf32, #tpu.memory_space<hbm>>
        %dma_wait3A_2563 = tpu.memref_squeeze %dma_wait3A_2562 : memref<1x1x1x8x128xf32, #tpu.memory_space<hbm>> -> memref<8x128xf32, #tpu.memory_space<hbm>>
        %dma_wait3A_2564 = arith.constant 0 : i32
        %dma_wait3A_2565 = arith.constant 0 : i32
        %dma_wait3A_2566 = tpu.memref_slice %arg4[%dma_wait3A_2553, %dma_wait3A_2554, %dma_wait3A_2555, %dma_wait3A_2564, %dma_wait3A_2565] : memref<50x4x128x8x128xf32, #tpu.memory_space<hbm>> -> memref<1x1x1x8x128xf32, #tpu.memory_space<hbm>>
        %dma_wait3A_2567 = tpu.memref_squeeze %dma_wait3A_2566 : memref<1x1x1x8x128xf32, #tpu.memory_space<hbm>> -> memref<8x128xf32, #tpu.memory_space<hbm>>
        %dma_wait3A_2568 = arith.constant 0 : i32
        %dma_wait3A_2569 = arith.constant 0 : i32
        %dma_wait3A_2570 = tpu.memref_slice %arg11[%dma_wait3A_2551, %dma_wait3A_2552, %dma_wait3A_2568, %dma_wait3A_2569] : memref<4x4x8x133xf32, #tpu.memory_space<vmem>> -> memref<1x1x8x128xf32, #tpu.memory_space<vmem>>
        %dma_wait3A_2571 = tpu.memref_squeeze %dma_wait3A_2570 : memref<1x1x8x128xf32, #tpu.memory_space<vmem>> -> memref<8x128xf32, #tpu.memory_space<vmem>>
        tpu.wait_dma2 semaphore(%arg15 : memref<!tpu.dma_semaphore, #tpu.memory_space<semaphore_mem>>) src(%dma_wait3A_2571 : memref<8x128xf32, #tpu.memory_space<vmem>>) dst(%dma_wait3A_2567 : memref<8x128xf32, #tpu.memory_space<hbm>>)
        %dma_wait3A_2572 = arith.constant 3 : i32
        %dma_wait3A_2573 = arith.constant 1 : i32
        %dma_wait3A_2574 = arith.constant 0 : i32
        %dma_wait3A_2575 = arith.constant 1 : i32
        %dma_wait3A_2576 = arith.constant 0 : i32
        %dma_wait3A_2577 = arith.constant 0 : i32
        %dma_wait3A_2578 = arith.constant 0 : i32
        %dma_wait3A_2579 = tpu.memref_slice %arg11[%dma_wait3A_2572, %dma_wait3A_2573, %dma_wait3A_2577, %dma_wait3A_2578] : memref<4x4x8x133xf32, #tpu.memory_space<vmem>> -> memref<1x1x8x128xf32, #tpu.memory_space<vmem>>
        %dma_wait3A_2580 = tpu.memref_squeeze %dma_wait3A_2579 : memref<1x1x8x128xf32, #tpu.memory_space<vmem>> -> memref<8x128xf32, #tpu.memory_space<vmem>>
        %dma_wait3A_2581 = arith.constant 0 : i32
        %dma_wait3A_2582 = arith.constant 0 : i32
        %dma_wait3A_2583 = tpu.memref_slice %arg4[%dma_wait3A_2574, %dma_wait3A_2575, %dma_wait3A_2576, %dma_wait3A_2581, %dma_wait3A_2582] : memref<50x4x128x8x128xf32, #tpu.memory_space<hbm>> -> memref<1x1x1x8x128xf32, #tpu.memory_space<hbm>>
        %dma_wait3A_2584 = tpu.memref_squeeze %dma_wait3A_2583 : memref<1x1x1x8x128xf32, #tpu.memory_space<hbm>> -> memref<8x128xf32, #tpu.memory_space<hbm>>
        %dma_wait3A_2585 = arith.constant 0 : i32
        %dma_wait3A_2586 = arith.constant 0 : i32
        %dma_wait3A_2587 = tpu.memref_slice %arg4[%dma_wait3A_2574, %dma_wait3A_2575, %dma_wait3A_2576, %dma_wait3A_2585, %dma_wait3A_2586] : memref<50x4x128x8x128xf32, #tpu.memory_space<hbm>> -> memref<1x1x1x8x128xf32, #tpu.memory_space<hbm>>
        %dma_wait3A_2588 = tpu.memref_squeeze %dma_wait3A_2587 : memref<1x1x1x8x128xf32, #tpu.memory_space<hbm>> -> memref<8x128xf32, #tpu.memory_space<hbm>>
        %dma_wait3A_2589 = arith.constant 0 : i32
        %dma_wait3A_2590 = arith.constant 0 : i32
        %dma_wait3A_2591 = tpu.memref_slice %arg11[%dma_wait3A_2572, %dma_wait3A_2573, %dma_wait3A_2589, %dma_wait3A_2590] : memref<4x4x8x133xf32, #tpu.memory_space<vmem>> -> memref<1x1x8x128xf32, #tpu.memory_space<vmem>>
        %dma_wait3A_2592 = tpu.memref_squeeze %dma_wait3A_2591 : memref<1x1x8x128xf32, #tpu.memory_space<vmem>> -> memref<8x128xf32, #tpu.memory_space<vmem>>
        tpu.wait_dma2 semaphore(%arg15 : memref<!tpu.dma_semaphore, #tpu.memory_space<semaphore_mem>>) src(%dma_wait3A_2592 : memref<8x128xf32, #tpu.memory_space<vmem>>) dst(%dma_wait3A_2588 : memref<8x128xf32, #tpu.memory_space<hbm>>)
        %dma_wait3A_2593 = arith.constant 3 : i32
        %dma_wait3A_2594 = arith.constant 2 : i32
        %dma_wait3A_2595 = arith.constant 0 : i32
        %dma_wait3A_2596 = arith.constant 2 : i32
        %dma_wait3A_2597 = arith.constant 0 : i32
        %dma_wait3A_2598 = arith.constant 0 : i32
        %dma_wait3A_2599 = arith.constant 0 : i32
        %dma_wait3A_2600 = tpu.memref_slice %arg11[%dma_wait3A_2593, %dma_wait3A_2594, %dma_wait3A_2598, %dma_wait3A_2599] : memref<4x4x8x133xf32, #tpu.memory_space<vmem>> -> memref<1x1x8x128xf32, #tpu.memory_space<vmem>>
        %dma_wait3A_2601 = tpu.memref_squeeze %dma_wait3A_2600 : memref<1x1x8x128xf32, #tpu.memory_space<vmem>> -> memref<8x128xf32, #tpu.memory_space<vmem>>
        %dma_wait3A_2602 = arith.constant 0 : i32
        %dma_wait3A_2603 = arith.constant 0 : i32
        %dma_wait3A_2604 = tpu.memref_slice %arg4[%dma_wait3A_2595, %dma_wait3A_2596, %dma_wait3A_2597, %dma_wait3A_2602, %dma_wait3A_2603] : memref<50x4x128x8x128xf32, #tpu.memory_space<hbm>> -> memref<1x1x1x8x128xf32, #tpu.memory_space<hbm>>
        %dma_wait3A_2605 = tpu.memref_squeeze %dma_wait3A_2604 : memref<1x1x1x8x128xf32, #tpu.memory_space<hbm>> -> memref<8x128xf32, #tpu.memory_space<hbm>>
        %dma_wait3A_2606 = arith.constant 0 : i32
        %dma_wait3A_2607 = arith.constant 0 : i32
        %dma_wait3A_2608 = tpu.memref_slice %arg4[%dma_wait3A_2595, %dma_wait3A_2596, %dma_wait3A_2597, %dma_wait3A_2606, %dma_wait3A_2607] : memref<50x4x128x8x128xf32, #tpu.memory_space<hbm>> -> memref<1x1x1x8x128xf32, #tpu.memory_space<hbm>>
        %dma_wait3A_2609 = tpu.memref_squeeze %dma_wait3A_2608 : memref<1x1x1x8x128xf32, #tpu.memory_space<hbm>> -> memref<8x128xf32, #tpu.memory_space<hbm>>
        %dma_wait3A_2610 = arith.constant 0 : i32
        %dma_wait3A_2611 = arith.constant 0 : i32
        %dma_wait3A_2612 = tpu.memref_slice %arg11[%dma_wait3A_2593, %dma_wait3A_2594, %dma_wait3A_2610, %dma_wait3A_2611] : memref<4x4x8x133xf32, #tpu.memory_space<vmem>> -> memref<1x1x8x128xf32, #tpu.memory_space<vmem>>
        %dma_wait3A_2613 = tpu.memref_squeeze %dma_wait3A_2612 : memref<1x1x8x128xf32, #tpu.memory_space<vmem>> -> memref<8x128xf32, #tpu.memory_space<vmem>>
        tpu.wait_dma2 semaphore(%arg15 : memref<!tpu.dma_semaphore, #tpu.memory_space<semaphore_mem>>) src(%dma_wait3A_2613 : memref<8x128xf32, #tpu.memory_space<vmem>>) dst(%dma_wait3A_2609 : memref<8x128xf32, #tpu.memory_space<hbm>>)
        %dma_wait3A_2614 = arith.constant 3 : i32
        %dma_wait3A_2615 = arith.constant 3 : i32
        %dma_wait3A_2616 = arith.constant 0 : i32
        %dma_wait3A_2617 = arith.constant 3 : i32
        %dma_wait3A_2618 = arith.constant 0 : i32
        %dma_wait3A_2619 = arith.constant 0 : i32
        %dma_wait3A_2620 = arith.constant 0 : i32
        %dma_wait3A_2621 = tpu.memref_slice %arg11[%dma_wait3A_2614, %dma_wait3A_2615, %dma_wait3A_2619, %dma_wait3A_2620] : memref<4x4x8x133xf32, #tpu.memory_space<vmem>> -> memref<1x1x8x128xf32, #tpu.memory_space<vmem>>
        %dma_wait3A_2622 = tpu.memref_squeeze %dma_wait3A_2621 : memref<1x1x8x128xf32, #tpu.memory_space<vmem>> -> memref<8x128xf32, #tpu.memory_space<vmem>>
        %dma_wait3A_2623 = arith.constant 0 : i32
        %dma_wait3A_2624 = arith.constant 0 : i32
        %dma_wait3A_2625 = tpu.memref_slice %arg4[%dma_wait3A_2616, %dma_wait3A_2617, %dma_wait3A_2618, %dma_wait3A_2623, %dma_wait3A_2624] : memref<50x4x128x8x128xf32, #tpu.memory_space<hbm>> -> memref<1x1x1x8x128xf32, #tpu.memory_space<hbm>>
        %dma_wait3A_2626 = tpu.memref_squeeze %dma_wait3A_2625 : memref<1x1x1x8x128xf32, #tpu.memory_space<hbm>> -> memref<8x128xf32, #tpu.memory_space<hbm>>
        %dma_wait3A_2627 = arith.constant 0 : i32
        %dma_wait3A_2628 = arith.constant 0 : i32
        %dma_wait3A_2629 = tpu.memref_slice %arg4[%dma_wait3A_2616, %dma_wait3A_2617, %dma_wait3A_2618, %dma_wait3A_2627, %dma_wait3A_2628] : memref<50x4x128x8x128xf32, #tpu.memory_space<hbm>> -> memref<1x1x1x8x128xf32, #tpu.memory_space<hbm>>
        %dma_wait3A_2630 = tpu.memref_squeeze %dma_wait3A_2629 : memref<1x1x1x8x128xf32, #tpu.memory_space<hbm>> -> memref<8x128xf32, #tpu.memory_space<hbm>>
        %dma_wait3A_2631 = arith.constant 0 : i32
        %dma_wait3A_2632 = arith.constant 0 : i32
        %dma_wait3A_2633 = tpu.memref_slice %arg11[%dma_wait3A_2614, %dma_wait3A_2615, %dma_wait3A_2631, %dma_wait3A_2632] : memref<4x4x8x133xf32, #tpu.memory_space<vmem>> -> memref<1x1x8x128xf32, #tpu.memory_space<vmem>>
        %dma_wait3A_2634 = tpu.memref_squeeze %dma_wait3A_2633 : memref<1x1x8x128xf32, #tpu.memory_space<vmem>> -> memref<8x128xf32, #tpu.memory_space<vmem>>
        tpu.wait_dma2 semaphore(%arg15 : memref<!tpu.dma_semaphore, #tpu.memory_space<semaphore_mem>>) src(%dma_wait3A_2634 : memref<8x128xf32, #tpu.memory_space<vmem>>) dst(%dma_wait3A_2630 : memref<8x128xf32, #tpu.memory_space<hbm>>)
      } else {
      }
      %iota3A_1898 = tpu.iota {dimensions = array<i32: 0>} : vector<16xi32>
      %jit3A_1899 = arith.constant 8 : i32
      %div3A_1900 = vector.broadcast %jit3A_1899 : i32 to vector<16xi32>
      %div3A_1901 = arith.divsi %iota3A_1898, %div3A_1900 : vector<16xi32>
      %sign3A_1902 = arith.constant 0 : i32
      %sign3A_1903 = vector.broadcast %sign3A_1902 : i32 to vector<16xi32>
      %sign3A_1904 = arith.cmpi sgt, %iota3A_1898, %sign3A_1903 : vector<16xi32>
      %sign3A_1905 = arith.extui %sign3A_1904 : vector<16xi1> to vector<16xi32>
      %sign3A_1906 = arith.constant 0 : i32
      %sign3A_1907 = vector.broadcast %sign3A_1906 : i32 to vector<16xi32>
      %sign3A_1908 = arith.cmpi slt, %iota3A_1898, %sign3A_1907 : vector<16xi32>
      %sign3A_1909 = arith.extui %sign3A_1908 : vector<16xi1> to vector<16xi32>
      %sign3A_1910 = arith.subi %sign3A_1905, %sign3A_1909 : vector<16xi32>
      %sign3A_1911 = arith.constant 0 : i32
      %sign3A_1912 = arith.cmpi sgt, %jit3A_1899, %sign3A_1911 : i32
      %sign3A_1913 = arith.extui %sign3A_1912 : i1 to i32
      %sign3A_1914 = arith.constant 0 : i32
      %sign3A_1915 = arith.cmpi slt, %jit3A_1899, %sign3A_1914 : i32
      %sign3A_1916 = arith.extui %sign3A_1915 : i1 to i32
      %sign3A_1917 = arith.subi %sign3A_1913, %sign3A_1916 : i32
      %ne3A_1918 = vector.broadcast %sign3A_1917 : i32 to vector<16xi32>
      %ne3A_1919 = arith.cmpi ne, %sign3A_1910, %ne3A_1918 : vector<16xi32>
      %rem3A_1920 = vector.broadcast %jit3A_1899 : i32 to vector<16xi32>
      %rem3A_1921 = arith.remsi %iota3A_1898, %rem3A_1920 : vector<16xi32>
      %ne3A_1922 = arith.constant 0 : i32
      %ne3A_1923 = vector.broadcast %ne3A_1922 : i32 to vector<16xi32>
      %ne3A_1924 = arith.cmpi ne, %rem3A_1921, %ne3A_1923 : vector<16xi32>
      %and3A_1925 = arith.andi %ne3A_1919, %ne3A_1924 : vector<16xi1>
      %sub3A_1926 = arith.constant 1 : i32
      %sub3A_1927 = vector.broadcast %sub3A_1926 : i32 to vector<16xi32>
      %sub3A_1928 = arith.subi %div3A_1901, %sub3A_1927 : vector<16xi32>
      %select_n3A_1929 = arith.select %and3A_1925, %sub3A_1928, %div3A_1901 : vector<16xi1>, vector<16xi32>
      %add3A_1930 = arith.constant 2 : i32
      %add3A_1931 = vector.broadcast %add3A_1930 : i32 to vector<16xi32>
      %add3A_1932 = arith.addi %select_n3A_1929, %add3A_1931 : vector<16xi32>
      %jit3A_1933 = arith.constant 8 : i32
      %eq3A_1934 = arith.constant 0 : i32
      %eq3A_1935 = arith.cmpi eq, %jit3A_1933, %eq3A_1934 : i32
      %jit3A_1936 = arith.constant 1 : i32
      %select_n3A_1937 = arith.select %eq3A_1935, %jit3A_1936, %jit3A_1933 : i32
      %rem3A_1938 = vector.broadcast %select_n3A_1937 : i32 to vector<16xi32>
      %rem3A_1939 = arith.remsi %iota3A_1898, %rem3A_1938 : vector<16xi32>
      %ne3A_1940 = arith.constant 0 : i32
      %ne3A_1941 = vector.broadcast %ne3A_1940 : i32 to vector<16xi32>
      %ne3A_1942 = arith.cmpi ne, %rem3A_1939, %ne3A_1941 : vector<16xi32>
      %lt3A_1943 = arith.constant 0 : i32
      %lt3A_1944 = vector.broadcast %lt3A_1943 : i32 to vector<16xi32>
      %lt3A_1945 = arith.cmpi slt, %rem3A_1939, %lt3A_1944 : vector<16xi32>
      %lt3A_1946 = arith.constant 0 : i32
      %lt3A_1947 = arith.cmpi slt, %select_n3A_1937, %lt3A_1946 : i32
      %ne3A_1948 = vector.broadcast %lt3A_1947 : i1 to vector<16xi1>
      %ne3A_1949 = vector.broadcast %ne3A_1948 : vector<16xi1> to vector<16xi1>
      %ne3A_1950 = arith.xori %lt3A_1945, %ne3A_1949 : vector<16xi1>
      %and3A_1951 = arith.andi %ne3A_1950, %ne3A_1942 : vector<16xi1>
      %add3A_1952 = vector.broadcast %select_n3A_1937 : i32 to vector<16xi32>
      %add3A_1953 = arith.addi %rem3A_1939, %add3A_1952 : vector<16xi32>
      %select_n3A_1954 = arith.select %and3A_1951, %add3A_1953, %rem3A_1939 : vector<16xi1>, vector<16xi32>
      %scan3A_1955 = arith.constant 0 : i32
      %scan3A_1956 = arith.constant 0 : i32
      %scan3A_1957 = arith.constant 64 : i32
      %scan3A_1958 = arith.addi %scan3A_1956, %scan3A_1957 : i32
      %scan3A_1959 = arith.constant 1 : i32
      scf.for %scan3A_2299 = %scan3A_1956 to %scan3A_1958 step %scan3A_1959  : i32 {
        %jit3A_2300 = arith.constant 16 : i32
        %div3A_2301 = arith.divsi %scan3A_2299, %jit3A_2300 : i32
        %sign3A_2302 = arith.constant 0 : i32
        %sign3A_2303 = arith.cmpi sgt, %scan3A_2299, %sign3A_2302 : i32
        %sign3A_2304 = arith.extui %sign3A_2303 : i1 to i32
        %sign3A_2305 = arith.constant 0 : i32
        %sign3A_2306 = arith.cmpi slt, %scan3A_2299, %sign3A_2305 : i32
        %sign3A_2307 = arith.extui %sign3A_2306 : i1 to i32
        %sign3A_2308 = arith.subi %sign3A_2304, %sign3A_2307 : i32
        %sign3A_2309 = arith.constant 0 : i32
        %sign3A_2310 = arith.cmpi sgt, %jit3A_2300, %sign3A_2309 : i32
        %sign3A_2311 = arith.extui %sign3A_2310 : i1 to i32
        %sign3A_2312 = arith.constant 0 : i32
        %sign3A_2313 = arith.cmpi slt, %jit3A_2300, %sign3A_2312 : i32
        %sign3A_2314 = arith.extui %sign3A_2313 : i1 to i32
        %sign3A_2315 = arith.subi %sign3A_2311, %sign3A_2314 : i32
        %ne3A_2316 = arith.cmpi ne, %sign3A_2308, %sign3A_2315 : i32
        %rem3A_2317 = arith.remsi %scan3A_2299, %jit3A_2300 : i32
        %ne3A_2318 = arith.constant 0 : i32
        %ne3A_2319 = arith.cmpi ne, %rem3A_2317, %ne3A_2318 : i32
        %and3A_2320 = arith.andi %ne3A_2316, %ne3A_2319 : i1
        %sub3A_2321 = arith.constant 1 : i32
        %sub3A_2322 = arith.subi %div3A_2301, %sub3A_2321 : i32
        %select_n3A_2323 = arith.select %and3A_2320, %sub3A_2322, %div3A_2301 : i32
        %jit3A_2324 = arith.constant 16 : i32
        %eq3A_2325 = arith.constant 0 : i32
        %eq3A_2326 = arith.cmpi eq, %jit3A_2324, %eq3A_2325 : i32
        %jit3A_2327 = arith.constant 1 : i32
        %select_n3A_2328 = arith.select %eq3A_2326, %jit3A_2327, %jit3A_2324 : i32
        %rem3A_2329 = arith.remsi %scan3A_2299, %select_n3A_2328 : i32
        %ne3A_2330 = arith.constant 0 : i32
        %ne3A_2331 = arith.cmpi ne, %rem3A_2329, %ne3A_2330 : i32
        %lt3A_2332 = arith.constant 0 : i32
        %lt3A_2333 = arith.cmpi slt, %rem3A_2329, %lt3A_2332 : i32
        %lt3A_2334 = arith.constant 0 : i32
        %lt3A_2335 = arith.cmpi slt, %select_n3A_2328, %lt3A_2334 : i32
        %ne3A_2336 = arith.xori %lt3A_2333, %lt3A_2335 : i1
        %and3A_2337 = arith.andi %ne3A_2336, %ne3A_2331 : i1
        %add3A_2338 = arith.addi %rem3A_2329, %select_n3A_2328 : i32
        %select_n3A_2339 = arith.select %and3A_2337, %add3A_2338, %rem3A_2329 : i32
        %mul3A_2340 = arith.constant 128 : i32
        %mul3A_2341 = arith.muli %select_n3A_2323, %mul3A_2340 : i32
        %mul3A_2342 = arith.constant 8 : i32
        %mul3A_2343 = arith.muli %select_n3A_2339, %mul3A_2342 : i32
        %add3A_2344 = arith.addi %mul3A_2341, %mul3A_2343 : i32
        %broadcast_in_dim3A = vector.broadcast %select_n3A_2323 : i32 to vector<16xi32>
        %add3A_2345 = arith.constant 0 : i32
        %add3A_2346 = arith.addi %add3A_2344, %add3A_2345 : i32
        %mul3A_2347 = arith.constant 8 : i32
        %mul3A_2348 = arith.muli %select_n3A_2339, %mul3A_2347 : i32
        %add3A_2349 = arith.constant 0 : i32
        %add3A_2350 = arith.addi %mul3A_2348, %add3A_2349 : i32
        %broadcast_in_dim3A_2351 = vector.broadcast %add3A_2350 : i32 to vector<16xi32>
        %get3A = arith.index_cast %add3A_2346 : i32 to index
        %get3A_2352 = arith.constant 0 : index
        %get3A_2353 = tpu.vector_load %arg9[%get3A, %get3A_2352] {strides = array<i32>} : memref<512x32xf32, #tpu.memory_space<vmem>>, vector<16xf32>,
        %get3A_2354 = arith.index_cast %add3A_2346 : i32 to index
        %get3A_2355 = arith.constant 16 : index
        %get3A_2356 = tpu.vector_load %arg9[%get3A_2354, %get3A_2355] {strides = array<i32>} : memref<512x32xf32, #tpu.memory_space<vmem>>, vector<16xf32>,
        tpu.vector_store_idx %arg11[%broadcast_in_dim3A, %select_n3A_1929, %select_n3A_1954, %broadcast_in_dim3A_2351], %get3A_2353 : memref<4x4x8x133xf32, #tpu.memory_space<vmem>>[vector<16xi32>, vector<16xi32>, vector<16xi32>, vector<16xi32>], vector<16xf32>,
        tpu.vector_store_idx %arg11[%broadcast_in_dim3A, %add3A_1932, %select_n3A_1954, %broadcast_in_dim3A_2351], %get3A_2356 : memref<4x4x8x133xf32, #tpu.memory_space<vmem>>[vector<16xi32>, vector<16xi32>, vector<16xi32>, vector<16xi32>], vector<16xf32>,
        %add3A_2357 = arith.constant 1 : i32
        %add3A_2358 = arith.addi %add3A_2344, %add3A_2357 : i32
        %mul3A_2359 = arith.constant 8 : i32
        %mul3A_2360 = arith.muli %select_n3A_2339, %mul3A_2359 : i32
        %add3A_2361 = arith.constant 1 : i32
        %add3A_2362 = arith.addi %mul3A_2360, %add3A_2361 : i32
        %broadcast_in_dim3A_2363 = vector.broadcast %add3A_2362 : i32 to vector<16xi32>
        %get3A_2364 = arith.index_cast %add3A_2358 : i32 to index
        %get3A_2365 = arith.constant 0 : index
        %get3A_2366 = tpu.vector_load %arg9[%get3A_2364, %get3A_2365] {strides = array<i32>} : memref<512x32xf32, #tpu.memory_space<vmem>>, vector<16xf32>,
        %get3A_2367 = arith.index_cast %add3A_2358 : i32 to index
        %get3A_2368 = arith.constant 16 : index
        %get3A_2369 = tpu.vector_load %arg9[%get3A_2367, %get3A_2368] {strides = array<i32>} : memref<512x32xf32, #tpu.memory_space<vmem>>, vector<16xf32>,
        tpu.vector_store_idx %arg11[%broadcast_in_dim3A, %select_n3A_1929, %select_n3A_1954, %broadcast_in_dim3A_2363], %get3A_2366 : memref<4x4x8x133xf32, #tpu.memory_space<vmem>>[vector<16xi32>, vector<16xi32>, vector<16xi32>, vector<16xi32>], vector<16xf32>,
        tpu.vector_store_idx %arg11[%broadcast_in_dim3A, %add3A_1932, %select_n3A_1954, %broadcast_in_dim3A_2363], %get3A_2369 : memref<4x4x8x133xf32, #tpu.memory_space<vmem>>[vector<16xi32>, vector<16xi32>, vector<16xi32>, vector<16xi32>], vector<16xf32>,
        %add3A_2370 = arith.constant 2 : i32
        %add3A_2371 = arith.addi %add3A_2344, %add3A_2370 : i32
        %mul3A_2372 = arith.constant 8 : i32
        %mul3A_2373 = arith.muli %select_n3A_2339, %mul3A_2372 : i32
        %add3A_2374 = arith.constant 2 : i32
        %add3A_2375 = arith.addi %mul3A_2373, %add3A_2374 : i32
        %broadcast_in_dim3A_2376 = vector.broadcast %add3A_2375 : i32 to vector<16xi32>
        %get3A_2377 = arith.index_cast %add3A_2371 : i32 to index
        %get3A_2378 = arith.constant 0 : index
        %get3A_2379 = tpu.vector_load %arg9[%get3A_2377, %get3A_2378] {strides = array<i32>} : memref<512x32xf32, #tpu.memory_space<vmem>>, vector<16xf32>,
        %get3A_2380 = arith.index_cast %add3A_2371 : i32 to index
        %get3A_2381 = arith.constant 16 : index
        %get3A_2382 = tpu.vector_load %arg9[%get3A_2380, %get3A_2381] {strides = array<i32>} : memref<512x32xf32, #tpu.memory_space<vmem>>, vector<16xf32>,
        tpu.vector_store_idx %arg11[%broadcast_in_dim3A, %select_n3A_1929, %select_n3A_1954, %broadcast_in_dim3A_2376], %get3A_2379 : memref<4x4x8x133xf32, #tpu.memory_space<vmem>>[vector<16xi32>, vector<16xi32>, vector<16xi32>, vector<16xi32>], vector<16xf32>,
        tpu.vector_store_idx %arg11[%broadcast_in_dim3A, %add3A_1932, %select_n3A_1954, %broadcast_in_dim3A_2376], %get3A_2382 : memref<4x4x8x133xf32, #tpu.memory_space<vmem>>[vector<16xi32>, vector<16xi32>, vector<16xi32>, vector<16xi32>], vector<16xf32>,
        %add3A_2383 = arith.constant 3 : i32
        %add3A_2384 = arith.addi %add3A_2344, %add3A_2383 : i32
        %mul3A_2385 = arith.constant 8 : i32
        %mul3A_2386 = arith.muli %select_n3A_2339, %mul3A_2385 : i32
        %add3A_2387 = arith.constant 3 : i32
        %add3A_2388 = arith.addi %mul3A_2386, %add3A_2387 : i32
        %broadcast_in_dim3A_2389 = vector.broadcast %add3A_2388 : i32 to vector<16xi32>
        %get3A_2390 = arith.index_cast %add3A_2384 : i32 to index
        %get3A_2391 = arith.constant 0 : index
        %get3A_2392 = tpu.vector_load %arg9[%get3A_2390, %get3A_2391] {strides = array<i32>} : memref<512x32xf32, #tpu.memory_space<vmem>>, vector<16xf32>,
        %get3A_2393 = arith.index_cast %add3A_2384 : i32 to index
        %get3A_2394 = arith.constant 16 : index
        %get3A_2395 = tpu.vector_load %arg9[%get3A_2393, %get3A_2394] {strides = array<i32>} : memref<512x32xf32, #tpu.memory_space<vmem>>, vector<16xf32>,
        tpu.vector_store_idx %arg11[%broadcast_in_dim3A, %select_n3A_1929, %select_n3A_1954, %broadcast_in_dim3A_2389], %get3A_2392 : memref<4x4x8x133xf32, #tpu.memory_space<vmem>>[vector<16xi32>, vector<16xi32>, vector<16xi32>, vector<16xi32>], vector<16xf32>,
        tpu.vector_store_idx %arg11[%broadcast_in_dim3A, %add3A_1932, %select_n3A_1954, %broadcast_in_dim3A_2389], %get3A_2395 : memref<4x4x8x133xf32, #tpu.memory_space<vmem>>[vector<16xi32>, vector<16xi32>, vector<16xi32>, vector<16xi32>], vector<16xf32>,
        %add3A_2396 = arith.constant 4 : i32
        %add3A_2397 = arith.addi %add3A_2344, %add3A_2396 : i32
        %mul3A_2398 = arith.constant 8 : i32
        %mul3A_2399 = arith.muli %select_n3A_2339, %mul3A_2398 : i32
        %add3A_2400 = arith.constant 4 : i32
        %add3A_2401 = arith.addi %mul3A_2399, %add3A_2400 : i32
        %broadcast_in_dim3A_2402 = vector.broadcast %add3A_2401 : i32 to vector<16xi32>
        %get3A_2403 = arith.index_cast %add3A_2397 : i32 to index
        %get3A_2404 = arith.constant 0 : index
        %get3A_2405 = tpu.vector_load %arg9[%get3A_2403, %get3A_2404] {strides = array<i32>} : memref<512x32xf32, #tpu.memory_space<vmem>>, vector<16xf32>,
        %get3A_2406 = arith.index_cast %add3A_2397 : i32 to index
        %get3A_2407 = arith.constant 16 : index
        %get3A_2408 = tpu.vector_load %arg9[%get3A_2406, %get3A_2407] {strides = array<i32>} : memref<512x32xf32, #tpu.memory_space<vmem>>, vector<16xf32>,
        tpu.vector_store_idx %arg11[%broadcast_in_dim3A, %select_n3A_1929, %select_n3A_1954, %broadcast_in_dim3A_2402], %get3A_2405 : memref<4x4x8x133xf32, #tpu.memory_space<vmem>>[vector<16xi32>, vector<16xi32>, vector<16xi32>, vector<16xi32>], vector<16xf32>,
        tpu.vector_store_idx %arg11[%broadcast_in_dim3A, %add3A_1932, %select_n3A_1954, %broadcast_in_dim3A_2402], %get3A_2408 : memref<4x4x8x133xf32, #tpu.memory_space<vmem>>[vector<16xi32>, vector<16xi32>, vector<16xi32>, vector<16xi32>], vector<16xf32>,
        %add3A_2409 = arith.constant 5 : i32
        %add3A_2410 = arith.addi %add3A_2344, %add3A_2409 : i32
        %mul3A_2411 = arith.constant 8 : i32
        %mul3A_2412 = arith.muli %select_n3A_2339, %mul3A_2411 : i32
        %add3A_2413 = arith.constant 5 : i32
        %add3A_2414 = arith.addi %mul3A_2412, %add3A_2413 : i32
        %broadcast_in_dim3A_2415 = vector.broadcast %add3A_2414 : i32 to vector<16xi32>
        %get3A_2416 = arith.index_cast %add3A_2410 : i32 to index
        %get3A_2417 = arith.constant 0 : index
        %get3A_2418 = tpu.vector_load %arg9[%get3A_2416, %get3A_2417] {strides = array<i32>} : memref<512x32xf32, #tpu.memory_space<vmem>>, vector<16xf32>,
        %get3A_2419 = arith.index_cast %add3A_2410 : i32 to index
        %get3A_2420 = arith.constant 16 : index
        %get3A_2421 = tpu.vector_load %arg9[%get3A_2419, %get3A_2420] {strides = array<i32>} : memref<512x32xf32, #tpu.memory_space<vmem>>, vector<16xf32>,
        tpu.vector_store_idx %arg11[%broadcast_in_dim3A, %select_n3A_1929, %select_n3A_1954, %broadcast_in_dim3A_2415], %get3A_2418 : memref<4x4x8x133xf32, #tpu.memory_space<vmem>>[vector<16xi32>, vector<16xi32>, vector<16xi32>, vector<16xi32>], vector<16xf32>,
        tpu.vector_store_idx %arg11[%broadcast_in_dim3A, %add3A_1932, %select_n3A_1954, %broadcast_in_dim3A_2415], %get3A_2421 : memref<4x4x8x133xf32, #tpu.memory_space<vmem>>[vector<16xi32>, vector<16xi32>, vector<16xi32>, vector<16xi32>], vector<16xf32>,
        %add3A_2422 = arith.constant 6 : i32
        %add3A_2423 = arith.addi %add3A_2344, %add3A_2422 : i32
        %mul3A_2424 = arith.constant 8 : i32
        %mul3A_2425 = arith.muli %select_n3A_2339, %mul3A_2424 : i32
        %add3A_2426 = arith.constant 6 : i32
        %add3A_2427 = arith.addi %mul3A_2425, %add3A_2426 : i32
        %broadcast_in_dim3A_2428 = vector.broadcast %add3A_2427 : i32 to vector<16xi32>
        %get3A_2429 = arith.index_cast %add3A_2423 : i32 to index
        %get3A_2430 = arith.constant 0 : index
        %get3A_2431 = tpu.vector_load %arg9[%get3A_2429, %get3A_2430] {strides = array<i32>} : memref<512x32xf32, #tpu.memory_space<vmem>>, vector<16xf32>,
        %get3A_2432 = arith.index_cast %add3A_2423 : i32 to index
        %get3A_2433 = arith.constant 16 : index
        %get3A_2434 = tpu.vector_load %arg9[%get3A_2432, %get3A_2433] {strides = array<i32>} : memref<512x32xf32, #tpu.memory_space<vmem>>, vector<16xf32>,
        tpu.vector_store_idx %arg11[%broadcast_in_dim3A, %select_n3A_1929, %select_n3A_1954, %broadcast_in_dim3A_2428], %get3A_2431 : memref<4x4x8x133xf32, #tpu.memory_space<vmem>>[vector<16xi32>, vector<16xi32>, vector<16xi32>, vector<16xi32>], vector<16xf32>,
        tpu.vector_store_idx %arg11[%broadcast_in_dim3A, %add3A_1932, %select_n3A_1954, %broadcast_in_dim3A_2428], %get3A_2434 : memref<4x4x8x133xf32, #tpu.memory_space<vmem>>[vector<16xi32>, vector<16xi32>, vector<16xi32>, vector<16xi32>], vector<16xf32>,
        %add3A_2435 = arith.constant 7 : i32
        %add3A_2436 = arith.addi %add3A_2344, %add3A_2435 : i32
        %mul3A_2437 = arith.constant 8 : i32
        %mul3A_2438 = arith.muli %select_n3A_2339, %mul3A_2437 : i32
        %add3A_2439 = arith.constant 7 : i32
        %add3A_2440 = arith.addi %mul3A_2438, %add3A_2439 : i32
        %broadcast_in_dim3A_2441 = vector.broadcast %add3A_2440 : i32 to vector<16xi32>
        %get3A_2442 = arith.index_cast %add3A_2436 : i32 to index
        %get3A_2443 = arith.constant 0 : index
        %get3A_2444 = tpu.vector_load %arg9[%get3A_2442, %get3A_2443] {strides = array<i32>} : memref<512x32xf32, #tpu.memory_space<vmem>>, vector<16xf32>,
        %get3A_2445 = arith.index_cast %add3A_2436 : i32 to index
        %get3A_2446 = arith.constant 16 : index
        %get3A_2447 = tpu.vector_load %arg9[%get3A_2445, %get3A_2446] {strides = array<i32>} : memref<512x32xf32, #tpu.memory_space<vmem>>, vector<16xf32>,
        tpu.vector_store_idx %arg11[%broadcast_in_dim3A, %select_n3A_1929, %select_n3A_1954, %broadcast_in_dim3A_2441], %get3A_2444 : memref<4x4x8x133xf32, #tpu.memory_space<vmem>>[vector<16xi32>, vector<16xi32>, vector<16xi32>, vector<16xi32>], vector<16xf32>,
        tpu.vector_store_idx %arg11[%broadcast_in_dim3A, %add3A_1932, %select_n3A_1954, %broadcast_in_dim3A_2441], %get3A_2447 : memref<4x4x8x133xf32, #tpu.memory_space<vmem>>[vector<16xi32>, vector<16xi32>, vector<16xi32>, vector<16xi32>], vector<16xf32>,
      }
      %scan3A_1960 = arith.constant 64 : i32
      %add3A_1961 = arith.constant 1 : i32
      %add3A_1962 = arith.addi %mul3A_1068, %add3A_1961 : i32
      %add3A_1963 = arith.constant 0 : i32
      %add3A_1964 = arith.addi %mul3A_2, %add3A_1963 : i32
      %dma_start3A_1965 = arith.constant 0 : i32
      %dma_start3A_1966 = arith.constant 0 : i32
      %dma_start3A_1967 = arith.constant 0 : i32
      %dma_start3A_1968 = arith.constant 0 : i32
      %dma_start3A_1969 = arith.constant 0 : i32
      %dma_start3A_1970 = tpu.memref_slice %arg11[%dma_start3A_1965, %dma_start3A_1966, %dma_start3A_1968, %dma_start3A_1969] : memref<4x4x8x133xf32, #tpu.memory_space<vmem>> -> memref<1x1x8x128xf32, #tpu.memory_space<vmem>>
      %dma_start3A_1971 = tpu.memref_squeeze %dma_start3A_1970 : memref<1x1x8x128xf32, #tpu.memory_space<vmem>> -> memref<8x128xf32, #tpu.memory_space<vmem>>
      %dma_start3A_1972 = arith.constant 0 : i32
      %dma_start3A_1973 = arith.constant 0 : i32
      %dma_start3A_1974 = tpu.memref_slice %arg4[%add3A_1962, %dma_start3A_1967, %add3A_1964, %dma_start3A_1972, %dma_start3A_1973] : memref<50x4x128x8x128xf32, #tpu.memory_space<hbm>> -> memref<1x1x1x8x128xf32, #tpu.memory_space<hbm>>
      %dma_start3A_1975 = tpu.memref_squeeze %dma_start3A_1974 : memref<1x1x1x8x128xf32, #tpu.memory_space<hbm>> -> memref<8x128xf32, #tpu.memory_space<hbm>>
      %dma_start3A_1976 = arith.constant 0 : i32
      %dma_start3A_1977 = arith.constant 0 : i32
      %dma_start3A_1978 = tpu.memref_slice %arg4[%add3A_1962, %dma_start3A_1967, %add3A_1964, %dma_start3A_1976, %dma_start3A_1977] : memref<50x4x128x8x128xf32, #tpu.memory_space<hbm>> -> memref<1x1x1x8x128xf32, #tpu.memory_space<hbm>>
      %dma_start3A_1979 = tpu.memref_squeeze %dma_start3A_1978 : memref<1x1x1x8x128xf32, #tpu.memory_space<hbm>> -> memref<8x128xf32, #tpu.memory_space<hbm>>
      %dma_start3A_1980 = arith.constant 0 : i32
      %dma_start3A_1981 = arith.constant 0 : i32
      %dma_start3A_1982 = tpu.memref_slice %arg11[%dma_start3A_1965, %dma_start3A_1966, %dma_start3A_1980, %dma_start3A_1981] : memref<4x4x8x133xf32, #tpu.memory_space<vmem>> -> memref<1x1x8x128xf32, #tpu.memory_space<vmem>>
      %dma_start3A_1983 = tpu.memref_squeeze %dma_start3A_1982 : memref<1x1x8x128xf32, #tpu.memory_space<vmem>> -> memref<8x128xf32, #tpu.memory_space<vmem>>
      tpu.enqueue_dma source(%dma_start3A_1983 : memref<8x128xf32, #tpu.memory_space<vmem>>) target(%dma_start3A_1979 : memref<8x128xf32, #tpu.memory_space<hbm>>) target_semaphore(%arg15 : memref<!tpu.dma_semaphore, #tpu.memory_space<semaphore_mem>>)
      %add3A_1984 = arith.constant 0 : i32
      %add3A_1985 = arith.addi %mul3A_2, %add3A_1984 : i32
      %dma_start3A_1986 = arith.constant 0 : i32
      %dma_start3A_1987 = arith.constant 1 : i32
      %dma_start3A_1988 = arith.constant 1 : i32
      %dma_start3A_1989 = arith.constant 0 : i32
      %dma_start3A_1990 = arith.constant 0 : i32
      %dma_start3A_1991 = tpu.memref_slice %arg11[%dma_start3A_1986, %dma_start3A_1987, %dma_start3A_1989, %dma_start3A_1990] : memref<4x4x8x133xf32, #tpu.memory_space<vmem>> -> memref<1x1x8x128xf32, #tpu.memory_space<vmem>>
      %dma_start3A_1992 = tpu.memref_squeeze %dma_start3A_1991 : memref<1x1x8x128xf32, #tpu.memory_space<vmem>> -> memref<8x128xf32, #tpu.memory_space<vmem>>
      %dma_start3A_1993 = arith.constant 0 : i32
      %dma_start3A_1994 = arith.constant 0 : i32
      %dma_start3A_1995 = tpu.memref_slice %arg4[%add3A_1962, %dma_start3A_1988, %add3A_1985, %dma_start3A_1993, %dma_start3A_1994] : memref<50x4x128x8x128xf32, #tpu.memory_space<hbm>> -> memref<1x1x1x8x128xf32, #tpu.memory_space<hbm>>
      %dma_start3A_1996 = tpu.memref_squeeze %dma_start3A_1995 : memref<1x1x1x8x128xf32, #tpu.memory_space<hbm>> -> memref<8x128xf32, #tpu.memory_space<hbm>>
      %dma_start3A_1997 = arith.constant 0 : i32
      %dma_start3A_1998 = arith.constant 0 : i32
      %dma_start3A_1999 = tpu.memref_slice %arg4[%add3A_1962, %dma_start3A_1988, %add3A_1985, %dma_start3A_1997, %dma_start3A_1998] : memref<50x4x128x8x128xf32, #tpu.memory_space<hbm>> -> memref<1x1x1x8x128xf32, #tpu.memory_space<hbm>>
      %dma_start3A_2000 = tpu.memref_squeeze %dma_start3A_1999 : memref<1x1x1x8x128xf32, #tpu.memory_space<hbm>> -> memref<8x128xf32, #tpu.memory_space<hbm>>
      %dma_start3A_2001 = arith.constant 0 : i32
      %dma_start3A_2002 = arith.constant 0 : i32
      %dma_start3A_2003 = tpu.memref_slice %arg11[%dma_start3A_1986, %dma_start3A_1987, %dma_start3A_2001, %dma_start3A_2002] : memref<4x4x8x133xf32, #tpu.memory_space<vmem>> -> memref<1x1x8x128xf32, #tpu.memory_space<vmem>>
      %dma_start3A_2004 = tpu.memref_squeeze %dma_start3A_2003 : memref<1x1x8x128xf32, #tpu.memory_space<vmem>> -> memref<8x128xf32, #tpu.memory_space<vmem>>
      tpu.enqueue_dma source(%dma_start3A_2004 : memref<8x128xf32, #tpu.memory_space<vmem>>) target(%dma_start3A_2000 : memref<8x128xf32, #tpu.memory_space<hbm>>) target_semaphore(%arg15 : memref<!tpu.dma_semaphore, #tpu.memory_space<semaphore_mem>>)
      %add3A_2005 = arith.constant 0 : i32
      %add3A_2006 = arith.addi %mul3A_2, %add3A_2005 : i32
      %dma_start3A_2007 = arith.constant 0 : i32
      %dma_start3A_2008 = arith.constant 2 : i32
      %dma_start3A_2009 = arith.constant 2 : i32
      %dma_start3A_2010 = arith.constant 0 : i32
      %dma_start3A_2011 = arith.constant 0 : i32
      %dma_start3A_2012 = tpu.memref_slice %arg11[%dma_start3A_2007, %dma_start3A_2008, %dma_start3A_2010, %dma_start3A_2011] : memref<4x4x8x133xf32, #tpu.memory_space<vmem>> -> memref<1x1x8x128xf32, #tpu.memory_space<vmem>>
      %dma_start3A_2013 = tpu.memref_squeeze %dma_start3A_2012 : memref<1x1x8x128xf32, #tpu.memory_space<vmem>> -> memref<8x128xf32, #tpu.memory_space<vmem>>
      %dma_start3A_2014 = arith.constant 0 : i32
      %dma_start3A_2015 = arith.constant 0 : i32
      %dma_start3A_2016 = tpu.memref_slice %arg4[%add3A_1962, %dma_start3A_2009, %add3A_2006, %dma_start3A_2014, %dma_start3A_2015] : memref<50x4x128x8x128xf32, #tpu.memory_space<hbm>> -> memref<1x1x1x8x128xf32, #tpu.memory_space<hbm>>
      %dma_start3A_2017 = tpu.memref_squeeze %dma_start3A_2016 : memref<1x1x1x8x128xf32, #tpu.memory_space<hbm>> -> memref<8x128xf32, #tpu.memory_space<hbm>>
      %dma_start3A_2018 = arith.constant 0 : i32
      %dma_start3A_2019 = arith.constant 0 : i32
      %dma_start3A_2020 = tpu.memref_slice %arg4[%add3A_1962, %dma_start3A_2009, %add3A_2006, %dma_start3A_2018, %dma_start3A_2019] : memref<50x4x128x8x128xf32, #tpu.memory_space<hbm>> -> memref<1x1x1x8x128xf32, #tpu.memory_space<hbm>>
      %dma_start3A_2021 = tpu.memref_squeeze %dma_start3A_2020 : memref<1x1x1x8x128xf32, #tpu.memory_space<hbm>> -> memref<8x128xf32, #tpu.memory_space<hbm>>
      %dma_start3A_2022 = arith.constant 0 : i32
      %dma_start3A_2023 = arith.constant 0 : i32
      %dma_start3A_2024 = tpu.memref_slice %arg11[%dma_start3A_2007, %dma_start3A_2008, %dma_start3A_2022, %dma_start3A_2023] : memref<4x4x8x133xf32, #tpu.memory_space<vmem>> -> memref<1x1x8x128xf32, #tpu.memory_space<vmem>>
      %dma_start3A_2025 = tpu.memref_squeeze %dma_start3A_2024 : memref<1x1x8x128xf32, #tpu.memory_space<vmem>> -> memref<8x128xf32, #tpu.memory_space<vmem>>
      tpu.enqueue_dma source(%dma_start3A_2025 : memref<8x128xf32, #tpu.memory_space<vmem>>) target(%dma_start3A_2021 : memref<8x128xf32, #tpu.memory_space<hbm>>) target_semaphore(%arg15 : memref<!tpu.dma_semaphore, #tpu.memory_space<semaphore_mem>>)
      %add3A_2026 = arith.constant 0 : i32
      %add3A_2027 = arith.addi %mul3A_2, %add3A_2026 : i32
      %dma_start3A_2028 = arith.constant 0 : i32
      %dma_start3A_2029 = arith.constant 3 : i32
      %dma_start3A_2030 = arith.constant 3 : i32
      %dma_start3A_2031 = arith.constant 0 : i32
      %dma_start3A_2032 = arith.constant 0 : i32
      %dma_start3A_2033 = tpu.memref_slice %arg11[%dma_start3A_2028, %dma_start3A_2029, %dma_start3A_2031, %dma_start3A_2032] : memref<4x4x8x133xf32, #tpu.memory_space<vmem>> -> memref<1x1x8x128xf32, #tpu.memory_space<vmem>>
      %dma_start3A_2034 = tpu.memref_squeeze %dma_start3A_2033 : memref<1x1x8x128xf32, #tpu.memory_space<vmem>> -> memref<8x128xf32, #tpu.memory_space<vmem>>
      %dma_start3A_2035 = arith.constant 0 : i32
      %dma_start3A_2036 = arith.constant 0 : i32
      %dma_start3A_2037 = tpu.memref_slice %arg4[%add3A_1962, %dma_start3A_2030, %add3A_2027, %dma_start3A_2035, %dma_start3A_2036] : memref<50x4x128x8x128xf32, #tpu.memory_space<hbm>> -> memref<1x1x1x8x128xf32, #tpu.memory_space<hbm>>
      %dma_start3A_2038 = tpu.memref_squeeze %dma_start3A_2037 : memref<1x1x1x8x128xf32, #tpu.memory_space<hbm>> -> memref<8x128xf32, #tpu.memory_space<hbm>>
      %dma_start3A_2039 = arith.constant 0 : i32
      %dma_start3A_2040 = arith.constant 0 : i32
      %dma_start3A_2041 = tpu.memref_slice %arg4[%add3A_1962, %dma_start3A_2030, %add3A_2027, %dma_start3A_2039, %dma_start3A_2040] : memref<50x4x128x8x128xf32, #tpu.memory_space<hbm>> -> memref<1x1x1x8x128xf32, #tpu.memory_space<hbm>>
      %dma_start3A_2042 = tpu.memref_squeeze %dma_start3A_2041 : memref<1x1x1x8x128xf32, #tpu.memory_space<hbm>> -> memref<8x128xf32, #tpu.memory_space<hbm>>
      %dma_start3A_2043 = arith.constant 0 : i32
      %dma_start3A_2044 = arith.constant 0 : i32
      %dma_start3A_2045 = tpu.memref_slice %arg11[%dma_start3A_2028, %dma_start3A_2029, %dma_start3A_2043, %dma_start3A_2044] : memref<4x4x8x133xf32, #tpu.memory_space<vmem>> -> memref<1x1x8x128xf32, #tpu.memory_space<vmem>>
      %dma_start3A_2046 = tpu.memref_squeeze %dma_start3A_2045 : memref<1x1x8x128xf32, #tpu.memory_space<vmem>> -> memref<8x128xf32, #tpu.memory_space<vmem>>
      tpu.enqueue_dma source(%dma_start3A_2046 : memref<8x128xf32, #tpu.memory_space<vmem>>) target(%dma_start3A_2042 : memref<8x128xf32, #tpu.memory_space<hbm>>) target_semaphore(%arg15 : memref<!tpu.dma_semaphore, #tpu.memory_space<semaphore_mem>>)
      %add3A_2047 = arith.constant 1 : i32
      %add3A_2048 = arith.addi %mul3A_2, %add3A_2047 : i32
      %dma_start3A_2049 = arith.constant 1 : i32
      %dma_start3A_2050 = arith.constant 0 : i32
      %dma_start3A_2051 = arith.constant 0 : i32
      %dma_start3A_2052 = arith.constant 0 : i32
      %dma_start3A_2053 = arith.constant 0 : i32
      %dma_start3A_2054 = tpu.memref_slice %arg11[%dma_start3A_2049, %dma_start3A_2050, %dma_start3A_2052, %dma_start3A_2053] : memref<4x4x8x133xf32, #tpu.memory_space<vmem>> -> memref<1x1x8x128xf32, #tpu.memory_space<vmem>>
      %dma_start3A_2055 = tpu.memref_squeeze %dma_start3A_2054 : memref<1x1x8x128xf32, #tpu.memory_space<vmem>> -> memref<8x128xf32, #tpu.memory_space<vmem>>
      %dma_start3A_2056 = arith.constant 0 : i32
      %dma_start3A_2057 = arith.constant 0 : i32
      %dma_start3A_2058 = tpu.memref_slice %arg4[%add3A_1962, %dma_start3A_2051, %add3A_2048, %dma_start3A_2056, %dma_start3A_2057] : memref<50x4x128x8x128xf32, #tpu.memory_space<hbm>> -> memref<1x1x1x8x128xf32, #tpu.memory_space<hbm>>
      %dma_start3A_2059 = tpu.memref_squeeze %dma_start3A_2058 : memref<1x1x1x8x128xf32, #tpu.memory_space<hbm>> -> memref<8x128xf32, #tpu.memory_space<hbm>>
      %dma_start3A_2060 = arith.constant 0 : i32
      %dma_start3A_2061 = arith.constant 0 : i32
      %dma_start3A_2062 = tpu.memref_slice %arg4[%add3A_1962, %dma_start3A_2051, %add3A_2048, %dma_start3A_2060, %dma_start3A_2061] : memref<50x4x128x8x128xf32, #tpu.memory_space<hbm>> -> memref<1x1x1x8x128xf32, #tpu.memory_space<hbm>>
      %dma_start3A_2063 = tpu.memref_squeeze %dma_start3A_2062 : memref<1x1x1x8x128xf32, #tpu.memory_space<hbm>> -> memref<8x128xf32, #tpu.memory_space<hbm>>
      %dma_start3A_2064 = arith.constant 0 : i32
      %dma_start3A_2065 = arith.constant 0 : i32
      %dma_start3A_2066 = tpu.memref_slice %arg11[%dma_start3A_2049, %dma_start3A_2050, %dma_start3A_2064, %dma_start3A_2065] : memref<4x4x8x133xf32, #tpu.memory_space<vmem>> -> memref<1x1x8x128xf32, #tpu.memory_space<vmem>>
      %dma_start3A_2067 = tpu.memref_squeeze %dma_start3A_2066 : memref<1x1x8x128xf32, #tpu.memory_space<vmem>> -> memref<8x128xf32, #tpu.memory_space<vmem>>
      tpu.enqueue_dma source(%dma_start3A_2067 : memref<8x128xf32, #tpu.memory_space<vmem>>) target(%dma_start3A_2063 : memref<8x128xf32, #tpu.memory_space<hbm>>) target_semaphore(%arg15 : memref<!tpu.dma_semaphore, #tpu.memory_space<semaphore_mem>>)
      %add3A_2068 = arith.constant 1 : i32
      %add3A_2069 = arith.addi %mul3A_2, %add3A_2068 : i32
      %dma_start3A_2070 = arith.constant 1 : i32
      %dma_start3A_2071 = arith.constant 1 : i32
      %dma_start3A_2072 = arith.constant 1 : i32
      %dma_start3A_2073 = arith.constant 0 : i32
      %dma_start3A_2074 = arith.constant 0 : i32
      %dma_start3A_2075 = tpu.memref_slice %arg11[%dma_start3A_2070, %dma_start3A_2071, %dma_start3A_2073, %dma_start3A_2074] : memref<4x4x8x133xf32, #tpu.memory_space<vmem>> -> memref<1x1x8x128xf32, #tpu.memory_space<vmem>>
      %dma_start3A_2076 = tpu.memref_squeeze %dma_start3A_2075 : memref<1x1x8x128xf32, #tpu.memory_space<vmem>> -> memref<8x128xf32, #tpu.memory_space<vmem>>
      %dma_start3A_2077 = arith.constant 0 : i32
      %dma_start3A_2078 = arith.constant 0 : i32
      %dma_start3A_2079 = tpu.memref_slice %arg4[%add3A_1962, %dma_start3A_2072, %add3A_2069, %dma_start3A_2077, %dma_start3A_2078] : memref<50x4x128x8x128xf32, #tpu.memory_space<hbm>> -> memref<1x1x1x8x128xf32, #tpu.memory_space<hbm>>
      %dma_start3A_2080 = tpu.memref_squeeze %dma_start3A_2079 : memref<1x1x1x8x128xf32, #tpu.memory_space<hbm>> -> memref<8x128xf32, #tpu.memory_space<hbm>>
      %dma_start3A_2081 = arith.constant 0 : i32
      %dma_start3A_2082 = arith.constant 0 : i32
      %dma_start3A_2083 = tpu.memref_slice %arg4[%add3A_1962, %dma_start3A_2072, %add3A_2069, %dma_start3A_2081, %dma_start3A_2082] : memref<50x4x128x8x128xf32, #tpu.memory_space<hbm>> -> memref<1x1x1x8x128xf32, #tpu.memory_space<hbm>>
      %dma_start3A_2084 = tpu.memref_squeeze %dma_start3A_2083 : memref<1x1x1x8x128xf32, #tpu.memory_space<hbm>> -> memref<8x128xf32, #tpu.memory_space<hbm>>
      %dma_start3A_2085 = arith.constant 0 : i32
      %dma_start3A_2086 = arith.constant 0 : i32
      %dma_start3A_2087 = tpu.memref_slice %arg11[%dma_start3A_2070, %dma_start3A_2071, %dma_start3A_2085, %dma_start3A_2086] : memref<4x4x8x133xf32, #tpu.memory_space<vmem>> -> memref<1x1x8x128xf32, #tpu.memory_space<vmem>>
      %dma_start3A_2088 = tpu.memref_squeeze %dma_start3A_2087 : memref<1x1x8x128xf32, #tpu.memory_space<vmem>> -> memref<8x128xf32, #tpu.memory_space<vmem>>
      tpu.enqueue_dma source(%dma_start3A_2088 : memref<8x128xf32, #tpu.memory_space<vmem>>) target(%dma_start3A_2084 : memref<8x128xf32, #tpu.memory_space<hbm>>) target_semaphore(%arg15 : memref<!tpu.dma_semaphore, #tpu.memory_space<semaphore_mem>>)
      %add3A_2089 = arith.constant 1 : i32
      %add3A_2090 = arith.addi %mul3A_2, %add3A_2089 : i32
      %dma_start3A_2091 = arith.constant 1 : i32
      %dma_start3A_2092 = arith.constant 2 : i32
      %dma_start3A_2093 = arith.constant 2 : i32
      %dma_start3A_2094 = arith.constant 0 : i32
      %dma_start3A_2095 = arith.constant 0 : i32
      %dma_start3A_2096 = tpu.memref_slice %arg11[%dma_start3A_2091, %dma_start3A_2092, %dma_start3A_2094, %dma_start3A_2095] : memref<4x4x8x133xf32, #tpu.memory_space<vmem>> -> memref<1x1x8x128xf32, #tpu.memory_space<vmem>>
      %dma_start3A_2097 = tpu.memref_squeeze %dma_start3A_2096 : memref<1x1x8x128xf32, #tpu.memory_space<vmem>> -> memref<8x128xf32, #tpu.memory_space<vmem>>
      %dma_start3A_2098 = arith.constant 0 : i32
      %dma_start3A_2099 = arith.constant 0 : i32
      %dma_start3A_2100 = tpu.memref_slice %arg4[%add3A_1962, %dma_start3A_2093, %add3A_2090, %dma_start3A_2098, %dma_start3A_2099] : memref<50x4x128x8x128xf32, #tpu.memory_space<hbm>> -> memref<1x1x1x8x128xf32, #tpu.memory_space<hbm>>
      %dma_start3A_2101 = tpu.memref_squeeze %dma_start3A_2100 : memref<1x1x1x8x128xf32, #tpu.memory_space<hbm>> -> memref<8x128xf32, #tpu.memory_space<hbm>>
      %dma_start3A_2102 = arith.constant 0 : i32
      %dma_start3A_2103 = arith.constant 0 : i32
      %dma_start3A_2104 = tpu.memref_slice %arg4[%add3A_1962, %dma_start3A_2093, %add3A_2090, %dma_start3A_2102, %dma_start3A_2103] : memref<50x4x128x8x128xf32, #tpu.memory_space<hbm>> -> memref<1x1x1x8x128xf32, #tpu.memory_space<hbm>>
      %dma_start3A_2105 = tpu.memref_squeeze %dma_start3A_2104 : memref<1x1x1x8x128xf32, #tpu.memory_space<hbm>> -> memref<8x128xf32, #tpu.memory_space<hbm>>
      %dma_start3A_2106 = arith.constant 0 : i32
      %dma_start3A_2107 = arith.constant 0 : i32
      %dma_start3A_2108 = tpu.memref_slice %arg11[%dma_start3A_2091, %dma_start3A_2092, %dma_start3A_2106, %dma_start3A_2107] : memref<4x4x8x133xf32, #tpu.memory_space<vmem>> -> memref<1x1x8x128xf32, #tpu.memory_space<vmem>>
      %dma_start3A_2109 = tpu.memref_squeeze %dma_start3A_2108 : memref<1x1x8x128xf32, #tpu.memory_space<vmem>> -> memref<8x128xf32, #tpu.memory_space<vmem>>
      tpu.enqueue_dma source(%dma_start3A_2109 : memref<8x128xf32, #tpu.memory_space<vmem>>) target(%dma_start3A_2105 : memref<8x128xf32, #tpu.memory_space<hbm>>) target_semaphore(%arg15 : memref<!tpu.dma_semaphore, #tpu.memory_space<semaphore_mem>>)
      %add3A_2110 = arith.constant 1 : i32
      %add3A_2111 = arith.addi %mul3A_2, %add3A_2110 : i32
      %dma_start3A_2112 = arith.constant 1 : i32
      %dma_start3A_2113 = arith.constant 3 : i32
      %dma_start3A_2114 = arith.constant 3 : i32
      %dma_start3A_2115 = arith.constant 0 : i32
      %dma_start3A_2116 = arith.constant 0 : i32
      %dma_start3A_2117 = tpu.memref_slice %arg11[%dma_start3A_2112, %dma_start3A_2113, %dma_start3A_2115, %dma_start3A_2116] : memref<4x4x8x133xf32, #tpu.memory_space<vmem>> -> memref<1x1x8x128xf32, #tpu.memory_space<vmem>>
      %dma_start3A_2118 = tpu.memref_squeeze %dma_start3A_2117 : memref<1x1x8x128xf32, #tpu.memory_space<vmem>> -> memref<8x128xf32, #tpu.memory_space<vmem>>
      %dma_start3A_2119 = arith.constant 0 : i32
      %dma_start3A_2120 = arith.constant 0 : i32
      %dma_start3A_2121 = tpu.memref_slice %arg4[%add3A_1962, %dma_start3A_2114, %add3A_2111, %dma_start3A_2119, %dma_start3A_2120] : memref<50x4x128x8x128xf32, #tpu.memory_space<hbm>> -> memref<1x1x1x8x128xf32, #tpu.memory_space<hbm>>
      %dma_start3A_2122 = tpu.memref_squeeze %dma_start3A_2121 : memref<1x1x1x8x128xf32, #tpu.memory_space<hbm>> -> memref<8x128xf32, #tpu.memory_space<hbm>>
      %dma_start3A_2123 = arith.constant 0 : i32
      %dma_start3A_2124 = arith.constant 0 : i32
      %dma_start3A_2125 = tpu.memref_slice %arg4[%add3A_1962, %dma_start3A_2114, %add3A_2111, %dma_start3A_2123, %dma_start3A_2124] : memref<50x4x128x8x128xf32, #tpu.memory_space<hbm>> -> memref<1x1x1x8x128xf32, #tpu.memory_space<hbm>>
      %dma_start3A_2126 = tpu.memref_squeeze %dma_start3A_2125 : memref<1x1x1x8x128xf32, #tpu.memory_space<hbm>> -> memref<8x128xf32, #tpu.memory_space<hbm>>
      %dma_start3A_2127 = arith.constant 0 : i32
      %dma_start3A_2128 = arith.constant 0 : i32
      %dma_start3A_2129 = tpu.memref_slice %arg11[%dma_start3A_2112, %dma_start3A_2113, %dma_start3A_2127, %dma_start3A_2128] : memref<4x4x8x133xf32, #tpu.memory_space<vmem>> -> memref<1x1x8x128xf32, #tpu.memory_space<vmem>>
      %dma_start3A_2130 = tpu.memref_squeeze %dma_start3A_2129 : memref<1x1x8x128xf32, #tpu.memory_space<vmem>> -> memref<8x128xf32, #tpu.memory_space<vmem>>
      tpu.enqueue_dma source(%dma_start3A_2130 : memref<8x128xf32, #tpu.memory_space<vmem>>) target(%dma_start3A_2126 : memref<8x128xf32, #tpu.memory_space<hbm>>) target_semaphore(%arg15 : memref<!tpu.dma_semaphore, #tpu.memory_space<semaphore_mem>>)
      %add3A_2131 = arith.constant 2 : i32
      %add3A_2132 = arith.addi %mul3A_2, %add3A_2131 : i32
      %dma_start3A_2133 = arith.constant 2 : i32
      %dma_start3A_2134 = arith.constant 0 : i32
      %dma_start3A_2135 = arith.constant 0 : i32
      %dma_start3A_2136 = arith.constant 0 : i32
      %dma_start3A_2137 = arith.constant 0 : i32
      %dma_start3A_2138 = tpu.memref_slice %arg11[%dma_start3A_2133, %dma_start3A_2134, %dma_start3A_2136, %dma_start3A_2137] : memref<4x4x8x133xf32, #tpu.memory_space<vmem>> -> memref<1x1x8x128xf32, #tpu.memory_space<vmem>>
      %dma_start3A_2139 = tpu.memref_squeeze %dma_start3A_2138 : memref<1x1x8x128xf32, #tpu.memory_space<vmem>> -> memref<8x128xf32, #tpu.memory_space<vmem>>
      %dma_start3A_2140 = arith.constant 0 : i32
      %dma_start3A_2141 = arith.constant 0 : i32
      %dma_start3A_2142 = tpu.memref_slice %arg4[%add3A_1962, %dma_start3A_2135, %add3A_2132, %dma_start3A_2140, %dma_start3A_2141] : memref<50x4x128x8x128xf32, #tpu.memory_space<hbm>> -> memref<1x1x1x8x128xf32, #tpu.memory_space<hbm>>
      %dma_start3A_2143 = tpu.memref_squeeze %dma_start3A_2142 : memref<1x1x1x8x128xf32, #tpu.memory_space<hbm>> -> memref<8x128xf32, #tpu.memory_space<hbm>>
      %dma_start3A_2144 = arith.constant 0 : i32
      %dma_start3A_2145 = arith.constant 0 : i32
      %dma_start3A_2146 = tpu.memref_slice %arg4[%add3A_1962, %dma_start3A_2135, %add3A_2132, %dma_start3A_2144, %dma_start3A_2145] : memref<50x4x128x8x128xf32, #tpu.memory_space<hbm>> -> memref<1x1x1x8x128xf32, #tpu.memory_space<hbm>>
      %dma_start3A_2147 = tpu.memref_squeeze %dma_start3A_2146 : memref<1x1x1x8x128xf32, #tpu.memory_space<hbm>> -> memref<8x128xf32, #tpu.memory_space<hbm>>
      %dma_start3A_2148 = arith.constant 0 : i32
      %dma_start3A_2149 = arith.constant 0 : i32
      %dma_start3A_2150 = tpu.memref_slice %arg11[%dma_start3A_2133, %dma_start3A_2134, %dma_start3A_2148, %dma_start3A_2149] : memref<4x4x8x133xf32, #tpu.memory_space<vmem>> -> memref<1x1x8x128xf32, #tpu.memory_space<vmem>>
      %dma_start3A_2151 = tpu.memref_squeeze %dma_start3A_2150 : memref<1x1x8x128xf32, #tpu.memory_space<vmem>> -> memref<8x128xf32, #tpu.memory_space<vmem>>
      tpu.enqueue_dma source(%dma_start3A_2151 : memref<8x128xf32, #tpu.memory_space<vmem>>) target(%dma_start3A_2147 : memref<8x128xf32, #tpu.memory_space<hbm>>) target_semaphore(%arg15 : memref<!tpu.dma_semaphore, #tpu.memory_space<semaphore_mem>>)
      %add3A_2152 = arith.constant 2 : i32
      %add3A_2153 = arith.addi %mul3A_2, %add3A_2152 : i32
      %dma_start3A_2154 = arith.constant 2 : i32
      %dma_start3A_2155 = arith.constant 1 : i32
      %dma_start3A_2156 = arith.constant 1 : i32
      %dma_start3A_2157 = arith.constant 0 : i32
      %dma_start3A_2158 = arith.constant 0 : i32
      %dma_start3A_2159 = tpu.memref_slice %arg11[%dma_start3A_2154, %dma_start3A_2155, %dma_start3A_2157, %dma_start3A_2158] : memref<4x4x8x133xf32, #tpu.memory_space<vmem>> -> memref<1x1x8x128xf32, #tpu.memory_space<vmem>>
      %dma_start3A_2160 = tpu.memref_squeeze %dma_start3A_2159 : memref<1x1x8x128xf32, #tpu.memory_space<vmem>> -> memref<8x128xf32, #tpu.memory_space<vmem>>
      %dma_start3A_2161 = arith.constant 0 : i32
      %dma_start3A_2162 = arith.constant 0 : i32
      %dma_start3A_2163 = tpu.memref_slice %arg4[%add3A_1962, %dma_start3A_2156, %add3A_2153, %dma_start3A_2161, %dma_start3A_2162] : memref<50x4x128x8x128xf32, #tpu.memory_space<hbm>> -> memref<1x1x1x8x128xf32, #tpu.memory_space<hbm>>
      %dma_start3A_2164 = tpu.memref_squeeze %dma_start3A_2163 : memref<1x1x1x8x128xf32, #tpu.memory_space<hbm>> -> memref<8x128xf32, #tpu.memory_space<hbm>>
      %dma_start3A_2165 = arith.constant 0 : i32
      %dma_start3A_2166 = arith.constant 0 : i32
      %dma_start3A_2167 = tpu.memref_slice %arg4[%add3A_1962, %dma_start3A_2156, %add3A_2153, %dma_start3A_2165, %dma_start3A_2166] : memref<50x4x128x8x128xf32, #tpu.memory_space<hbm>> -> memref<1x1x1x8x128xf32, #tpu.memory_space<hbm>>
      %dma_start3A_2168 = tpu.memref_squeeze %dma_start3A_2167 : memref<1x1x1x8x128xf32, #tpu.memory_space<hbm>> -> memref<8x128xf32, #tpu.memory_space<hbm>>
      %dma_start3A_2169 = arith.constant 0 : i32
      %dma_start3A_2170 = arith.constant 0 : i32
      %dma_start3A_2171 = tpu.memref_slice %arg11[%dma_start3A_2154, %dma_start3A_2155, %dma_start3A_2169, %dma_start3A_2170] : memref<4x4x8x133xf32, #tpu.memory_space<vmem>> -> memref<1x1x8x128xf32, #tpu.memory_space<vmem>>
      %dma_start3A_2172 = tpu.memref_squeeze %dma_start3A_2171 : memref<1x1x8x128xf32, #tpu.memory_space<vmem>> -> memref<8x128xf32, #tpu.memory_space<vmem>>
      tpu.enqueue_dma source(%dma_start3A_2172 : memref<8x128xf32, #tpu.memory_space<vmem>>) target(%dma_start3A_2168 : memref<8x128xf32, #tpu.memory_space<hbm>>) target_semaphore(%arg15 : memref<!tpu.dma_semaphore, #tpu.memory_space<semaphore_mem>>)
      %add3A_2173 = arith.constant 2 : i32
      %add3A_2174 = arith.addi %mul3A_2, %add3A_2173 : i32
      %dma_start3A_2175 = arith.constant 2 : i32
      %dma_start3A_2176 = arith.constant 2 : i32
      %dma_start3A_2177 = arith.constant 2 : i32
      %dma_start3A_2178 = arith.constant 0 : i32
      %dma_start3A_2179 = arith.constant 0 : i32
      %dma_start3A_2180 = tpu.memref_slice %arg11[%dma_start3A_2175, %dma_start3A_2176, %dma_start3A_2178, %dma_start3A_2179] : memref<4x4x8x133xf32, #tpu.memory_space<vmem>> -> memref<1x1x8x128xf32, #tpu.memory_space<vmem>>
      %dma_start3A_2181 = tpu.memref_squeeze %dma_start3A_2180 : memref<1x1x8x128xf32, #tpu.memory_space<vmem>> -> memref<8x128xf32, #tpu.memory_space<vmem>>
      %dma_start3A_2182 = arith.constant 0 : i32
      %dma_start3A_2183 = arith.constant 0 : i32
      %dma_start3A_2184 = tpu.memref_slice %arg4[%add3A_1962, %dma_start3A_2177, %add3A_2174, %dma_start3A_2182, %dma_start3A_2183] : memref<50x4x128x8x128xf32, #tpu.memory_space<hbm>> -> memref<1x1x1x8x128xf32, #tpu.memory_space<hbm>>
      %dma_start3A_2185 = tpu.memref_squeeze %dma_start3A_2184 : memref<1x1x1x8x128xf32, #tpu.memory_space<hbm>> -> memref<8x128xf32, #tpu.memory_space<hbm>>
      %dma_start3A_2186 = arith.constant 0 : i32
      %dma_start3A_2187 = arith.constant 0 : i32
      %dma_start3A_2188 = tpu.memref_slice %arg4[%add3A_1962, %dma_start3A_2177, %add3A_2174, %dma_start3A_2186, %dma_start3A_2187] : memref<50x4x128x8x128xf32, #tpu.memory_space<hbm>> -> memref<1x1x1x8x128xf32, #tpu.memory_space<hbm>>
      %dma_start3A_2189 = tpu.memref_squeeze %dma_start3A_2188 : memref<1x1x1x8x128xf32, #tpu.memory_space<hbm>> -> memref<8x128xf32, #tpu.memory_space<hbm>>
      %dma_start3A_2190 = arith.constant 0 : i32
      %dma_start3A_2191 = arith.constant 0 : i32
      %dma_start3A_2192 = tpu.memref_slice %arg11[%dma_start3A_2175, %dma_start3A_2176, %dma_start3A_2190, %dma_start3A_2191] : memref<4x4x8x133xf32, #tpu.memory_space<vmem>> -> memref<1x1x8x128xf32, #tpu.memory_space<vmem>>
      %dma_start3A_2193 = tpu.memref_squeeze %dma_start3A_2192 : memref<1x1x8x128xf32, #tpu.memory_space<vmem>> -> memref<8x128xf32, #tpu.memory_space<vmem>>
      tpu.enqueue_dma source(%dma_start3A_2193 : memref<8x128xf32, #tpu.memory_space<vmem>>) target(%dma_start3A_2189 : memref<8x128xf32, #tpu.memory_space<hbm>>) target_semaphore(%arg15 : memref<!tpu.dma_semaphore, #tpu.memory_space<semaphore_mem>>)
      %add3A_2194 = arith.constant 2 : i32
      %add3A_2195 = arith.addi %mul3A_2, %add3A_2194 : i32
      %dma_start3A_2196 = arith.constant 2 : i32
      %dma_start3A_2197 = arith.constant 3 : i32
      %dma_start3A_2198 = arith.constant 3 : i32
      %dma_start3A_2199 = arith.constant 0 : i32
      %dma_start3A_2200 = arith.constant 0 : i32
      %dma_start3A_2201 = tpu.memref_slice %arg11[%dma_start3A_2196, %dma_start3A_2197, %dma_start3A_2199, %dma_start3A_2200] : memref<4x4x8x133xf32, #tpu.memory_space<vmem>> -> memref<1x1x8x128xf32, #tpu.memory_space<vmem>>
      %dma_start3A_2202 = tpu.memref_squeeze %dma_start3A_2201 : memref<1x1x8x128xf32, #tpu.memory_space<vmem>> -> memref<8x128xf32, #tpu.memory_space<vmem>>
      %dma_start3A_2203 = arith.constant 0 : i32
      %dma_start3A_2204 = arith.constant 0 : i32
      %dma_start3A_2205 = tpu.memref_slice %arg4[%add3A_1962, %dma_start3A_2198, %add3A_2195, %dma_start3A_2203, %dma_start3A_2204] : memref<50x4x128x8x128xf32, #tpu.memory_space<hbm>> -> memref<1x1x1x8x128xf32, #tpu.memory_space<hbm>>
      %dma_start3A_2206 = tpu.memref_squeeze %dma_start3A_2205 : memref<1x1x1x8x128xf32, #tpu.memory_space<hbm>> -> memref<8x128xf32, #tpu.memory_space<hbm>>
      %dma_start3A_2207 = arith.constant 0 : i32
      %dma_start3A_2208 = arith.constant 0 : i32
      %dma_start3A_2209 = tpu.memref_slice %arg4[%add3A_1962, %dma_start3A_2198, %add3A_2195, %dma_start3A_2207, %dma_start3A_2208] : memref<50x4x128x8x128xf32, #tpu.memory_space<hbm>> -> memref<1x1x1x8x128xf32, #tpu.memory_space<hbm>>
      %dma_start3A_2210 = tpu.memref_squeeze %dma_start3A_2209 : memref<1x1x1x8x128xf32, #tpu.memory_space<hbm>> -> memref<8x128xf32, #tpu.memory_space<hbm>>
      %dma_start3A_2211 = arith.constant 0 : i32
      %dma_start3A_2212 = arith.constant 0 : i32
      %dma_start3A_2213 = tpu.memref_slice %arg11[%dma_start3A_2196, %dma_start3A_2197, %dma_start3A_2211, %dma_start3A_2212] : memref<4x4x8x133xf32, #tpu.memory_space<vmem>> -> memref<1x1x8x128xf32, #tpu.memory_space<vmem>>
      %dma_start3A_2214 = tpu.memref_squeeze %dma_start3A_2213 : memref<1x1x8x128xf32, #tpu.memory_space<vmem>> -> memref<8x128xf32, #tpu.memory_space<vmem>>
      tpu.enqueue_dma source(%dma_start3A_2214 : memref<8x128xf32, #tpu.memory_space<vmem>>) target(%dma_start3A_2210 : memref<8x128xf32, #tpu.memory_space<hbm>>) target_semaphore(%arg15 : memref<!tpu.dma_semaphore, #tpu.memory_space<semaphore_mem>>)
      %add3A_2215 = arith.constant 3 : i32
      %add3A_2216 = arith.addi %mul3A_2, %add3A_2215 : i32
      %dma_start3A_2217 = arith.constant 3 : i32
      %dma_start3A_2218 = arith.constant 0 : i32
      %dma_start3A_2219 = arith.constant 0 : i32
      %dma_start3A_2220 = arith.constant 0 : i32
      %dma_start3A_2221 = arith.constant 0 : i32
      %dma_start3A_2222 = tpu.memref_slice %arg11[%dma_start3A_2217, %dma_start3A_2218, %dma_start3A_2220, %dma_start3A_2221] : memref<4x4x8x133xf32, #tpu.memory_space<vmem>> -> memref<1x1x8x128xf32, #tpu.memory_space<vmem>>
      %dma_start3A_2223 = tpu.memref_squeeze %dma_start3A_2222 : memref<1x1x8x128xf32, #tpu.memory_space<vmem>> -> memref<8x128xf32, #tpu.memory_space<vmem>>
      %dma_start3A_2224 = arith.constant 0 : i32
      %dma_start3A_2225 = arith.constant 0 : i32
      %dma_start3A_2226 = tpu.memref_slice %arg4[%add3A_1962, %dma_start3A_2219, %add3A_2216, %dma_start3A_2224, %dma_start3A_2225] : memref<50x4x128x8x128xf32, #tpu.memory_space<hbm>> -> memref<1x1x1x8x128xf32, #tpu.memory_space<hbm>>
      %dma_start3A_2227 = tpu.memref_squeeze %dma_start3A_2226 : memref<1x1x1x8x128xf32, #tpu.memory_space<hbm>> -> memref<8x128xf32, #tpu.memory_space<hbm>>
      %dma_start3A_2228 = arith.constant 0 : i32
      %dma_start3A_2229 = arith.constant 0 : i32
      %dma_start3A_2230 = tpu.memref_slice %arg4[%add3A_1962, %dma_start3A_2219, %add3A_2216, %dma_start3A_2228, %dma_start3A_2229] : memref<50x4x128x8x128xf32, #tpu.memory_space<hbm>> -> memref<1x1x1x8x128xf32, #tpu.memory_space<hbm>>
      %dma_start3A_2231 = tpu.memref_squeeze %dma_start3A_2230 : memref<1x1x1x8x128xf32, #tpu.memory_space<hbm>> -> memref<8x128xf32, #tpu.memory_space<hbm>>
      %dma_start3A_2232 = arith.constant 0 : i32
      %dma_start3A_2233 = arith.constant 0 : i32
      %dma_start3A_2234 = tpu.memref_slice %arg11[%dma_start3A_2217, %dma_start3A_2218, %dma_start3A_2232, %dma_start3A_2233] : memref<4x4x8x133xf32, #tpu.memory_space<vmem>> -> memref<1x1x8x128xf32, #tpu.memory_space<vmem>>
      %dma_start3A_2235 = tpu.memref_squeeze %dma_start3A_2234 : memref<1x1x8x128xf32, #tpu.memory_space<vmem>> -> memref<8x128xf32, #tpu.memory_space<vmem>>
      tpu.enqueue_dma source(%dma_start3A_2235 : memref<8x128xf32, #tpu.memory_space<vmem>>) target(%dma_start3A_2231 : memref<8x128xf32, #tpu.memory_space<hbm>>) target_semaphore(%arg15 : memref<!tpu.dma_semaphore, #tpu.memory_space<semaphore_mem>>)
      %add3A_2236 = arith.constant 3 : i32
      %add3A_2237 = arith.addi %mul3A_2, %add3A_2236 : i32
      %dma_start3A_2238 = arith.constant 3 : i32
      %dma_start3A_2239 = arith.constant 1 : i32
      %dma_start3A_2240 = arith.constant 1 : i32
      %dma_start3A_2241 = arith.constant 0 : i32
      %dma_start3A_2242 = arith.constant 0 : i32
      %dma_start3A_2243 = tpu.memref_slice %arg11[%dma_start3A_2238, %dma_start3A_2239, %dma_start3A_2241, %dma_start3A_2242] : memref<4x4x8x133xf32, #tpu.memory_space<vmem>> -> memref<1x1x8x128xf32, #tpu.memory_space<vmem>>
      %dma_start3A_2244 = tpu.memref_squeeze %dma_start3A_2243 : memref<1x1x8x128xf32, #tpu.memory_space<vmem>> -> memref<8x128xf32, #tpu.memory_space<vmem>>
      %dma_start3A_2245 = arith.constant 0 : i32
      %dma_start3A_2246 = arith.constant 0 : i32
      %dma_start3A_2247 = tpu.memref_slice %arg4[%add3A_1962, %dma_start3A_2240, %add3A_2237, %dma_start3A_2245, %dma_start3A_2246] : memref<50x4x128x8x128xf32, #tpu.memory_space<hbm>> -> memref<1x1x1x8x128xf32, #tpu.memory_space<hbm>>
      %dma_start3A_2248 = tpu.memref_squeeze %dma_start3A_2247 : memref<1x1x1x8x128xf32, #tpu.memory_space<hbm>> -> memref<8x128xf32, #tpu.memory_space<hbm>>
      %dma_start3A_2249 = arith.constant 0 : i32
      %dma_start3A_2250 = arith.constant 0 : i32
      %dma_start3A_2251 = tpu.memref_slice %arg4[%add3A_1962, %dma_start3A_2240, %add3A_2237, %dma_start3A_2249, %dma_start3A_2250] : memref<50x4x128x8x128xf32, #tpu.memory_space<hbm>> -> memref<1x1x1x8x128xf32, #tpu.memory_space<hbm>>
      %dma_start3A_2252 = tpu.memref_squeeze %dma_start3A_2251 : memref<1x1x1x8x128xf32, #tpu.memory_space<hbm>> -> memref<8x128xf32, #tpu.memory_space<hbm>>
      %dma_start3A_2253 = arith.constant 0 : i32
      %dma_start3A_2254 = arith.constant 0 : i32
      %dma_start3A_2255 = tpu.memref_slice %arg11[%dma_start3A_2238, %dma_start3A_2239, %dma_start3A_2253, %dma_start3A_2254] : memref<4x4x8x133xf32, #tpu.memory_space<vmem>> -> memref<1x1x8x128xf32, #tpu.memory_space<vmem>>
      %dma_start3A_2256 = tpu.memref_squeeze %dma_start3A_2255 : memref<1x1x8x128xf32, #tpu.memory_space<vmem>> -> memref<8x128xf32, #tpu.memory_space<vmem>>
      tpu.enqueue_dma source(%dma_start3A_2256 : memref<8x128xf32, #tpu.memory_space<vmem>>) target(%dma_start3A_2252 : memref<8x128xf32, #tpu.memory_space<hbm>>) target_semaphore(%arg15 : memref<!tpu.dma_semaphore, #tpu.memory_space<semaphore_mem>>)
      %add3A_2257 = arith.constant 3 : i32
      %add3A_2258 = arith.addi %mul3A_2, %add3A_2257 : i32
      %dma_start3A_2259 = arith.constant 3 : i32
      %dma_start3A_2260 = arith.constant 2 : i32
      %dma_start3A_2261 = arith.constant 2 : i32
      %dma_start3A_2262 = arith.constant 0 : i32
      %dma_start3A_2263 = arith.constant 0 : i32
      %dma_start3A_2264 = tpu.memref_slice %arg11[%dma_start3A_2259, %dma_start3A_2260, %dma_start3A_2262, %dma_start3A_2263] : memref<4x4x8x133xf32, #tpu.memory_space<vmem>> -> memref<1x1x8x128xf32, #tpu.memory_space<vmem>>
      %dma_start3A_2265 = tpu.memref_squeeze %dma_start3A_2264 : memref<1x1x8x128xf32, #tpu.memory_space<vmem>> -> memref<8x128xf32, #tpu.memory_space<vmem>>
      %dma_start3A_2266 = arith.constant 0 : i32
      %dma_start3A_2267 = arith.constant 0 : i32
      %dma_start3A_2268 = tpu.memref_slice %arg4[%add3A_1962, %dma_start3A_2261, %add3A_2258, %dma_start3A_2266, %dma_start3A_2267] : memref<50x4x128x8x128xf32, #tpu.memory_space<hbm>> -> memref<1x1x1x8x128xf32, #tpu.memory_space<hbm>>
      %dma_start3A_2269 = tpu.memref_squeeze %dma_start3A_2268 : memref<1x1x1x8x128xf32, #tpu.memory_space<hbm>> -> memref<8x128xf32, #tpu.memory_space<hbm>>
      %dma_start3A_2270 = arith.constant 0 : i32
      %dma_start3A_2271 = arith.constant 0 : i32
      %dma_start3A_2272 = tpu.memref_slice %arg4[%add3A_1962, %dma_start3A_2261, %add3A_2258, %dma_start3A_2270, %dma_start3A_2271] : memref<50x4x128x8x128xf32, #tpu.memory_space<hbm>> -> memref<1x1x1x8x128xf32, #tpu.memory_space<hbm>>
      %dma_start3A_2273 = tpu.memref_squeeze %dma_start3A_2272 : memref<1x1x1x8x128xf32, #tpu.memory_space<hbm>> -> memref<8x128xf32, #tpu.memory_space<hbm>>
      %dma_start3A_2274 = arith.constant 0 : i32
      %dma_start3A_2275 = arith.constant 0 : i32
      %dma_start3A_2276 = tpu.memref_slice %arg11[%dma_start3A_2259, %dma_start3A_2260, %dma_start3A_2274, %dma_start3A_2275] : memref<4x4x8x133xf32, #tpu.memory_space<vmem>> -> memref<1x1x8x128xf32, #tpu.memory_space<vmem>>
      %dma_start3A_2277 = tpu.memref_squeeze %dma_start3A_2276 : memref<1x1x8x128xf32, #tpu.memory_space<vmem>> -> memref<8x128xf32, #tpu.memory_space<vmem>>
      tpu.enqueue_dma source(%dma_start3A_2277 : memref<8x128xf32, #tpu.memory_space<vmem>>) target(%dma_start3A_2273 : memref<8x128xf32, #tpu.memory_space<hbm>>) target_semaphore(%arg15 : memref<!tpu.dma_semaphore, #tpu.memory_space<semaphore_mem>>)
      %add3A_2278 = arith.constant 3 : i32
      %add3A_2279 = arith.addi %mul3A_2, %add3A_2278 : i32
      %dma_start3A_2280 = arith.constant 3 : i32
      %dma_start3A_2281 = arith.constant 3 : i32
      %dma_start3A_2282 = arith.constant 3 : i32
      %dma_start3A_2283 = arith.constant 0 : i32
      %dma_start3A_2284 = arith.constant 0 : i32
      %dma_start3A_2285 = tpu.memref_slice %arg11[%dma_start3A_2280, %dma_start3A_2281, %dma_start3A_2283, %dma_start3A_2284] : memref<4x4x8x133xf32, #tpu.memory_space<vmem>> -> memref<1x1x8x128xf32, #tpu.memory_space<vmem>>
      %dma_start3A_2286 = tpu.memref_squeeze %dma_start3A_2285 : memref<1x1x8x128xf32, #tpu.memory_space<vmem>> -> memref<8x128xf32, #tpu.memory_space<vmem>>
      %dma_start3A_2287 = arith.constant 0 : i32
      %dma_start3A_2288 = arith.constant 0 : i32
      %dma_start3A_2289 = tpu.memref_slice %arg4[%add3A_1962, %dma_start3A_2282, %add3A_2279, %dma_start3A_2287, %dma_start3A_2288] : memref<50x4x128x8x128xf32, #tpu.memory_space<hbm>> -> memref<1x1x1x8x128xf32, #tpu.memory_space<hbm>>
      %dma_start3A_2290 = tpu.memref_squeeze %dma_start3A_2289 : memref<1x1x1x8x128xf32, #tpu.memory_space<hbm>> -> memref<8x128xf32, #tpu.memory_space<hbm>>
      %dma_start3A_2291 = arith.constant 0 : i32
      %dma_start3A_2292 = arith.constant 0 : i32
      %dma_start3A_2293 = tpu.memref_slice %arg4[%add3A_1962, %dma_start3A_2282, %add3A_2279, %dma_start3A_2291, %dma_start3A_2292] : memref<50x4x128x8x128xf32, #tpu.memory_space<hbm>> -> memref<1x1x1x8x128xf32, #tpu.memory_space<hbm>>
      %dma_start3A_2294 = tpu.memref_squeeze %dma_start3A_2293 : memref<1x1x1x8x128xf32, #tpu.memory_space<hbm>> -> memref<8x128xf32, #tpu.memory_space<hbm>>
      %dma_start3A_2295 = arith.constant 0 : i32
      %dma_start3A_2296 = arith.constant 0 : i32
      %dma_start3A_2297 = tpu.memref_slice %arg11[%dma_start3A_2280, %dma_start3A_2281, %dma_start3A_2295, %dma_start3A_2296] : memref<4x4x8x133xf32, #tpu.memory_space<vmem>> -> memref<1x1x8x128xf32, #tpu.memory_space<vmem>>
      %dma_start3A_2298 = tpu.memref_squeeze %dma_start3A_2297 : memref<1x1x8x128xf32, #tpu.memory_space<vmem>> -> memref<8x128xf32, #tpu.memory_space<vmem>>
      tpu.enqueue_dma source(%dma_start3A_2298 : memref<8x128xf32, #tpu.memory_space<vmem>>) target(%dma_start3A_2294 : memref<8x128xf32, #tpu.memory_space<hbm>>) target_semaphore(%arg15 : memref<!tpu.dma_semaphore, #tpu.memory_space<semaphore_mem>>)
    }
    %scan3A_394 = arith.constant 25 : i32
    %dma_wait3A = arith.constant 0 : i32
    %dma_wait3A_395 = arith.constant 0 : i32
    %dma_wait3A_396 = arith.constant 0 : i32
    %dma_wait3A_397 = arith.constant 0 : i32
    %dma_wait3A_398 = arith.constant 0 : i32
    %dma_wait3A_399 = arith.constant 0 : i32
    %dma_wait3A_400 = arith.constant 0 : i32
    %dma_wait3A_401 = tpu.memref_slice %arg10[%dma_wait3A, %dma_wait3A_395, %dma_wait3A_399, %dma_wait3A_400] : memref<4x4x8x133xf32, #tpu.memory_space<vmem>> -> memref<1x1x8x128xf32, #tpu.memory_space<vmem>>
    %dma_wait3A_402 = tpu.memref_squeeze %dma_wait3A_401 : memref<1x1x8x128xf32, #tpu.memory_space<vmem>> -> memref<8x128xf32, #tpu.memory_space<vmem>>
    %dma_wait3A_403 = arith.constant 0 : i32
    %dma_wait3A_404 = arith.constant 0 : i32
    %dma_wait3A_405 = tpu.memref_slice %arg4[%dma_wait3A_396, %dma_wait3A_397, %dma_wait3A_398, %dma_wait3A_403, %dma_wait3A_404] : memref<50x4x128x8x128xf32, #tpu.memory_space<hbm>> -> memref<1x1x1x8x128xf32, #tpu.memory_space<hbm>>
    %dma_wait3A_406 = tpu.memref_squeeze %dma_wait3A_405 : memref<1x1x1x8x128xf32, #tpu.memory_space<hbm>> -> memref<8x128xf32, #tpu.memory_space<hbm>>
    %dma_wait3A_407 = arith.constant 0 : i32
    %dma_wait3A_408 = arith.constant 0 : i32
    %dma_wait3A_409 = tpu.memref_slice %arg4[%dma_wait3A_396, %dma_wait3A_397, %dma_wait3A_398, %dma_wait3A_407, %dma_wait3A_408] : memref<50x4x128x8x128xf32, #tpu.memory_space<hbm>> -> memref<1x1x1x8x128xf32, #tpu.memory_space<hbm>>
    %dma_wait3A_410 = tpu.memref_squeeze %dma_wait3A_409 : memref<1x1x1x8x128xf32, #tpu.memory_space<hbm>> -> memref<8x128xf32, #tpu.memory_space<hbm>>
    %dma_wait3A_411 = arith.constant 0 : i32
    %dma_wait3A_412 = arith.constant 0 : i32
    %dma_wait3A_413 = tpu.memref_slice %arg10[%dma_wait3A, %dma_wait3A_395, %dma_wait3A_411, %dma_wait3A_412] : memref<4x4x8x133xf32, #tpu.memory_space<vmem>> -> memref<1x1x8x128xf32, #tpu.memory_space<vmem>>
    %dma_wait3A_414 = tpu.memref_squeeze %dma_wait3A_413 : memref<1x1x8x128xf32, #tpu.memory_space<vmem>> -> memref<8x128xf32, #tpu.memory_space<vmem>>
    tpu.wait_dma2 semaphore(%arg14 : memref<!tpu.dma_semaphore, #tpu.memory_space<semaphore_mem>>) src(%dma_wait3A_414 : memref<8x128xf32, #tpu.memory_space<vmem>>) dst(%dma_wait3A_410 : memref<8x128xf32, #tpu.memory_space<hbm>>)
    %dma_wait3A_415 = arith.constant 0 : i32
    %dma_wait3A_416 = arith.constant 1 : i32
    %dma_wait3A_417 = arith.constant 0 : i32
    %dma_wait3A_418 = arith.constant 1 : i32
    %dma_wait3A_419 = arith.constant 0 : i32
    %dma_wait3A_420 = arith.constant 0 : i32
    %dma_wait3A_421 = arith.constant 0 : i32
    %dma_wait3A_422 = tpu.memref_slice %arg10[%dma_wait3A_415, %dma_wait3A_416, %dma_wait3A_420, %dma_wait3A_421] : memref<4x4x8x133xf32, #tpu.memory_space<vmem>> -> memref<1x1x8x128xf32, #tpu.memory_space<vmem>>
    %dma_wait3A_423 = tpu.memref_squeeze %dma_wait3A_422 : memref<1x1x8x128xf32, #tpu.memory_space<vmem>> -> memref<8x128xf32, #tpu.memory_space<vmem>>
    %dma_wait3A_424 = arith.constant 0 : i32
    %dma_wait3A_425 = arith.constant 0 : i32
    %dma_wait3A_426 = tpu.memref_slice %arg4[%dma_wait3A_417, %dma_wait3A_418, %dma_wait3A_419, %dma_wait3A_424, %dma_wait3A_425] : memref<50x4x128x8x128xf32, #tpu.memory_space<hbm>> -> memref<1x1x1x8x128xf32, #tpu.memory_space<hbm>>
    %dma_wait3A_427 = tpu.memref_squeeze %dma_wait3A_426 : memref<1x1x1x8x128xf32, #tpu.memory_space<hbm>> -> memref<8x128xf32, #tpu.memory_space<hbm>>
    %dma_wait3A_428 = arith.constant 0 : i32
    %dma_wait3A_429 = arith.constant 0 : i32
    %dma_wait3A_430 = tpu.memref_slice %arg4[%dma_wait3A_417, %dma_wait3A_418, %dma_wait3A_419, %dma_wait3A_428, %dma_wait3A_429] : memref<50x4x128x8x128xf32, #tpu.memory_space<hbm>> -> memref<1x1x1x8x128xf32, #tpu.memory_space<hbm>>
    %dma_wait3A_431 = tpu.memref_squeeze %dma_wait3A_430 : memref<1x1x1x8x128xf32, #tpu.memory_space<hbm>> -> memref<8x128xf32, #tpu.memory_space<hbm>>
    %dma_wait3A_432 = arith.constant 0 : i32
    %dma_wait3A_433 = arith.constant 0 : i32
    %dma_wait3A_434 = tpu.memref_slice %arg10[%dma_wait3A_415, %dma_wait3A_416, %dma_wait3A_432, %dma_wait3A_433] : memref<4x4x8x133xf32, #tpu.memory_space<vmem>> -> memref<1x1x8x128xf32, #tpu.memory_space<vmem>>
    %dma_wait3A_435 = tpu.memref_squeeze %dma_wait3A_434 : memref<1x1x8x128xf32, #tpu.memory_space<vmem>> -> memref<8x128xf32, #tpu.memory_space<vmem>>
    tpu.wait_dma2 semaphore(%arg14 : memref<!tpu.dma_semaphore, #tpu.memory_space<semaphore_mem>>) src(%dma_wait3A_435 : memref<8x128xf32, #tpu.memory_space<vmem>>) dst(%dma_wait3A_431 : memref<8x128xf32, #tpu.memory_space<hbm>>)
    %dma_wait3A_436 = arith.constant 0 : i32
    %dma_wait3A_437 = arith.constant 2 : i32
    %dma_wait3A_438 = arith.constant 0 : i32
    %dma_wait3A_439 = arith.constant 2 : i32
    %dma_wait3A_440 = arith.constant 0 : i32
    %dma_wait3A_441 = arith.constant 0 : i32
    %dma_wait3A_442 = arith.constant 0 : i32
    %dma_wait3A_443 = tpu.memref_slice %arg10[%dma_wait3A_436, %dma_wait3A_437, %dma_wait3A_441, %dma_wait3A_442] : memref<4x4x8x133xf32, #tpu.memory_space<vmem>> -> memref<1x1x8x128xf32, #tpu.memory_space<vmem>>
    %dma_wait3A_444 = tpu.memref_squeeze %dma_wait3A_443 : memref<1x1x8x128xf32, #tpu.memory_space<vmem>> -> memref<8x128xf32, #tpu.memory_space<vmem>>
    %dma_wait3A_445 = arith.constant 0 : i32
    %dma_wait3A_446 = arith.constant 0 : i32
    %dma_wait3A_447 = tpu.memref_slice %arg4[%dma_wait3A_438, %dma_wait3A_439, %dma_wait3A_440, %dma_wait3A_445, %dma_wait3A_446] : memref<50x4x128x8x128xf32, #tpu.memory_space<hbm>> -> memref<1x1x1x8x128xf32, #tpu.memory_space<hbm>>
    %dma_wait3A_448 = tpu.memref_squeeze %dma_wait3A_447 : memref<1x1x1x8x128xf32, #tpu.memory_space<hbm>> -> memref<8x128xf32, #tpu.memory_space<hbm>>
    %dma_wait3A_449 = arith.constant 0 : i32
    %dma_wait3A_450 = arith.constant 0 : i32
    %dma_wait3A_451 = tpu.memref_slice %arg4[%dma_wait3A_438, %dma_wait3A_439, %dma_wait3A_440, %dma_wait3A_449, %dma_wait3A_450] : memref<50x4x128x8x128xf32, #tpu.memory_space<hbm>> -> memref<1x1x1x8x128xf32, #tpu.memory_space<hbm>>
    %dma_wait3A_452 = tpu.memref_squeeze %dma_wait3A_451 : memref<1x1x1x8x128xf32, #tpu.memory_space<hbm>> -> memref<8x128xf32, #tpu.memory_space<hbm>>
    %dma_wait3A_453 = arith.constant 0 : i32
    %dma_wait3A_454 = arith.constant 0 : i32
    %dma_wait3A_455 = tpu.memref_slice %arg10[%dma_wait3A_436, %dma_wait3A_437, %dma_wait3A_453, %dma_wait3A_454] : memref<4x4x8x133xf32, #tpu.memory_space<vmem>> -> memref<1x1x8x128xf32, #tpu.memory_space<vmem>>
    %dma_wait3A_456 = tpu.memref_squeeze %dma_wait3A_455 : memref<1x1x8x128xf32, #tpu.memory_space<vmem>> -> memref<8x128xf32, #tpu.memory_space<vmem>>
    tpu.wait_dma2 semaphore(%arg14 : memref<!tpu.dma_semaphore, #tpu.memory_space<semaphore_mem>>) src(%dma_wait3A_456 : memref<8x128xf32, #tpu.memory_space<vmem>>) dst(%dma_wait3A_452 : memref<8x128xf32, #tpu.memory_space<hbm>>)
    %dma_wait3A_457 = arith.constant 0 : i32
    %dma_wait3A_458 = arith.constant 3 : i32
    %dma_wait3A_459 = arith.constant 0 : i32
    %dma_wait3A_460 = arith.constant 3 : i32
    %dma_wait3A_461 = arith.constant 0 : i32
    %dma_wait3A_462 = arith.constant 0 : i32
    %dma_wait3A_463 = arith.constant 0 : i32
    %dma_wait3A_464 = tpu.memref_slice %arg10[%dma_wait3A_457, %dma_wait3A_458, %dma_wait3A_462, %dma_wait3A_463] : memref<4x4x8x133xf32, #tpu.memory_space<vmem>> -> memref<1x1x8x128xf32, #tpu.memory_space<vmem>>
    %dma_wait3A_465 = tpu.memref_squeeze %dma_wait3A_464 : memref<1x1x8x128xf32, #tpu.memory_space<vmem>> -> memref<8x128xf32, #tpu.memory_space<vmem>>
    %dma_wait3A_466 = arith.constant 0 : i32
    %dma_wait3A_467 = arith.constant 0 : i32
    %dma_wait3A_468 = tpu.memref_slice %arg4[%dma_wait3A_459, %dma_wait3A_460, %dma_wait3A_461, %dma_wait3A_466, %dma_wait3A_467] : memref<50x4x128x8x128xf32, #tpu.memory_space<hbm>> -> memref<1x1x1x8x128xf32, #tpu.memory_space<hbm>>
    %dma_wait3A_469 = tpu.memref_squeeze %dma_wait3A_468 : memref<1x1x1x8x128xf32, #tpu.memory_space<hbm>> -> memref<8x128xf32, #tpu.memory_space<hbm>>
    %dma_wait3A_470 = arith.constant 0 : i32
    %dma_wait3A_471 = arith.constant 0 : i32
    %dma_wait3A_472 = tpu.memref_slice %arg4[%dma_wait3A_459, %dma_wait3A_460, %dma_wait3A_461, %dma_wait3A_470, %dma_wait3A_471] : memref<50x4x128x8x128xf32, #tpu.memory_space<hbm>> -> memref<1x1x1x8x128xf32, #tpu.memory_space<hbm>>
    %dma_wait3A_473 = tpu.memref_squeeze %dma_wait3A_472 : memref<1x1x1x8x128xf32, #tpu.memory_space<hbm>> -> memref<8x128xf32, #tpu.memory_space<hbm>>
    %dma_wait3A_474 = arith.constant 0 : i32
    %dma_wait3A_475 = arith.constant 0 : i32
    %dma_wait3A_476 = tpu.memref_slice %arg10[%dma_wait3A_457, %dma_wait3A_458, %dma_wait3A_474, %dma_wait3A_475] : memref<4x4x8x133xf32, #tpu.memory_space<vmem>> -> memref<1x1x8x128xf32, #tpu.memory_space<vmem>>
    %dma_wait3A_477 = tpu.memref_squeeze %dma_wait3A_476 : memref<1x1x8x128xf32, #tpu.memory_space<vmem>> -> memref<8x128xf32, #tpu.memory_space<vmem>>
    tpu.wait_dma2 semaphore(%arg14 : memref<!tpu.dma_semaphore, #tpu.memory_space<semaphore_mem>>) src(%dma_wait3A_477 : memref<8x128xf32, #tpu.memory_space<vmem>>) dst(%dma_wait3A_473 : memref<8x128xf32, #tpu.memory_space<hbm>>)
    %dma_wait3A_478 = arith.constant 1 : i32
    %dma_wait3A_479 = arith.constant 0 : i32
    %dma_wait3A_480 = arith.constant 0 : i32
    %dma_wait3A_481 = arith.constant 0 : i32
    %dma_wait3A_482 = arith.constant 0 : i32
    %dma_wait3A_483 = arith.constant 0 : i32
    %dma_wait3A_484 = arith.constant 0 : i32
    %dma_wait3A_485 = tpu.memref_slice %arg10[%dma_wait3A_478, %dma_wait3A_479, %dma_wait3A_483, %dma_wait3A_484] : memref<4x4x8x133xf32, #tpu.memory_space<vmem>> -> memref<1x1x8x128xf32, #tpu.memory_space<vmem>>
    %dma_wait3A_486 = tpu.memref_squeeze %dma_wait3A_485 : memref<1x1x8x128xf32, #tpu.memory_space<vmem>> -> memref<8x128xf32, #tpu.memory_space<vmem>>
    %dma_wait3A_487 = arith.constant 0 : i32
    %dma_wait3A_488 = arith.constant 0 : i32
    %dma_wait3A_489 = tpu.memref_slice %arg4[%dma_wait3A_480, %dma_wait3A_481, %dma_wait3A_482, %dma_wait3A_487, %dma_wait3A_488] : memref<50x4x128x8x128xf32, #tpu.memory_space<hbm>> -> memref<1x1x1x8x128xf32, #tpu.memory_space<hbm>>
    %dma_wait3A_490 = tpu.memref_squeeze %dma_wait3A_489 : memref<1x1x1x8x128xf32, #tpu.memory_space<hbm>> -> memref<8x128xf32, #tpu.memory_space<hbm>>
    %dma_wait3A_491 = arith.constant 0 : i32
    %dma_wait3A_492 = arith.constant 0 : i32
    %dma_wait3A_493 = tpu.memref_slice %arg4[%dma_wait3A_480, %dma_wait3A_481, %dma_wait3A_482, %dma_wait3A_491, %dma_wait3A_492] : memref<50x4x128x8x128xf32, #tpu.memory_space<hbm>> -> memref<1x1x1x8x128xf32, #tpu.memory_space<hbm>>
    %dma_wait3A_494 = tpu.memref_squeeze %dma_wait3A_493 : memref<1x1x1x8x128xf32, #tpu.memory_space<hbm>> -> memref<8x128xf32, #tpu.memory_space<hbm>>
    %dma_wait3A_495 = arith.constant 0 : i32
    %dma_wait3A_496 = arith.constant 0 : i32
    %dma_wait3A_497 = tpu.memref_slice %arg10[%dma_wait3A_478, %dma_wait3A_479, %dma_wait3A_495, %dma_wait3A_496] : memref<4x4x8x133xf32, #tpu.memory_space<vmem>> -> memref<1x1x8x128xf32, #tpu.memory_space<vmem>>
    %dma_wait3A_498 = tpu.memref_squeeze %dma_wait3A_497 : memref<1x1x8x128xf32, #tpu.memory_space<vmem>> -> memref<8x128xf32, #tpu.memory_space<vmem>>
    tpu.wait_dma2 semaphore(%arg14 : memref<!tpu.dma_semaphore, #tpu.memory_space<semaphore_mem>>) src(%dma_wait3A_498 : memref<8x128xf32, #tpu.memory_space<vmem>>) dst(%dma_wait3A_494 : memref<8x128xf32, #tpu.memory_space<hbm>>)
    %dma_wait3A_499 = arith.constant 1 : i32
    %dma_wait3A_500 = arith.constant 1 : i32
    %dma_wait3A_501 = arith.constant 0 : i32
    %dma_wait3A_502 = arith.constant 1 : i32
    %dma_wait3A_503 = arith.constant 0 : i32
    %dma_wait3A_504 = arith.constant 0 : i32
    %dma_wait3A_505 = arith.constant 0 : i32
    %dma_wait3A_506 = tpu.memref_slice %arg10[%dma_wait3A_499, %dma_wait3A_500, %dma_wait3A_504, %dma_wait3A_505] : memref<4x4x8x133xf32, #tpu.memory_space<vmem>> -> memref<1x1x8x128xf32, #tpu.memory_space<vmem>>
    %dma_wait3A_507 = tpu.memref_squeeze %dma_wait3A_506 : memref<1x1x8x128xf32, #tpu.memory_space<vmem>> -> memref<8x128xf32, #tpu.memory_space<vmem>>
    %dma_wait3A_508 = arith.constant 0 : i32
    %dma_wait3A_509 = arith.constant 0 : i32
    %dma_wait3A_510 = tpu.memref_slice %arg4[%dma_wait3A_501, %dma_wait3A_502, %dma_wait3A_503, %dma_wait3A_508, %dma_wait3A_509] : memref<50x4x128x8x128xf32, #tpu.memory_space<hbm>> -> memref<1x1x1x8x128xf32, #tpu.memory_space<hbm>>
    %dma_wait3A_511 = tpu.memref_squeeze %dma_wait3A_510 : memref<1x1x1x8x128xf32, #tpu.memory_space<hbm>> -> memref<8x128xf32, #tpu.memory_space<hbm>>
    %dma_wait3A_512 = arith.constant 0 : i32
    %dma_wait3A_513 = arith.constant 0 : i32
    %dma_wait3A_514 = tpu.memref_slice %arg4[%dma_wait3A_501, %dma_wait3A_502, %dma_wait3A_503, %dma_wait3A_512, %dma_wait3A_513] : memref<50x4x128x8x128xf32, #tpu.memory_space<hbm>> -> memref<1x1x1x8x128xf32, #tpu.memory_space<hbm>>
    %dma_wait3A_515 = tpu.memref_squeeze %dma_wait3A_514 : memref<1x1x1x8x128xf32, #tpu.memory_space<hbm>> -> memref<8x128xf32, #tpu.memory_space<hbm>>
    %dma_wait3A_516 = arith.constant 0 : i32
    %dma_wait3A_517 = arith.constant 0 : i32
    %dma_wait3A_518 = tpu.memref_slice %arg10[%dma_wait3A_499, %dma_wait3A_500, %dma_wait3A_516, %dma_wait3A_517] : memref<4x4x8x133xf32, #tpu.memory_space<vmem>> -> memref<1x1x8x128xf32, #tpu.memory_space<vmem>>
    %dma_wait3A_519 = tpu.memref_squeeze %dma_wait3A_518 : memref<1x1x8x128xf32, #tpu.memory_space<vmem>> -> memref<8x128xf32, #tpu.memory_space<vmem>>
    tpu.wait_dma2 semaphore(%arg14 : memref<!tpu.dma_semaphore, #tpu.memory_space<semaphore_mem>>) src(%dma_wait3A_519 : memref<8x128xf32, #tpu.memory_space<vmem>>) dst(%dma_wait3A_515 : memref<8x128xf32, #tpu.memory_space<hbm>>)
    %dma_wait3A_520 = arith.constant 1 : i32
    %dma_wait3A_521 = arith.constant 2 : i32
    %dma_wait3A_522 = arith.constant 0 : i32
    %dma_wait3A_523 = arith.constant 2 : i32
    %dma_wait3A_524 = arith.constant 0 : i32
    %dma_wait3A_525 = arith.constant 0 : i32
    %dma_wait3A_526 = arith.constant 0 : i32
    %dma_wait3A_527 = tpu.memref_slice %arg10[%dma_wait3A_520, %dma_wait3A_521, %dma_wait3A_525, %dma_wait3A_526] : memref<4x4x8x133xf32, #tpu.memory_space<vmem>> -> memref<1x1x8x128xf32, #tpu.memory_space<vmem>>
    %dma_wait3A_528 = tpu.memref_squeeze %dma_wait3A_527 : memref<1x1x8x128xf32, #tpu.memory_space<vmem>> -> memref<8x128xf32, #tpu.memory_space<vmem>>
    %dma_wait3A_529 = arith.constant 0 : i32
    %dma_wait3A_530 = arith.constant 0 : i32
    %dma_wait3A_531 = tpu.memref_slice %arg4[%dma_wait3A_522, %dma_wait3A_523, %dma_wait3A_524, %dma_wait3A_529, %dma_wait3A_530] : memref<50x4x128x8x128xf32, #tpu.memory_space<hbm>> -> memref<1x1x1x8x128xf32, #tpu.memory_space<hbm>>
    %dma_wait3A_532 = tpu.memref_squeeze %dma_wait3A_531 : memref<1x1x1x8x128xf32, #tpu.memory_space<hbm>> -> memref<8x128xf32, #tpu.memory_space<hbm>>
    %dma_wait3A_533 = arith.constant 0 : i32
    %dma_wait3A_534 = arith.constant 0 : i32
    %dma_wait3A_535 = tpu.memref_slice %arg4[%dma_wait3A_522, %dma_wait3A_523, %dma_wait3A_524, %dma_wait3A_533, %dma_wait3A_534] : memref<50x4x128x8x128xf32, #tpu.memory_space<hbm>> -> memref<1x1x1x8x128xf32, #tpu.memory_space<hbm>>
    %dma_wait3A_536 = tpu.memref_squeeze %dma_wait3A_535 : memref<1x1x1x8x128xf32, #tpu.memory_space<hbm>> -> memref<8x128xf32, #tpu.memory_space<hbm>>
    %dma_wait3A_537 = arith.constant 0 : i32
    %dma_wait3A_538 = arith.constant 0 : i32
    %dma_wait3A_539 = tpu.memref_slice %arg10[%dma_wait3A_520, %dma_wait3A_521, %dma_wait3A_537, %dma_wait3A_538] : memref<4x4x8x133xf32, #tpu.memory_space<vmem>> -> memref<1x1x8x128xf32, #tpu.memory_space<vmem>>
    %dma_wait3A_540 = tpu.memref_squeeze %dma_wait3A_539 : memref<1x1x8x128xf32, #tpu.memory_space<vmem>> -> memref<8x128xf32, #tpu.memory_space<vmem>>
    tpu.wait_dma2 semaphore(%arg14 : memref<!tpu.dma_semaphore, #tpu.memory_space<semaphore_mem>>) src(%dma_wait3A_540 : memref<8x128xf32, #tpu.memory_space<vmem>>) dst(%dma_wait3A_536 : memref<8x128xf32, #tpu.memory_space<hbm>>)
    %dma_wait3A_541 = arith.constant 1 : i32
    %dma_wait3A_542 = arith.constant 3 : i32
    %dma_wait3A_543 = arith.constant 0 : i32
    %dma_wait3A_544 = arith.constant 3 : i32
    %dma_wait3A_545 = arith.constant 0 : i32
    %dma_wait3A_546 = arith.constant 0 : i32
    %dma_wait3A_547 = arith.constant 0 : i32
    %dma_wait3A_548 = tpu.memref_slice %arg10[%dma_wait3A_541, %dma_wait3A_542, %dma_wait3A_546, %dma_wait3A_547] : memref<4x4x8x133xf32, #tpu.memory_space<vmem>> -> memref<1x1x8x128xf32, #tpu.memory_space<vmem>>
    %dma_wait3A_549 = tpu.memref_squeeze %dma_wait3A_548 : memref<1x1x8x128xf32, #tpu.memory_space<vmem>> -> memref<8x128xf32, #tpu.memory_space<vmem>>
    %dma_wait3A_550 = arith.constant 0 : i32
    %dma_wait3A_551 = arith.constant 0 : i32
    %dma_wait3A_552 = tpu.memref_slice %arg4[%dma_wait3A_543, %dma_wait3A_544, %dma_wait3A_545, %dma_wait3A_550, %dma_wait3A_551] : memref<50x4x128x8x128xf32, #tpu.memory_space<hbm>> -> memref<1x1x1x8x128xf32, #tpu.memory_space<hbm>>
    %dma_wait3A_553 = tpu.memref_squeeze %dma_wait3A_552 : memref<1x1x1x8x128xf32, #tpu.memory_space<hbm>> -> memref<8x128xf32, #tpu.memory_space<hbm>>
    %dma_wait3A_554 = arith.constant 0 : i32
    %dma_wait3A_555 = arith.constant 0 : i32
    %dma_wait3A_556 = tpu.memref_slice %arg4[%dma_wait3A_543, %dma_wait3A_544, %dma_wait3A_545, %dma_wait3A_554, %dma_wait3A_555] : memref<50x4x128x8x128xf32, #tpu.memory_space<hbm>> -> memref<1x1x1x8x128xf32, #tpu.memory_space<hbm>>
    %dma_wait3A_557 = tpu.memref_squeeze %dma_wait3A_556 : memref<1x1x1x8x128xf32, #tpu.memory_space<hbm>> -> memref<8x128xf32, #tpu.memory_space<hbm>>
    %dma_wait3A_558 = arith.constant 0 : i32
    %dma_wait3A_559 = arith.constant 0 : i32
    %dma_wait3A_560 = tpu.memref_slice %arg10[%dma_wait3A_541, %dma_wait3A_542, %dma_wait3A_558, %dma_wait3A_559] : memref<4x4x8x133xf32, #tpu.memory_space<vmem>> -> memref<1x1x8x128xf32, #tpu.memory_space<vmem>>
    %dma_wait3A_561 = tpu.memref_squeeze %dma_wait3A_560 : memref<1x1x8x128xf32, #tpu.memory_space<vmem>> -> memref<8x128xf32, #tpu.memory_space<vmem>>
    tpu.wait_dma2 semaphore(%arg14 : memref<!tpu.dma_semaphore, #tpu.memory_space<semaphore_mem>>) src(%dma_wait3A_561 : memref<8x128xf32, #tpu.memory_space<vmem>>) dst(%dma_wait3A_557 : memref<8x128xf32, #tpu.memory_space<hbm>>)
    %dma_wait3A_562 = arith.constant 2 : i32
    %dma_wait3A_563 = arith.constant 0 : i32
    %dma_wait3A_564 = arith.constant 0 : i32
    %dma_wait3A_565 = arith.constant 0 : i32
    %dma_wait3A_566 = arith.constant 0 : i32
    %dma_wait3A_567 = arith.constant 0 : i32
    %dma_wait3A_568 = arith.constant 0 : i32
    %dma_wait3A_569 = tpu.memref_slice %arg10[%dma_wait3A_562, %dma_wait3A_563, %dma_wait3A_567, %dma_wait3A_568] : memref<4x4x8x133xf32, #tpu.memory_space<vmem>> -> memref<1x1x8x128xf32, #tpu.memory_space<vmem>>
    %dma_wait3A_570 = tpu.memref_squeeze %dma_wait3A_569 : memref<1x1x8x128xf32, #tpu.memory_space<vmem>> -> memref<8x128xf32, #tpu.memory_space<vmem>>
    %dma_wait3A_571 = arith.constant 0 : i32
    %dma_wait3A_572 = arith.constant 0 : i32
    %dma_wait3A_573 = tpu.memref_slice %arg4[%dma_wait3A_564, %dma_wait3A_565, %dma_wait3A_566, %dma_wait3A_571, %dma_wait3A_572] : memref<50x4x128x8x128xf32, #tpu.memory_space<hbm>> -> memref<1x1x1x8x128xf32, #tpu.memory_space<hbm>>
    %dma_wait3A_574 = tpu.memref_squeeze %dma_wait3A_573 : memref<1x1x1x8x128xf32, #tpu.memory_space<hbm>> -> memref<8x128xf32, #tpu.memory_space<hbm>>
    %dma_wait3A_575 = arith.constant 0 : i32
    %dma_wait3A_576 = arith.constant 0 : i32
    %dma_wait3A_577 = tpu.memref_slice %arg4[%dma_wait3A_564, %dma_wait3A_565, %dma_wait3A_566, %dma_wait3A_575, %dma_wait3A_576] : memref<50x4x128x8x128xf32, #tpu.memory_space<hbm>> -> memref<1x1x1x8x128xf32, #tpu.memory_space<hbm>>
    %dma_wait3A_578 = tpu.memref_squeeze %dma_wait3A_577 : memref<1x1x1x8x128xf32, #tpu.memory_space<hbm>> -> memref<8x128xf32, #tpu.memory_space<hbm>>
    %dma_wait3A_579 = arith.constant 0 : i32
    %dma_wait3A_580 = arith.constant 0 : i32
    %dma_wait3A_581 = tpu.memref_slice %arg10[%dma_wait3A_562, %dma_wait3A_563, %dma_wait3A_579, %dma_wait3A_580] : memref<4x4x8x133xf32, #tpu.memory_space<vmem>> -> memref<1x1x8x128xf32, #tpu.memory_space<vmem>>
    %dma_wait3A_582 = tpu.memref_squeeze %dma_wait3A_581 : memref<1x1x8x128xf32, #tpu.memory_space<vmem>> -> memref<8x128xf32, #tpu.memory_space<vmem>>
    tpu.wait_dma2 semaphore(%arg14 : memref<!tpu.dma_semaphore, #tpu.memory_space<semaphore_mem>>) src(%dma_wait3A_582 : memref<8x128xf32, #tpu.memory_space<vmem>>) dst(%dma_wait3A_578 : memref<8x128xf32, #tpu.memory_space<hbm>>)
    %dma_wait3A_583 = arith.constant 2 : i32
    %dma_wait3A_584 = arith.constant 1 : i32
    %dma_wait3A_585 = arith.constant 0 : i32
    %dma_wait3A_586 = arith.constant 1 : i32
    %dma_wait3A_587 = arith.constant 0 : i32
    %dma_wait3A_588 = arith.constant 0 : i32
    %dma_wait3A_589 = arith.constant 0 : i32
    %dma_wait3A_590 = tpu.memref_slice %arg10[%dma_wait3A_583, %dma_wait3A_584, %dma_wait3A_588, %dma_wait3A_589] : memref<4x4x8x133xf32, #tpu.memory_space<vmem>> -> memref<1x1x8x128xf32, #tpu.memory_space<vmem>>
    %dma_wait3A_591 = tpu.memref_squeeze %dma_wait3A_590 : memref<1x1x8x128xf32, #tpu.memory_space<vmem>> -> memref<8x128xf32, #tpu.memory_space<vmem>>
    %dma_wait3A_592 = arith.constant 0 : i32
    %dma_wait3A_593 = arith.constant 0 : i32
    %dma_wait3A_594 = tpu.memref_slice %arg4[%dma_wait3A_585, %dma_wait3A_586, %dma_wait3A_587, %dma_wait3A_592, %dma_wait3A_593] : memref<50x4x128x8x128xf32, #tpu.memory_space<hbm>> -> memref<1x1x1x8x128xf32, #tpu.memory_space<hbm>>
    %dma_wait3A_595 = tpu.memref_squeeze %dma_wait3A_594 : memref<1x1x1x8x128xf32, #tpu.memory_space<hbm>> -> memref<8x128xf32, #tpu.memory_space<hbm>>
    %dma_wait3A_596 = arith.constant 0 : i32
    %dma_wait3A_597 = arith.constant 0 : i32
    %dma_wait3A_598 = tpu.memref_slice %arg4[%dma_wait3A_585, %dma_wait3A_586, %dma_wait3A_587, %dma_wait3A_596, %dma_wait3A_597] : memref<50x4x128x8x128xf32, #tpu.memory_space<hbm>> -> memref<1x1x1x8x128xf32, #tpu.memory_space<hbm>>
    %dma_wait3A_599 = tpu.memref_squeeze %dma_wait3A_598 : memref<1x1x1x8x128xf32, #tpu.memory_space<hbm>> -> memref<8x128xf32, #tpu.memory_space<hbm>>
    %dma_wait3A_600 = arith.constant 0 : i32
    %dma_wait3A_601 = arith.constant 0 : i32
    %dma_wait3A_602 = tpu.memref_slice %arg10[%dma_wait3A_583, %dma_wait3A_584, %dma_wait3A_600, %dma_wait3A_601] : memref<4x4x8x133xf32, #tpu.memory_space<vmem>> -> memref<1x1x8x128xf32, #tpu.memory_space<vmem>>
    %dma_wait3A_603 = tpu.memref_squeeze %dma_wait3A_602 : memref<1x1x8x128xf32, #tpu.memory_space<vmem>> -> memref<8x128xf32, #tpu.memory_space<vmem>>
    tpu.wait_dma2 semaphore(%arg14 : memref<!tpu.dma_semaphore, #tpu.memory_space<semaphore_mem>>) src(%dma_wait3A_603 : memref<8x128xf32, #tpu.memory_space<vmem>>) dst(%dma_wait3A_599 : memref<8x128xf32, #tpu.memory_space<hbm>>)
    %dma_wait3A_604 = arith.constant 2 : i32
    %dma_wait3A_605 = arith.constant 2 : i32
    %dma_wait3A_606 = arith.constant 0 : i32
    %dma_wait3A_607 = arith.constant 2 : i32
    %dma_wait3A_608 = arith.constant 0 : i32
    %dma_wait3A_609 = arith.constant 0 : i32
    %dma_wait3A_610 = arith.constant 0 : i32
    %dma_wait3A_611 = tpu.memref_slice %arg10[%dma_wait3A_604, %dma_wait3A_605, %dma_wait3A_609, %dma_wait3A_610] : memref<4x4x8x133xf32, #tpu.memory_space<vmem>> -> memref<1x1x8x128xf32, #tpu.memory_space<vmem>>
    %dma_wait3A_612 = tpu.memref_squeeze %dma_wait3A_611 : memref<1x1x8x128xf32, #tpu.memory_space<vmem>> -> memref<8x128xf32, #tpu.memory_space<vmem>>
    %dma_wait3A_613 = arith.constant 0 : i32
    %dma_wait3A_614 = arith.constant 0 : i32
    %dma_wait3A_615 = tpu.memref_slice %arg4[%dma_wait3A_606, %dma_wait3A_607, %dma_wait3A_608, %dma_wait3A_613, %dma_wait3A_614] : memref<50x4x128x8x128xf32, #tpu.memory_space<hbm>> -> memref<1x1x1x8x128xf32, #tpu.memory_space<hbm>>
    %dma_wait3A_616 = tpu.memref_squeeze %dma_wait3A_615 : memref<1x1x1x8x128xf32, #tpu.memory_space<hbm>> -> memref<8x128xf32, #tpu.memory_space<hbm>>
    %dma_wait3A_617 = arith.constant 0 : i32
    %dma_wait3A_618 = arith.constant 0 : i32
    %dma_wait3A_619 = tpu.memref_slice %arg4[%dma_wait3A_606, %dma_wait3A_607, %dma_wait3A_608, %dma_wait3A_617, %dma_wait3A_618] : memref<50x4x128x8x128xf32, #tpu.memory_space<hbm>> -> memref<1x1x1x8x128xf32, #tpu.memory_space<hbm>>
    %dma_wait3A_620 = tpu.memref_squeeze %dma_wait3A_619 : memref<1x1x1x8x128xf32, #tpu.memory_space<hbm>> -> memref<8x128xf32, #tpu.memory_space<hbm>>
    %dma_wait3A_621 = arith.constant 0 : i32
    %dma_wait3A_622 = arith.constant 0 : i32
    %dma_wait3A_623 = tpu.memref_slice %arg10[%dma_wait3A_604, %dma_wait3A_605, %dma_wait3A_621, %dma_wait3A_622] : memref<4x4x8x133xf32, #tpu.memory_space<vmem>> -> memref<1x1x8x128xf32, #tpu.memory_space<vmem>>
    %dma_wait3A_624 = tpu.memref_squeeze %dma_wait3A_623 : memref<1x1x8x128xf32, #tpu.memory_space<vmem>> -> memref<8x128xf32, #tpu.memory_space<vmem>>
    tpu.wait_dma2 semaphore(%arg14 : memref<!tpu.dma_semaphore, #tpu.memory_space<semaphore_mem>>) src(%dma_wait3A_624 : memref<8x128xf32, #tpu.memory_space<vmem>>) dst(%dma_wait3A_620 : memref<8x128xf32, #tpu.memory_space<hbm>>)
    %dma_wait3A_625 = arith.constant 2 : i32
    %dma_wait3A_626 = arith.constant 3 : i32
    %dma_wait3A_627 = arith.constant 0 : i32
    %dma_wait3A_628 = arith.constant 3 : i32
    %dma_wait3A_629 = arith.constant 0 : i32
    %dma_wait3A_630 = arith.constant 0 : i32
    %dma_wait3A_631 = arith.constant 0 : i32
    %dma_wait3A_632 = tpu.memref_slice %arg10[%dma_wait3A_625, %dma_wait3A_626, %dma_wait3A_630, %dma_wait3A_631] : memref<4x4x8x133xf32, #tpu.memory_space<vmem>> -> memref<1x1x8x128xf32, #tpu.memory_space<vmem>>
    %dma_wait3A_633 = tpu.memref_squeeze %dma_wait3A_632 : memref<1x1x8x128xf32, #tpu.memory_space<vmem>> -> memref<8x128xf32, #tpu.memory_space<vmem>>
    %dma_wait3A_634 = arith.constant 0 : i32
    %dma_wait3A_635 = arith.constant 0 : i32
    %dma_wait3A_636 = tpu.memref_slice %arg4[%dma_wait3A_627, %dma_wait3A_628, %dma_wait3A_629, %dma_wait3A_634, %dma_wait3A_635] : memref<50x4x128x8x128xf32, #tpu.memory_space<hbm>> -> memref<1x1x1x8x128xf32, #tpu.memory_space<hbm>>
    %dma_wait3A_637 = tpu.memref_squeeze %dma_wait3A_636 : memref<1x1x1x8x128xf32, #tpu.memory_space<hbm>> -> memref<8x128xf32, #tpu.memory_space<hbm>>
    %dma_wait3A_638 = arith.constant 0 : i32
    %dma_wait3A_639 = arith.constant 0 : i32
    %dma_wait3A_640 = tpu.memref_slice %arg4[%dma_wait3A_627, %dma_wait3A_628, %dma_wait3A_629, %dma_wait3A_638, %dma_wait3A_639] : memref<50x4x128x8x128xf32, #tpu.memory_space<hbm>> -> memref<1x1x1x8x128xf32, #tpu.memory_space<hbm>>
    %dma_wait3A_641 = tpu.memref_squeeze %dma_wait3A_640 : memref<1x1x1x8x128xf32, #tpu.memory_space<hbm>> -> memref<8x128xf32, #tpu.memory_space<hbm>>
    %dma_wait3A_642 = arith.constant 0 : i32
    %dma_wait3A_643 = arith.constant 0 : i32
    %dma_wait3A_644 = tpu.memref_slice %arg10[%dma_wait3A_625, %dma_wait3A_626, %dma_wait3A_642, %dma_wait3A_643] : memref<4x4x8x133xf32, #tpu.memory_space<vmem>> -> memref<1x1x8x128xf32, #tpu.memory_space<vmem>>
    %dma_wait3A_645 = tpu.memref_squeeze %dma_wait3A_644 : memref<1x1x8x128xf32, #tpu.memory_space<vmem>> -> memref<8x128xf32, #tpu.memory_space<vmem>>
    tpu.wait_dma2 semaphore(%arg14 : memref<!tpu.dma_semaphore, #tpu.memory_space<semaphore_mem>>) src(%dma_wait3A_645 : memref<8x128xf32, #tpu.memory_space<vmem>>) dst(%dma_wait3A_641 : memref<8x128xf32, #tpu.memory_space<hbm>>)
    %dma_wait3A_646 = arith.constant 3 : i32
    %dma_wait3A_647 = arith.constant 0 : i32
    %dma_wait3A_648 = arith.constant 0 : i32
    %dma_wait3A_649 = arith.constant 0 : i32
    %dma_wait3A_650 = arith.constant 0 : i32
    %dma_wait3A_651 = arith.constant 0 : i32
    %dma_wait3A_652 = arith.constant 0 : i32
    %dma_wait3A_653 = tpu.memref_slice %arg10[%dma_wait3A_646, %dma_wait3A_647, %dma_wait3A_651, %dma_wait3A_652] : memref<4x4x8x133xf32, #tpu.memory_space<vmem>> -> memref<1x1x8x128xf32, #tpu.memory_space<vmem>>
    %dma_wait3A_654 = tpu.memref_squeeze %dma_wait3A_653 : memref<1x1x8x128xf32, #tpu.memory_space<vmem>> -> memref<8x128xf32, #tpu.memory_space<vmem>>
    %dma_wait3A_655 = arith.constant 0 : i32
    %dma_wait3A_656 = arith.constant 0 : i32
    %dma_wait3A_657 = tpu.memref_slice %arg4[%dma_wait3A_648, %dma_wait3A_649, %dma_wait3A_650, %dma_wait3A_655, %dma_wait3A_656] : memref<50x4x128x8x128xf32, #tpu.memory_space<hbm>> -> memref<1x1x1x8x128xf32, #tpu.memory_space<hbm>>
    %dma_wait3A_658 = tpu.memref_squeeze %dma_wait3A_657 : memref<1x1x1x8x128xf32, #tpu.memory_space<hbm>> -> memref<8x128xf32, #tpu.memory_space<hbm>>
    %dma_wait3A_659 = arith.constant 0 : i32
    %dma_wait3A_660 = arith.constant 0 : i32
    %dma_wait3A_661 = tpu.memref_slice %arg4[%dma_wait3A_648, %dma_wait3A_649, %dma_wait3A_650, %dma_wait3A_659, %dma_wait3A_660] : memref<50x4x128x8x128xf32, #tpu.memory_space<hbm>> -> memref<1x1x1x8x128xf32, #tpu.memory_space<hbm>>
    %dma_wait3A_662 = tpu.memref_squeeze %dma_wait3A_661 : memref<1x1x1x8x128xf32, #tpu.memory_space<hbm>> -> memref<8x128xf32, #tpu.memory_space<hbm>>
    %dma_wait3A_663 = arith.constant 0 : i32
    %dma_wait3A_664 = arith.constant 0 : i32
    %dma_wait3A_665 = tpu.memref_slice %arg10[%dma_wait3A_646, %dma_wait3A_647, %dma_wait3A_663, %dma_wait3A_664] : memref<4x4x8x133xf32, #tpu.memory_space<vmem>> -> memref<1x1x8x128xf32, #tpu.memory_space<vmem>>
    %dma_wait3A_666 = tpu.memref_squeeze %dma_wait3A_665 : memref<1x1x8x128xf32, #tpu.memory_space<vmem>> -> memref<8x128xf32, #tpu.memory_space<vmem>>
    tpu.wait_dma2 semaphore(%arg14 : memref<!tpu.dma_semaphore, #tpu.memory_space<semaphore_mem>>) src(%dma_wait3A_666 : memref<8x128xf32, #tpu.memory_space<vmem>>) dst(%dma_wait3A_662 : memref<8x128xf32, #tpu.memory_space<hbm>>)
    %dma_wait3A_667 = arith.constant 3 : i32
    %dma_wait3A_668 = arith.constant 1 : i32
    %dma_wait3A_669 = arith.constant 0 : i32
    %dma_wait3A_670 = arith.constant 1 : i32
    %dma_wait3A_671 = arith.constant 0 : i32
    %dma_wait3A_672 = arith.constant 0 : i32
    %dma_wait3A_673 = arith.constant 0 : i32
    %dma_wait3A_674 = tpu.memref_slice %arg10[%dma_wait3A_667, %dma_wait3A_668, %dma_wait3A_672, %dma_wait3A_673] : memref<4x4x8x133xf32, #tpu.memory_space<vmem>> -> memref<1x1x8x128xf32, #tpu.memory_space<vmem>>
    %dma_wait3A_675 = tpu.memref_squeeze %dma_wait3A_674 : memref<1x1x8x128xf32, #tpu.memory_space<vmem>> -> memref<8x128xf32, #tpu.memory_space<vmem>>
    %dma_wait3A_676 = arith.constant 0 : i32
    %dma_wait3A_677 = arith.constant 0 : i32
    %dma_wait3A_678 = tpu.memref_slice %arg4[%dma_wait3A_669, %dma_wait3A_670, %dma_wait3A_671, %dma_wait3A_676, %dma_wait3A_677] : memref<50x4x128x8x128xf32, #tpu.memory_space<hbm>> -> memref<1x1x1x8x128xf32, #tpu.memory_space<hbm>>
    %dma_wait3A_679 = tpu.memref_squeeze %dma_wait3A_678 : memref<1x1x1x8x128xf32, #tpu.memory_space<hbm>> -> memref<8x128xf32, #tpu.memory_space<hbm>>
    %dma_wait3A_680 = arith.constant 0 : i32
    %dma_wait3A_681 = arith.constant 0 : i32
    %dma_wait3A_682 = tpu.memref_slice %arg4[%dma_wait3A_669, %dma_wait3A_670, %dma_wait3A_671, %dma_wait3A_680, %dma_wait3A_681] : memref<50x4x128x8x128xf32, #tpu.memory_space<hbm>> -> memref<1x1x1x8x128xf32, #tpu.memory_space<hbm>>
    %dma_wait3A_683 = tpu.memref_squeeze %dma_wait3A_682 : memref<1x1x1x8x128xf32, #tpu.memory_space<hbm>> -> memref<8x128xf32, #tpu.memory_space<hbm>>
    %dma_wait3A_684 = arith.constant 0 : i32
    %dma_wait3A_685 = arith.constant 0 : i32
    %dma_wait3A_686 = tpu.memref_slice %arg10[%dma_wait3A_667, %dma_wait3A_668, %dma_wait3A_684, %dma_wait3A_685] : memref<4x4x8x133xf32, #tpu.memory_space<vmem>> -> memref<1x1x8x128xf32, #tpu.memory_space<vmem>>
    %dma_wait3A_687 = tpu.memref_squeeze %dma_wait3A_686 : memref<1x1x8x128xf32, #tpu.memory_space<vmem>> -> memref<8x128xf32, #tpu.memory_space<vmem>>
    tpu.wait_dma2 semaphore(%arg14 : memref<!tpu.dma_semaphore, #tpu.memory_space<semaphore_mem>>) src(%dma_wait3A_687 : memref<8x128xf32, #tpu.memory_space<vmem>>) dst(%dma_wait3A_683 : memref<8x128xf32, #tpu.memory_space<hbm>>)
    %dma_wait3A_688 = arith.constant 3 : i32
    %dma_wait3A_689 = arith.constant 2 : i32
    %dma_wait3A_690 = arith.constant 0 : i32
    %dma_wait3A_691 = arith.constant 2 : i32
    %dma_wait3A_692 = arith.constant 0 : i32
    %dma_wait3A_693 = arith.constant 0 : i32
    %dma_wait3A_694 = arith.constant 0 : i32
    %dma_wait3A_695 = tpu.memref_slice %arg10[%dma_wait3A_688, %dma_wait3A_689, %dma_wait3A_693, %dma_wait3A_694] : memref<4x4x8x133xf32, #tpu.memory_space<vmem>> -> memref<1x1x8x128xf32, #tpu.memory_space<vmem>>
    %dma_wait3A_696 = tpu.memref_squeeze %dma_wait3A_695 : memref<1x1x8x128xf32, #tpu.memory_space<vmem>> -> memref<8x128xf32, #tpu.memory_space<vmem>>
    %dma_wait3A_697 = arith.constant 0 : i32
    %dma_wait3A_698 = arith.constant 0 : i32
    %dma_wait3A_699 = tpu.memref_slice %arg4[%dma_wait3A_690, %dma_wait3A_691, %dma_wait3A_692, %dma_wait3A_697, %dma_wait3A_698] : memref<50x4x128x8x128xf32, #tpu.memory_space<hbm>> -> memref<1x1x1x8x128xf32, #tpu.memory_space<hbm>>
    %dma_wait3A_700 = tpu.memref_squeeze %dma_wait3A_699 : memref<1x1x1x8x128xf32, #tpu.memory_space<hbm>> -> memref<8x128xf32, #tpu.memory_space<hbm>>
    %dma_wait3A_701 = arith.constant 0 : i32
    %dma_wait3A_702 = arith.constant 0 : i32
    %dma_wait3A_703 = tpu.memref_slice %arg4[%dma_wait3A_690, %dma_wait3A_691, %dma_wait3A_692, %dma_wait3A_701, %dma_wait3A_702] : memref<50x4x128x8x128xf32, #tpu.memory_space<hbm>> -> memref<1x1x1x8x128xf32, #tpu.memory_space<hbm>>
    %dma_wait3A_704 = tpu.memref_squeeze %dma_wait3A_703 : memref<1x1x1x8x128xf32, #tpu.memory_space<hbm>> -> memref<8x128xf32, #tpu.memory_space<hbm>>
    %dma_wait3A_705 = arith.constant 0 : i32
    %dma_wait3A_706 = arith.constant 0 : i32
    %dma_wait3A_707 = tpu.memref_slice %arg10[%dma_wait3A_688, %dma_wait3A_689, %dma_wait3A_705, %dma_wait3A_706] : memref<4x4x8x133xf32, #tpu.memory_space<vmem>> -> memref<1x1x8x128xf32, #tpu.memory_space<vmem>>
    %dma_wait3A_708 = tpu.memref_squeeze %dma_wait3A_707 : memref<1x1x8x128xf32, #tpu.memory_space<vmem>> -> memref<8x128xf32, #tpu.memory_space<vmem>>
    tpu.wait_dma2 semaphore(%arg14 : memref<!tpu.dma_semaphore, #tpu.memory_space<semaphore_mem>>) src(%dma_wait3A_708 : memref<8x128xf32, #tpu.memory_space<vmem>>) dst(%dma_wait3A_704 : memref<8x128xf32, #tpu.memory_space<hbm>>)
    %dma_wait3A_709 = arith.constant 3 : i32
    %dma_wait3A_710 = arith.constant 3 : i32
    %dma_wait3A_711 = arith.constant 0 : i32
    %dma_wait3A_712 = arith.constant 3 : i32
    %dma_wait3A_713 = arith.constant 0 : i32
    %dma_wait3A_714 = arith.constant 0 : i32
    %dma_wait3A_715 = arith.constant 0 : i32
    %dma_wait3A_716 = tpu.memref_slice %arg10[%dma_wait3A_709, %dma_wait3A_710, %dma_wait3A_714, %dma_wait3A_715] : memref<4x4x8x133xf32, #tpu.memory_space<vmem>> -> memref<1x1x8x128xf32, #tpu.memory_space<vmem>>
    %dma_wait3A_717 = tpu.memref_squeeze %dma_wait3A_716 : memref<1x1x8x128xf32, #tpu.memory_space<vmem>> -> memref<8x128xf32, #tpu.memory_space<vmem>>
    %dma_wait3A_718 = arith.constant 0 : i32
    %dma_wait3A_719 = arith.constant 0 : i32
    %dma_wait3A_720 = tpu.memref_slice %arg4[%dma_wait3A_711, %dma_wait3A_712, %dma_wait3A_713, %dma_wait3A_718, %dma_wait3A_719] : memref<50x4x128x8x128xf32, #tpu.memory_space<hbm>> -> memref<1x1x1x8x128xf32, #tpu.memory_space<hbm>>
    %dma_wait3A_721 = tpu.memref_squeeze %dma_wait3A_720 : memref<1x1x1x8x128xf32, #tpu.memory_space<hbm>> -> memref<8x128xf32, #tpu.memory_space<hbm>>
    %dma_wait3A_722 = arith.constant 0 : i32
    %dma_wait3A_723 = arith.constant 0 : i32
    %dma_wait3A_724 = tpu.memref_slice %arg4[%dma_wait3A_711, %dma_wait3A_712, %dma_wait3A_713, %dma_wait3A_722, %dma_wait3A_723] : memref<50x4x128x8x128xf32, #tpu.memory_space<hbm>> -> memref<1x1x1x8x128xf32, #tpu.memory_space<hbm>>
    %dma_wait3A_725 = tpu.memref_squeeze %dma_wait3A_724 : memref<1x1x1x8x128xf32, #tpu.memory_space<hbm>> -> memref<8x128xf32, #tpu.memory_space<hbm>>
    %dma_wait3A_726 = arith.constant 0 : i32
    %dma_wait3A_727 = arith.constant 0 : i32
    %dma_wait3A_728 = tpu.memref_slice %arg10[%dma_wait3A_709, %dma_wait3A_710, %dma_wait3A_726, %dma_wait3A_727] : memref<4x4x8x133xf32, #tpu.memory_space<vmem>> -> memref<1x1x8x128xf32, #tpu.memory_space<vmem>>
    %dma_wait3A_729 = tpu.memref_squeeze %dma_wait3A_728 : memref<1x1x8x128xf32, #tpu.memory_space<vmem>> -> memref<8x128xf32, #tpu.memory_space<vmem>>
    tpu.wait_dma2 semaphore(%arg14 : memref<!tpu.dma_semaphore, #tpu.memory_space<semaphore_mem>>) src(%dma_wait3A_729 : memref<8x128xf32, #tpu.memory_space<vmem>>) dst(%dma_wait3A_725 : memref<8x128xf32, #tpu.memory_space<hbm>>)
    %dma_wait3A_730 = arith.constant 0 : i32
    %dma_wait3A_731 = arith.constant 0 : i32
    %dma_wait3A_732 = arith.constant 0 : i32
    %dma_wait3A_733 = arith.constant 0 : i32
    %dma_wait3A_734 = arith.constant 0 : i32
    %dma_wait3A_735 = arith.constant 0 : i32
    %dma_wait3A_736 = arith.constant 0 : i32
    %dma_wait3A_737 = tpu.memref_slice %arg11[%dma_wait3A_730, %dma_wait3A_731, %dma_wait3A_735, %dma_wait3A_736] : memref<4x4x8x133xf32, #tpu.memory_space<vmem>> -> memref<1x1x8x128xf32, #tpu.memory_space<vmem>>
    %dma_wait3A_738 = tpu.memref_squeeze %dma_wait3A_737 : memref<1x1x8x128xf32, #tpu.memory_space<vmem>> -> memref<8x128xf32, #tpu.memory_space<vmem>>
    %dma_wait3A_739 = arith.constant 0 : i32
    %dma_wait3A_740 = arith.constant 0 : i32
    %dma_wait3A_741 = tpu.memref_slice %arg4[%dma_wait3A_732, %dma_wait3A_733, %dma_wait3A_734, %dma_wait3A_739, %dma_wait3A_740] : memref<50x4x128x8x128xf32, #tpu.memory_space<hbm>> -> memref<1x1x1x8x128xf32, #tpu.memory_space<hbm>>
    %dma_wait3A_742 = tpu.memref_squeeze %dma_wait3A_741 : memref<1x1x1x8x128xf32, #tpu.memory_space<hbm>> -> memref<8x128xf32, #tpu.memory_space<hbm>>
    %dma_wait3A_743 = arith.constant 0 : i32
    %dma_wait3A_744 = arith.constant 0 : i32
    %dma_wait3A_745 = tpu.memref_slice %arg4[%dma_wait3A_732, %dma_wait3A_733, %dma_wait3A_734, %dma_wait3A_743, %dma_wait3A_744] : memref<50x4x128x8x128xf32, #tpu.memory_space<hbm>> -> memref<1x1x1x8x128xf32, #tpu.memory_space<hbm>>
    %dma_wait3A_746 = tpu.memref_squeeze %dma_wait3A_745 : memref<1x1x1x8x128xf32, #tpu.memory_space<hbm>> -> memref<8x128xf32, #tpu.memory_space<hbm>>
    %dma_wait3A_747 = arith.constant 0 : i32
    %dma_wait3A_748 = arith.constant 0 : i32
    %dma_wait3A_749 = tpu.memref_slice %arg11[%dma_wait3A_730, %dma_wait3A_731, %dma_wait3A_747, %dma_wait3A_748] : memref<4x4x8x133xf32, #tpu.memory_space<vmem>> -> memref<1x1x8x128xf32, #tpu.memory_space<vmem>>
    %dma_wait3A_750 = tpu.memref_squeeze %dma_wait3A_749 : memref<1x1x8x128xf32, #tpu.memory_space<vmem>> -> memref<8x128xf32, #tpu.memory_space<vmem>>
    tpu.wait_dma2 semaphore(%arg15 : memref<!tpu.dma_semaphore, #tpu.memory_space<semaphore_mem>>) src(%dma_wait3A_750 : memref<8x128xf32, #tpu.memory_space<vmem>>) dst(%dma_wait3A_746 : memref<8x128xf32, #tpu.memory_space<hbm>>)
    %dma_wait3A_751 = arith.constant 0 : i32
    %dma_wait3A_752 = arith.constant 1 : i32
    %dma_wait3A_753 = arith.constant 0 : i32
    %dma_wait3A_754 = arith.constant 1 : i32
    %dma_wait3A_755 = arith.constant 0 : i32
    %dma_wait3A_756 = arith.constant 0 : i32
    %dma_wait3A_757 = arith.constant 0 : i32
    %dma_wait3A_758 = tpu.memref_slice %arg11[%dma_wait3A_751, %dma_wait3A_752, %dma_wait3A_756, %dma_wait3A_757] : memref<4x4x8x133xf32, #tpu.memory_space<vmem>> -> memref<1x1x8x128xf32, #tpu.memory_space<vmem>>
    %dma_wait3A_759 = tpu.memref_squeeze %dma_wait3A_758 : memref<1x1x8x128xf32, #tpu.memory_space<vmem>> -> memref<8x128xf32, #tpu.memory_space<vmem>>
    %dma_wait3A_760 = arith.constant 0 : i32
    %dma_wait3A_761 = arith.constant 0 : i32
    %dma_wait3A_762 = tpu.memref_slice %arg4[%dma_wait3A_753, %dma_wait3A_754, %dma_wait3A_755, %dma_wait3A_760, %dma_wait3A_761] : memref<50x4x128x8x128xf32, #tpu.memory_space<hbm>> -> memref<1x1x1x8x128xf32, #tpu.memory_space<hbm>>
    %dma_wait3A_763 = tpu.memref_squeeze %dma_wait3A_762 : memref<1x1x1x8x128xf32, #tpu.memory_space<hbm>> -> memref<8x128xf32, #tpu.memory_space<hbm>>
    %dma_wait3A_764 = arith.constant 0 : i32
    %dma_wait3A_765 = arith.constant 0 : i32
    %dma_wait3A_766 = tpu.memref_slice %arg4[%dma_wait3A_753, %dma_wait3A_754, %dma_wait3A_755, %dma_wait3A_764, %dma_wait3A_765] : memref<50x4x128x8x128xf32, #tpu.memory_space<hbm>> -> memref<1x1x1x8x128xf32, #tpu.memory_space<hbm>>
    %dma_wait3A_767 = tpu.memref_squeeze %dma_wait3A_766 : memref<1x1x1x8x128xf32, #tpu.memory_space<hbm>> -> memref<8x128xf32, #tpu.memory_space<hbm>>
    %dma_wait3A_768 = arith.constant 0 : i32
    %dma_wait3A_769 = arith.constant 0 : i32
    %dma_wait3A_770 = tpu.memref_slice %arg11[%dma_wait3A_751, %dma_wait3A_752, %dma_wait3A_768, %dma_wait3A_769] : memref<4x4x8x133xf32, #tpu.memory_space<vmem>> -> memref<1x1x8x128xf32, #tpu.memory_space<vmem>>
    %dma_wait3A_771 = tpu.memref_squeeze %dma_wait3A_770 : memref<1x1x8x128xf32, #tpu.memory_space<vmem>> -> memref<8x128xf32, #tpu.memory_space<vmem>>
    tpu.wait_dma2 semaphore(%arg15 : memref<!tpu.dma_semaphore, #tpu.memory_space<semaphore_mem>>) src(%dma_wait3A_771 : memref<8x128xf32, #tpu.memory_space<vmem>>) dst(%dma_wait3A_767 : memref<8x128xf32, #tpu.memory_space<hbm>>)
    %dma_wait3A_772 = arith.constant 0 : i32
    %dma_wait3A_773 = arith.constant 2 : i32
    %dma_wait3A_774 = arith.constant 0 : i32
    %dma_wait3A_775 = arith.constant 2 : i32
    %dma_wait3A_776 = arith.constant 0 : i32
    %dma_wait3A_777 = arith.constant 0 : i32
    %dma_wait3A_778 = arith.constant 0 : i32
    %dma_wait3A_779 = tpu.memref_slice %arg11[%dma_wait3A_772, %dma_wait3A_773, %dma_wait3A_777, %dma_wait3A_778] : memref<4x4x8x133xf32, #tpu.memory_space<vmem>> -> memref<1x1x8x128xf32, #tpu.memory_space<vmem>>
    %dma_wait3A_780 = tpu.memref_squeeze %dma_wait3A_779 : memref<1x1x8x128xf32, #tpu.memory_space<vmem>> -> memref<8x128xf32, #tpu.memory_space<vmem>>
    %dma_wait3A_781 = arith.constant 0 : i32
    %dma_wait3A_782 = arith.constant 0 : i32
    %dma_wait3A_783 = tpu.memref_slice %arg4[%dma_wait3A_774, %dma_wait3A_775, %dma_wait3A_776, %dma_wait3A_781, %dma_wait3A_782] : memref<50x4x128x8x128xf32, #tpu.memory_space<hbm>> -> memref<1x1x1x8x128xf32, #tpu.memory_space<hbm>>
    %dma_wait3A_784 = tpu.memref_squeeze %dma_wait3A_783 : memref<1x1x1x8x128xf32, #tpu.memory_space<hbm>> -> memref<8x128xf32, #tpu.memory_space<hbm>>
    %dma_wait3A_785 = arith.constant 0 : i32
    %dma_wait3A_786 = arith.constant 0 : i32
    %dma_wait3A_787 = tpu.memref_slice %arg4[%dma_wait3A_774, %dma_wait3A_775, %dma_wait3A_776, %dma_wait3A_785, %dma_wait3A_786] : memref<50x4x128x8x128xf32, #tpu.memory_space<hbm>> -> memref<1x1x1x8x128xf32, #tpu.memory_space<hbm>>
    %dma_wait3A_788 = tpu.memref_squeeze %dma_wait3A_787 : memref<1x1x1x8x128xf32, #tpu.memory_space<hbm>> -> memref<8x128xf32, #tpu.memory_space<hbm>>
    %dma_wait3A_789 = arith.constant 0 : i32
    %dma_wait3A_790 = arith.constant 0 : i32
    %dma_wait3A_791 = tpu.memref_slice %arg11[%dma_wait3A_772, %dma_wait3A_773, %dma_wait3A_789, %dma_wait3A_790] : memref<4x4x8x133xf32, #tpu.memory_space<vmem>> -> memref<1x1x8x128xf32, #tpu.memory_space<vmem>>
    %dma_wait3A_792 = tpu.memref_squeeze %dma_wait3A_791 : memref<1x1x8x128xf32, #tpu.memory_space<vmem>> -> memref<8x128xf32, #tpu.memory_space<vmem>>
    tpu.wait_dma2 semaphore(%arg15 : memref<!tpu.dma_semaphore, #tpu.memory_space<semaphore_mem>>) src(%dma_wait3A_792 : memref<8x128xf32, #tpu.memory_space<vmem>>) dst(%dma_wait3A_788 : memref<8x128xf32, #tpu.memory_space<hbm>>)
    %dma_wait3A_793 = arith.constant 0 : i32
    %dma_wait3A_794 = arith.constant 3 : i32
    %dma_wait3A_795 = arith.constant 0 : i32
    %dma_wait3A_796 = arith.constant 3 : i32
    %dma_wait3A_797 = arith.constant 0 : i32
    %dma_wait3A_798 = arith.constant 0 : i32
    %dma_wait3A_799 = arith.constant 0 : i32
    %dma_wait3A_800 = tpu.memref_slice %arg11[%dma_wait3A_793, %dma_wait3A_794, %dma_wait3A_798, %dma_wait3A_799] : memref<4x4x8x133xf32, #tpu.memory_space<vmem>> -> memref<1x1x8x128xf32, #tpu.memory_space<vmem>>
    %dma_wait3A_801 = tpu.memref_squeeze %dma_wait3A_800 : memref<1x1x8x128xf32, #tpu.memory_space<vmem>> -> memref<8x128xf32, #tpu.memory_space<vmem>>
    %dma_wait3A_802 = arith.constant 0 : i32
    %dma_wait3A_803 = arith.constant 0 : i32
    %dma_wait3A_804 = tpu.memref_slice %arg4[%dma_wait3A_795, %dma_wait3A_796, %dma_wait3A_797, %dma_wait3A_802, %dma_wait3A_803] : memref<50x4x128x8x128xf32, #tpu.memory_space<hbm>> -> memref<1x1x1x8x128xf32, #tpu.memory_space<hbm>>
    %dma_wait3A_805 = tpu.memref_squeeze %dma_wait3A_804 : memref<1x1x1x8x128xf32, #tpu.memory_space<hbm>> -> memref<8x128xf32, #tpu.memory_space<hbm>>
    %dma_wait3A_806 = arith.constant 0 : i32
    %dma_wait3A_807 = arith.constant 0 : i32
    %dma_wait3A_808 = tpu.memref_slice %arg4[%dma_wait3A_795, %dma_wait3A_796, %dma_wait3A_797, %dma_wait3A_806, %dma_wait3A_807] : memref<50x4x128x8x128xf32, #tpu.memory_space<hbm>> -> memref<1x1x1x8x128xf32, #tpu.memory_space<hbm>>
    %dma_wait3A_809 = tpu.memref_squeeze %dma_wait3A_808 : memref<1x1x1x8x128xf32, #tpu.memory_space<hbm>> -> memref<8x128xf32, #tpu.memory_space<hbm>>
    %dma_wait3A_810 = arith.constant 0 : i32
    %dma_wait3A_811 = arith.constant 0 : i32
    %dma_wait3A_812 = tpu.memref_slice %arg11[%dma_wait3A_793, %dma_wait3A_794, %dma_wait3A_810, %dma_wait3A_811] : memref<4x4x8x133xf32, #tpu.memory_space<vmem>> -> memref<1x1x8x128xf32, #tpu.memory_space<vmem>>
    %dma_wait3A_813 = tpu.memref_squeeze %dma_wait3A_812 : memref<1x1x8x128xf32, #tpu.memory_space<vmem>> -> memref<8x128xf32, #tpu.memory_space<vmem>>
    tpu.wait_dma2 semaphore(%arg15 : memref<!tpu.dma_semaphore, #tpu.memory_space<semaphore_mem>>) src(%dma_wait3A_813 : memref<8x128xf32, #tpu.memory_space<vmem>>) dst(%dma_wait3A_809 : memref<8x128xf32, #tpu.memory_space<hbm>>)
    %dma_wait3A_814 = arith.constant 1 : i32
    %dma_wait3A_815 = arith.constant 0 : i32
    %dma_wait3A_816 = arith.constant 0 : i32
    %dma_wait3A_817 = arith.constant 0 : i32
    %dma_wait3A_818 = arith.constant 0 : i32
    %dma_wait3A_819 = arith.constant 0 : i32
    %dma_wait3A_820 = arith.constant 0 : i32
    %dma_wait3A_821 = tpu.memref_slice %arg11[%dma_wait3A_814, %dma_wait3A_815, %dma_wait3A_819, %dma_wait3A_820] : memref<4x4x8x133xf32, #tpu.memory_space<vmem>> -> memref<1x1x8x128xf32, #tpu.memory_space<vmem>>
    %dma_wait3A_822 = tpu.memref_squeeze %dma_wait3A_821 : memref<1x1x8x128xf32, #tpu.memory_space<vmem>> -> memref<8x128xf32, #tpu.memory_space<vmem>>
    %dma_wait3A_823 = arith.constant 0 : i32
    %dma_wait3A_824 = arith.constant 0 : i32
    %dma_wait3A_825 = tpu.memref_slice %arg4[%dma_wait3A_816, %dma_wait3A_817, %dma_wait3A_818, %dma_wait3A_823, %dma_wait3A_824] : memref<50x4x128x8x128xf32, #tpu.memory_space<hbm>> -> memref<1x1x1x8x128xf32, #tpu.memory_space<hbm>>
    %dma_wait3A_826 = tpu.memref_squeeze %dma_wait3A_825 : memref<1x1x1x8x128xf32, #tpu.memory_space<hbm>> -> memref<8x128xf32, #tpu.memory_space<hbm>>
    %dma_wait3A_827 = arith.constant 0 : i32
    %dma_wait3A_828 = arith.constant 0 : i32
    %dma_wait3A_829 = tpu.memref_slice %arg4[%dma_wait3A_816, %dma_wait3A_817, %dma_wait3A_818, %dma_wait3A_827, %dma_wait3A_828] : memref<50x4x128x8x128xf32, #tpu.memory_space<hbm>> -> memref<1x1x1x8x128xf32, #tpu.memory_space<hbm>>
    %dma_wait3A_830 = tpu.memref_squeeze %dma_wait3A_829 : memref<1x1x1x8x128xf32, #tpu.memory_space<hbm>> -> memref<8x128xf32, #tpu.memory_space<hbm>>
    %dma_wait3A_831 = arith.constant 0 : i32
    %dma_wait3A_832 = arith.constant 0 : i32
    %dma_wait3A_833 = tpu.memref_slice %arg11[%dma_wait3A_814, %dma_wait3A_815, %dma_wait3A_831, %dma_wait3A_832] : memref<4x4x8x133xf32, #tpu.memory_space<vmem>> -> memref<1x1x8x128xf32, #tpu.memory_space<vmem>>
    %dma_wait3A_834 = tpu.memref_squeeze %dma_wait3A_833 : memref<1x1x8x128xf32, #tpu.memory_space<vmem>> -> memref<8x128xf32, #tpu.memory_space<vmem>>
    tpu.wait_dma2 semaphore(%arg15 : memref<!tpu.dma_semaphore, #tpu.memory_space<semaphore_mem>>) src(%dma_wait3A_834 : memref<8x128xf32, #tpu.memory_space<vmem>>) dst(%dma_wait3A_830 : memref<8x128xf32, #tpu.memory_space<hbm>>)
    %dma_wait3A_835 = arith.constant 1 : i32
    %dma_wait3A_836 = arith.constant 1 : i32
    %dma_wait3A_837 = arith.constant 0 : i32
    %dma_wait3A_838 = arith.constant 1 : i32
    %dma_wait3A_839 = arith.constant 0 : i32
    %dma_wait3A_840 = arith.constant 0 : i32
    %dma_wait3A_841 = arith.constant 0 : i32
    %dma_wait3A_842 = tpu.memref_slice %arg11[%dma_wait3A_835, %dma_wait3A_836, %dma_wait3A_840, %dma_wait3A_841] : memref<4x4x8x133xf32, #tpu.memory_space<vmem>> -> memref<1x1x8x128xf32, #tpu.memory_space<vmem>>
    %dma_wait3A_843 = tpu.memref_squeeze %dma_wait3A_842 : memref<1x1x8x128xf32, #tpu.memory_space<vmem>> -> memref<8x128xf32, #tpu.memory_space<vmem>>
    %dma_wait3A_844 = arith.constant 0 : i32
    %dma_wait3A_845 = arith.constant 0 : i32
    %dma_wait3A_846 = tpu.memref_slice %arg4[%dma_wait3A_837, %dma_wait3A_838, %dma_wait3A_839, %dma_wait3A_844, %dma_wait3A_845] : memref<50x4x128x8x128xf32, #tpu.memory_space<hbm>> -> memref<1x1x1x8x128xf32, #tpu.memory_space<hbm>>
    %dma_wait3A_847 = tpu.memref_squeeze %dma_wait3A_846 : memref<1x1x1x8x128xf32, #tpu.memory_space<hbm>> -> memref<8x128xf32, #tpu.memory_space<hbm>>
    %dma_wait3A_848 = arith.constant 0 : i32
    %dma_wait3A_849 = arith.constant 0 : i32
    %dma_wait3A_850 = tpu.memref_slice %arg4[%dma_wait3A_837, %dma_wait3A_838, %dma_wait3A_839, %dma_wait3A_848, %dma_wait3A_849] : memref<50x4x128x8x128xf32, #tpu.memory_space<hbm>> -> memref<1x1x1x8x128xf32, #tpu.memory_space<hbm>>
    %dma_wait3A_851 = tpu.memref_squeeze %dma_wait3A_850 : memref<1x1x1x8x128xf32, #tpu.memory_space<hbm>> -> memref<8x128xf32, #tpu.memory_space<hbm>>
    %dma_wait3A_852 = arith.constant 0 : i32
    %dma_wait3A_853 = arith.constant 0 : i32
    %dma_wait3A_854 = tpu.memref_slice %arg11[%dma_wait3A_835, %dma_wait3A_836, %dma_wait3A_852, %dma_wait3A_853] : memref<4x4x8x133xf32, #tpu.memory_space<vmem>> -> memref<1x1x8x128xf32, #tpu.memory_space<vmem>>
    %dma_wait3A_855 = tpu.memref_squeeze %dma_wait3A_854 : memref<1x1x8x128xf32, #tpu.memory_space<vmem>> -> memref<8x128xf32, #tpu.memory_space<vmem>>
    tpu.wait_dma2 semaphore(%arg15 : memref<!tpu.dma_semaphore, #tpu.memory_space<semaphore_mem>>) src(%dma_wait3A_855 : memref<8x128xf32, #tpu.memory_space<vmem>>) dst(%dma_wait3A_851 : memref<8x128xf32, #tpu.memory_space<hbm>>)
    %dma_wait3A_856 = arith.constant 1 : i32
    %dma_wait3A_857 = arith.constant 2 : i32
    %dma_wait3A_858 = arith.constant 0 : i32
    %dma_wait3A_859 = arith.constant 2 : i32
    %dma_wait3A_860 = arith.constant 0 : i32
    %dma_wait3A_861 = arith.constant 0 : i32
    %dma_wait3A_862 = arith.constant 0 : i32
    %dma_wait3A_863 = tpu.memref_slice %arg11[%dma_wait3A_856, %dma_wait3A_857, %dma_wait3A_861, %dma_wait3A_862] : memref<4x4x8x133xf32, #tpu.memory_space<vmem>> -> memref<1x1x8x128xf32, #tpu.memory_space<vmem>>
    %dma_wait3A_864 = tpu.memref_squeeze %dma_wait3A_863 : memref<1x1x8x128xf32, #tpu.memory_space<vmem>> -> memref<8x128xf32, #tpu.memory_space<vmem>>
    %dma_wait3A_865 = arith.constant 0 : i32
    %dma_wait3A_866 = arith.constant 0 : i32
    %dma_wait3A_867 = tpu.memref_slice %arg4[%dma_wait3A_858, %dma_wait3A_859, %dma_wait3A_860, %dma_wait3A_865, %dma_wait3A_866] : memref<50x4x128x8x128xf32, #tpu.memory_space<hbm>> -> memref<1x1x1x8x128xf32, #tpu.memory_space<hbm>>
    %dma_wait3A_868 = tpu.memref_squeeze %dma_wait3A_867 : memref<1x1x1x8x128xf32, #tpu.memory_space<hbm>> -> memref<8x128xf32, #tpu.memory_space<hbm>>
    %dma_wait3A_869 = arith.constant 0 : i32
    %dma_wait3A_870 = arith.constant 0 : i32
    %dma_wait3A_871 = tpu.memref_slice %arg4[%dma_wait3A_858, %dma_wait3A_859, %dma_wait3A_860, %dma_wait3A_869, %dma_wait3A_870] : memref<50x4x128x8x128xf32, #tpu.memory_space<hbm>> -> memref<1x1x1x8x128xf32, #tpu.memory_space<hbm>>
    %dma_wait3A_872 = tpu.memref_squeeze %dma_wait3A_871 : memref<1x1x1x8x128xf32, #tpu.memory_space<hbm>> -> memref<8x128xf32, #tpu.memory_space<hbm>>
    %dma_wait3A_873 = arith.constant 0 : i32
    %dma_wait3A_874 = arith.constant 0 : i32
    %dma_wait3A_875 = tpu.memref_slice %arg11[%dma_wait3A_856, %dma_wait3A_857, %dma_wait3A_873, %dma_wait3A_874] : memref<4x4x8x133xf32, #tpu.memory_space<vmem>> -> memref<1x1x8x128xf32, #tpu.memory_space<vmem>>
    %dma_wait3A_876 = tpu.memref_squeeze %dma_wait3A_875 : memref<1x1x8x128xf32, #tpu.memory_space<vmem>> -> memref<8x128xf32, #tpu.memory_space<vmem>>
    tpu.wait_dma2 semaphore(%arg15 : memref<!tpu.dma_semaphore, #tpu.memory_space<semaphore_mem>>) src(%dma_wait3A_876 : memref<8x128xf32, #tpu.memory_space<vmem>>) dst(%dma_wait3A_872 : memref<8x128xf32, #tpu.memory_space<hbm>>)
    %dma_wait3A_877 = arith.constant 1 : i32
    %dma_wait3A_878 = arith.constant 3 : i32
    %dma_wait3A_879 = arith.constant 0 : i32
    %dma_wait3A_880 = arith.constant 3 : i32
    %dma_wait3A_881 = arith.constant 0 : i32
    %dma_wait3A_882 = arith.constant 0 : i32
    %dma_wait3A_883 = arith.constant 0 : i32
    %dma_wait3A_884 = tpu.memref_slice %arg11[%dma_wait3A_877, %dma_wait3A_878, %dma_wait3A_882, %dma_wait3A_883] : memref<4x4x8x133xf32, #tpu.memory_space<vmem>> -> memref<1x1x8x128xf32, #tpu.memory_space<vmem>>
    %dma_wait3A_885 = tpu.memref_squeeze %dma_wait3A_884 : memref<1x1x8x128xf32, #tpu.memory_space<vmem>> -> memref<8x128xf32, #tpu.memory_space<vmem>>
    %dma_wait3A_886 = arith.constant 0 : i32
    %dma_wait3A_887 = arith.constant 0 : i32
    %dma_wait3A_888 = tpu.memref_slice %arg4[%dma_wait3A_879, %dma_wait3A_880, %dma_wait3A_881, %dma_wait3A_886, %dma_wait3A_887] : memref<50x4x128x8x128xf32, #tpu.memory_space<hbm>> -> memref<1x1x1x8x128xf32, #tpu.memory_space<hbm>>
    %dma_wait3A_889 = tpu.memref_squeeze %dma_wait3A_888 : memref<1x1x1x8x128xf32, #tpu.memory_space<hbm>> -> memref<8x128xf32, #tpu.memory_space<hbm>>
    %dma_wait3A_890 = arith.constant 0 : i32
    %dma_wait3A_891 = arith.constant 0 : i32
    %dma_wait3A_892 = tpu.memref_slice %arg4[%dma_wait3A_879, %dma_wait3A_880, %dma_wait3A_881, %dma_wait3A_890, %dma_wait3A_891] : memref<50x4x128x8x128xf32, #tpu.memory_space<hbm>> -> memref<1x1x1x8x128xf32, #tpu.memory_space<hbm>>
    %dma_wait3A_893 = tpu.memref_squeeze %dma_wait3A_892 : memref<1x1x1x8x128xf32, #tpu.memory_space<hbm>> -> memref<8x128xf32, #tpu.memory_space<hbm>>
    %dma_wait3A_894 = arith.constant 0 : i32
    %dma_wait3A_895 = arith.constant 0 : i32
    %dma_wait3A_896 = tpu.memref_slice %arg11[%dma_wait3A_877, %dma_wait3A_878, %dma_wait3A_894, %dma_wait3A_895] : memref<4x4x8x133xf32, #tpu.memory_space<vmem>> -> memref<1x1x8x128xf32, #tpu.memory_space<vmem>>
    %dma_wait3A_897 = tpu.memref_squeeze %dma_wait3A_896 : memref<1x1x8x128xf32, #tpu.memory_space<vmem>> -> memref<8x128xf32, #tpu.memory_space<vmem>>
    tpu.wait_dma2 semaphore(%arg15 : memref<!tpu.dma_semaphore, #tpu.memory_space<semaphore_mem>>) src(%dma_wait3A_897 : memref<8x128xf32, #tpu.memory_space<vmem>>) dst(%dma_wait3A_893 : memref<8x128xf32, #tpu.memory_space<hbm>>)
    %dma_wait3A_898 = arith.constant 2 : i32
    %dma_wait3A_899 = arith.constant 0 : i32
    %dma_wait3A_900 = arith.constant 0 : i32
    %dma_wait3A_901 = arith.constant 0 : i32
    %dma_wait3A_902 = arith.constant 0 : i32
    %dma_wait3A_903 = arith.constant 0 : i32
    %dma_wait3A_904 = arith.constant 0 : i32
    %dma_wait3A_905 = tpu.memref_slice %arg11[%dma_wait3A_898, %dma_wait3A_899, %dma_wait3A_903, %dma_wait3A_904] : memref<4x4x8x133xf32, #tpu.memory_space<vmem>> -> memref<1x1x8x128xf32, #tpu.memory_space<vmem>>
    %dma_wait3A_906 = tpu.memref_squeeze %dma_wait3A_905 : memref<1x1x8x128xf32, #tpu.memory_space<vmem>> -> memref<8x128xf32, #tpu.memory_space<vmem>>
    %dma_wait3A_907 = arith.constant 0 : i32
    %dma_wait3A_908 = arith.constant 0 : i32
    %dma_wait3A_909 = tpu.memref_slice %arg4[%dma_wait3A_900, %dma_wait3A_901, %dma_wait3A_902, %dma_wait3A_907, %dma_wait3A_908] : memref<50x4x128x8x128xf32, #tpu.memory_space<hbm>> -> memref<1x1x1x8x128xf32, #tpu.memory_space<hbm>>
    %dma_wait3A_910 = tpu.memref_squeeze %dma_wait3A_909 : memref<1x1x1x8x128xf32, #tpu.memory_space<hbm>> -> memref<8x128xf32, #tpu.memory_space<hbm>>
    %dma_wait3A_911 = arith.constant 0 : i32
    %dma_wait3A_912 = arith.constant 0 : i32
    %dma_wait3A_913 = tpu.memref_slice %arg4[%dma_wait3A_900, %dma_wait3A_901, %dma_wait3A_902, %dma_wait3A_911, %dma_wait3A_912] : memref<50x4x128x8x128xf32, #tpu.memory_space<hbm>> -> memref<1x1x1x8x128xf32, #tpu.memory_space<hbm>>
    %dma_wait3A_914 = tpu.memref_squeeze %dma_wait3A_913 : memref<1x1x1x8x128xf32, #tpu.memory_space<hbm>> -> memref<8x128xf32, #tpu.memory_space<hbm>>
    %dma_wait3A_915 = arith.constant 0 : i32
    %dma_wait3A_916 = arith.constant 0 : i32
    %dma_wait3A_917 = tpu.memref_slice %arg11[%dma_wait3A_898, %dma_wait3A_899, %dma_wait3A_915, %dma_wait3A_916] : memref<4x4x8x133xf32, #tpu.memory_space<vmem>> -> memref<1x1x8x128xf32, #tpu.memory_space<vmem>>
    %dma_wait3A_918 = tpu.memref_squeeze %dma_wait3A_917 : memref<1x1x8x128xf32, #tpu.memory_space<vmem>> -> memref<8x128xf32, #tpu.memory_space<vmem>>
    tpu.wait_dma2 semaphore(%arg15 : memref<!tpu.dma_semaphore, #tpu.memory_space<semaphore_mem>>) src(%dma_wait3A_918 : memref<8x128xf32, #tpu.memory_space<vmem>>) dst(%dma_wait3A_914 : memref<8x128xf32, #tpu.memory_space<hbm>>)
    %dma_wait3A_919 = arith.constant 2 : i32
    %dma_wait3A_920 = arith.constant 1 : i32
    %dma_wait3A_921 = arith.constant 0 : i32
    %dma_wait3A_922 = arith.constant 1 : i32
    %dma_wait3A_923 = arith.constant 0 : i32
    %dma_wait3A_924 = arith.constant 0 : i32
    %dma_wait3A_925 = arith.constant 0 : i32
    %dma_wait3A_926 = tpu.memref_slice %arg11[%dma_wait3A_919, %dma_wait3A_920, %dma_wait3A_924, %dma_wait3A_925] : memref<4x4x8x133xf32, #tpu.memory_space<vmem>> -> memref<1x1x8x128xf32, #tpu.memory_space<vmem>>
    %dma_wait3A_927 = tpu.memref_squeeze %dma_wait3A_926 : memref<1x1x8x128xf32, #tpu.memory_space<vmem>> -> memref<8x128xf32, #tpu.memory_space<vmem>>
    %dma_wait3A_928 = arith.constant 0 : i32
    %dma_wait3A_929 = arith.constant 0 : i32
    %dma_wait3A_930 = tpu.memref_slice %arg4[%dma_wait3A_921, %dma_wait3A_922, %dma_wait3A_923, %dma_wait3A_928, %dma_wait3A_929] : memref<50x4x128x8x128xf32, #tpu.memory_space<hbm>> -> memref<1x1x1x8x128xf32, #tpu.memory_space<hbm>>
    %dma_wait3A_931 = tpu.memref_squeeze %dma_wait3A_930 : memref<1x1x1x8x128xf32, #tpu.memory_space<hbm>> -> memref<8x128xf32, #tpu.memory_space<hbm>>
    %dma_wait3A_932 = arith.constant 0 : i32
    %dma_wait3A_933 = arith.constant 0 : i32
    %dma_wait3A_934 = tpu.memref_slice %arg4[%dma_wait3A_921, %dma_wait3A_922, %dma_wait3A_923, %dma_wait3A_932, %dma_wait3A_933] : memref<50x4x128x8x128xf32, #tpu.memory_space<hbm>> -> memref<1x1x1x8x128xf32, #tpu.memory_space<hbm>>
    %dma_wait3A_935 = tpu.memref_squeeze %dma_wait3A_934 : memref<1x1x1x8x128xf32, #tpu.memory_space<hbm>> -> memref<8x128xf32, #tpu.memory_space<hbm>>
    %dma_wait3A_936 = arith.constant 0 : i32
    %dma_wait3A_937 = arith.constant 0 : i32
    %dma_wait3A_938 = tpu.memref_slice %arg11[%dma_wait3A_919, %dma_wait3A_920, %dma_wait3A_936, %dma_wait3A_937] : memref<4x4x8x133xf32, #tpu.memory_space<vmem>> -> memref<1x1x8x128xf32, #tpu.memory_space<vmem>>
    %dma_wait3A_939 = tpu.memref_squeeze %dma_wait3A_938 : memref<1x1x8x128xf32, #tpu.memory_space<vmem>> -> memref<8x128xf32, #tpu.memory_space<vmem>>
    tpu.wait_dma2 semaphore(%arg15 : memref<!tpu.dma_semaphore, #tpu.memory_space<semaphore_mem>>) src(%dma_wait3A_939 : memref<8x128xf32, #tpu.memory_space<vmem>>) dst(%dma_wait3A_935 : memref<8x128xf32, #tpu.memory_space<hbm>>)
    %dma_wait3A_940 = arith.constant 2 : i32
    %dma_wait3A_941 = arith.constant 2 : i32
    %dma_wait3A_942 = arith.constant 0 : i32
    %dma_wait3A_943 = arith.constant 2 : i32
    %dma_wait3A_944 = arith.constant 0 : i32
    %dma_wait3A_945 = arith.constant 0 : i32
    %dma_wait3A_946 = arith.constant 0 : i32
    %dma_wait3A_947 = tpu.memref_slice %arg11[%dma_wait3A_940, %dma_wait3A_941, %dma_wait3A_945, %dma_wait3A_946] : memref<4x4x8x133xf32, #tpu.memory_space<vmem>> -> memref<1x1x8x128xf32, #tpu.memory_space<vmem>>
    %dma_wait3A_948 = tpu.memref_squeeze %dma_wait3A_947 : memref<1x1x8x128xf32, #tpu.memory_space<vmem>> -> memref<8x128xf32, #tpu.memory_space<vmem>>
    %dma_wait3A_949 = arith.constant 0 : i32
    %dma_wait3A_950 = arith.constant 0 : i32
    %dma_wait3A_951 = tpu.memref_slice %arg4[%dma_wait3A_942, %dma_wait3A_943, %dma_wait3A_944, %dma_wait3A_949, %dma_wait3A_950] : memref<50x4x128x8x128xf32, #tpu.memory_space<hbm>> -> memref<1x1x1x8x128xf32, #tpu.memory_space<hbm>>
    %dma_wait3A_952 = tpu.memref_squeeze %dma_wait3A_951 : memref<1x1x1x8x128xf32, #tpu.memory_space<hbm>> -> memref<8x128xf32, #tpu.memory_space<hbm>>
    %dma_wait3A_953 = arith.constant 0 : i32
    %dma_wait3A_954 = arith.constant 0 : i32
    %dma_wait3A_955 = tpu.memref_slice %arg4[%dma_wait3A_942, %dma_wait3A_943, %dma_wait3A_944, %dma_wait3A_953, %dma_wait3A_954] : memref<50x4x128x8x128xf32, #tpu.memory_space<hbm>> -> memref<1x1x1x8x128xf32, #tpu.memory_space<hbm>>
    %dma_wait3A_956 = tpu.memref_squeeze %dma_wait3A_955 : memref<1x1x1x8x128xf32, #tpu.memory_space<hbm>> -> memref<8x128xf32, #tpu.memory_space<hbm>>
    %dma_wait3A_957 = arith.constant 0 : i32
    %dma_wait3A_958 = arith.constant 0 : i32
    %dma_wait3A_959 = tpu.memref_slice %arg11[%dma_wait3A_940, %dma_wait3A_941, %dma_wait3A_957, %dma_wait3A_958] : memref<4x4x8x133xf32, #tpu.memory_space<vmem>> -> memref<1x1x8x128xf32, #tpu.memory_space<vmem>>
    %dma_wait3A_960 = tpu.memref_squeeze %dma_wait3A_959 : memref<1x1x8x128xf32, #tpu.memory_space<vmem>> -> memref<8x128xf32, #tpu.memory_space<vmem>>
    tpu.wait_dma2 semaphore(%arg15 : memref<!tpu.dma_semaphore, #tpu.memory_space<semaphore_mem>>) src(%dma_wait3A_960 : memref<8x128xf32, #tpu.memory_space<vmem>>) dst(%dma_wait3A_956 : memref<8x128xf32, #tpu.memory_space<hbm>>)
    %dma_wait3A_961 = arith.constant 2 : i32
    %dma_wait3A_962 = arith.constant 3 : i32
    %dma_wait3A_963 = arith.constant 0 : i32
    %dma_wait3A_964 = arith.constant 3 : i32
    %dma_wait3A_965 = arith.constant 0 : i32
    %dma_wait3A_966 = arith.constant 0 : i32
    %dma_wait3A_967 = arith.constant 0 : i32
    %dma_wait3A_968 = tpu.memref_slice %arg11[%dma_wait3A_961, %dma_wait3A_962, %dma_wait3A_966, %dma_wait3A_967] : memref<4x4x8x133xf32, #tpu.memory_space<vmem>> -> memref<1x1x8x128xf32, #tpu.memory_space<vmem>>
    %dma_wait3A_969 = tpu.memref_squeeze %dma_wait3A_968 : memref<1x1x8x128xf32, #tpu.memory_space<vmem>> -> memref<8x128xf32, #tpu.memory_space<vmem>>
    %dma_wait3A_970 = arith.constant 0 : i32
    %dma_wait3A_971 = arith.constant 0 : i32
    %dma_wait3A_972 = tpu.memref_slice %arg4[%dma_wait3A_963, %dma_wait3A_964, %dma_wait3A_965, %dma_wait3A_970, %dma_wait3A_971] : memref<50x4x128x8x128xf32, #tpu.memory_space<hbm>> -> memref<1x1x1x8x128xf32, #tpu.memory_space<hbm>>
    %dma_wait3A_973 = tpu.memref_squeeze %dma_wait3A_972 : memref<1x1x1x8x128xf32, #tpu.memory_space<hbm>> -> memref<8x128xf32, #tpu.memory_space<hbm>>
    %dma_wait3A_974 = arith.constant 0 : i32
    %dma_wait3A_975 = arith.constant 0 : i32
    %dma_wait3A_976 = tpu.memref_slice %arg4[%dma_wait3A_963, %dma_wait3A_964, %dma_wait3A_965, %dma_wait3A_974, %dma_wait3A_975] : memref<50x4x128x8x128xf32, #tpu.memory_space<hbm>> -> memref<1x1x1x8x128xf32, #tpu.memory_space<hbm>>
    %dma_wait3A_977 = tpu.memref_squeeze %dma_wait3A_976 : memref<1x1x1x8x128xf32, #tpu.memory_space<hbm>> -> memref<8x128xf32, #tpu.memory_space<hbm>>
    %dma_wait3A_978 = arith.constant 0 : i32
    %dma_wait3A_979 = arith.constant 0 : i32
    %dma_wait3A_980 = tpu.memref_slice %arg11[%dma_wait3A_961, %dma_wait3A_962, %dma_wait3A_978, %dma_wait3A_979] : memref<4x4x8x133xf32, #tpu.memory_space<vmem>> -> memref<1x1x8x128xf32, #tpu.memory_space<vmem>>
    %dma_wait3A_981 = tpu.memref_squeeze %dma_wait3A_980 : memref<1x1x8x128xf32, #tpu.memory_space<vmem>> -> memref<8x128xf32, #tpu.memory_space<vmem>>
    tpu.wait_dma2 semaphore(%arg15 : memref<!tpu.dma_semaphore, #tpu.memory_space<semaphore_mem>>) src(%dma_wait3A_981 : memref<8x128xf32, #tpu.memory_space<vmem>>) dst(%dma_wait3A_977 : memref<8x128xf32, #tpu.memory_space<hbm>>)
    %dma_wait3A_982 = arith.constant 3 : i32
    %dma_wait3A_983 = arith.constant 0 : i32
    %dma_wait3A_984 = arith.constant 0 : i32
    %dma_wait3A_985 = arith.constant 0 : i32
    %dma_wait3A_986 = arith.constant 0 : i32
    %dma_wait3A_987 = arith.constant 0 : i32
    %dma_wait3A_988 = arith.constant 0 : i32
    %dma_wait3A_989 = tpu.memref_slice %arg11[%dma_wait3A_982, %dma_wait3A_983, %dma_wait3A_987, %dma_wait3A_988] : memref<4x4x8x133xf32, #tpu.memory_space<vmem>> -> memref<1x1x8x128xf32, #tpu.memory_space<vmem>>
    %dma_wait3A_990 = tpu.memref_squeeze %dma_wait3A_989 : memref<1x1x8x128xf32, #tpu.memory_space<vmem>> -> memref<8x128xf32, #tpu.memory_space<vmem>>
    %dma_wait3A_991 = arith.constant 0 : i32
    %dma_wait3A_992 = arith.constant 0 : i32
    %dma_wait3A_993 = tpu.memref_slice %arg4[%dma_wait3A_984, %dma_wait3A_985, %dma_wait3A_986, %dma_wait3A_991, %dma_wait3A_992] : memref<50x4x128x8x128xf32, #tpu.memory_space<hbm>> -> memref<1x1x1x8x128xf32, #tpu.memory_space<hbm>>
    %dma_wait3A_994 = tpu.memref_squeeze %dma_wait3A_993 : memref<1x1x1x8x128xf32, #tpu.memory_space<hbm>> -> memref<8x128xf32, #tpu.memory_space<hbm>>
    %dma_wait3A_995 = arith.constant 0 : i32
    %dma_wait3A_996 = arith.constant 0 : i32
    %dma_wait3A_997 = tpu.memref_slice %arg4[%dma_wait3A_984, %dma_wait3A_985, %dma_wait3A_986, %dma_wait3A_995, %dma_wait3A_996] : memref<50x4x128x8x128xf32, #tpu.memory_space<hbm>> -> memref<1x1x1x8x128xf32, #tpu.memory_space<hbm>>
    %dma_wait3A_998 = tpu.memref_squeeze %dma_wait3A_997 : memref<1x1x1x8x128xf32, #tpu.memory_space<hbm>> -> memref<8x128xf32, #tpu.memory_space<hbm>>
    %dma_wait3A_999 = arith.constant 0 : i32
    %dma_wait3A_1000 = arith.constant 0 : i32
    %dma_wait3A_1001 = tpu.memref_slice %arg11[%dma_wait3A_982, %dma_wait3A_983, %dma_wait3A_999, %dma_wait3A_1000] : memref<4x4x8x133xf32, #tpu.memory_space<vmem>> -> memref<1x1x8x128xf32, #tpu.memory_space<vmem>>
    %dma_wait3A_1002 = tpu.memref_squeeze %dma_wait3A_1001 : memref<1x1x8x128xf32, #tpu.memory_space<vmem>> -> memref<8x128xf32, #tpu.memory_space<vmem>>
    tpu.wait_dma2 semaphore(%arg15 : memref<!tpu.dma_semaphore, #tpu.memory_space<semaphore_mem>>) src(%dma_wait3A_1002 : memref<8x128xf32, #tpu.memory_space<vmem>>) dst(%dma_wait3A_998 : memref<8x128xf32, #tpu.memory_space<hbm>>)
    %dma_wait3A_1003 = arith.constant 3 : i32
    %dma_wait3A_1004 = arith.constant 1 : i32
    %dma_wait3A_1005 = arith.constant 0 : i32
    %dma_wait3A_1006 = arith.constant 1 : i32
    %dma_wait3A_1007 = arith.constant 0 : i32
    %dma_wait3A_1008 = arith.constant 0 : i32
    %dma_wait3A_1009 = arith.constant 0 : i32
    %dma_wait3A_1010 = tpu.memref_slice %arg11[%dma_wait3A_1003, %dma_wait3A_1004, %dma_wait3A_1008, %dma_wait3A_1009] : memref<4x4x8x133xf32, #tpu.memory_space<vmem>> -> memref<1x1x8x128xf32, #tpu.memory_space<vmem>>
    %dma_wait3A_1011 = tpu.memref_squeeze %dma_wait3A_1010 : memref<1x1x8x128xf32, #tpu.memory_space<vmem>> -> memref<8x128xf32, #tpu.memory_space<vmem>>
    %dma_wait3A_1012 = arith.constant 0 : i32
    %dma_wait3A_1013 = arith.constant 0 : i32
    %dma_wait3A_1014 = tpu.memref_slice %arg4[%dma_wait3A_1005, %dma_wait3A_1006, %dma_wait3A_1007, %dma_wait3A_1012, %dma_wait3A_1013] : memref<50x4x128x8x128xf32, #tpu.memory_space<hbm>> -> memref<1x1x1x8x128xf32, #tpu.memory_space<hbm>>
    %dma_wait3A_1015 = tpu.memref_squeeze %dma_wait3A_1014 : memref<1x1x1x8x128xf32, #tpu.memory_space<hbm>> -> memref<8x128xf32, #tpu.memory_space<hbm>>
    %dma_wait3A_1016 = arith.constant 0 : i32
    %dma_wait3A_1017 = arith.constant 0 : i32
    %dma_wait3A_1018 = tpu.memref_slice %arg4[%dma_wait3A_1005, %dma_wait3A_1006, %dma_wait3A_1007, %dma_wait3A_1016, %dma_wait3A_1017] : memref<50x4x128x8x128xf32, #tpu.memory_space<hbm>> -> memref<1x1x1x8x128xf32, #tpu.memory_space<hbm>>
    %dma_wait3A_1019 = tpu.memref_squeeze %dma_wait3A_1018 : memref<1x1x1x8x128xf32, #tpu.memory_space<hbm>> -> memref<8x128xf32, #tpu.memory_space<hbm>>
    %dma_wait3A_1020 = arith.constant 0 : i32
    %dma_wait3A_1021 = arith.constant 0 : i32
    %dma_wait3A_1022 = tpu.memref_slice %arg11[%dma_wait3A_1003, %dma_wait3A_1004, %dma_wait3A_1020, %dma_wait3A_1021] : memref<4x4x8x133xf32, #tpu.memory_space<vmem>> -> memref<1x1x8x128xf32, #tpu.memory_space<vmem>>
    %dma_wait3A_1023 = tpu.memref_squeeze %dma_wait3A_1022 : memref<1x1x8x128xf32, #tpu.memory_space<vmem>> -> memref<8x128xf32, #tpu.memory_space<vmem>>
    tpu.wait_dma2 semaphore(%arg15 : memref<!tpu.dma_semaphore, #tpu.memory_space<semaphore_mem>>) src(%dma_wait3A_1023 : memref<8x128xf32, #tpu.memory_space<vmem>>) dst(%dma_wait3A_1019 : memref<8x128xf32, #tpu.memory_space<hbm>>)
    %dma_wait3A_1024 = arith.constant 3 : i32
    %dma_wait3A_1025 = arith.constant 2 : i32
    %dma_wait3A_1026 = arith.constant 0 : i32
    %dma_wait3A_1027 = arith.constant 2 : i32
    %dma_wait3A_1028 = arith.constant 0 : i32
    %dma_wait3A_1029 = arith.constant 0 : i32
    %dma_wait3A_1030 = arith.constant 0 : i32
    %dma_wait3A_1031 = tpu.memref_slice %arg11[%dma_wait3A_1024, %dma_wait3A_1025, %dma_wait3A_1029, %dma_wait3A_1030] : memref<4x4x8x133xf32, #tpu.memory_space<vmem>> -> memref<1x1x8x128xf32, #tpu.memory_space<vmem>>
    %dma_wait3A_1032 = tpu.memref_squeeze %dma_wait3A_1031 : memref<1x1x8x128xf32, #tpu.memory_space<vmem>> -> memref<8x128xf32, #tpu.memory_space<vmem>>
    %dma_wait3A_1033 = arith.constant 0 : i32
    %dma_wait3A_1034 = arith.constant 0 : i32
    %dma_wait3A_1035 = tpu.memref_slice %arg4[%dma_wait3A_1026, %dma_wait3A_1027, %dma_wait3A_1028, %dma_wait3A_1033, %dma_wait3A_1034] : memref<50x4x128x8x128xf32, #tpu.memory_space<hbm>> -> memref<1x1x1x8x128xf32, #tpu.memory_space<hbm>>
    %dma_wait3A_1036 = tpu.memref_squeeze %dma_wait3A_1035 : memref<1x1x1x8x128xf32, #tpu.memory_space<hbm>> -> memref<8x128xf32, #tpu.memory_space<hbm>>
    %dma_wait3A_1037 = arith.constant 0 : i32
    %dma_wait3A_1038 = arith.constant 0 : i32
    %dma_wait3A_1039 = tpu.memref_slice %arg4[%dma_wait3A_1026, %dma_wait3A_1027, %dma_wait3A_1028, %dma_wait3A_1037, %dma_wait3A_1038] : memref<50x4x128x8x128xf32, #tpu.memory_space<hbm>> -> memref<1x1x1x8x128xf32, #tpu.memory_space<hbm>>
    %dma_wait3A_1040 = tpu.memref_squeeze %dma_wait3A_1039 : memref<1x1x1x8x128xf32, #tpu.memory_space<hbm>> -> memref<8x128xf32, #tpu.memory_space<hbm>>
    %dma_wait3A_1041 = arith.constant 0 : i32
    %dma_wait3A_1042 = arith.constant 0 : i32
    %dma_wait3A_1043 = tpu.memref_slice %arg11[%dma_wait3A_1024, %dma_wait3A_1025, %dma_wait3A_1041, %dma_wait3A_1042] : memref<4x4x8x133xf32, #tpu.memory_space<vmem>> -> memref<1x1x8x128xf32, #tpu.memory_space<vmem>>
    %dma_wait3A_1044 = tpu.memref_squeeze %dma_wait3A_1043 : memref<1x1x8x128xf32, #tpu.memory_space<vmem>> -> memref<8x128xf32, #tpu.memory_space<vmem>>
    tpu.wait_dma2 semaphore(%arg15 : memref<!tpu.dma_semaphore, #tpu.memory_space<semaphore_mem>>) src(%dma_wait3A_1044 : memref<8x128xf32, #tpu.memory_space<vmem>>) dst(%dma_wait3A_1040 : memref<8x128xf32, #tpu.memory_space<hbm>>)
    %dma_wait3A_1045 = arith.constant 3 : i32
    %dma_wait3A_1046 = arith.constant 3 : i32
    %dma_wait3A_1047 = arith.constant 0 : i32
    %dma_wait3A_1048 = arith.constant 3 : i32
    %dma_wait3A_1049 = arith.constant 0 : i32
    %dma_wait3A_1050 = arith.constant 0 : i32
    %dma_wait3A_1051 = arith.constant 0 : i32
    %dma_wait3A_1052 = tpu.memref_slice %arg11[%dma_wait3A_1045, %dma_wait3A_1046, %dma_wait3A_1050, %dma_wait3A_1051] : memref<4x4x8x133xf32, #tpu.memory_space<vmem>> -> memref<1x1x8x128xf32, #tpu.memory_space<vmem>>
    %dma_wait3A_1053 = tpu.memref_squeeze %dma_wait3A_1052 : memref<1x1x8x128xf32, #tpu.memory_space<vmem>> -> memref<8x128xf32, #tpu.memory_space<vmem>>
    %dma_wait3A_1054 = arith.constant 0 : i32
    %dma_wait3A_1055 = arith.constant 0 : i32
    %dma_wait3A_1056 = tpu.memref_slice %arg4[%dma_wait3A_1047, %dma_wait3A_1048, %dma_wait3A_1049, %dma_wait3A_1054, %dma_wait3A_1055] : memref<50x4x128x8x128xf32, #tpu.memory_space<hbm>> -> memref<1x1x1x8x128xf32, #tpu.memory_space<hbm>>
    %dma_wait3A_1057 = tpu.memref_squeeze %dma_wait3A_1056 : memref<1x1x1x8x128xf32, #tpu.memory_space<hbm>> -> memref<8x128xf32, #tpu.memory_space<hbm>>
    %dma_wait3A_1058 = arith.constant 0 : i32
    %dma_wait3A_1059 = arith.constant 0 : i32
    %dma_wait3A_1060 = tpu.memref_slice %arg4[%dma_wait3A_1047, %dma_wait3A_1048, %dma_wait3A_1049, %dma_wait3A_1058, %dma_wait3A_1059] : memref<50x4x128x8x128xf32, #tpu.memory_space<hbm>> -> memref<1x1x1x8x128xf32, #tpu.memory_space<hbm>>
    %dma_wait3A_1061 = tpu.memref_squeeze %dma_wait3A_1060 : memref<1x1x1x8x128xf32, #tpu.memory_space<hbm>> -> memref<8x128xf32, #tpu.memory_space<hbm>>
    %dma_wait3A_1062 = arith.constant 0 : i32
    %dma_wait3A_1063 = arith.constant 0 : i32
    %dma_wait3A_1064 = tpu.memref_slice %arg11[%dma_wait3A_1045, %dma_wait3A_1046, %dma_wait3A_1062, %dma_wait3A_1063] : memref<4x4x8x133xf32, #tpu.memory_space<vmem>> -> memref<1x1x8x128xf32, #tpu.memory_space<vmem>>
    %dma_wait3A_1065 = tpu.memref_squeeze %dma_wait3A_1064 : memref<1x1x8x128xf32, #tpu.memory_space<vmem>> -> memref<8x128xf32, #tpu.memory_space<vmem>>
    tpu.wait_dma2 semaphore(%arg15 : memref<!tpu.dma_semaphore, #tpu.memory_space<semaphore_mem>>) src(%dma_wait3A_1065 : memref<8x128xf32, #tpu.memory_space<vmem>>) dst(%dma_wait3A_1061 : memref<8x128xf32, #tpu.memory_space<hbm>>)
    return
  }
}

</mosaic_0001>

<sc_bundles>
// kernel: _embed.3.cloned.1.call-start
scs
__scs_entry_jumppad:
0x0: {  	(pc) =	sbr.rel $0x88, $3  }
0x1: {  	(tag) =	ssettag $0x0;
	lr =	simm.s32 $0x1  }
0x2: {  	[smem:$0x3F9F] =	sst lr;
	_ =	strace $0xD0000000  }
0x3: {  	_ = 	snop  }
0x4: {  	_ = 	snop  }
0x5: {  	_ = 	snop  }
0x6: {  	_ = 	snop  }
0x7: {  	_ = 	snop  }
__scs_overlays_trampoline_lowered:
0x8: {  	[smem:$0x3FAE] =	sst s0  }
0x9: {  	[smem:$0x3FAF] =	sst s1  }
0xa: {  	[smem:$0x3FB0] =	sst s2  }
0xb: {  	[smem:$0x3FB1] =	sst s3  }
0xc: {  	[smem:$0x3FB2] =	sst s4  }
0xd: {  	[smem:$0x3FB3] =	sst s5  }
0xe: {  	[smem:$0x3FB4] =	sst s6  }
0xf: {  	[smem:$0x3FB5] =	sst s7  }
0x10: {  	[smem:$0x3FB6] =	sst s8  }
0x11: {  	[smem:$0x3FB7] =	sst s9;
	s0 =	simm.s32 @!p0 $0x0  }
0x12: {  	s1 =	sld [smem:$0x3F9D];
	s0 =	simm.s32 @p0 $0x1  }
0x13: {  	[smem:$0x3FB8] =	sst s0;
	s0 =	simm.s32 @!p1 $0x0  }
0x14: {  	s2 =	sld [smem:$0x3F9C];
	s0 =	simm.s32 @p1 $0x1  }
0x15: {  	[smem:$0x3FB9] =	sst s0;
	s0 =	simm.s32 @!p2 $0x0  }
0x16: {  	s3 =	sld [smem:$0x3FDB];
	s0 =	simm.s32 @p2 $0x1  }
0x17: {  	s4 =	simm.s32 $0x1BF5;
	[smem:$0x3FBB] =	sst s0  }
0x18: {  	s0 =	sld [smem:$0x3F9E];
	_ =	swait.ge [sflag:s4], $0x0  }
0x19: {  	s7 =	sld [smem:$0x3F9F]  }
0x1a: {  	s8 =	sadd.s32 $0xFFFFE003, lr  }
0x1b: {  	s9 =	sadd.s32 $0xFFFFFEF7, lr;
	s5 =	simm.s32 $0xFFFFFFFF;
	p2 =	slt.u32 s8, $0xFFFFF086  }
0x1c: {  	p1 =	slt.u32 s9, $0xF7A;
	s5 =	simm.s32 @!p2 $0x0  }
0x1d: {  	s5 =	simm.s32 @p1 $0x1;
	p0 =	seq.s32 s7, s2  }
0x1e: {  	s7 =	smul.u32 @!p0 $0xF7A, s2;
	p2 =	seq.s32 @!p0 s5, $0x0  }
0x1f: {  	s9 =	smul.u32 $0xF7A, s1;
	s8 =	simm.s32 @!p0 $0x1BF5;
	p2 =	por !p2, p0  }
0x20: {  	[sflag:s8] =	ssyncset.s32 @!p0 $0xFFFFF086;
	s6 =	sadd.s32 @!p0 s3, s7;
	s7 =	simm.s32 @!p0 $0x108  }
0x21: {  	s3 =	sadd.s32 s3, s9;
	s6 =	sadd.s32 @!p0 $0x88, s6;
	s7 =	simm.s32 @p2 $0x1082  }
0x22: {  	[simem:s7], [sflag:s8] =	dma.local @!p0 [hbm:s6], $0xF7A  }
0x23: {  	s9 =	sor.u32 $0xD0000000, s2;
	s6 =	simm.s32 $0x108;
	_ =	swait.ge @!p0 [sflag:s8], $0x0  }
0x24: {  	s3 =	sadd.s32 $0x88, s3;
	s6 =	simm.s32 @!p1 $0x1082;
	[sflag:s4] =	ssyncset.s32 $0xFFFFF086  }
0x25: {  	[simem:s6], [sflag:s4] =	dma.local [hbm:s3], $0xF7A  }
0x26: {  	[smem:$0x3F9F] =	sst s1;
	(tag) =	ssettag s2;
	_ =	strace s9  }
0x27: {  	s1 =	sld [smem:$0x3FAF]  }
0x28: {  	s2 =	sld [smem:$0x3FB0]  }
0x29: {  	s4 =	sld [smem:$0x3FB2]  }
0x2a: {  	p0 =	seq.s32 s5, $0x0;
	s5 =	sld [smem:$0x3FB3]  }
0x2b: {  	s6 =	sld [smem:$0x3FB4]  }
0x2c: {  	s7 =	sld [smem:$0x3FB5]  }
0x2d: {  	s3 =	simm.s32 $0x108;
	s8 =	sld [smem:$0x3FB6]  }
0x2e: {  	s3 =	simm.s32 @!p0 $0x1082;
	s9 =	sld [smem:$0x3FB7]  }
0x2f: {  	lr =	sadd.s32 s0, s3;
	s0 =	sld [smem:$0x3FAE]  }
0x30: {  	s3 =	sld [smem:$0x3FB1]  }
0x31: {  	[smem:$0x3FBA] =	sst s10  }
0x32: {  	s10 =	sld [smem:$0x3FB8];
	_ =	sdelay $0x3  }
0x33: {  	p0 =	seq.s32 s10, $0x1;
	s10 =	sld [smem:$0x3FBA];
	_ =	sdelay $0x3  }
0x34: {  	[smem:$0x3FBA] =	sst s10  }
0x35: {  	s10 =	sld [smem:$0x3FB9];
	_ =	sdelay $0x3  }
0x36: {  	p1 =	seq.s32 s10, $0x1;
	s10 =	sld [smem:$0x3FBA];
	_ =	sdelay $0x3  }
0x37: {  	[smem:$0x3FBA] =	sst s10  }
0x38: {  	s10 =	sld [smem:$0x3FBB]  }
0x39: {  	_ = 	snop;
	(pc) =	sbr.ind lr, $3  }
0x3a: {  	_ = 	snop  }
0x3b: {  	_ = 	snop  }
0x3c: {  	p2 =	seq.s32 s10, $0x1;
	s10 =	sld [smem:$0x3FBA]  }
0x3d: {  	_ =	shalt  }
0x3e: {  	_ =	shalt  }
0x3f: {  	_ =	shalt  }
0x40: {  	_ =	shalt  }
0x41: {  	_ =	shalt  }
0x42: {  	_ =	shalt  }
0x43: {  	_ =	shalt  }
0x44: {  	_ =	shalt  }
0x45: {  	_ =	shalt  }
0x46: {  	_ =	shalt  }
0x47: {  	_ =	shalt  }
0x48: {  	_ =	shalt  }
0x49: {  	_ =	shalt  }
0x4a: {  	_ =	shalt  }
0x4b: {  	_ =	shalt  }
0x4c: {  	_ =	shalt  }
0x4d: {  	_ =	shalt  }
0x4e: {  	_ =	shalt  }
0x4f: {  	_ =	shalt  }
0x50: {  	_ =	shalt  }
0x51: {  	_ =	shalt  }
0x52: {  	_ =	shalt  }
0x53: {  	_ =	shalt  }
0x54: {  	_ =	shalt  }
0x55: {  	_ =	shalt  }
0x56: {  	_ =	shalt  }
0x57: {  	_ =	shalt  }
0x58: {  	_ =	shalt  }
0x59: {  	_ =	shalt  }
0x5a: {  	_ =	shalt  }
0x5b: {  	_ =	shalt  }
0x5c: {  	_ =	shalt  }
0x5d: {  	_ =	shalt  }
0x5e: {  	_ =	shalt  }
0x5f: {  	_ =	shalt  }
0x60: {  	_ =	shalt  }
0x61: {  	_ =	shalt  }
0x62: {  	_ =	shalt  }
0x63: {  	_ =	shalt  }
0x64: {  	_ =	shalt  }
0x65: {  	_ =	shalt  }
0x66: {  	_ =	shalt  }
0x67: {  	_ =	shalt  }
0x68: {  	_ =	shalt  }
0x69: {  	_ =	shalt  }
0x6a: {  	_ =	shalt  }
0x6b: {  	_ =	shalt  }
0x6c: {  	_ =	shalt  }
0x6d: {  	_ =	shalt  }
0x6e: {  	_ =	shalt  }
0x6f: {  	_ =	shalt  }
0x70: {  	_ =	shalt  }
0x71: {  	_ =	shalt  }
0x72: {  	_ =	shalt  }
0x73: {  	_ =	shalt  }
0x74: {  	_ =	shalt  }
0x75: {  	_ =	shalt  }
0x76: {  	_ =	shalt  }
0x77: {  	_ =	shalt  }
0x78: {  	_ =	shalt  }
0x79: {  	_ =	shalt  }
0x7a: {  	_ =	shalt  }
0x7b: {  	_ =	shalt  }
0x7c: {  	_ =	shalt  }
0x7d: {  	_ =	shalt  }
0x7e: {  	_ =	shalt  }
0x7f: {  	_ =	shalt  }
0x80: {  	_ =	shalt  }
0x81: {  	_ =	shalt  }
0x82: {  	_ =	shalt  }
0x83: {  	_ =	shalt  }
0x84: {  	_ =	shalt  }
0x85: {  	_ =	shalt  }
0x86: {  	_ =	shalt  }
0x87: {  	_ =	shalt  }
.Lfunc_end0:
.L_simem_size_0:
called_computation_lowered:
.L_overlay_start_0:
0x88: {  	s2 =	sld [smem:$0x3FD9]  }
0x89: {  	s3 =	sld [smem:$0x3FFE];
	_ =	sdelay $0x1  }
0x8a: {  	s1 =	srdreg.scid  }
0x8b: {  	s0 =	sand.u32 $0x1, s1  }
0x8c: {  	s17 =	sshll.u32 s0, $0xA;
	s2 =	sadd.s32 s3, s2  }
0x8d: {  	s2 =	sadd.s32 s2, s17  }
0x8e: {  	[smem:$0x3FC6] =	sst s2  }
0x8f: {  	_ = 	snop  }
0x90: {  	s2 =	sld [smem:$0x3FC9]  }
0x91: {  	s18 =	sld [smem:$0x3FD0];
	(tm) =	ssettm $0x1  }
0x92: {  	s4 =	sld [smem:$0x3FFB];
	_ =	sdelay $0x3  }
0x93: {  	_ =	strace s4  }
0x94: {  	s4 =	sld [smem:$0x3FFC];
	_ =	sdelay $0x3  }
0x95: {  	_ =	strace s4  }
0x96: {  	s4 =	sld [smem:$0x3FFD];
	_ =	sdelay $0x3  }
0x97: {  	_ =	strace s4  }
0x98: {  	_ =	strace $0x8FFFFFFF  }
0x99: {  	s19 =	sld [smem:$0x3FDB];
	_ =	sdelay $0x1  }
0x9a: {  	s5 =	simm.s32 $_scs_section_size  }
0x9b: {  	s6 =	simm.s32 $_size__tile_overlayer_lowered;
	s7 =	simm.s32 $_tile_overlayer_lowered  }
0x9c: {  	s22 =	simm.s32 $0x1BFF;
	s21 =	sshll.u32 s7, $0x1;
	s4 =	sadd.s32 s5, s19  }
0x9d: {  	s8 =	simm.s32 $0x0;
	s20 =	sshll.u32 s6, $0x1;
	s6 =	sadd.s32 s21, s4  }
0x9e: {  	[timem:s8], [sflag:s22] =	dma.local [hbm:s6], s20  }
0x9f: {  	_ =	swait.ge [sflag:s22], s20  }
0xa0: {  	s5 =	ssub.s32 $0x0, s20;
	[sflag:s22] =	ssyncset.done $0x0  }
0xa1: {  	[sflag:s22] =	ssyncadd.s32 s5;
	_ =	sdelay $0x1  }
0xa2: {  	s23 =	simm.s32 $0x1B8B  }
0xa3: {  	_ =	swait.ge [sflag:s23], $0x1  }
0xa4: {  	[sflag:s23] =	ssyncset.done $0x0  }
0xa5: {  	s25 =	simm.s32 $0x1B8E;
	s24 =	sld [smem:$0x3FFE];
	[sflag:s23] =	ssyncadd.s32 $0xFFFFFFFF  }
0xa6: {  	s26 =	simm.s32 $execute0_lowered;
	[smem:$0x3FD2] =	sst s25  }
0xa7: {  	s6 =	sshll.u32 s26, $0x1;
	_ =	strace $0x80000046;
	[dreg:$0x1] =	wrdreg $0xFFFFFFFF  }
0xa8: {  	s28 =	simm.s32 $_size_execute0_lowered;
	s4 =	sadd.s32 s4, s6;
	[dreg:$0x0] =	wrdreg $0x0  }
0xa9: {  	s6 =	sshll.u32 s28, $0x1;
	[dreg:$0x2] =	wrdreg s4  }
0xaa: {  	[dreg:$0x3] =	wrdreg s6  }
0xab: {  	[dreg:$0x4] =	wrdreg $0xC0  }
0xac: {  	_ =	task [dreg:s8], $0x5FFFF  }
0xad: {  	[dreg:$0x1] =	wrdreg $0xFFFFFFFF  }
0xae: {  	[dreg:$0x0] =	wrdreg $0x60  }
0xaf: {  	[dreg:$0x2] =	wrdreg s2  }
0xb0: {  	[dreg:$0x3] =	wrdreg s24  }
0xb1: {  	[dreg:$0x4] =	wrdreg s18  }
0xb2: {  	[dreg:$0x5] =	wrdreg $0x9  }
0xb3: {  	_ =	task.clear_ibuf [dreg:s8], $0x6FFFF;
	_ =	strace $0x90000046  }
0xb4: {  	s29 =	simm.s32 $0x9;
	_ =	strace $0x80000048  }
0xb5: {  	_ =	swait.ge [sflag:s29], $0x1  }
0xb6: {  	[sflag:s29] =	ssyncadd.s32 $0xFFFFFFFF  }
0xb7: {  	_ =	strace $0x90000048  }
0xb8: {  	_ =	sfence  }
0xb9: {  	s30 =	sld [smem:$0x0];
	_ =	sdelay $0x2  }
0xba: {  	s31 =	sshll.u32 s1, $0xD;
	s1 =	sshrl.u32 s1, $0x2  }
0xbb: {  	s3 =	sand.u32 $0x4000, s31;
	s1 =	sadd.s32 s1, s30  }
0xbc: {  	s0 =	sor.u32 s3, s0;
	s1 =	sshll.u32 s1, $0x11  }
0xbd: {  	s0 =	sor.u32 s1, s0  }
0xbe: {  	s0 =	sadd.s32 $0x8F2B, s0  }
0xbf: {  	[sflag:s0] =	ssyncadd.remote.s32 $0x1  }
0xc0: {  	_ =	sfence.sel $0xFFFF  }
0xc1: {  	[dreg:$0x0] =	wrdreg $0xFFFFFFFF;
	(pc) =	sbr.abs _section_cstart, $3  }
0xc2: {  	[dreg:$0x1] =	wrdreg $0xFFFFFFFF  }
0xc3: {  	_ =	task.clear_ibuf [dreg:s8], $0x2FFFF;
	_ =	strace $0x9FFFFFFF  }
0xc4: {  	(tm) =	ssettm $0x7FFFFFFF  }
0xc5: {  	_ =	shalt  }
tec
execute0_lowered:
.L_overlay_start_1:
0x0: {  	(tag) =	ssettag $0x1  }
0x1: {  	s0 =	rddreg [dreg:$0x0]  }
0x2: {  	s1 =	rddreg [dreg:$0x1];
	v27 =	vlaneseq.u32  }
0x3: {  	s2 =	rddreg [dreg:$0x2];
	s3 =	srdreg.scid;
	v0 =	vmul.u32 $0x32, v27  }
0x4: {  	s5 =	stileid.u32;
	s15 =	simm.s32 $0x200;
	s20 =	simm.s32 $0x1  }
0x5: {  	s21 =	simm.s32 $0xE800;
	s23 =	simm.s32 $0x2;
	s24 =	simm.s32 $0x4;
	v27 =	vmul.u32 $0x88, v27;
	v1 =	vadd.s32 $0x320, v0;
	v2 =	vadd.s32 $0x640, v0  }
0x6: {  	s25 =	simm.s32 $0x12C00;
	s29 =	simm.s32 $0x15DF0;
	s30 =	simm.s32 $0x15E78;
	v3 =	vadd.s32 $0x960, v0;
	v4 =	vadd.s32 $0xC80, v0;
	v5 =	vadd.s32 $0xFA0, v0  }
0x7: {  	s31 =	simm.s32 $0x15F00;
	s14 =	simm.s32 $0x0;
	s4 =	sand.u32 $0x1, s3;
	v6 =	vadd.s32 $0x12C0, v0;
	v7 =	vadd.s32 $0x15E0, v0;
	v8 =	vadd.s32 $0x1900, v0  }
0x8: {  	s5 =	sshll.u32 s5, $0x1;
	s3 =	simm.s32 $0x0;
	s9 =	sadd.s32 $0xC000, s2;
	v9 =	vadd.s32 $0x1C20, v0;
	v10 =	vadd.s32 $0x1F40, v0;
	v11 =	vadd.s32 $0x2260, v0  }
0x9: {  	s6 =	ssub.s32 $0x2, s4;
	s5 =	sor.u32 s4, s5;
	s4 =	sadd.s32 $0xF42800, s1;
	v12 =	vadd.s32 $0x2580, v0;
	v13 =	vadd.s32 $0x28A0, v0;
	v14 =	vadd.s32 $0x2BC0, v0  }
0xa: {  	[smem:$0x7FF] =	sst s3;
	s1 =	simm.s32 $0x16F78;
	s8 =	smul.u32 $0xC80, s5;
	v15 =	vadd.s32 $0x2EE0, v0;
	v16 =	vadd.s32 $0x3200, v0;
	v17 =	vadd.s32 $0x3520, v0  }
0xb: {  	s7 =	sshrl.u32 s6, $0x1;
	_ =	strace $0x80000047;
	s5 =	sshll.u32 s5, $0xC;
	v18 =	vadd.s32 $0x3840, v0;
	v19 =	vadd.s32 $0x3B60, v0;
	v20 =	vadd.s32 $0x3E80, v0  }
0xc: {  	v21 =	vadd.s32 $0x41A0, v0;
	v22 =	vadd.s32 $0x44C0, v0;
	v23 =	vadd.s32 $0x47E0, v0;
	s26 =	ssub.s32 s6, s7;
	s7 =	sadd.s32 $0x4000, s2;
	s10 =	sor.u32 $0x400, s5  }
0xd: {  	v24 =	vadd.s32 $0x4B00, v0;
	v25 =	vadd.s32 $0x4E20, v0;
	v26 =	vadd.s32 $0x5140, v0;
	s11 =	sor.u32 $0x800, s5;
	s12 =	sor.u32 $0xC00, s5;
	s0 =	sadd.s32 s0, s8  }
0xe: {  	v28 =	vadd.s32 $0x5460, v0;
	v29 =	vadd.s32 $0x5780, v0;
	v30 =	vadd.s32 $0x5AA0, v0;
	s6 =	simm.s32 $0x3;
	s28 =	smax.u32 s26, $0x1;
	[dreg:$0x4] =	wrdreg s0  }
0xf: {  	v31 =	vadd.s32 $0x5DC0, v0;
	v32 =	vadd.s32 $0x60E0, v0;
	v33 =	vadd.s32 $0x880, v27;
	s8 =	sadd.s32 $0x8000, s2;
	[dreg:$0x5] =	wrdreg s28;
	s0 =	simm.s32 $0x15F88  }
.LBB2_1:
0x10: {  	[dreg:$0x6] =	wrdreg s14  }
0x11: {  	s13 =	rddreg [dreg:$0x4];
	s22 =	simm.s32 $0x5  }
0x12: {  	[tilespmem:s3], [sflag:$0x5] =	stream.linear.gather [hbm4b:s13+s3], $0x6400, $0x38;
	[tilespmem:$0x17000] =	vst v63  }
0x13: {  	_ =	swait.ge [sflag:s22], $0x6400  }
0x14: {  	[sflag:s22] =	ssyncset.done $0x0  }
0x15: {  	[sflag:s22] =	ssyncadd.s32 $0xFFFF9C00  }
0x16: {  	v34 =	vld.idx.msk [tilespmem:v0+s3+$0x0], $0xffff;
	_ =	sdelay $0x4  }
0x17: {  	[tilespmem:$0x6400] =	vst v34  }
0x18: {  	v34 =	vld.idx.msk [tilespmem:v1+s3+$0x0], $0xffff;
	_ =	sdelay $0x4  }
0x19: {  	[tilespmem:$0x6410] =	vst v34  }
0x1a: {  	v34 =	vld.idx.msk [tilespmem:v2+s3+$0x0], $0xffff;
	_ =	sdelay $0x4  }
0x1b: {  	[tilespmem:$0x6420] =	vst v34  }
0x1c: {  	v34 =	vld.idx.msk [tilespmem:v3+s3+$0x0], $0xffff;
	_ =	sdelay $0x4  }
0x1d: {  	[tilespmem:$0x6430] =	vst v34  }
0x1e: {  	v34 =	vld.idx.msk [tilespmem:v4+s3+$0x0], $0xffff;
	_ =	sdelay $0x4  }
0x1f: {  	[tilespmem:$0x6440] =	vst v34  }
0x20: {  	v34 =	vld.idx.msk [tilespmem:v5+s3+$0x0], $0xffff;
	_ =	sdelay $0x4  }
0x21: {  	[tilespmem:$0x6450] =	vst v34  }
0x22: {  	v34 =	vld.idx.msk [tilespmem:v6+s3+$0x0], $0xffff;
	_ =	sdelay $0x4  }
0x23: {  	[tilespmem:$0x6460] =	vst v34  }
0x24: {  	v34 =	vld.idx.msk [tilespmem:v7+s3+$0x0], $0xffff;
	_ =	sdelay $0x4  }
0x25: {  	[tilespmem:$0x6470] =	vst v34  }
0x26: {  	v34 =	vld.idx.msk [tilespmem:v8+s3+$0x0], $0xffff;
	_ =	sdelay $0x4  }
0x27: {  	[tilespmem:$0x6480] =	vst v34  }
0x28: {  	v34 =	vld.idx.msk [tilespmem:v9+s3+$0x0], $0xffff;
	_ =	sdelay $0x4  }
0x29: {  	[tilespmem:$0x6490] =	vst v34  }
0x2a: {  	v34 =	vld.idx.msk [tilespmem:v10+s3+$0x0], $0xffff;
	_ =	sdelay $0x4  }
0x2b: {  	[tilespmem:$0x64A0] =	vst v34  }
0x2c: {  	v34 =	vld.idx.msk [tilespmem:v11+s3+$0x0], $0xffff;
	_ =	sdelay $0x4  }
0x2d: {  	[tilespmem:$0x64B0] =	vst v34  }
0x2e: {  	v34 =	vld.idx.msk [tilespmem:v12+s3+$0x0], $0xffff;
	_ =	sdelay $0x4  }
0x2f: {  	[tilespmem:$0x64C0] =	vst v34  }
0x30: {  	v34 =	vld.idx.msk [tilespmem:v13+s3+$0x0], $0xffff;
	_ =	sdelay $0x4  }
0x31: {  	[tilespmem:$0x64D0] =	vst v34  }
0x32: {  	v34 =	vld.idx.msk [tilespmem:v14+s3+$0x0], $0xffff;
	_ =	sdelay $0x4  }
0x33: {  	[tilespmem:$0x64E0] =	vst v34  }
0x34: {  	v34 =	vld.idx.msk [tilespmem:v15+s3+$0x0], $0xffff;
	_ =	sdelay $0x4  }
0x35: {  	[tilespmem:$0x64F0] =	vst v34  }
0x36: {  	v34 =	vld.idx.msk [tilespmem:v16+s3+$0x0], $0xffff;
	_ =	sdelay $0x4  }
0x37: {  	[tilespmem:$0x6500] =	vst v34  }
0x38: {  	v34 =	vld.idx.msk [tilespmem:v17+s3+$0x0], $0xffff;
	_ =	sdelay $0x4  }
0x39: {  	[tilespmem:$0x6510] =	vst v34  }
0x3a: {  	v34 =	vld.idx.msk [tilespmem:v18+s3+$0x0], $0xffff;
	_ =	sdelay $0x4  }
0x3b: {  	[tilespmem:$0x6520] =	vst v34  }
0x3c: {  	v34 =	vld.idx.msk [tilespmem:v19+s3+$0x0], $0xffff;
	_ =	sdelay $0x4  }
0x3d: {  	[tilespmem:$0x6530] =	vst v34  }
0x3e: {  	v34 =	vld.idx.msk [tilespmem:v20+s3+$0x0], $0xffff;
	_ =	sdelay $0x4  }
0x3f: {  	[tilespmem:$0x6540] =	vst v34  }
0x40: {  	v34 =	vld.idx.msk [tilespmem:v21+s3+$0x0], $0xffff;
	_ =	sdelay $0x4  }
0x41: {  	[tilespmem:$0x6550] =	vst v34  }
0x42: {  	v34 =	vld.idx.msk [tilespmem:v22+s3+$0x0], $0xffff;
	_ =	sdelay $0x4  }
0x43: {  	[tilespmem:$0x6560] =	vst v34  }
0x44: {  	v34 =	vld.idx.msk [tilespmem:v23+s3+$0x0], $0xffff;
	_ =	sdelay $0x4  }
0x45: {  	[tilespmem:$0x6570] =	vst v34  }
0x46: {  	v34 =	vld.idx.msk [tilespmem:v24+s3+$0x0], $0xffff;
	_ =	sdelay $0x4  }
0x47: {  	[tilespmem:$0x6580] =	vst v34  }
0x48: {  	v34 =	vld.idx.msk [tilespmem:v25+s3+$0x0], $0xffff;
	_ =	sdelay $0x4  }
0x49: {  	[tilespmem:$0x6590] =	vst v34  }
0x4a: {  	v34 =	vld.idx.msk [tilespmem:v26+s3+$0x0], $0xffff;
	_ =	sdelay $0x4  }
0x4b: {  	[tilespmem:$0x65A0] =	vst v34  }
0x4c: {  	v34 =	vld.idx.msk [tilespmem:v28+s3+$0x0], $0xffff;
	_ =	sdelay $0x4  }
0x4d: {  	[tilespmem:$0x65B0] =	vst v34  }
0x4e: {  	v34 =	vld.idx.msk [tilespmem:v29+s3+$0x0], $0xffff;
	_ =	sdelay $0x4  }
0x4f: {  	[tilespmem:$0x65C0] =	vst v34  }
0x50: {  	v34 =	vld.idx.msk [tilespmem:v30+s3+$0x0], $0xffff;
	_ =	sdelay $0x4  }
0x51: {  	[tilespmem:$0x65D0] =	vst v34  }
0x52: {  	v34 =	vld.idx.msk [tilespmem:v31+s3+$0x0], $0xffff;
	_ =	sdelay $0x4  }
0x53: {  	[tilespmem:$0x65E0] =	vst v34  }
0x54: {  	v34 =	vld.idx.msk [tilespmem:v32+s3+$0x0], $0xffff;
	_ =	sdelay $0x4  }
0x55: {  	s26 =	simm.s32 $0x6400;
	s28 =	simm.s32 $0x6800;
	s13 =	simm.s32 $0x0;
	[tilespmem:$0x65F0] =	vst v34  }
0x56: {  	[tilespmem:s28], [sflag:$0x1] =	stream.indirect.gather [hbm4b:s4+s15], $0x20, s26, s15, $0xb8;
	[tilespmem:$0x17000] =	vst v63  }
.LBB2_2:
0x57: {  	s14 =	sshllo.u32 s13, $0x1  }
0x58: {  	v34 =	vadd.s32 s14, v0;
	_ =	sdelay $0x3  }
0x59: {  	s16 =	sshll.u32 s13, $0x1  }
0x5a: {  	s17 =	sadd.s32 $0x321, s16;
	v34 =	vld.idx.msk [tilespmem:v34+s3+$0x0], $0xffff  }
0x5b: {  	v35 =	vadd.s32 s17, v0;
	_ =	sdelay $0x3  }
0x5c: {  	[tilespmem:$0x6600] =	vst v34  }
0x5d: {  	s26 =	sor.u32 $0x641, s16;
	v34 =	vld.idx.msk [tilespmem:v35+s3+$0x0], $0xffff  }
0x5e: {  	v43 =	vadd.s32 s26, v0;
	_ =	sdelay $0x3  }
0x5f: {  	[tilespmem:$0x6610] =	vst v34  }
0x60: {  	s28 =	sadd.s32 $0x961, s16;
	v34 =	vld.idx.msk [tilespmem:v43+s3+$0x0], $0xffff  }
0x61: {  	v44 =	vadd.s32 s28, v0;
	_ =	sdelay $0x3  }
0x62: {  	[tilespmem:$0x6620] =	vst v34  }
0x63: {  	s18 =	sor.u32 $0xC81, s16;
	v34 =	vld.idx.msk [tilespmem:v44+s3+$0x0], $0xffff  }
0x64: {  	v45 =	vadd.s32 s18, v0;
	_ =	sdelay $0x3  }
0x65: {  	[tilespmem:$0x6630] =	vst v34  }
0x66: {  	s19 =	sadd.s32 $0xFA1, s16;
	v34 =	vld.idx.msk [tilespmem:v45+s3+$0x0], $0xffff  }
0x67: {  	v46 =	vadd.s32 s19, v0;
	_ =	sdelay $0x3  }
0x68: {  	[tilespmem:$0x6640] =	vst v34  }
0x69: {  	s22 =	sor.u32 $0x12C1, s16;
	v34 =	vld.idx.msk [tilespmem:v46+s3+$0x0], $0xffff  }
0x6a: {  	v47 =	vadd.s32 s22, v0;
	_ =	sdelay $0x3  }
0x6b: {  	[tilespmem:$0x6650] =	vst v34  }
0x6c: {  	s26 =	sadd.s32 $0x15E1, s16;
	v34 =	vld.idx.msk [tilespmem:v47+s3+$0x0], $0xffff  }
0x6d: {  	v48 =	vadd.s32 s26, v0;
	_ =	sdelay $0x3  }
0x6e: {  	[tilespmem:$0x6660] =	vst v34  }
0x6f: {  	s28 =	sor.u32 $0x1901, s16;
	v34 =	vld.idx.msk [tilespmem:v48+s3+$0x0], $0xffff  }
0x70: {  	v49 =	vadd.s32 s28, v0;
	_ =	sdelay $0x3  }
0x71: {  	[tilespmem:$0x6670] =	vst v34  }
0x72: {  	s18 =	sadd.s32 $0x1C21, s16;
	v34 =	vld.idx.msk [tilespmem:v49+s3+$0x0], $0xffff  }
0x73: {  	v50 =	vadd.s32 s18, v0;
	_ =	sdelay $0x3  }
0x74: {  	[tilespmem:$0x6680] =	vst v34  }
0x75: {  	s19 =	sor.u32 $0x1F41, s16;
	v34 =	vld.idx.msk [tilespmem:v50+s3+$0x0], $0xffff  }
0x76: {  	v51 =	vadd.s32 s19, v0;
	_ =	sdelay $0x3  }
0x77: {  	[tilespmem:$0x6690] =	vst v34  }
0x78: {  	s22 =	sadd.s32 $0x2261, s16;
	v34 =	vld.idx.msk [tilespmem:v51+s3+$0x0], $0xffff  }
0x79: {  	v52 =	vadd.s32 s22, v0;
	_ =	sdelay $0x3  }
0x7a: {  	[tilespmem:$0x66A0] =	vst v34  }
0x7b: {  	s26 =	sor.u32 $0x2581, s16;
	v34 =	vld.idx.msk [tilespmem:v52+s3+$0x0], $0xffff  }
0x7c: {  	v53 =	vadd.s32 s26, v0;
	_ =	sdelay $0x3  }
0x7d: {  	[tilespmem:$0x66B0] =	vst v34  }
0x7e: {  	s28 =	sadd.s32 $0x28A1, s16;
	v34 =	vld.idx.msk [tilespmem:v53+s3+$0x0], $0xffff  }
0x7f: {  	v54 =	vadd.s32 s28, v0;
	_ =	sdelay $0x3  }
0x80: {  	[tilespmem:$0x66C0] =	vst v34  }
0x81: {  	s18 =	sor.u32 $0x2BC1, s16;
	v34 =	vld.idx.msk [tilespmem:v54+s3+$0x0], $0xffff  }
0x82: {  	v55 =	vadd.s32 s18, v0;
	_ =	sdelay $0x3  }
0x83: {  	[tilespmem:$0x66D0] =	vst v34  }
0x84: {  	s19 =	sadd.s32 $0x2EE1, s16;
	v34 =	vld.idx.msk [tilespmem:v55+s3+$0x0], $0xffff  }
0x85: {  	v56 =	vadd.s32 s19, v0;
	_ =	sdelay $0x3  }
0x86: {  	[tilespmem:$0x66E0] =	vst v34  }
0x87: {  	s22 =	sor.u32 $0x3201, s16;
	v34 =	vld.idx.msk [tilespmem:v56+s3+$0x0], $0xffff  }
0x88: {  	v57 =	vadd.s32 s22, v0;
	_ =	sdelay $0x3  }
0x89: {  	[tilespmem:$0x66F0] =	vst v34  }
0x8a: {  	s26 =	sadd.s32 $0x3521, s16;
	v34 =	vld.idx.msk [tilespmem:v57+s3+$0x0], $0xffff  }
0x8b: {  	v58 =	vadd.s32 s26, v0;
	_ =	sdelay $0x3  }
0x8c: {  	[tilespmem:$0x6700] =	vst v34  }
0x8d: {  	s28 =	sor.u32 $0x3841, s16;
	v34 =	vld.idx.msk [tilespmem:v58+s3+$0x0], $0xffff  }
0x8e: {  	v59 =	vadd.s32 s28, v0;
	_ =	sdelay $0x3  }
0x8f: {  	[tilespmem:$0x6710] =	vst v34  }
0x90: {  	s18 =	sadd.s32 $0x3B61, s16;
	v34 =	vld.idx.msk [tilespmem:v59+s3+$0x0], $0xffff  }
0x91: {  	v60 =	vadd.s32 s18, v0;
	_ =	sdelay $0x3  }
0x92: {  	[tilespmem:$0x6720] =	vst v34  }
0x93: {  	s19 =	sor.u32 $0x3E81, s16;
	v34 =	vld.idx.msk [tilespmem:v60+s3+$0x0], $0xffff  }
0x94: {  	v61 =	vadd.s32 s19, v0;
	_ =	sdelay $0x3  }
0x95: {  	[tilespmem:$0x6730] =	vst v34  }
0x96: {  	s22 =	sadd.s32 $0x41A1, s16;
	v34 =	vld.idx.msk [tilespmem:v61+s3+$0x0], $0xffff  }
0x97: {  	v62 =	vadd.s32 s22, v0;
	_ =	sdelay $0x3  }
0x98: {  	[tilespmem:$0x6740] =	vst v34  }
0x99: {  	s26 =	sor.u32 $0x44C1, s16;
	v34 =	vld.idx.msk [tilespmem:v62+s3+$0x0], $0xffff  }
0x9a: {  	v63 =	vadd.s32 s26, v0;
	_ =	sdelay $0x3  }
0x9b: {  	[tilespmem:$0x6750] =	vst v34  }
0x9c: {  	s28 =	sadd.s32 $0x47E1, s16;
	v34 =	vld.idx.msk [tilespmem:v63+s3+$0x0], $0xffff  }
0x9d: {  	v36 =	vadd.s32 s28, v0;
	_ =	sdelay $0x3  }
0x9e: {  	[tilespmem:$0x6760] =	vst v34  }
0x9f: {  	s18 =	sor.u32 $0x4B01, s16;
	v34 =	vld.idx.msk [tilespmem:v36+s3+$0x0], $0xffff  }
0xa0: {  	v37 =	vadd.s32 s18, v0;
	_ =	sdelay $0x3  }
0xa1: {  	[tilespmem:$0x6770] =	vst v34  }
0xa2: {  	s19 =	sadd.s32 $0x4E21, s16;
	v34 =	vld.idx.msk [tilespmem:v37+s3+$0x0], $0xffff  }
0xa3: {  	v38 =	vadd.s32 s19, v0;
	_ =	sdelay $0x3  }
0xa4: {  	[tilespmem:$0x6780] =	vst v34  }
0xa5: {  	s22 =	sor.u32 $0x5141, s16;
	v34 =	vld.idx.msk [tilespmem:v38+s3+$0x0], $0xffff  }
0xa6: {  	v39 =	vadd.s32 s22, v0;
	_ =	sdelay $0x3  }
0xa7: {  	[tilespmem:$0x6790] =	vst v34  }
0xa8: {  	s26 =	sadd.s32 $0x5461, s16;
	v34 =	vld.idx.msk [tilespmem:v39+s3+$0x0], $0xffff  }
0xa9: {  	v40 =	vadd.s32 s26, v0;
	_ =	sdelay $0x3  }
0xaa: {  	[tilespmem:$0x67A0] =	vst v34  }
0xab: {  	s28 =	sor.u32 $0x5781, s16;
	v34 =	vld.idx.msk [tilespmem:v40+s3+$0x0], $0xffff  }
0xac: {  	v41 =	vadd.s32 s28, v0;
	_ =	sdelay $0x3  }
0xad: {  	[tilespmem:$0x67B0] =	vst v34  }
0xae: {  	s18 =	sadd.s32 $0x5AA1, s16;
	v34 =	vld.idx.msk [tilespmem:v41+s3+$0x0], $0xffff  }
0xaf: {  	v42 =	vadd.s32 s18, v0;
	_ =	sdelay $0x3  }
0xb0: {  	[tilespmem:$0x67C0] =	vst v34  }
0xb1: {  	s19 =	sor.u32 $0x5DC1, s16;
	v34 =	vld.idx.msk [tilespmem:v42+s3+$0x0], $0xffff  }
0xb2: {  	v43 =	vadd.s32 s19, v0;
	_ =	sdelay $0x3  }
0xb3: {  	[tilespmem:$0x67D0] =	vst v34  }
0xb4: {  	s22 =	sadd.s32 $0x60E1, s16;
	v34 =	vld.idx.msk [tilespmem:v43+s3+$0x0], $0xffff  }
0xb5: {  	v44 =	vadd.s32 s22, v0;
	_ =	sdelay $0x3  }
0xb6: {  	[tilespmem:$0x67E0] =	vst v34  }
0xb7: {  	v34 =	vld.idx.msk [tilespmem:v44+s3+$0x0], $0xffff;
	_ =	sdelay $0x4  }
0xb8: {  	s26 =	simm.s32 $0x6600;
	s18 =	simm.s32 $0xA800;
	[tilespmem:$0x67F0] =	vst v34  }
0xb9: {  	[tilespmem:s18], [sflag:$0x2] =	stream.indirect.gather [hbm4b:s4+s15], $0x20, s26, s15, $0xb8;
	[tilespmem:$0x17000] =	vst v63  }
0xba: {  	_ =	swait.ge [sflag:s20], $0x4000  }
0xbb: {  	p0 =	seq.s32 s13, $0x0;
	[sflag:s20] =	ssyncset.done $0x0  }
0xbc: {  	s17 =	simm.s32 @!p0 $0x3;
	[sflag:s20] =	ssyncadd.s32 $0xFFFFC000  }
0xbd: {  	_ =	swait.ge @!p0 [sflag:s17], $0x400  }
0xbe: {  	[sflag:s17] =	ssyncset.done @!p0 $0x0  }
0xbf: {  	[sflag:s17] =	ssyncadd.s32 @!p0 $0xFFFFFC00  }
0xc0: {  	_ =	swait.ge @!p0 [sflag:s17], $0x400  }
0xc1: {  	[sflag:s17] =	ssyncset.done @!p0 $0x0  }
0xc2: {  	[sflag:s17] =	ssyncadd.s32 @!p0 $0xFFFFFC00  }
0xc3: {  	_ =	swait.ge @!p0 [sflag:s17], $0x400  }
0xc4: {  	[sflag:s17] =	ssyncset.done @!p0 $0x0  }
0xc5: {  	[sflag:s17] =	ssyncadd.s32 @!p0 $0xFFFFFC00  }
0xc6: {  	_ =	swait.ge @!p0 [sflag:s17], $0x400  }
0xc7: {  	[sflag:s17] =	ssyncset.done @!p0 $0x0  }
0xc8: {  	[sflag:s17] =	ssyncadd.s32 @!p0 $0xFFFFFC00  }
0xc9: {  	_ =	swait.ge @!p0 [sflag:s17], $0x400  }
0xca: {  	[sflag:s17] =	ssyncset.done @!p0 $0x0  }
0xcb: {  	[sflag:s17] =	ssyncadd.s32 @!p0 $0xFFFFFC00  }
0xcc: {  	_ =	swait.ge @!p0 [sflag:s17], $0x400  }
0xcd: {  	[sflag:s17] =	ssyncset.done @!p0 $0x0  }
0xce: {  	[sflag:s17] =	ssyncadd.s32 @!p0 $0xFFFFFC00  }
0xcf: {  	_ =	swait.ge @!p0 [sflag:s17], $0x400  }
0xd0: {  	[sflag:s17] =	ssyncset.done @!p0 $0x0  }
0xd1: {  	[sflag:s17] =	ssyncadd.s32 @!p0 $0xFFFFFC00  }
0xd2: {  	_ =	swait.ge @!p0 [sflag:s17], $0x400  }
0xd3: {  	[sflag:s17] =	ssyncset.done @!p0 $0x0  }
0xd4: {  	[sflag:s17] =	ssyncadd.s32 @!p0 $0xFFFFFC00  }
0xd5: {  	_ =	swait.ge @!p0 [sflag:s17], $0x400  }
0xd6: {  	[sflag:s17] =	ssyncset.done @!p0 $0x0  }
0xd7: {  	[sflag:s17] =	ssyncadd.s32 @!p0 $0xFFFFFC00  }
0xd8: {  	_ =	swait.ge @!p0 [sflag:s17], $0x400  }
0xd9: {  	[sflag:s17] =	ssyncset.done @!p0 $0x0  }
0xda: {  	[sflag:s17] =	ssyncadd.s32 @!p0 $0xFFFFFC00  }
0xdb: {  	_ =	swait.ge @!p0 [sflag:s17], $0x400  }
0xdc: {  	[sflag:s17] =	ssyncset.done @!p0 $0x0  }
0xdd: {  	[sflag:s17] =	ssyncadd.s32 @!p0 $0xFFFFFC00  }
0xde: {  	_ =	swait.ge @!p0 [sflag:s17], $0x400  }
0xdf: {  	[sflag:s17] =	ssyncset.done @!p0 $0x0  }
0xe0: {  	[sflag:s17] =	ssyncadd.s32 @!p0 $0xFFFFFC00  }
0xe1: {  	_ =	swait.ge @!p0 [sflag:s17], $0x400  }
0xe2: {  	[sflag:s17] =	ssyncset.done @!p0 $0x0  }
0xe3: {  	[sflag:s17] =	ssyncadd.s32 @!p0 $0xFFFFFC00  }
0xe4: {  	_ =	swait.ge @!p0 [sflag:s17], $0x400  }
0xe5: {  	s28 =	simm.s32 $0x0;
	[sflag:s17] =	ssyncset.done @!p0 $0x0  }
0xe6: {  	s19 =	simm.s32 $0x0;
	s18 =	sand.u32 $0x78, s28;
	[sflag:s17] =	ssyncadd.s32 @!p0 $0xFFFFFC00  }
0xe7: {  	v45 =	vmov s19;
	v46 =	vmov s18;
	_ =	swait.ge @!p0 [sflag:s17], $0x400  }
0xe8: {  	v34 =	vmul.u32 $0x1100, v45;
	v35 =	vshrl.u32 v46, $0x3;
	[sflag:s17] =	ssyncset.done @!p0 $0x0  }
0xe9: {  	v35 =	vshll.u32 v35, $0x3;
	[sflag:s17] =	ssyncadd.s32 @!p0 $0xFFFFFC00  }
0xea: {  	s22 =	simm.s32 $0x0;
	v34 =	vor.u32 v35, v34;
	_ =	swait.ge @!p0 [sflag:s17], $0x400  }
0xeb: {  	s19 =	sand.u32 $0x3FFFF000, s22;
	s18 =	sshll.u32 s18, $0x5;
	v34 =	vbroadcast v34, $0x0;
	[sflag:s17] =	ssyncset.done @!p0 $0x0  }
0xec: {  	[sflag:s17] =	ssyncadd.s32 @!p0 $0xFFFFFC00;
	s17 =	sor.u32 s18, s19  }
0xed: {  	v36 =	vadd.s32 v27, v34;
	v47 =	vld [tilespmem:s17+$0x6800]  }
0xee: {  	v38 =	vadd.s32 v33, v34;
	v37 =	vld [tilespmem:s17+$0x6810];
	_ =	sdelay $0x3  }
0xef: {  	[tilespmem:v36+s21+$0x0] =	vst.idx.msk $0xffff, v47  }
0xf0: {  	[tilespmem:v38+s21+$0x0] =	vst.idx.msk $0xffff, v37  }
0xf1: {  	v49 =	vor.u32 $0x1, v36;
	v48 =	vld [tilespmem:s17+$0x6820]  }
0xf2: {  	v39 =	vor.u32 $0x1, v38;
	v37 =	vld [tilespmem:s17+$0x6830];
	_ =	sdelay $0x3  }
0xf3: {  	[tilespmem:v49+s21+$0x0] =	vst.idx.msk $0xffff, v48  }
0xf4: {  	[tilespmem:v39+s21+$0x0] =	vst.idx.msk $0xffff, v37  }
0xf5: {  	v50 =	vor.u32 $0x2, v36;
	v34 =	vld [tilespmem:s17+$0x6840]  }
0xf6: {  	v51 =	vor.u32 $0x2, v38;
	v37 =	vld [tilespmem:s17+$0x6850];
	_ =	sdelay $0x3  }
0xf7: {  	[tilespmem:v50+s21+$0x0] =	vst.idx.msk $0xffff, v34  }
0xf8: {  	[tilespmem:v51+s21+$0x0] =	vst.idx.msk $0xffff, v37  }
0xf9: {  	v52 =	vor.u32 $0x3, v36;
	v34 =	vld [tilespmem:s17+$0x6860]  }
0xfa: {  	v53 =	vor.u32 $0x3, v38;
	v37 =	vld [tilespmem:s17+$0x6870];
	_ =	sdelay $0x3  }
0xfb: {  	[tilespmem:v52+s21+$0x0] =	vst.idx.msk $0xffff, v34  }
0xfc: {  	[tilespmem:v53+s21+$0x0] =	vst.idx.msk $0xffff, v37  }
0xfd: {  	v54 =	vor.u32 $0x4, v36;
	v34 =	vld [tilespmem:s17+$0x6880]  }
0xfe: {  	v55 =	vor.u32 $0x4, v38;
	v37 =	vld [tilespmem:s17+$0x6890];
	_ =	sdelay $0x3  }
0xff: {  	[tilespmem:v54+s21+$0x0] =	vst.idx.msk $0xffff, v34  }
0x100: {  	[tilespmem:v55+s21+$0x0] =	vst.idx.msk $0xffff, v37  }
0x101: {  	v56 =	vor.u32 $0x5, v36;
	v34 =	vld [tilespmem:s17+$0x68A0]  }
0x102: {  	v57 =	vor.u32 $0x5, v38;
	v37 =	vld [tilespmem:s17+$0x68B0];
	_ =	sdelay $0x3  }
0x103: {  	[tilespmem:v56+s21+$0x0] =	vst.idx.msk $0xffff, v34  }
0x104: {  	[tilespmem:v57+s21+$0x0] =	vst.idx.msk $0xffff, v37  }
0x105: {  	v58 =	vor.u32 $0x6, v36;
	v34 =	vld [tilespmem:s17+$0x68C0]  }
0x106: {  	v59 =	vor.u32 $0x6, v38;
	v37 =	vld [tilespmem:s17+$0x68D0];
	_ =	sdelay $0x1  }
0x107: {  	s18 =	simm.s32 $0x8  }
0x108: {  	s26 =	simm.s32 $0x0;
	s22 =	sand.u32 $0x78, s18  }
0x109: {  	v61 =	vmov s26;
	v62 =	vmov s22;
	[tilespmem:v58+s21+$0x0] =	vst.idx.msk $0xffff, v34  }
0x10a: {  	v63 =	vmul.u32 $0x1100, v61;
	v35 =	vshrl.u32 v62, $0x3;
	[tilespmem:v59+s21+$0x0] =	vst.idx.msk $0xffff, v37  }
0x10b: {  	v60 =	vor.u32 $0x7, v36;
	v35 =	vshll.u32 v35, $0x3;
	v37 =	vld [tilespmem:s17+$0x68E0]  }
0x10c: {  	v36 =	vor.u32 v35, v63;
	v35 =	vor.u32 $0x7, v38;
	v34 =	vld [tilespmem:s17+$0x68F0];
	_ =	sdelay $0x1  }
0x10d: {  	s28 =	simm.s32 $0x100  }
0x10e: {  	s26 =	sand.u32 $0x3FFFF000, s28;
	s22 =	sshll.u32 s22, $0x5  }
0x10f: {  	s19 =	simm.s32 $0x2;
	v36 =	vbroadcast v36, $0x0;
	s17 =	sor.u32 s22, s26;
	[tilespmem:v60+s21+$0x0] =	vst.idx.msk $0xffff, v37  }
.LBB2_3:
0x110: {  	p1 =	sne.s32 s19, $0x3F;
	[tilespmem:v35+s21+$0x0] =	vst.idx.msk $0xffff, v34;
	s22 =	smov.u32 s19;
	s19 =	sadd.s32 $0x1, s19  }
0x111: {  	v34 =	vld [tilespmem:s17+$0x6800];
	v35 =	vadd.s32 v27, v36  }
0x112: {  	v36 =	vadd.s32 v33, v36;
	v37 =	vld [tilespmem:s17+$0x6810];
	_ =	sdelay $0x3  }
0x113: {  	[tilespmem:v35+s21+$0x0] =	vst.idx.msk $0xffff, v34  }
0x114: {  	[tilespmem:v36+s21+$0x0] =	vst.idx.msk $0xffff, v37  }
0x115: {  	v37 =	vor.u32 $0x1, v35;
	v34 =	vld [tilespmem:s17+$0x6820]  }
0x116: {  	v39 =	vor.u32 $0x1, v36;
	v38 =	vld [tilespmem:s17+$0x6830];
	_ =	sdelay $0x3  }
0x117: {  	[tilespmem:v37+s21+$0x0] =	vst.idx.msk $0xffff, v34  }
0x118: {  	[tilespmem:v39+s21+$0x0] =	vst.idx.msk $0xffff, v38  }
0x119: {  	v37 =	vor.u32 $0x2, v35;
	v34 =	vld [tilespmem:s17+$0x6840]  }
0x11a: {  	v39 =	vor.u32 $0x2, v36;
	v38 =	vld [tilespmem:s17+$0x6850];
	_ =	sdelay $0x3  }
0x11b: {  	[tilespmem:v37+s21+$0x0] =	vst.idx.msk $0xffff, v34  }
0x11c: {  	[tilespmem:v39+s21+$0x0] =	vst.idx.msk $0xffff, v38  }
0x11d: {  	v37 =	vor.u32 $0x3, v35;
	v34 =	vld [tilespmem:s17+$0x6860]  }
0x11e: {  	v39 =	vor.u32 $0x3, v36;
	v38 =	vld [tilespmem:s17+$0x6870];
	_ =	sdelay $0x3  }
0x11f: {  	[tilespmem:v37+s21+$0x0] =	vst.idx.msk $0xffff, v34  }
0x120: {  	[tilespmem:v39+s21+$0x0] =	vst.idx.msk $0xffff, v38  }
0x121: {  	v37 =	vor.u32 $0x4, v35;
	v34 =	vld [tilespmem:s17+$0x6880]  }
0x122: {  	v39 =	vor.u32 $0x4, v36;
	v38 =	vld [tilespmem:s17+$0x6890];
	_ =	sdelay $0x3  }
0x123: {  	[tilespmem:v37+s21+$0x0] =	vst.idx.msk $0xffff, v34  }
0x124: {  	[tilespmem:v39+s21+$0x0] =	vst.idx.msk $0xffff, v38  }
0x125: {  	v37 =	vor.u32 $0x5, v35;
	v34 =	vld [tilespmem:s17+$0x68A0]  }
0x126: {  	v39 =	vor.u32 $0x5, v36;
	v38 =	vld [tilespmem:s17+$0x68B0];
	_ =	sdelay $0x3  }
0x127: {  	[tilespmem:v37+s21+$0x0] =	vst.idx.msk $0xffff, v34  }
0x128: {  	[tilespmem:v39+s21+$0x0] =	vst.idx.msk $0xffff, v38  }
0x129: {  	v37 =	vor.u32 $0x6, v35;
	v34 =	vld [tilespmem:s17+$0x68C0]  }
0x12a: {  	v39 =	vor.u32 $0x6, v36;
	v38 =	vld [tilespmem:s17+$0x68D0];
	_ =	sdelay $0x3  }
0x12b: {  	[tilespmem:v37+s21+$0x0] =	vst.idx.msk $0xffff, v34  }
0x12c: {  	s18 =	sadd.s32 $0x8, s18;
	[tilespmem:v39+s21+$0x0] =	vst.idx.msk $0xffff, v38  }
0x12d: {  	s26 =	sshrl.u32 s22, $0x4;
	s28 =	sand.u32 $0x78, s18;
	s22 =	sshll.u32 s22, $0x8;
	v38 =	vor.u32 $0x7, v35;
	v37 =	vld [tilespmem:s17+$0x68E0]  }
.Ltmp0:
0x12e: {  	v40 =	vmov s28;
	s22 =	sand.u32 $0x3FFFF000, s22;
	v39 =	vmov s26;
	s26 =	sshll.u32 s28, $0x5;
	v35 =	vor.u32 $0x7, v36;
	v34 =	vld [tilespmem:s17+$0x68F0];
	(pc) =	sbr.rel @p1 .LBB2_3-.Ltmp0, $4  }
0x12f: {  	v36 =	vshrl.u32 v40, $0x3;
	v39 =	vmul.u32 $0x1100, v39;
	s17 =	sor.u32 s26, s22  }
0x130: {  	v36 =	vshll.u32 v36, $0x3  }
0x131: {  	v36 =	vor.u32 v36, v39  }
0x132: {  	v36 =	vbroadcast v36, $0x0;
	[tilespmem:v38+s21+$0x0] =	vst.idx.msk $0xffff, v37  }
0x133: {  	_ =	sdelay $0x3  }
0x134: {  	[tilespmem:v35+s21+$0x0] =	vst.idx.msk $0xffff, v34  }
0x135: {  	v34 =	vld [tilespmem:s17+$0x6800];
	v51 =	vadd.s32 v27, v36  }
0x136: {  	v37 =	vld [tilespmem:s17+$0x6810];
	v52 =	vadd.s32 v33, v36;
	_ =	sdelay $0x3  }
0x137: {  	[tilespmem:v51+s21+$0x0] =	vst.idx.msk $0xffff, v34  }
0x138: {  	[tilespmem:v52+s21+$0x0] =	vst.idx.msk $0xffff, v37  }
0x139: {  	v53 =	vor.u32 $0x1, v51;
	v34 =	vld [tilespmem:s17+$0x6820]  }
0x13a: {  	v39 =	vor.u32 $0x1, v52;
	v38 =	vld [tilespmem:s17+$0x6830];
	_ =	sdelay $0x3  }
0x13b: {  	[tilespmem:v53+s21+$0x0] =	vst.idx.msk $0xffff, v34  }
0x13c: {  	[tilespmem:v39+s21+$0x0] =	vst.idx.msk $0xffff, v38  }
0x13d: {  	v54 =	vor.u32 $0x2, v51;
	v34 =	vld [tilespmem:s17+$0x6840]  }
0x13e: {  	v55 =	vor.u32 $0x2, v52;
	v38 =	vld [tilespmem:s17+$0x6850];
	_ =	sdelay $0x3  }
0x13f: {  	[tilespmem:v54+s21+$0x0] =	vst.idx.msk $0xffff, v34  }
0x140: {  	[tilespmem:v55+s21+$0x0] =	vst.idx.msk $0xffff, v38  }
0x141: {  	v56 =	vor.u32 $0x3, v51;
	v34 =	vld [tilespmem:s17+$0x6860]  }
0x142: {  	v57 =	vor.u32 $0x3, v52;
	v38 =	vld [tilespmem:s17+$0x6870];
	_ =	sdelay $0x3  }
0x143: {  	[tilespmem:v56+s21+$0x0] =	vst.idx.msk $0xffff, v34  }
0x144: {  	[tilespmem:v57+s21+$0x0] =	vst.idx.msk $0xffff, v38  }
0x145: {  	v58 =	vor.u32 $0x4, v51;
	v34 =	vld [tilespmem:s17+$0x6880]  }
0x146: {  	v59 =	vor.u32 $0x4, v52;
	v38 =	vld [tilespmem:s17+$0x6890];
	_ =	sdelay $0x3  }
0x147: {  	[tilespmem:v58+s21+$0x0] =	vst.idx.msk $0xffff, v34  }
0x148: {  	[tilespmem:v59+s21+$0x0] =	vst.idx.msk $0xffff, v38  }
0x149: {  	v60 =	vor.u32 $0x5, v51;
	v34 =	vld [tilespmem:s17+$0x68A0]  }
0x14a: {  	v61 =	vor.u32 $0x5, v52;
	v38 =	vld [tilespmem:s17+$0x68B0];
	_ =	sdelay $0x3  }
0x14b: {  	[tilespmem:v60+s21+$0x0] =	vst.idx.msk $0xffff, v34  }
0x14c: {  	[tilespmem:v61+s21+$0x0] =	vst.idx.msk $0xffff, v38  }
0x14d: {  	v62 =	vor.u32 $0x6, v51;
	v34 =	vld [tilespmem:s17+$0x68C0]  }
0x14e: {  	v63 =	vor.u32 $0x6, v52;
	v38 =	vld [tilespmem:s17+$0x68D0];
	_ =	sdelay $0x3  }
0x14f: {  	[tilespmem:v62+s21+$0x0] =	vst.idx.msk $0xffff, v34  }
0x150: {  	[tilespmem:v63+s21+$0x0] =	vst.idx.msk $0xffff, v38  }
0x151: {  	v35 =	vor.u32 $0x7, v51;
	v34 =	vld [tilespmem:s17+$0x68E0]  }
0x152: {  	v36 =	vor.u32 $0x7, v52;
	v37 =	vld [tilespmem:s17+$0x68F0];
	_ =	sdelay $0x1  }
0x153: {  	s17 =	sshll.u32 s13, $0x14  }
0x154: {  	s18 =	sor.u32 s5, s17  }
0x155: {  	s18 =	sshrl.u32 s18, $0x3;
	[tilespmem:v35+s21+$0x0] =	vst.idx.msk $0xffff, v34  }
0x156: {  	s19 =	sadd.s32 s2, s18;
	[tilespmem:v36+s21+$0x0] =	vst.idx.msk $0xffff, v37  }
0x157: {  	[hbm4b:s19+s3] =	stream.linear.scatter [tilespmem:s21], [sflag:$0x3], $0x80, $0x38;
	[tilespmem:$0x17000] =	vst v63  }
0x158: {  	s26 =	simm.s32 $0xE888;
	s22 =	sadd.s32 $0x10, s19  }
0x159: {  	[hbm4b:s22+s3] =	stream.linear.scatter [tilespmem:s26], [sflag:$0x3], $0x80, $0x38;
	[tilespmem:$0x17000] =	vst v63  }
0x15a: {  	s28 =	simm.s32 $0xE910;
	s26 =	sadd.s32 $0x20, s19  }
0x15b: {  	[hbm4b:s26+s3] =	stream.linear.scatter [tilespmem:s28], [sflag:$0x3], $0x80, $0x38;
	[tilespmem:$0x17000] =	vst v63  }
0x15c: {  	s26 =	sadd.s32 $0x30, s19;
	s28 =	simm.s32 $0xE998  }
0x15d: {  	[hbm4b:s26+s3] =	stream.linear.scatter [tilespmem:s28], [sflag:$0x3], $0x80, $0x38;
	[tilespmem:$0x17000] =	vst v63  }
0x15e: {  	s26 =	sadd.s32 $0x40, s19;
	s28 =	simm.s32 $0xEA20  }
0x15f: {  	[hbm4b:s26+s3] =	stream.linear.scatter [tilespmem:s28], [sflag:$0x3], $0x80, $0x38;
	[tilespmem:$0x17000] =	vst v63  }
0x160: {  	s26 =	sadd.s32 $0x50, s19;
	s28 =	simm.s32 $0xEAA8  }
0x161: {  	[hbm4b:s26+s3] =	stream.linear.scatter [tilespmem:s28], [sflag:$0x3], $0x80, $0x38;
	[tilespmem:$0x17000] =	vst v63  }
0x162: {  	s26 =	sadd.s32 $0x60, s19;
	s28 =	simm.s32 $0xEB30  }
0x163: {  	[hbm4b:s26+s3] =	stream.linear.scatter [tilespmem:s28], [sflag:$0x3], $0x80, $0x38;
	[tilespmem:$0x17000] =	vst v63  }
0x164: {  	s19 =	sadd.s32 $0x70, s19;
	s26 =	simm.s32 $0xEBB8  }
0x165: {  	[hbm4b:s19+s3] =	stream.linear.scatter [tilespmem:s26], [sflag:$0x3], $0x80, $0x38;
	[tilespmem:$0x17000] =	vst v63  }
0x166: {  	s28 =	simm.s32 $0xEC40;
	s19 =	sadd.s32 s18, s7  }
0x167: {  	[hbm4b:s19+s3] =	stream.linear.scatter [tilespmem:s28], [sflag:$0x3], $0x80, $0x38;
	[tilespmem:$0x17000] =	vst v63  }
0x168: {  	s26 =	sadd.s32 $0x10, s19;
	s28 =	simm.s32 $0xECC8  }
0x169: {  	[hbm4b:s26+s3] =	stream.linear.scatter [tilespmem:s28], [sflag:$0x3], $0x80, $0x38;
	[tilespmem:$0x17000] =	vst v63  }
0x16a: {  	s26 =	sadd.s32 $0x20, s19;
	s28 =	simm.s32 $0xED50  }
0x16b: {  	[hbm4b:s26+s3] =	stream.linear.scatter [tilespmem:s28], [sflag:$0x3], $0x80, $0x38;
	[tilespmem:$0x17000] =	vst v63  }
0x16c: {  	s26 =	sadd.s32 $0x30, s19;
	s28 =	simm.s32 $0xEDD8  }
0x16d: {  	[hbm4b:s26+s3] =	stream.linear.scatter [tilespmem:s28], [sflag:$0x3], $0x80, $0x38;
	[tilespmem:$0x17000] =	vst v63  }
0x16e: {  	s26 =	sadd.s32 $0x40, s19;
	s28 =	simm.s32 $0xEE60  }
0x16f: {  	[hbm4b:s26+s3] =	stream.linear.scatter [tilespmem:s28], [sflag:$0x3], $0x80, $0x38;
	[tilespmem:$0x17000] =	vst v63  }
0x170: {  	s26 =	sadd.s32 $0x50, s19;
	s28 =	simm.s32 $0xEEE8  }
0x171: {  	[hbm4b:s26+s3] =	stream.linear.scatter [tilespmem:s28], [sflag:$0x3], $0x80, $0x38;
	[tilespmem:$0x17000] =	vst v63  }
0x172: {  	s26 =	sadd.s32 $0x60, s19;
	s28 =	simm.s32 $0xEF70  }
0x173: {  	[hbm4b:s26+s3] =	stream.linear.scatter [tilespmem:s28], [sflag:$0x3], $0x80, $0x38;
	[tilespmem:$0x17000] =	vst v63  }
0x174: {  	s19 =	sadd.s32 $0x70, s19;
	s26 =	simm.s32 $0xEFF8  }
0x175: {  	[hbm4b:s19+s3] =	stream.linear.scatter [tilespmem:s26], [sflag:$0x3], $0x80, $0x38;
	[tilespmem:$0x17000] =	vst v63  }
0x176: {  	s28 =	simm.s32 $0xF080;
	s19 =	sadd.s32 s18, s8  }
0x177: {  	[hbm4b:s19+s3] =	stream.linear.scatter [tilespmem:s28], [sflag:$0x3], $0x80, $0x38;
	[tilespmem:$0x17000] =	vst v63  }
0x178: {  	s26 =	sadd.s32 $0x10, s19;
	s28 =	simm.s32 $0xF108  }
0x179: {  	[hbm4b:s26+s3] =	stream.linear.scatter [tilespmem:s28], [sflag:$0x3], $0x80, $0x38;
	[tilespmem:$0x17000] =	vst v63  }
0x17a: {  	s26 =	sadd.s32 $0x20, s19;
	s28 =	simm.s32 $0xF190  }
0x17b: {  	[hbm4b:s26+s3] =	stream.linear.scatter [tilespmem:s28], [sflag:$0x3], $0x80, $0x38;
	[tilespmem:$0x17000] =	vst v63  }
0x17c: {  	s26 =	sadd.s32 $0x30, s19;
	s28 =	simm.s32 $0xF218  }
0x17d: {  	[hbm4b:s26+s3] =	stream.linear.scatter [tilespmem:s28], [sflag:$0x3], $0x80, $0x38;
	[tilespmem:$0x17000] =	vst v63  }
0x17e: {  	s26 =	sadd.s32 $0x40, s19;
	s28 =	simm.s32 $0xF2A0  }
0x17f: {  	[hbm4b:s26+s3] =	stream.linear.scatter [tilespmem:s28], [sflag:$0x3], $0x80, $0x38;
	[tilespmem:$0x17000] =	vst v63  }
0x180: {  	s26 =	sadd.s32 $0x50, s19;
	s28 =	simm.s32 $0xF328  }
0x181: {  	[hbm4b:s26+s3] =	stream.linear.scatter [tilespmem:s28], [sflag:$0x3], $0x80, $0x38;
	[tilespmem:$0x17000] =	vst v63  }
0x182: {  	s26 =	sadd.s32 $0x60, s19;
	s28 =	simm.s32 $0xF3B0  }
0x183: {  	[hbm4b:s26+s3] =	stream.linear.scatter [tilespmem:s28], [sflag:$0x3], $0x80, $0x38;
	[tilespmem:$0x17000] =	vst v63  }
0x184: {  	s19 =	sadd.s32 $0x70, s19;
	s28 =	simm.s32 $0xF438  }
0x185: {  	[hbm4b:s19+s3] =	stream.linear.scatter [tilespmem:s28], [sflag:$0x3], $0x80, $0x38;
	[tilespmem:$0x17000] =	vst v63  }
0x186: {  	s22 =	simm.s32 $0xF4C0;
	s18 =	sadd.s32 s18, s9  }
0x187: {  	[hbm4b:s18+s3] =	stream.linear.scatter [tilespmem:s22], [sflag:$0x3], $0x80, $0x38;
	[tilespmem:$0x17000] =	vst v63  }
0x188: {  	s26 =	sadd.s32 $0x10, s18;
	s28 =	simm.s32 $0xF548  }
0x189: {  	[hbm4b:s26+s3] =	stream.linear.scatter [tilespmem:s28], [sflag:$0x3], $0x80, $0x38;
	[tilespmem:$0x17000] =	vst v63  }
0x18a: {  	s26 =	sadd.s32 $0x20, s18;
	s28 =	simm.s32 $0xF5D0  }
0x18b: {  	[hbm4b:s26+s3] =	stream.linear.scatter [tilespmem:s28], [sflag:$0x3], $0x80, $0x38;
	[tilespmem:$0x17000] =	vst v63  }
0x18c: {  	s26 =	sadd.s32 $0x30, s18;
	s28 =	simm.s32 $0xF658  }
0x18d: {  	[hbm4b:s26+s3] =	stream.linear.scatter [tilespmem:s28], [sflag:$0x3], $0x80, $0x38;
	[tilespmem:$0x17000] =	vst v63  }
0x18e: {  	s26 =	sadd.s32 $0x40, s18;
	s28 =	simm.s32 $0xF6E0  }
0x18f: {  	[hbm4b:s26+s3] =	stream.linear.scatter [tilespmem:s28], [sflag:$0x3], $0x80, $0x38;
	[tilespmem:$0x17000] =	vst v63  }
0x190: {  	s26 =	sadd.s32 $0x50, s18;
	s28 =	simm.s32 $0xF768  }
0x191: {  	[hbm4b:s26+s3] =	stream.linear.scatter [tilespmem:s28], [sflag:$0x3], $0x80, $0x38;
	[tilespmem:$0x17000] =	vst v63  }
0x192: {  	s22 =	sadd.s32 $0x60, s18;
	s26 =	simm.s32 $0xF7F0  }
0x193: {  	[hbm4b:s22+s3] =	stream.linear.scatter [tilespmem:s26], [sflag:$0x3], $0x80, $0x38;
	[tilespmem:$0x17000] =	vst v63  }
0x194: {  	s19 =	sor.u32 s10, s17;
	s18 =	sadd.s32 $0x70, s18;
	s28 =	simm.s32 $0xF878  }
0x195: {  	[hbm4b:s18+s3] =	stream.linear.scatter [tilespmem:s28], [sflag:$0x3], $0x80, $0x38;
	[tilespmem:$0x17000] =	vst v63  }
0x196: {  	s18 =	sshrl.u32 s19, $0x3  }
0x197: {  	s22 =	simm.s32 $0xF900;
	s18 =	sadd.s32 s2, s18  }
0x198: {  	[hbm4b:s18+s3] =	stream.linear.scatter [tilespmem:s22], [sflag:$0x3], $0x80, $0x38;
	[tilespmem:$0x17000] =	vst v63  }
0x199: {  	s28 =	simm.s32 $0xF988;
	s26 =	sadd.s32 $0x10, s18  }
0x19a: {  	[hbm4b:s26+s3] =	stream.linear.scatter [tilespmem:s28], [sflag:$0x3], $0x80, $0x38;
	[tilespmem:$0x17000] =	vst v63  }
0x19b: {  	s26 =	sadd.s32 $0x20, s18;
	s28 =	simm.s32 $0xFA10  }
0x19c: {  	[hbm4b:s26+s3] =	stream.linear.scatter [tilespmem:s28], [sflag:$0x3], $0x80, $0x38;
	[tilespmem:$0x17000] =	vst v63  }
0x19d: {  	s26 =	sadd.s32 $0x30, s18;
	s28 =	simm.s32 $0xFA98  }
0x19e: {  	[hbm4b:s26+s3] =	stream.linear.scatter [tilespmem:s28], [sflag:$0x3], $0x80, $0x38;
	[tilespmem:$0x17000] =	vst v63  }
0x19f: {  	s26 =	sadd.s32 $0x40, s18;
	s28 =	simm.s32 $0xFB20  }
0x1a0: {  	[hbm4b:s26+s3] =	stream.linear.scatter [tilespmem:s28], [sflag:$0x3], $0x80, $0x38;
	[tilespmem:$0x17000] =	vst v63  }
0x1a1: {  	s26 =	sadd.s32 $0x50, s18;
	s28 =	simm.s32 $0xFBA8  }
0x1a2: {  	[hbm4b:s26+s3] =	stream.linear.scatter [tilespmem:s28], [sflag:$0x3], $0x80, $0x38;
	[tilespmem:$0x17000] =	vst v63  }
0x1a3: {  	s26 =	sadd.s32 $0x60, s18;
	s28 =	simm.s32 $0xFC30  }
0x1a4: {  	[hbm4b:s26+s3] =	stream.linear.scatter [tilespmem:s28], [sflag:$0x3], $0x80, $0x38;
	[tilespmem:$0x17000] =	vst v63  }
0x1a5: {  	s26 =	sadd.s32 $0x70, s18;
	s28 =	simm.s32 $0xFCB8  }
0x1a6: {  	[hbm4b:s26+s3] =	stream.linear.scatter [tilespmem:s28], [sflag:$0x3], $0x80, $0x38;
	[tilespmem:$0x17000] =	vst v63  }
0x1a7: {  	s26 =	sadd.s32 $0x4000, s18;
	s28 =	simm.s32 $0xFD40  }
0x1a8: {  	[hbm4b:s26+s3] =	stream.linear.scatter [tilespmem:s28], [sflag:$0x3], $0x80, $0x38;
	[tilespmem:$0x17000] =	vst v63  }
0x1a9: {  	s26 =	sadd.s32 $0x4010, s18;
	s28 =	simm.s32 $0xFDC8  }
0x1aa: {  	[hbm4b:s26+s3] =	stream.linear.scatter [tilespmem:s28], [sflag:$0x3], $0x80, $0x38;
	[tilespmem:$0x17000] =	vst v63  }
0x1ab: {  	s26 =	sadd.s32 $0x4020, s18;
	s28 =	simm.s32 $0xFE50  }
0x1ac: {  	[hbm4b:s26+s3] =	stream.linear.scatter [tilespmem:s28], [sflag:$0x3], $0x80, $0x38;
	[tilespmem:$0x17000] =	vst v63  }
0x1ad: {  	s26 =	sadd.s32 $0x4030, s18;
	s28 =	simm.s32 $0xFED8  }
0x1ae: {  	[hbm4b:s26+s3] =	stream.linear.scatter [tilespmem:s28], [sflag:$0x3], $0x80, $0x38;
	[tilespmem:$0x17000] =	vst v63  }
0x1af: {  	s26 =	sadd.s32 $0x4040, s18;
	s28 =	simm.s32 $0xFF60  }
0x1b0: {  	[hbm4b:s26+s3] =	stream.linear.scatter [tilespmem:s28], [sflag:$0x3], $0x80, $0x38;
	[tilespmem:$0x17000] =	vst v63  }
0x1b1: {  	s26 =	sadd.s32 $0x4050, s18;
	s28 =	simm.s32 $0xFFE8  }
0x1b2: {  	[hbm4b:s26+s3] =	stream.linear.scatter [tilespmem:s28], [sflag:$0x3], $0x80, $0x38;
	[tilespmem:$0x17000] =	vst v63  }
0x1b3: {  	s26 =	sadd.s32 $0x4060, s18;
	s28 =	simm.s32 $0x10070  }
0x1b4: {  	[hbm4b:s26+s3] =	stream.linear.scatter [tilespmem:s28], [sflag:$0x3], $0x80, $0x38;
	[tilespmem:$0x17000] =	vst v63  }
0x1b5: {  	s26 =	sadd.s32 $0x4070, s18;
	s28 =	simm.s32 $0x100F8  }
0x1b6: {  	[hbm4b:s26+s3] =	stream.linear.scatter [tilespmem:s28], [sflag:$0x3], $0x80, $0x38;
	[tilespmem:$0x17000] =	vst v63  }
0x1b7: {  	s26 =	sadd.s32 $0x8000, s18;
	s28 =	simm.s32 $0x10180  }
0x1b8: {  	[hbm4b:s26+s3] =	stream.linear.scatter [tilespmem:s28], [sflag:$0x3], $0x80, $0x38;
	[tilespmem:$0x17000] =	vst v63  }
0x1b9: {  	s26 =	sadd.s32 $0x8010, s18;
	s28 =	simm.s32 $0x10208  }
0x1ba: {  	[hbm4b:s26+s3] =	stream.linear.scatter [tilespmem:s28], [sflag:$0x3], $0x80, $0x38;
	[tilespmem:$0x17000] =	vst v63  }
0x1bb: {  	s26 =	sadd.s32 $0x8020, s18;
	s28 =	simm.s32 $0x10290  }
0x1bc: {  	[hbm4b:s26+s3] =	stream.linear.scatter [tilespmem:s28], [sflag:$0x3], $0x80, $0x38;
	[tilespmem:$0x17000] =	vst v63  }
0x1bd: {  	s26 =	sadd.s32 $0x8030, s18;
	s28 =	simm.s32 $0x10318  }
0x1be: {  	[hbm4b:s26+s3] =	stream.linear.scatter [tilespmem:s28], [sflag:$0x3], $0x80, $0x38;
	[tilespmem:$0x17000] =	vst v63  }
0x1bf: {  	s26 =	sadd.s32 $0x8040, s18;
	s28 =	simm.s32 $0x103A0  }
0x1c0: {  	[hbm4b:s26+s3] =	stream.linear.scatter [tilespmem:s28], [sflag:$0x3], $0x80, $0x38;
	[tilespmem:$0x17000] =	vst v63  }
0x1c1: {  	s26 =	sadd.s32 $0x8050, s18;
	s28 =	simm.s32 $0x10428  }
0x1c2: {  	[hbm4b:s26+s3] =	stream.linear.scatter [tilespmem:s28], [sflag:$0x3], $0x80, $0x38;
	[tilespmem:$0x17000] =	vst v63  }
0x1c3: {  	s26 =	sadd.s32 $0x8060, s18;
	s28 =	simm.s32 $0x104B0  }
0x1c4: {  	[hbm4b:s26+s3] =	stream.linear.scatter [tilespmem:s28], [sflag:$0x3], $0x80, $0x38;
	[tilespmem:$0x17000] =	vst v63  }
0x1c5: {  	s26 =	sadd.s32 $0x8070, s18;
	s28 =	simm.s32 $0x10538  }
0x1c6: {  	[hbm4b:s26+s3] =	stream.linear.scatter [tilespmem:s28], [sflag:$0x3], $0x80, $0x38;
	[tilespmem:$0x17000] =	vst v63  }
0x1c7: {  	s26 =	sadd.s32 $0xC000, s18;
	s28 =	simm.s32 $0x105C0  }
0x1c8: {  	[hbm4b:s26+s3] =	stream.linear.scatter [tilespmem:s28], [sflag:$0x3], $0x80, $0x38;
	[tilespmem:$0x17000] =	vst v63  }
0x1c9: {  	s26 =	sadd.s32 $0xC010, s18;
	s28 =	simm.s32 $0x10648  }
0x1ca: {  	[hbm4b:s26+s3] =	stream.linear.scatter [tilespmem:s28], [sflag:$0x3], $0x80, $0x38;
	[tilespmem:$0x17000] =	vst v63  }
0x1cb: {  	s26 =	sadd.s32 $0xC020, s18;
	s28 =	simm.s32 $0x106D0  }
0x1cc: {  	[hbm4b:s26+s3] =	stream.linear.scatter [tilespmem:s28], [sflag:$0x3], $0x80, $0x38;
	[tilespmem:$0x17000] =	vst v63  }
0x1cd: {  	s26 =	sadd.s32 $0xC030, s18;
	s28 =	simm.s32 $0x10758  }
0x1ce: {  	[hbm4b:s26+s3] =	stream.linear.scatter [tilespmem:s28], [sflag:$0x3], $0x80, $0x38;
	[tilespmem:$0x17000] =	vst v63  }
0x1cf: {  	s26 =	sadd.s32 $0xC040, s18;
	s28 =	simm.s32 $0x107E0  }
0x1d0: {  	[hbm4b:s26+s3] =	stream.linear.scatter [tilespmem:s28], [sflag:$0x3], $0x80, $0x38;
	[tilespmem:$0x17000] =	vst v63  }
0x1d1: {  	s26 =	sadd.s32 $0xC050, s18;
	s28 =	simm.s32 $0x10868  }
0x1d2: {  	[hbm4b:s26+s3] =	stream.linear.scatter [tilespmem:s28], [sflag:$0x3], $0x80, $0x38;
	[tilespmem:$0x17000] =	vst v63  }
0x1d3: {  	s22 =	sadd.s32 $0xC060, s18;
	s26 =	simm.s32 $0x108F0  }
0x1d4: {  	[hbm4b:s22+s3] =	stream.linear.scatter [tilespmem:s26], [sflag:$0x3], $0x80, $0x38;
	[tilespmem:$0x17000] =	vst v63  }
0x1d5: {  	s19 =	sor.u32 s11, s17;
	s18 =	sadd.s32 $0xC070, s18;
	s28 =	simm.s32 $0x10978  }
0x1d6: {  	[hbm4b:s18+s3] =	stream.linear.scatter [tilespmem:s28], [sflag:$0x3], $0x80, $0x38;
	[tilespmem:$0x17000] =	vst v63  }
0x1d7: {  	s18 =	sshrl.u32 s19, $0x3  }
0x1d8: {  	s22 =	simm.s32 $0x10A00;
	s18 =	sadd.s32 s2, s18  }
0x1d9: {  	[hbm4b:s18+s3] =	stream.linear.scatter [tilespmem:s22], [sflag:$0x3], $0x80, $0x38;
	[tilespmem:$0x17000] =	vst v63  }
0x1da: {  	s28 =	simm.s32 $0x10A88;
	s26 =	sadd.s32 $0x10, s18  }
0x1db: {  	[hbm4b:s26+s3] =	stream.linear.scatter [tilespmem:s28], [sflag:$0x3], $0x80, $0x38;
	[tilespmem:$0x17000] =	vst v63  }
0x1dc: {  	s26 =	sadd.s32 $0x20, s18;
	s28 =	simm.s32 $0x10B10  }
0x1dd: {  	[hbm4b:s26+s3] =	stream.linear.scatter [tilespmem:s28], [sflag:$0x3], $0x80, $0x38;
	[tilespmem:$0x17000] =	vst v63  }
0x1de: {  	s26 =	sadd.s32 $0x30, s18;
	s28 =	simm.s32 $0x10B98  }
0x1df: {  	[hbm4b:s26+s3] =	stream.linear.scatter [tilespmem:s28], [sflag:$0x3], $0x80, $0x38;
	[tilespmem:$0x17000] =	vst v63  }
0x1e0: {  	s26 =	sadd.s32 $0x40, s18;
	s28 =	simm.s32 $0x10C20  }
0x1e1: {  	[hbm4b:s26+s3] =	stream.linear.scatter [tilespmem:s28], [sflag:$0x3], $0x80, $0x38;
	[tilespmem:$0x17000] =	vst v63  }
0x1e2: {  	s26 =	sadd.s32 $0x50, s18;
	s28 =	simm.s32 $0x10CA8  }
0x1e3: {  	[hbm4b:s26+s3] =	stream.linear.scatter [tilespmem:s28], [sflag:$0x3], $0x80, $0x38;
	[tilespmem:$0x17000] =	vst v63  }
0x1e4: {  	s26 =	sadd.s32 $0x60, s18;
	s28 =	simm.s32 $0x10D30  }
0x1e5: {  	[hbm4b:s26+s3] =	stream.linear.scatter [tilespmem:s28], [sflag:$0x3], $0x80, $0x38;
	[tilespmem:$0x17000] =	vst v63  }
0x1e6: {  	s26 =	sadd.s32 $0x70, s18;
	s28 =	simm.s32 $0x10DB8  }
0x1e7: {  	[hbm4b:s26+s3] =	stream.linear.scatter [tilespmem:s28], [sflag:$0x3], $0x80, $0x38;
	[tilespmem:$0x17000] =	vst v63  }
0x1e8: {  	s26 =	sadd.s32 $0x4000, s18;
	s28 =	simm.s32 $0x10E40  }
0x1e9: {  	[hbm4b:s26+s3] =	stream.linear.scatter [tilespmem:s28], [sflag:$0x3], $0x80, $0x38;
	[tilespmem:$0x17000] =	vst v63  }
0x1ea: {  	s26 =	sadd.s32 $0x4010, s18;
	s28 =	simm.s32 $0x10EC8  }
0x1eb: {  	[hbm4b:s26+s3] =	stream.linear.scatter [tilespmem:s28], [sflag:$0x3], $0x80, $0x38;
	[tilespmem:$0x17000] =	vst v63  }
0x1ec: {  	s26 =	sadd.s32 $0x4020, s18;
	s28 =	simm.s32 $0x10F50  }
0x1ed: {  	[hbm4b:s26+s3] =	stream.linear.scatter [tilespmem:s28], [sflag:$0x3], $0x80, $0x38;
	[tilespmem:$0x17000] =	vst v63  }
0x1ee: {  	s26 =	sadd.s32 $0x4030, s18;
	s28 =	simm.s32 $0x10FD8  }
0x1ef: {  	[hbm4b:s26+s3] =	stream.linear.scatter [tilespmem:s28], [sflag:$0x3], $0x80, $0x38;
	[tilespmem:$0x17000] =	vst v63  }
0x1f0: {  	s26 =	sadd.s32 $0x4040, s18;
	s28 =	simm.s32 $0x11060  }
0x1f1: {  	[hbm4b:s26+s3] =	stream.linear.scatter [tilespmem:s28], [sflag:$0x3], $0x80, $0x38;
	[tilespmem:$0x17000] =	vst v63  }
0x1f2: {  	s26 =	sadd.s32 $0x4050, s18;
	s28 =	simm.s32 $0x110E8  }
0x1f3: {  	[hbm4b:s26+s3] =	stream.linear.scatter [tilespmem:s28], [sflag:$0x3], $0x80, $0x38;
	[tilespmem:$0x17000] =	vst v63  }
0x1f4: {  	s26 =	sadd.s32 $0x4060, s18;
	s28 =	simm.s32 $0x11170  }
0x1f5: {  	[hbm4b:s26+s3] =	stream.linear.scatter [tilespmem:s28], [sflag:$0x3], $0x80, $0x38;
	[tilespmem:$0x17000] =	vst v63  }
0x1f6: {  	s26 =	sadd.s32 $0x4070, s18;
	s28 =	simm.s32 $0x111F8  }
0x1f7: {  	[hbm4b:s26+s3] =	stream.linear.scatter [tilespmem:s28], [sflag:$0x3], $0x80, $0x38;
	[tilespmem:$0x17000] =	vst v63  }
0x1f8: {  	s26 =	sadd.s32 $0x8000, s18;
	s28 =	simm.s32 $0x11280  }
0x1f9: {  	[hbm4b:s26+s3] =	stream.linear.scatter [tilespmem:s28], [sflag:$0x3], $0x80, $0x38;
	[tilespmem:$0x17000] =	vst v63  }
0x1fa: {  	s26 =	sadd.s32 $0x8010, s18;
	s28 =	simm.s32 $0x11308  }
0x1fb: {  	[hbm4b:s26+s3] =	stream.linear.scatter [tilespmem:s28], [sflag:$0x3], $0x80, $0x38;
	[tilespmem:$0x17000] =	vst v63  }
0x1fc: {  	s26 =	sadd.s32 $0x8020, s18;
	s28 =	simm.s32 $0x11390  }
0x1fd: {  	[hbm4b:s26+s3] =	stream.linear.scatter [tilespmem:s28], [sflag:$0x3], $0x80, $0x38;
	[tilespmem:$0x17000] =	vst v63  }
0x1fe: {  	s26 =	sadd.s32 $0x8030, s18;
	s28 =	simm.s32 $0x11418  }
0x1ff: {  	[hbm4b:s26+s3] =	stream.linear.scatter [tilespmem:s28], [sflag:$0x3], $0x80, $0x38;
	[tilespmem:$0x17000] =	vst v63  }
0x200: {  	s26 =	sadd.s32 $0x8040, s18;
	s28 =	simm.s32 $0x114A0  }
0x201: {  	[hbm4b:s26+s3] =	stream.linear.scatter [tilespmem:s28], [sflag:$0x3], $0x80, $0x38;
	[tilespmem:$0x17000] =	vst v63  }
0x202: {  	s26 =	sadd.s32 $0x8050, s18;
	s28 =	simm.s32 $0x11528  }
0x203: {  	[hbm4b:s26+s3] =	stream.linear.scatter [tilespmem:s28], [sflag:$0x3], $0x80, $0x38;
	[tilespmem:$0x17000] =	vst v63  }
0x204: {  	s26 =	sadd.s32 $0x8060, s18;
	s28 =	simm.s32 $0x115B0  }
0x205: {  	[hbm4b:s26+s3] =	stream.linear.scatter [tilespmem:s28], [sflag:$0x3], $0x80, $0x38;
	[tilespmem:$0x17000] =	vst v63  }
0x206: {  	s26 =	sadd.s32 $0x8070, s18;
	s28 =	simm.s32 $0x11638  }
0x207: {  	[hbm4b:s26+s3] =	stream.linear.scatter [tilespmem:s28], [sflag:$0x3], $0x80, $0x38;
	[tilespmem:$0x17000] =	vst v63  }
0x208: {  	s26 =	sadd.s32 $0xC000, s18;
	s28 =	simm.s32 $0x116C0  }
0x209: {  	[hbm4b:s26+s3] =	stream.linear.scatter [tilespmem:s28], [sflag:$0x3], $0x80, $0x38;
	[tilespmem:$0x17000] =	vst v63  }
0x20a: {  	s26 =	sadd.s32 $0xC010, s18;
	s28 =	simm.s32 $0x11748  }
0x20b: {  	[hbm4b:s26+s3] =	stream.linear.scatter [tilespmem:s28], [sflag:$0x3], $0x80, $0x38;
	[tilespmem:$0x17000] =	vst v63  }
0x20c: {  	s26 =	sadd.s32 $0xC020, s18;
	s28 =	simm.s32 $0x117D0  }
0x20d: {  	[hbm4b:s26+s3] =	stream.linear.scatter [tilespmem:s28], [sflag:$0x3], $0x80, $0x38;
	[tilespmem:$0x17000] =	vst v63  }
0x20e: {  	s26 =	sadd.s32 $0xC030, s18;
	s28 =	simm.s32 $0x11858  }
0x20f: {  	[hbm4b:s26+s3] =	stream.linear.scatter [tilespmem:s28], [sflag:$0x3], $0x80, $0x38;
	[tilespmem:$0x17000] =	vst v63  }
0x210: {  	s26 =	sadd.s32 $0xC040, s18;
	s28 =	simm.s32 $0x118E0  }
0x211: {  	[hbm4b:s26+s3] =	stream.linear.scatter [tilespmem:s28], [sflag:$0x3], $0x80, $0x38;
	[tilespmem:$0x17000] =	vst v63  }
0x212: {  	s26 =	sadd.s32 $0xC050, s18;
	s28 =	simm.s32 $0x11968  }
0x213: {  	[hbm4b:s26+s3] =	stream.linear.scatter [tilespmem:s28], [sflag:$0x3], $0x80, $0x38;
	[tilespmem:$0x17000] =	vst v63  }
0x214: {  	s17 =	sor.u32 s12, s17;
	s22 =	sadd.s32 $0xC060, s18;
	s26 =	simm.s32 $0x119F0  }
0x215: {  	[hbm4b:s22+s3] =	stream.linear.scatter [tilespmem:s26], [sflag:$0x3], $0x80, $0x38;
	[tilespmem:$0x17000] =	vst v63  }
0x216: {  	s17 =	sshrl.u32 s17, $0x3;
	s18 =	sadd.s32 $0xC070, s18;
	s28 =	simm.s32 $0x11A78  }
0x217: {  	[hbm4b:s18+s3] =	stream.linear.scatter [tilespmem:s28], [sflag:$0x3], $0x80, $0x38;
	[tilespmem:$0x17000] =	vst v63  }
0x218: {  	s17 =	sadd.s32 s2, s17;
	s22 =	simm.s32 $0x11B00  }
0x219: {  	[hbm4b:s17+s3] =	stream.linear.scatter [tilespmem:s22], [sflag:$0x3], $0x80, $0x38;
	[tilespmem:$0x17000] =	vst v63  }
0x21a: {  	s26 =	sadd.s32 $0x10, s17;
	s28 =	simm.s32 $0x11B88  }
0x21b: {  	[hbm4b:s26+s3] =	stream.linear.scatter [tilespmem:s28], [sflag:$0x3], $0x80, $0x38;
	[tilespmem:$0x17000] =	vst v63  }
0x21c: {  	s19 =	sadd.s32 $0x20, s17;
	s22 =	simm.s32 $0x11C10  }
0x21d: {  	[hbm4b:s19+s3] =	stream.linear.scatter [tilespmem:s22], [sflag:$0x3], $0x80, $0x38;
	[tilespmem:$0x17000] =	vst v63  }
0x21e: {  	s26 =	sadd.s32 $0x30, s17;
	s28 =	simm.s32 $0x11C98  }
0x21f: {  	[hbm4b:s26+s3] =	stream.linear.scatter [tilespmem:s28], [sflag:$0x3], $0x80, $0x38;
	[tilespmem:$0x17000] =	vst v63  }
0x220: {  	s19 =	sadd.s32 $0x40, s17;
	s22 =	simm.s32 $0x11D20  }
0x221: {  	[hbm4b:s19+s3] =	stream.linear.scatter [tilespmem:s22], [sflag:$0x3], $0x80, $0x38;
	[tilespmem:$0x17000] =	vst v63  }
0x222: {  	s26 =	sadd.s32 $0x50, s17;
	s28 =	simm.s32 $0x11DA8  }
0x223: {  	[hbm4b:s26+s3] =	stream.linear.scatter [tilespmem:s28], [sflag:$0x3], $0x80, $0x38;
	[tilespmem:$0x17000] =	vst v63  }
0x224: {  	s19 =	sadd.s32 $0x60, s17;
	s22 =	simm.s32 $0x11E30  }
0x225: {  	[hbm4b:s19+s3] =	stream.linear.scatter [tilespmem:s22], [sflag:$0x3], $0x80, $0x38;
	[tilespmem:$0x17000] =	vst v63  }
0x226: {  	s26 =	sadd.s32 $0x70, s17;
	s28 =	simm.s32 $0x11EB8  }
0x227: {  	[hbm4b:s26+s3] =	stream.linear.scatter [tilespmem:s28], [sflag:$0x3], $0x80, $0x38;
	[tilespmem:$0x17000] =	vst v63  }
0x228: {  	s19 =	sadd.s32 $0x4000, s17;
	s22 =	simm.s32 $0x11F40  }
0x229: {  	[hbm4b:s19+s3] =	stream.linear.scatter [tilespmem:s22], [sflag:$0x3], $0x80, $0x38;
	[tilespmem:$0x17000] =	vst v63  }
0x22a: {  	s26 =	sadd.s32 $0x4010, s17;
	s28 =	simm.s32 $0x11FC8  }
0x22b: {  	[hbm4b:s26+s3] =	stream.linear.scatter [tilespmem:s28], [sflag:$0x3], $0x80, $0x38;
	[tilespmem:$0x17000] =	vst v63  }
0x22c: {  	s19 =	sadd.s32 $0x4020, s17;
	s22 =	simm.s32 $0x12050  }
0x22d: {  	[hbm4b:s19+s3] =	stream.linear.scatter [tilespmem:s22], [sflag:$0x3], $0x80, $0x38;
	[tilespmem:$0x17000] =	vst v63  }
0x22e: {  	s26 =	sadd.s32 $0x4030, s17;
	s28 =	simm.s32 $0x120D8  }
0x22f: {  	[hbm4b:s26+s3] =	stream.linear.scatter [tilespmem:s28], [sflag:$0x3], $0x80, $0x38;
	[tilespmem:$0x17000] =	vst v63  }
0x230: {  	s19 =	sadd.s32 $0x4040, s17;
	s22 =	simm.s32 $0x12160  }
0x231: {  	[hbm4b:s19+s3] =	stream.linear.scatter [tilespmem:s22], [sflag:$0x3], $0x80, $0x38;
	[tilespmem:$0x17000] =	vst v63  }
0x232: {  	s26 =	sadd.s32 $0x4050, s17;
	s28 =	simm.s32 $0x121E8  }
0x233: {  	[hbm4b:s26+s3] =	stream.linear.scatter [tilespmem:s28], [sflag:$0x3], $0x80, $0x38;
	[tilespmem:$0x17000] =	vst v63  }
0x234: {  	s19 =	sadd.s32 $0x4060, s17;
	s22 =	simm.s32 $0x12270  }
0x235: {  	[hbm4b:s19+s3] =	stream.linear.scatter [tilespmem:s22], [sflag:$0x3], $0x80, $0x38;
	[tilespmem:$0x17000] =	vst v63  }
0x236: {  	s26 =	sadd.s32 $0x4070, s17;
	s28 =	simm.s32 $0x122F8  }
0x237: {  	[hbm4b:s26+s3] =	stream.linear.scatter [tilespmem:s28], [sflag:$0x3], $0x80, $0x38;
	[tilespmem:$0x17000] =	vst v63  }
0x238: {  	s19 =	sadd.s32 $0x8000, s17;
	s22 =	simm.s32 $0x12380  }
0x239: {  	[hbm4b:s19+s3] =	stream.linear.scatter [tilespmem:s22], [sflag:$0x3], $0x80, $0x38;
	[tilespmem:$0x17000] =	vst v63  }
0x23a: {  	s26 =	sadd.s32 $0x8010, s17;
	s28 =	simm.s32 $0x12408  }
0x23b: {  	[hbm4b:s26+s3] =	stream.linear.scatter [tilespmem:s28], [sflag:$0x3], $0x80, $0x38;
	[tilespmem:$0x17000] =	vst v63  }
0x23c: {  	s19 =	sadd.s32 $0x8020, s17;
	s22 =	simm.s32 $0x12490  }
0x23d: {  	[hbm4b:s19+s3] =	stream.linear.scatter [tilespmem:s22], [sflag:$0x3], $0x80, $0x38;
	[tilespmem:$0x17000] =	vst v63  }
0x23e: {  	s26 =	sadd.s32 $0x8030, s17;
	s28 =	simm.s32 $0x12518  }
0x23f: {  	[hbm4b:s26+s3] =	stream.linear.scatter [tilespmem:s28], [sflag:$0x3], $0x80, $0x38;
	[tilespmem:$0x17000] =	vst v63  }
0x240: {  	s19 =	sadd.s32 $0x8040, s17;
	s22 =	simm.s32 $0x125A0  }
0x241: {  	[hbm4b:s19+s3] =	stream.linear.scatter [tilespmem:s22], [sflag:$0x3], $0x80, $0x38;
	[tilespmem:$0x17000] =	vst v63  }
0x242: {  	s26 =	sadd.s32 $0x8050, s17;
	s28 =	simm.s32 $0x12628  }
0x243: {  	[hbm4b:s26+s3] =	stream.linear.scatter [tilespmem:s28], [sflag:$0x3], $0x80, $0x38;
	[tilespmem:$0x17000] =	vst v63  }
0x244: {  	s19 =	sadd.s32 $0x8060, s17;
	s22 =	simm.s32 $0x126B0  }
0x245: {  	[hbm4b:s19+s3] =	stream.linear.scatter [tilespmem:s22], [sflag:$0x3], $0x80, $0x38;
	[tilespmem:$0x17000] =	vst v63  }
0x246: {  	s26 =	sadd.s32 $0x8070, s17;
	s28 =	simm.s32 $0x12738  }
0x247: {  	[hbm4b:s26+s3] =	stream.linear.scatter [tilespmem:s28], [sflag:$0x3], $0x80, $0x38;
	[tilespmem:$0x17000] =	vst v63  }
0x248: {  	s19 =	sadd.s32 $0xC000, s17;
	s22 =	simm.s32 $0x127C0  }
0x249: {  	[hbm4b:s19+s3] =	stream.linear.scatter [tilespmem:s22], [sflag:$0x3], $0x80, $0x38;
	[tilespmem:$0x17000] =	vst v63  }
0x24a: {  	s26 =	sadd.s32 $0xC010, s17;
	s28 =	simm.s32 $0x12848  }
0x24b: {  	[hbm4b:s26+s3] =	stream.linear.scatter [tilespmem:s28], [sflag:$0x3], $0x80, $0x38;
	[tilespmem:$0x17000] =	vst v63  }
0x24c: {  	s19 =	sadd.s32 $0xC020, s17;
	s22 =	simm.s32 $0x128D0  }
0x24d: {  	[hbm4b:s19+s3] =	stream.linear.scatter [tilespmem:s22], [sflag:$0x3], $0x80, $0x38;
	[tilespmem:$0x17000] =	vst v63  }
0x24e: {  	s26 =	sadd.s32 $0xC030, s17;
	s28 =	simm.s32 $0x12958  }
0x24f: {  	[hbm4b:s26+s3] =	stream.linear.scatter [tilespmem:s28], [sflag:$0x3], $0x80, $0x38;
	[tilespmem:$0x17000] =	vst v63  }
0x250: {  	s19 =	sadd.s32 $0xC040, s17;
	s22 =	simm.s32 $0x129E0  }
0x251: {  	[hbm4b:s19+s3] =	stream.linear.scatter [tilespmem:s22], [sflag:$0x3], $0x80, $0x38;
	[tilespmem:$0x17000] =	vst v63  }
0x252: {  	p1 =	sne.s32 s13, $0x18;
	s26 =	sadd.s32 $0xC050, s17;
	s28 =	simm.s32 $0x12A68  }
0x253: {  	[hbm4b:s26+s3] =	stream.linear.scatter [tilespmem:s28], [sflag:$0x3], $0x80, $0x38;
	[tilespmem:$0x17000] =	vst v63  }
.Ltmp1:
0x254: {  	_ = 	snop;
	(pc) =	sbr.rel @p1 .LBB2_6-.Ltmp1, $4  }
0x255: {  	s22 =	sadd.s32 $0xC060, s17;
	s26 =	simm.s32 $0x12AF0  }
0x256: {  	[hbm4b:s22+s3] =	stream.linear.scatter [tilespmem:s26], [sflag:$0x3], $0x80, $0x38;
	[tilespmem:$0x17000] =	vst v63  }
0x257: {  	s17 =	sadd.s32 $0xC070, s17;
	s28 =	simm.s32 $0x12B78  }
0x258: {  	[hbm4b:s17+s3] =	stream.linear.scatter [tilespmem:s28], [sflag:$0x3], $0x80, $0x38;
	[tilespmem:$0x17000] =	vst v63  }
.Ltmp2:
0x259: {  	(pc) =	sbr.rel .LBB2_7-.Ltmp2, $4  }
0x25a: {  	_ = 	snop  }
0x25b: {  	_ =	swait.ge [sflag:s23], $0x4000  }
0x25c: {  	[sflag:s23] =	ssyncset.done $0x0  }
0x25d: {  	[sflag:s23] =	ssyncadd.s32 $0xFFFFC000  }
.LBB2_6:
0x25e: {  	s17 =	sadd.s32 $0x2, s16  }
0x25f: {  	v34 =	vadd.s32 s17, v0;
	_ =	sdelay $0x4  }
0x260: {  	s22 =	sadd.s32 $0x322, s16;
	v34 =	vld.idx.msk [tilespmem:v34+s3+$0x0], $0xffff  }
0x261: {  	v35 =	vadd.s32 s22, v0;
	_ =	sdelay $0x3  }
0x262: {  	[tilespmem:$0x6400] =	vst v34  }
0x263: {  	s26 =	sadd.s32 $0x642, s16;
	v34 =	vld.idx.msk [tilespmem:v35+s3+$0x0], $0xffff  }
0x264: {  	v62 =	vadd.s32 s26, v0;
	_ =	sdelay $0x3  }
0x265: {  	[tilespmem:$0x6410] =	vst v34  }
0x266: {  	s28 =	sadd.s32 $0x962, s16;
	v34 =	vld.idx.msk [tilespmem:v62+s3+$0x0], $0xffff  }
0x267: {  	v63 =	vadd.s32 s28, v0;
	_ =	sdelay $0x3  }
0x268: {  	[tilespmem:$0x6420] =	vst v34  }
0x269: {  	s18 =	sadd.s32 $0xC82, s16;
	v34 =	vld.idx.msk [tilespmem:v63+s3+$0x0], $0xffff  }
0x26a: {  	v36 =	vadd.s32 s18, v0;
	_ =	sdelay $0x3  }
0x26b: {  	[tilespmem:$0x6430] =	vst v34  }
0x26c: {  	s19 =	sadd.s32 $0xFA2, s16;
	v34 =	vld.idx.msk [tilespmem:v36+s3+$0x0], $0xffff  }
0x26d: {  	v37 =	vadd.s32 s19, v0;
	_ =	sdelay $0x3  }
0x26e: {  	[tilespmem:$0x6440] =	vst v34  }
0x26f: {  	s22 =	sadd.s32 $0x12C2, s16;
	v34 =	vld.idx.msk [tilespmem:v37+s3+$0x0], $0xffff  }
0x270: {  	v38 =	vadd.s32 s22, v0;
	_ =	sdelay $0x3  }
0x271: {  	[tilespmem:$0x6450] =	vst v34  }
0x272: {  	s26 =	sadd.s32 $0x15E2, s16;
	v34 =	vld.idx.msk [tilespmem:v38+s3+$0x0], $0xffff  }
0x273: {  	v39 =	vadd.s32 s26, v0;
	_ =	sdelay $0x3  }
0x274: {  	[tilespmem:$0x6460] =	vst v34  }
0x275: {  	s28 =	sadd.s32 $0x1902, s16;
	v34 =	vld.idx.msk [tilespmem:v39+s3+$0x0], $0xffff  }
0x276: {  	v40 =	vadd.s32 s28, v0;
	_ =	sdelay $0x3  }
0x277: {  	[tilespmem:$0x6470] =	vst v34  }
0x278: {  	s18 =	sadd.s32 $0x1C22, s16;
	v34 =	vld.idx.msk [tilespmem:v40+s3+$0x0], $0xffff  }
0x279: {  	v41 =	vadd.s32 s18, v0;
	_ =	sdelay $0x3  }
0x27a: {  	[tilespmem:$0x6480] =	vst v34  }
0x27b: {  	s19 =	sadd.s32 $0x1F42, s16;
	v34 =	vld.idx.msk [tilespmem:v41+s3+$0x0], $0xffff  }
0x27c: {  	v42 =	vadd.s32 s19, v0;
	_ =	sdelay $0x3  }
0x27d: {  	[tilespmem:$0x6490] =	vst v34  }
0x27e: {  	s22 =	sadd.s32 $0x2262, s16;
	v34 =	vld.idx.msk [tilespmem:v42+s3+$0x0], $0xffff  }
0x27f: {  	v43 =	vadd.s32 s22, v0;
	_ =	sdelay $0x3  }
0x280: {  	[tilespmem:$0x64A0] =	vst v34  }
0x281: {  	s26 =	sadd.s32 $0x2582, s16;
	v34 =	vld.idx.msk [tilespmem:v43+s3+$0x0], $0xffff  }
0x282: {  	v44 =	vadd.s32 s26, v0;
	_ =	sdelay $0x3  }
0x283: {  	[tilespmem:$0x64B0] =	vst v34  }
0x284: {  	s28 =	sadd.s32 $0x28A2, s16;
	v34 =	vld.idx.msk [tilespmem:v44+s3+$0x0], $0xffff  }
0x285: {  	v45 =	vadd.s32 s28, v0;
	_ =	sdelay $0x3  }
0x286: {  	[tilespmem:$0x64C0] =	vst v34  }
0x287: {  	s18 =	sadd.s32 $0x2BC2, s16;
	v34 =	vld.idx.msk [tilespmem:v45+s3+$0x0], $0xffff  }
0x288: {  	v46 =	vadd.s32 s18, v0;
	_ =	sdelay $0x3  }
0x289: {  	[tilespmem:$0x64D0] =	vst v34  }
0x28a: {  	s19 =	sadd.s32 $0x2EE2, s16;
	v34 =	vld.idx.msk [tilespmem:v46+s3+$0x0], $0xffff  }
0x28b: {  	v47 =	vadd.s32 s19, v0;
	_ =	sdelay $0x3  }
0x28c: {  	[tilespmem:$0x64E0] =	vst v34  }
0x28d: {  	s22 =	sadd.s32 $0x3202, s16;
	v34 =	vld.idx.msk [tilespmem:v47+s3+$0x0], $0xffff  }
0x28e: {  	v48 =	vadd.s32 s22, v0;
	_ =	sdelay $0x3  }
0x28f: {  	[tilespmem:$0x64F0] =	vst v34  }
0x290: {  	s26 =	sadd.s32 $0x3522, s16;
	v34 =	vld.idx.msk [tilespmem:v48+s3+$0x0], $0xffff  }
0x291: {  	v49 =	vadd.s32 s26, v0;
	_ =	sdelay $0x3  }
0x292: {  	[tilespmem:$0x6500] =	vst v34  }
0x293: {  	s28 =	sadd.s32 $0x3842, s16;
	v34 =	vld.idx.msk [tilespmem:v49+s3+$0x0], $0xffff  }
0x294: {  	v50 =	vadd.s32 s28, v0;
	_ =	sdelay $0x3  }
0x295: {  	[tilespmem:$0x6510] =	vst v34  }
0x296: {  	s18 =	sadd.s32 $0x3B62, s16;
	v34 =	vld.idx.msk [tilespmem:v50+s3+$0x0], $0xffff  }
0x297: {  	v51 =	vadd.s32 s18, v0;
	_ =	sdelay $0x3  }
0x298: {  	[tilespmem:$0x6520] =	vst v34  }
0x299: {  	s19 =	sadd.s32 $0x3E82, s16;
	v34 =	vld.idx.msk [tilespmem:v51+s3+$0x0], $0xffff  }
0x29a: {  	v52 =	vadd.s32 s19, v0;
	_ =	sdelay $0x3  }
0x29b: {  	[tilespmem:$0x6530] =	vst v34  }
0x29c: {  	s22 =	sadd.s32 $0x41A2, s16;
	v34 =	vld.idx.msk [tilespmem:v52+s3+$0x0], $0xffff  }
0x29d: {  	v53 =	vadd.s32 s22, v0;
	_ =	sdelay $0x3  }
0x29e: {  	[tilespmem:$0x6540] =	vst v34  }
0x29f: {  	s26 =	sadd.s32 $0x44C2, s16;
	v34 =	vld.idx.msk [tilespmem:v53+s3+$0x0], $0xffff  }
0x2a0: {  	v54 =	vadd.s32 s26, v0;
	_ =	sdelay $0x3  }
0x2a1: {  	[tilespmem:$0x6550] =	vst v34  }
0x2a2: {  	s28 =	sadd.s32 $0x47E2, s16;
	v34 =	vld.idx.msk [tilespmem:v54+s3+$0x0], $0xffff  }
0x2a3: {  	v55 =	vadd.s32 s28, v0;
	_ =	sdelay $0x3  }
0x2a4: {  	[tilespmem:$0x6560] =	vst v34  }
0x2a5: {  	s18 =	sadd.s32 $0x4B02, s16;
	v34 =	vld.idx.msk [tilespmem:v55+s3+$0x0], $0xffff  }
0x2a6: {  	v56 =	vadd.s32 s18, v0;
	_ =	sdelay $0x3  }
0x2a7: {  	[tilespmem:$0x6570] =	vst v34  }
0x2a8: {  	s19 =	sadd.s32 $0x4E22, s16;
	v34 =	vld.idx.msk [tilespmem:v56+s3+$0x0], $0xffff  }
0x2a9: {  	v57 =	vadd.s32 s19, v0;
	_ =	sdelay $0x3  }
0x2aa: {  	[tilespmem:$0x6580] =	vst v34  }
0x2ab: {  	s22 =	sadd.s32 $0x5142, s16;
	v34 =	vld.idx.msk [tilespmem:v57+s3+$0x0], $0xffff  }
0x2ac: {  	v58 =	vadd.s32 s22, v0;
	_ =	sdelay $0x3  }
0x2ad: {  	[tilespmem:$0x6590] =	vst v34  }
0x2ae: {  	s26 =	sadd.s32 $0x5462, s16;
	v34 =	vld.idx.msk [tilespmem:v58+s3+$0x0], $0xffff  }
0x2af: {  	v59 =	vadd.s32 s26, v0;
	_ =	sdelay $0x3  }
0x2b0: {  	[tilespmem:$0x65A0] =	vst v34  }
0x2b1: {  	s28 =	sadd.s32 $0x5782, s16;
	v34 =	vld.idx.msk [tilespmem:v59+s3+$0x0], $0xffff  }
0x2b2: {  	v60 =	vadd.s32 s28, v0;
	_ =	sdelay $0x3  }
0x2b3: {  	[tilespmem:$0x65B0] =	vst v34  }
0x2b4: {  	s18 =	sadd.s32 $0x5AA2, s16;
	v34 =	vld.idx.msk [tilespmem:v60+s3+$0x0], $0xffff  }
0x2b5: {  	v61 =	vadd.s32 s18, v0;
	_ =	sdelay $0x3  }
0x2b6: {  	[tilespmem:$0x65C0] =	vst v34  }
0x2b7: {  	s19 =	sadd.s32 $0x5DC2, s16;
	v34 =	vld.idx.msk [tilespmem:v61+s3+$0x0], $0xffff  }
0x2b8: {  	v62 =	vadd.s32 s19, v0;
	_ =	sdelay $0x3  }
0x2b9: {  	[tilespmem:$0x65D0] =	vst v34  }
0x2ba: {  	s22 =	sadd.s32 $0x60E2, s16;
	v34 =	vld.idx.msk [tilespmem:v62+s3+$0x0], $0xffff  }
0x2bb: {  	v63 =	vadd.s32 s22, v0;
	_ =	sdelay $0x3  }
0x2bc: {  	[tilespmem:$0x65E0] =	vst v34  }
0x2bd: {  	v34 =	vld.idx.msk [tilespmem:v63+s3+$0x0], $0xffff;
	_ =	sdelay $0x4  }
.Ltmp3:
0x2be: {  	s26 =	simm.s32 $0x6400;
	s28 =	simm.s32 $0x6800;
	[tilespmem:$0x65F0] =	vst v34;
	(pc) =	sbr.rel @p0 .LBB2_8-.Ltmp3, $4  }
0x2bf: {  	[tilespmem:s28], [sflag:$0x1] =	stream.indirect.gather [hbm4b:s4+s15], $0x20, s26, s15, $0xb8;
	[tilespmem:$0x17000] =	vst v63  }
0x2c0: {  	_ =	swait.ge [sflag:s23], $0x4000  }
0x2c1: {  	[sflag:s23] =	ssyncset.done $0x0  }
0x2c2: {  	[sflag:s23] =	ssyncadd.s32 $0xFFFFC000  }
.LBB2_7:
0x2c3: {  	_ =	swait.ge [sflag:s24], $0x400  }
0x2c4: {  	[sflag:s24] =	ssyncset.done $0x0  }
0x2c5: {  	[sflag:s24] =	ssyncadd.s32 $0xFFFFFC00  }
0x2c6: {  	_ =	swait.ge [sflag:s24], $0x400  }
0x2c7: {  	[sflag:s24] =	ssyncset.done $0x0  }
0x2c8: {  	[sflag:s24] =	ssyncadd.s32 $0xFFFFFC00  }
0x2c9: {  	_ =	swait.ge [sflag:s24], $0x400  }
0x2ca: {  	[sflag:s24] =	ssyncset.done $0x0  }
0x2cb: {  	[sflag:s24] =	ssyncadd.s32 $0xFFFFFC00  }
0x2cc: {  	_ =	swait.ge [sflag:s24], $0x400  }
0x2cd: {  	[sflag:s24] =	ssyncset.done $0x0  }
0x2ce: {  	[sflag:s24] =	ssyncadd.s32 $0xFFFFFC00  }
0x2cf: {  	_ =	swait.ge [sflag:s24], $0x400  }
0x2d0: {  	[sflag:s24] =	ssyncset.done $0x0  }
0x2d1: {  	[sflag:s24] =	ssyncadd.s32 $0xFFFFFC00  }
0x2d2: {  	_ =	swait.ge [sflag:s24], $0x400  }
0x2d3: {  	[sflag:s24] =	ssyncset.done $0x0  }
0x2d4: {  	[sflag:s24] =	ssyncadd.s32 $0xFFFFFC00  }
0x2d5: {  	_ =	swait.ge [sflag:s24], $0x400  }
0x2d6: {  	[sflag:s24] =	ssyncset.done $0x0  }
0x2d7: {  	[sflag:s24] =	ssyncadd.s32 $0xFFFFFC00  }
0x2d8: {  	_ =	swait.ge [sflag:s24], $0x400  }
0x2d9: {  	[sflag:s24] =	ssyncset.done $0x0  }
0x2da: {  	[sflag:s24] =	ssyncadd.s32 $0xFFFFFC00  }
0x2db: {  	_ =	swait.ge [sflag:s24], $0x400  }
0x2dc: {  	[sflag:s24] =	ssyncset.done $0x0  }
0x2dd: {  	[sflag:s24] =	ssyncadd.s32 $0xFFFFFC00  }
0x2de: {  	_ =	swait.ge [sflag:s24], $0x400  }
0x2df: {  	[sflag:s24] =	ssyncset.done $0x0  }
0x2e0: {  	[sflag:s24] =	ssyncadd.s32 $0xFFFFFC00  }
0x2e1: {  	_ =	swait.ge [sflag:s24], $0x400  }
0x2e2: {  	[sflag:s24] =	ssyncset.done $0x0  }
0x2e3: {  	[sflag:s24] =	ssyncadd.s32 $0xFFFFFC00  }
0x2e4: {  	_ =	swait.ge [sflag:s24], $0x400  }
0x2e5: {  	[sflag:s24] =	ssyncset.done $0x0  }
0x2e6: {  	[sflag:s24] =	ssyncadd.s32 $0xFFFFFC00  }
0x2e7: {  	_ =	swait.ge [sflag:s24], $0x400  }
0x2e8: {  	[sflag:s24] =	ssyncset.done $0x0  }
0x2e9: {  	[sflag:s24] =	ssyncadd.s32 $0xFFFFFC00  }
0x2ea: {  	_ =	swait.ge [sflag:s24], $0x400  }
0x2eb: {  	[sflag:s24] =	ssyncset.done $0x0  }
0x2ec: {  	[sflag:s24] =	ssyncadd.s32 $0xFFFFFC00  }
0x2ed: {  	_ =	swait.ge [sflag:s24], $0x400  }
0x2ee: {  	[sflag:s24] =	ssyncset.done $0x0  }
0x2ef: {  	[sflag:s24] =	ssyncadd.s32 $0xFFFFFC00  }
0x2f0: {  	_ =	swait.ge [sflag:s24], $0x400  }
0x2f1: {  	[sflag:s24] =	ssyncset.done $0x0  }
0x2f2: {  	[sflag:s24] =	ssyncadd.s32 $0xFFFFFC00  }
.LBB2_8:
0x2f3: {  	s16 =	simm.s32 $0x0  }
0x2f4: {  	s17 =	simm.s32 $0x0;
	s16 =	sand.u32 $0x78, s16  }
0x2f5: {  	v34 =	vmov s17;
	v35 =	vmov s16  }
0x2f6: {  	v34 =	vmul.u32 $0x1100, v34;
	v35 =	vshrl.u32 v35, $0x3  }
0x2f7: {  	v35 =	vshll.u32 v35, $0x3  }
0x2f8: {  	s26 =	simm.s32 $0x0;
	v34 =	vor.u32 v35, v34  }
0x2f9: {  	s17 =	sand.u32 $0x3FFFF000, s26;
	s16 =	sshll.u32 s16, $0x5;
	v34 =	vbroadcast v34, $0x0  }
0x2fa: {  	s16 =	sor.u32 s16, s17  }
0x2fb: {  	v47 =	vld [tilespmem:s16+$0xA800];
	v36 =	vadd.s32 v27, v34  }
0x2fc: {  	v37 =	vld [tilespmem:s16+$0xA810];
	v38 =	vadd.s32 v33, v34;
	_ =	sdelay $0x3  }
0x2fd: {  	[tilespmem:v36+s25+$0x0] =	vst.idx.msk $0xffff, v47  }
0x2fe: {  	[tilespmem:v38+s25+$0x0] =	vst.idx.msk $0xffff, v37  }
0x2ff: {  	v49 =	vor.u32 $0x1, v36;
	v48 =	vld [tilespmem:s16+$0xA820]  }
0x300: {  	v39 =	vor.u32 $0x1, v38;
	v37 =	vld [tilespmem:s16+$0xA830];
	_ =	sdelay $0x3  }
0x301: {  	[tilespmem:v49+s25+$0x0] =	vst.idx.msk $0xffff, v48  }
0x302: {  	[tilespmem:v39+s25+$0x0] =	vst.idx.msk $0xffff, v37  }
0x303: {  	v50 =	vor.u32 $0x2, v36;
	v34 =	vld [tilespmem:s16+$0xA840]  }
0x304: {  	v51 =	vor.u32 $0x2, v38;
	v37 =	vld [tilespmem:s16+$0xA850];
	_ =	sdelay $0x3  }
0x305: {  	[tilespmem:v50+s25+$0x0] =	vst.idx.msk $0xffff, v34  }
0x306: {  	[tilespmem:v51+s25+$0x0] =	vst.idx.msk $0xffff, v37  }
0x307: {  	v52 =	vor.u32 $0x3, v36;
	v34 =	vld [tilespmem:s16+$0xA860]  }
0x308: {  	v53 =	vor.u32 $0x3, v38;
	v37 =	vld [tilespmem:s16+$0xA870];
	_ =	sdelay $0x3  }
0x309: {  	[tilespmem:v52+s25+$0x0] =	vst.idx.msk $0xffff, v34  }
0x30a: {  	[tilespmem:v53+s25+$0x0] =	vst.idx.msk $0xffff, v37  }
0x30b: {  	v54 =	vor.u32 $0x4, v36;
	v34 =	vld [tilespmem:s16+$0xA880]  }
0x30c: {  	v55 =	vor.u32 $0x4, v38;
	v37 =	vld [tilespmem:s16+$0xA890];
	_ =	sdelay $0x3  }
0x30d: {  	[tilespmem:v54+s25+$0x0] =	vst.idx.msk $0xffff, v34  }
0x30e: {  	[tilespmem:v55+s25+$0x0] =	vst.idx.msk $0xffff, v37  }
0x30f: {  	v56 =	vor.u32 $0x5, v36;
	v34 =	vld [tilespmem:s16+$0xA8A0]  }
0x310: {  	v57 =	vor.u32 $0x5, v38;
	v37 =	vld [tilespmem:s16+$0xA8B0];
	_ =	sdelay $0x3  }
0x311: {  	[tilespmem:v56+s25+$0x0] =	vst.idx.msk $0xffff, v34  }
0x312: {  	[tilespmem:v57+s25+$0x0] =	vst.idx.msk $0xffff, v37  }
0x313: {  	v58 =	vor.u32 $0x6, v36;
	v34 =	vld [tilespmem:s16+$0xA8C0]  }
0x314: {  	v59 =	vor.u32 $0x6, v38;
	v37 =	vld [tilespmem:s16+$0xA8D0];
	_ =	sdelay $0x1  }
0x315: {  	s17 =	simm.s32 $0x8  }
0x316: {  	s18 =	simm.s32 $0x0;
	s19 =	sand.u32 $0x78, s17  }
0x317: {  	v61 =	vmov s18;
	v62 =	vmov s19;
	[tilespmem:v58+s25+$0x0] =	vst.idx.msk $0xffff, v34  }
0x318: {  	v63 =	vmul.u32 $0x1100, v61;
	v35 =	vshrl.u32 v62, $0x3;
	[tilespmem:v59+s25+$0x0] =	vst.idx.msk $0xffff, v37  }
0x319: {  	v35 =	vshll.u32 v35, $0x3;
	v60 =	vor.u32 $0x7, v36;
	v37 =	vld [tilespmem:s16+$0xA8E0]  }
0x31a: {  	v36 =	vor.u32 v35, v63;
	v35 =	vor.u32 $0x7, v38;
	v34 =	vld [tilespmem:s16+$0xA8F0];
	_ =	sdelay $0x1  }
0x31b: {  	s28 =	simm.s32 $0x100  }
0x31c: {  	s22 =	sand.u32 $0x3FFFF000, s28;
	s19 =	sshll.u32 s19, $0x5  }
0x31d: {  	s18 =	simm.s32 $0x2;
	v36 =	vbroadcast v36, $0x0;
	s16 =	sor.u32 s19, s22;
	[tilespmem:v60+s25+$0x0] =	vst.idx.msk $0xffff, v37  }
.LBB2_9:
0x31e: {  	p0 =	sne.s32 s18, $0x3F;
	[tilespmem:v35+s25+$0x0] =	vst.idx.msk $0xffff, v34;
	s19 =	smov.u32 s18;
	s18 =	sadd.s32 $0x1, s18  }
0x31f: {  	v34 =	vld [tilespmem:s16+$0xA800];
	v35 =	vadd.s32 v27, v36  }
0x320: {  	v36 =	vadd.s32 v33, v36;
	v37 =	vld [tilespmem:s16+$0xA810];
	_ =	sdelay $0x3  }
0x321: {  	[tilespmem:v35+s25+$0x0] =	vst.idx.msk $0xffff, v34  }
0x322: {  	[tilespmem:v36+s25+$0x0] =	vst.idx.msk $0xffff, v37  }
0x323: {  	v37 =	vor.u32 $0x1, v35;
	v34 =	vld [tilespmem:s16+$0xA820]  }
0x324: {  	v39 =	vor.u32 $0x1, v36;
	v38 =	vld [tilespmem:s16+$0xA830];
	_ =	sdelay $0x3  }
0x325: {  	[tilespmem:v37+s25+$0x0] =	vst.idx.msk $0xffff, v34  }
0x326: {  	[tilespmem:v39+s25+$0x0] =	vst.idx.msk $0xffff, v38  }
0x327: {  	v37 =	vor.u32 $0x2, v35;
	v34 =	vld [tilespmem:s16+$0xA840]  }
0x328: {  	v39 =	vor.u32 $0x2, v36;
	v38 =	vld [tilespmem:s16+$0xA850];
	_ =	sdelay $0x3  }
0x329: {  	[tilespmem:v37+s25+$0x0] =	vst.idx.msk $0xffff, v34  }
0x32a: {  	[tilespmem:v39+s25+$0x0] =	vst.idx.msk $0xffff, v38  }
0x32b: {  	v37 =	vor.u32 $0x3, v35;
	v34 =	vld [tilespmem:s16+$0xA860]  }
0x32c: {  	v39 =	vor.u32 $0x3, v36;
	v38 =	vld [tilespmem:s16+$0xA870];
	_ =	sdelay $0x3  }
0x32d: {  	[tilespmem:v37+s25+$0x0] =	vst.idx.msk $0xffff, v34  }
0x32e: {  	[tilespmem:v39+s25+$0x0] =	vst.idx.msk $0xffff, v38  }
0x32f: {  	v37 =	vor.u32 $0x4, v35;
	v34 =	vld [tilespmem:s16+$0xA880]  }
0x330: {  	v39 =	vor.u32 $0x4, v36;
	v38 =	vld [tilespmem:s16+$0xA890];
	_ =	sdelay $0x3  }
0x331: {  	[tilespmem:v37+s25+$0x0] =	vst.idx.msk $0xffff, v34  }
0x332: {  	[tilespmem:v39+s25+$0x0] =	vst.idx.msk $0xffff, v38  }
0x333: {  	v37 =	vor.u32 $0x5, v35;
	v34 =	vld [tilespmem:s16+$0xA8A0]  }
0x334: {  	v39 =	vor.u32 $0x5, v36;
	v38 =	vld [tilespmem:s16+$0xA8B0];
	_ =	sdelay $0x3  }
0x335: {  	[tilespmem:v37+s25+$0x0] =	vst.idx.msk $0xffff, v34  }
0x336: {  	[tilespmem:v39+s25+$0x0] =	vst.idx.msk $0xffff, v38  }
0x337: {  	v37 =	vor.u32 $0x6, v35;
	v34 =	vld [tilespmem:s16+$0xA8C0]  }
0x338: {  	v39 =	vor.u32 $0x6, v36;
	v38 =	vld [tilespmem:s16+$0xA8D0];
	_ =	sdelay $0x3  }
0x339: {  	[tilespmem:v37+s25+$0x0] =	vst.idx.msk $0xffff, v34  }
0x33a: {  	s17 =	sadd.s32 $0x8, s17;
	[tilespmem:v39+s25+$0x0] =	vst.idx.msk $0xffff, v38  }
0x33b: {  	s22 =	sshrl.u32 s19, $0x4;
	s26 =	sand.u32 $0x78, s17;
	s19 =	sshll.u32 s19, $0x8;
	v38 =	vor.u32 $0x7, v35;
	v37 =	vld [tilespmem:s16+$0xA8E0]  }
.Ltmp4:
0x33c: {  	v40 =	vmov s26;
	s19 =	sand.u32 $0x3FFFF000, s19;
	v39 =	vmov s22;
	s22 =	sshll.u32 s26, $0x5;
	v35 =	vor.u32 $0x7, v36;
	v34 =	vld [tilespmem:s16+$0xA8F0];
	(pc) =	sbr.rel @p0 .LBB2_9-.Ltmp4, $4  }
0x33d: {  	v36 =	vshrl.u32 v40, $0x3;
	v39 =	vmul.u32 $0x1100, v39;
	s16 =	sor.u32 s22, s19  }
0x33e: {  	v36 =	vshll.u32 v36, $0x3  }
0x33f: {  	v36 =	vor.u32 v36, v39  }
0x340: {  	v36 =	vbroadcast v36, $0x0;
	[tilespmem:v38+s25+$0x0] =	vst.idx.msk $0xffff, v37  }
0x341: {  	_ =	sdelay $0x3  }
0x342: {  	[tilespmem:v35+s25+$0x0] =	vst.idx.msk $0xffff, v34  }
0x343: {  	v34 =	vld [tilespmem:s16+$0xA800];
	v51 =	vadd.s32 v27, v36  }
0x344: {  	v37 =	vld [tilespmem:s16+$0xA810];
	v52 =	vadd.s32 v33, v36;
	_ =	sdelay $0x3  }
0x345: {  	[tilespmem:v51+s25+$0x0] =	vst.idx.msk $0xffff, v34  }
0x346: {  	[tilespmem:v52+s25+$0x0] =	vst.idx.msk $0xffff, v37  }
0x347: {  	v53 =	vor.u32 $0x1, v51;
	v34 =	vld [tilespmem:s16+$0xA820]  }
0x348: {  	v39 =	vor.u32 $0x1, v52;
	v38 =	vld [tilespmem:s16+$0xA830];
	_ =	sdelay $0x3  }
0x349: {  	[tilespmem:v53+s25+$0x0] =	vst.idx.msk $0xffff, v34  }
0x34a: {  	[tilespmem:v39+s25+$0x0] =	vst.idx.msk $0xffff, v38  }
0x34b: {  	v54 =	vor.u32 $0x2, v51;
	v34 =	vld [tilespmem:s16+$0xA840]  }
0x34c: {  	v55 =	vor.u32 $0x2, v52;
	v38 =	vld [tilespmem:s16+$0xA850];
	_ =	sdelay $0x3  }
0x34d: {  	[tilespmem:v54+s25+$0x0] =	vst.idx.msk $0xffff, v34  }
0x34e: {  	[tilespmem:v55+s25+$0x0] =	vst.idx.msk $0xffff, v38  }
0x34f: {  	v56 =	vor.u32 $0x3, v51;
	v34 =	vld [tilespmem:s16+$0xA860]  }
0x350: {  	v57 =	vor.u32 $0x3, v52;
	v38 =	vld [tilespmem:s16+$0xA870];
	_ =	sdelay $0x3  }
0x351: {  	[tilespmem:v56+s25+$0x0] =	vst.idx.msk $0xffff, v34  }
0x352: {  	[tilespmem:v57+s25+$0x0] =	vst.idx.msk $0xffff, v38  }
0x353: {  	v58 =	vor.u32 $0x4, v51;
	v34 =	vld [tilespmem:s16+$0xA880]  }
0x354: {  	v59 =	vor.u32 $0x4, v52;
	v38 =	vld [tilespmem:s16+$0xA890];
	_ =	sdelay $0x3  }
0x355: {  	[tilespmem:v58+s25+$0x0] =	vst.idx.msk $0xffff, v34  }
0x356: {  	[tilespmem:v59+s25+$0x0] =	vst.idx.msk $0xffff, v38  }
0x357: {  	v60 =	vor.u32 $0x5, v51;
	v34 =	vld [tilespmem:s16+$0xA8A0]  }
0x358: {  	v61 =	vor.u32 $0x5, v52;
	v38 =	vld [tilespmem:s16+$0xA8B0];
	_ =	sdelay $0x3  }
0x359: {  	[tilespmem:v60+s25+$0x0] =	vst.idx.msk $0xffff, v34  }
0x35a: {  	[tilespmem:v61+s25+$0x0] =	vst.idx.msk $0xffff, v38  }
0x35b: {  	v62 =	vor.u32 $0x6, v51;
	v34 =	vld [tilespmem:s16+$0xA8C0]  }
0x35c: {  	v63 =	vor.u32 $0x6, v52;
	v38 =	vld [tilespmem:s16+$0xA8D0];
	_ =	sdelay $0x3  }
0x35d: {  	[tilespmem:v62+s25+$0x0] =	vst.idx.msk $0xffff, v34  }
0x35e: {  	[tilespmem:v63+s25+$0x0] =	vst.idx.msk $0xffff, v38  }
0x35f: {  	v35 =	vor.u32 $0x7, v51;
	v34 =	vld [tilespmem:s16+$0xA8E0]  }
0x360: {  	v36 =	vor.u32 $0x7, v52;
	v37 =	vld [tilespmem:s16+$0xA8F0];
	_ =	sdelay $0x1  }
0x361: {  	s14 =	sshll.u32 s14, $0x13  }
0x362: {  	s18 =	sor.u32 s5, s14  }
0x363: {  	s16 =	sshrl.u32 s18, $0x3;
	[tilespmem:v35+s25+$0x0] =	vst.idx.msk $0xffff, v34  }
0x364: {  	s17 =	sadd.s32 s2, s16;
	[tilespmem:v36+s25+$0x0] =	vst.idx.msk $0xffff, v37  }
0x365: {  	[hbm4b:s17+s3] =	stream.linear.scatter [tilespmem:s25], [sflag:$0x4], $0x80, $0x38;
	[tilespmem:$0x17000] =	vst v63  }
0x366: {  	s19 =	simm.s32 $0x12C88;
	s18 =	sadd.s32 $0x10, s17  }
0x367: {  	[hbm4b:s18+s3] =	stream.linear.scatter [tilespmem:s19], [sflag:$0x4], $0x80, $0x38;
	[tilespmem:$0x17000] =	vst v63  }
0x368: {  	s22 =	simm.s32 $0x12D10;
	s19 =	sadd.s32 $0x20, s17  }
0x369: {  	[hbm4b:s19+s3] =	stream.linear.scatter [tilespmem:s22], [sflag:$0x4], $0x80, $0x38;
	[tilespmem:$0x17000] =	vst v63  }
0x36a: {  	s28 =	simm.s32 $0x12D98;
	s26 =	sadd.s32 $0x30, s17  }
0x36b: {  	[hbm4b:s26+s3] =	stream.linear.scatter [tilespmem:s28], [sflag:$0x4], $0x80, $0x38;
	[tilespmem:$0x17000] =	vst v63  }
0x36c: {  	s19 =	sadd.s32 $0x40, s17;
	s22 =	simm.s32 $0x12E20  }
0x36d: {  	[hbm4b:s19+s3] =	stream.linear.scatter [tilespmem:s22], [sflag:$0x4], $0x80, $0x38;
	[tilespmem:$0x17000] =	vst v63  }
0x36e: {  	s26 =	sadd.s32 $0x50, s17;
	s28 =	simm.s32 $0x12EA8  }
0x36f: {  	[hbm4b:s26+s3] =	stream.linear.scatter [tilespmem:s28], [sflag:$0x4], $0x80, $0x38;
	[tilespmem:$0x17000] =	vst v63  }
0x370: {  	s19 =	sadd.s32 $0x60, s17;
	s22 =	simm.s32 $0x12F30  }
0x371: {  	[hbm4b:s19+s3] =	stream.linear.scatter [tilespmem:s22], [sflag:$0x4], $0x80, $0x38;
	[tilespmem:$0x17000] =	vst v63  }
0x372: {  	s17 =	sadd.s32 $0x70, s17;
	s26 =	simm.s32 $0x12FB8  }
0x373: {  	[hbm4b:s17+s3] =	stream.linear.scatter [tilespmem:s26], [sflag:$0x4], $0x80, $0x38;
	[tilespmem:$0x17000] =	vst v63  }
0x374: {  	s28 =	simm.s32 $0x13040;
	s17 =	sadd.s32 s16, s7  }
0x375: {  	[hbm4b:s17+s3] =	stream.linear.scatter [tilespmem:s28], [sflag:$0x4], $0x80, $0x38;
	[tilespmem:$0x17000] =	vst v63  }
0x376: {  	s22 =	simm.s32 $0x130C8;
	s19 =	sadd.s32 $0x10, s17  }
0x377: {  	[hbm4b:s19+s3] =	stream.linear.scatter [tilespmem:s22], [sflag:$0x4], $0x80, $0x38;
	[tilespmem:$0x17000] =	vst v63  }
0x378: {  	s26 =	sadd.s32 $0x20, s17;
	s28 =	simm.s32 $0x13150  }
0x379: {  	[hbm4b:s26+s3] =	stream.linear.scatter [tilespmem:s28], [sflag:$0x4], $0x80, $0x38;
	[tilespmem:$0x17000] =	vst v63  }
0x37a: {  	s19 =	sadd.s32 $0x30, s17;
	s22 =	simm.s32 $0x131D8  }
0x37b: {  	[hbm4b:s19+s3] =	stream.linear.scatter [tilespmem:s22], [sflag:$0x4], $0x80, $0x38;
	[tilespmem:$0x17000] =	vst v63  }
0x37c: {  	s26 =	sadd.s32 $0x40, s17;
	s28 =	simm.s32 $0x13260  }
0x37d: {  	[hbm4b:s26+s3] =	stream.linear.scatter [tilespmem:s28], [sflag:$0x4], $0x80, $0x38;
	[tilespmem:$0x17000] =	vst v63  }
0x37e: {  	s19 =	sadd.s32 $0x50, s17;
	s22 =	simm.s32 $0x132E8  }
0x37f: {  	[hbm4b:s19+s3] =	stream.linear.scatter [tilespmem:s22], [sflag:$0x4], $0x80, $0x38;
	[tilespmem:$0x17000] =	vst v63  }
0x380: {  	s26 =	sadd.s32 $0x60, s17;
	s28 =	simm.s32 $0x13370  }
0x381: {  	[hbm4b:s26+s3] =	stream.linear.scatter [tilespmem:s28], [sflag:$0x4], $0x80, $0x38;
	[tilespmem:$0x17000] =	vst v63  }
0x382: {  	s17 =	sadd.s32 $0x70, s17;
	s19 =	simm.s32 $0x133F8  }
0x383: {  	[hbm4b:s17+s3] =	stream.linear.scatter [tilespmem:s19], [sflag:$0x4], $0x80, $0x38;
	[tilespmem:$0x17000] =	vst v63  }
0x384: {  	s22 =	simm.s32 $0x13480;
	s17 =	sadd.s32 s16, s8  }
0x385: {  	[hbm4b:s17+s3] =	stream.linear.scatter [tilespmem:s22], [sflag:$0x4], $0x80, $0x38;
	[tilespmem:$0x17000] =	vst v63  }
0x386: {  	s28 =	simm.s32 $0x13508;
	s26 =	sadd.s32 $0x10, s17  }
0x387: {  	[hbm4b:s26+s3] =	stream.linear.scatter [tilespmem:s28], [sflag:$0x4], $0x80, $0x38;
	[tilespmem:$0x17000] =	vst v63  }
0x388: {  	s19 =	sadd.s32 $0x20, s17;
	s22 =	simm.s32 $0x13590  }
0x389: {  	[hbm4b:s19+s3] =	stream.linear.scatter [tilespmem:s22], [sflag:$0x4], $0x80, $0x38;
	[tilespmem:$0x17000] =	vst v63  }
0x38a: {  	s26 =	sadd.s32 $0x30, s17;
	s28 =	simm.s32 $0x13618  }
0x38b: {  	[hbm4b:s26+s3] =	stream.linear.scatter [tilespmem:s28], [sflag:$0x4], $0x80, $0x38;
	[tilespmem:$0x17000] =	vst v63  }
0x38c: {  	s19 =	sadd.s32 $0x40, s17;
	s22 =	simm.s32 $0x136A0  }
0x38d: {  	[hbm4b:s19+s3] =	stream.linear.scatter [tilespmem:s22], [sflag:$0x4], $0x80, $0x38;
	[tilespmem:$0x17000] =	vst v63  }
0x38e: {  	s26 =	sadd.s32 $0x50, s17;
	s28 =	simm.s32 $0x13728  }
0x38f: {  	[hbm4b:s26+s3] =	stream.linear.scatter [tilespmem:s28], [sflag:$0x4], $0x80, $0x38;
	[tilespmem:$0x17000] =	vst v63  }
0x390: {  	s22 =	sadd.s32 $0x60, s17;
	s26 =	simm.s32 $0x137B0  }
0x391: {  	[hbm4b:s22+s3] =	stream.linear.scatter [tilespmem:s26], [sflag:$0x4], $0x80, $0x38;
	[tilespmem:$0x17000] =	vst v63  }
0x392: {  	s17 =	sadd.s32 $0x70, s17;
	s28 =	simm.s32 $0x13838  }
0x393: {  	[hbm4b:s17+s3] =	stream.linear.scatter [tilespmem:s28], [sflag:$0x4], $0x80, $0x38;
	[tilespmem:$0x17000] =	vst v63  }
0x394: {  	s18 =	simm.s32 $0x138C0;
	s16 =	sadd.s32 s16, s9  }
0x395: {  	[hbm4b:s16+s3] =	stream.linear.scatter [tilespmem:s18], [sflag:$0x4], $0x80, $0x38;
	[tilespmem:$0x17000] =	vst v63  }
0x396: {  	s19 =	sadd.s32 $0x10, s16;
	s22 =	simm.s32 $0x13948  }
0x397: {  	[hbm4b:s19+s3] =	stream.linear.scatter [tilespmem:s22], [sflag:$0x4], $0x80, $0x38;
	[tilespmem:$0x17000] =	vst v63  }
0x398: {  	s26 =	sadd.s32 $0x20, s16;
	s28 =	simm.s32 $0x139D0  }
0x399: {  	[hbm4b:s26+s3] =	stream.linear.scatter [tilespmem:s28], [sflag:$0x4], $0x80, $0x38;
	[tilespmem:$0x17000] =	vst v63  }
0x39a: {  	s19 =	sadd.s32 $0x30, s16;
	s22 =	simm.s32 $0x13A58  }
0x39b: {  	[hbm4b:s19+s3] =	stream.linear.scatter [tilespmem:s22], [sflag:$0x4], $0x80, $0x38;
	[tilespmem:$0x17000] =	vst v63  }
0x39c: {  	s26 =	sadd.s32 $0x40, s16;
	s28 =	simm.s32 $0x13AE0  }
0x39d: {  	[hbm4b:s26+s3] =	stream.linear.scatter [tilespmem:s28], [sflag:$0x4], $0x80, $0x38;
	[tilespmem:$0x17000] =	vst v63  }
0x39e: {  	s18 =	sadd.s32 $0x50, s16;
	s19 =	simm.s32 $0x13B68  }
0x39f: {  	[hbm4b:s18+s3] =	stream.linear.scatter [tilespmem:s19], [sflag:$0x4], $0x80, $0x38;
	[tilespmem:$0x17000] =	vst v63  }
0x3a0: {  	s22 =	sadd.s32 $0x60, s16;
	s26 =	simm.s32 $0x13BF0  }
0x3a1: {  	[hbm4b:s22+s3] =	stream.linear.scatter [tilespmem:s26], [sflag:$0x4], $0x80, $0x38;
	[tilespmem:$0x17000] =	vst v63  }
0x3a2: {  	s17 =	sor.u32 s10, s14;
	s16 =	sadd.s32 $0x70, s16;
	s28 =	simm.s32 $0x13C78  }
0x3a3: {  	[hbm4b:s16+s3] =	stream.linear.scatter [tilespmem:s28], [sflag:$0x4], $0x80, $0x38;
	[tilespmem:$0x17000] =	vst v63  }
0x3a4: {  	s16 =	sshrl.u32 s17, $0x3  }
0x3a5: {  	s18 =	simm.s32 $0x13D00;
	s16 =	sadd.s32 s2, s16  }
0x3a6: {  	[hbm4b:s16+s3] =	stream.linear.scatter [tilespmem:s18], [sflag:$0x4], $0x80, $0x38;
	[tilespmem:$0x17000] =	vst v63  }
0x3a7: {  	s22 =	simm.s32 $0x13D88;
	s19 =	sadd.s32 $0x10, s16  }
0x3a8: {  	[hbm4b:s19+s3] =	stream.linear.scatter [tilespmem:s22], [sflag:$0x4], $0x80, $0x38;
	[tilespmem:$0x17000] =	vst v63  }
0x3a9: {  	s28 =	simm.s32 $0x13E10;
	s26 =	sadd.s32 $0x20, s16  }
0x3aa: {  	[hbm4b:s26+s3] =	stream.linear.scatter [tilespmem:s28], [sflag:$0x4], $0x80, $0x38;
	[tilespmem:$0x17000] =	vst v63  }
0x3ab: {  	s19 =	sadd.s32 $0x30, s16;
	s22 =	simm.s32 $0x13E98  }
0x3ac: {  	[hbm4b:s19+s3] =	stream.linear.scatter [tilespmem:s22], [sflag:$0x4], $0x80, $0x38;
	[tilespmem:$0x17000] =	vst v63  }
0x3ad: {  	s26 =	sadd.s32 $0x40, s16;
	s28 =	simm.s32 $0x13F20  }
0x3ae: {  	[hbm4b:s26+s3] =	stream.linear.scatter [tilespmem:s28], [sflag:$0x4], $0x80, $0x38;
	[tilespmem:$0x17000] =	vst v63  }
0x3af: {  	s19 =	sadd.s32 $0x50, s16;
	s22 =	simm.s32 $0x13FA8  }
0x3b0: {  	[hbm4b:s19+s3] =	stream.linear.scatter [tilespmem:s22], [sflag:$0x4], $0x80, $0x38;
	[tilespmem:$0x17000] =	vst v63  }
0x3b1: {  	s26 =	sadd.s32 $0x60, s16;
	s28 =	simm.s32 $0x14030  }
0x3b2: {  	[hbm4b:s26+s3] =	stream.linear.scatter [tilespmem:s28], [sflag:$0x4], $0x80, $0x38;
	[tilespmem:$0x17000] =	vst v63  }
0x3b3: {  	s19 =	sadd.s32 $0x70, s16;
	s22 =	simm.s32 $0x140B8  }
0x3b4: {  	[hbm4b:s19+s3] =	stream.linear.scatter [tilespmem:s22], [sflag:$0x4], $0x80, $0x38;
	[tilespmem:$0x17000] =	vst v63  }
0x3b5: {  	s26 =	sadd.s32 $0x4000, s16;
	s28 =	simm.s32 $0x14140  }
0x3b6: {  	[hbm4b:s26+s3] =	stream.linear.scatter [tilespmem:s28], [sflag:$0x4], $0x80, $0x38;
	[tilespmem:$0x17000] =	vst v63  }
0x3b7: {  	s19 =	sadd.s32 $0x4010, s16;
	s22 =	simm.s32 $0x141C8  }
0x3b8: {  	[hbm4b:s19+s3] =	stream.linear.scatter [tilespmem:s22], [sflag:$0x4], $0x80, $0x38;
	[tilespmem:$0x17000] =	vst v63  }
0x3b9: {  	s26 =	sadd.s32 $0x4020, s16;
	s28 =	simm.s32 $0x14250  }
0x3ba: {  	[hbm4b:s26+s3] =	stream.linear.scatter [tilespmem:s28], [sflag:$0x4], $0x80, $0x38;
	[tilespmem:$0x17000] =	vst v63  }
0x3bb: {  	s19 =	sadd.s32 $0x4030, s16;
	s22 =	simm.s32 $0x142D8  }
0x3bc: {  	[hbm4b:s19+s3] =	stream.linear.scatter [tilespmem:s22], [sflag:$0x4], $0x80, $0x38;
	[tilespmem:$0x17000] =	vst v63  }
0x3bd: {  	s26 =	sadd.s32 $0x4040, s16;
	s28 =	simm.s32 $0x14360  }
0x3be: {  	[hbm4b:s26+s3] =	stream.linear.scatter [tilespmem:s28], [sflag:$0x4], $0x80, $0x38;
	[tilespmem:$0x17000] =	vst v63  }
0x3bf: {  	s19 =	sadd.s32 $0x4050, s16;
	s22 =	simm.s32 $0x143E8  }
0x3c0: {  	[hbm4b:s19+s3] =	stream.linear.scatter [tilespmem:s22], [sflag:$0x4], $0x80, $0x38;
	[tilespmem:$0x17000] =	vst v63  }
0x3c1: {  	s26 =	sadd.s32 $0x4060, s16;
	s28 =	simm.s32 $0x14470  }
0x3c2: {  	[hbm4b:s26+s3] =	stream.linear.scatter [tilespmem:s28], [sflag:$0x4], $0x80, $0x38;
	[tilespmem:$0x17000] =	vst v63  }
0x3c3: {  	s19 =	sadd.s32 $0x4070, s16;
	s22 =	simm.s32 $0x144F8  }
0x3c4: {  	[hbm4b:s19+s3] =	stream.linear.scatter [tilespmem:s22], [sflag:$0x4], $0x80, $0x38;
	[tilespmem:$0x17000] =	vst v63  }
0x3c5: {  	s26 =	sadd.s32 $0x8000, s16;
	s28 =	simm.s32 $0x14580  }
0x3c6: {  	[hbm4b:s26+s3] =	stream.linear.scatter [tilespmem:s28], [sflag:$0x4], $0x80, $0x38;
	[tilespmem:$0x17000] =	vst v63  }
0x3c7: {  	s19 =	sadd.s32 $0x8010, s16;
	s22 =	simm.s32 $0x14608  }
0x3c8: {  	[hbm4b:s19+s3] =	stream.linear.scatter [tilespmem:s22], [sflag:$0x4], $0x80, $0x38;
	[tilespmem:$0x17000] =	vst v63  }
0x3c9: {  	s26 =	sadd.s32 $0x8020, s16;
	s28 =	simm.s32 $0x14690  }
0x3ca: {  	[hbm4b:s26+s3] =	stream.linear.scatter [tilespmem:s28], [sflag:$0x4], $0x80, $0x38;
	[tilespmem:$0x17000] =	vst v63  }
0x3cb: {  	s19 =	sadd.s32 $0x8030, s16;
	s22 =	simm.s32 $0x14718  }
0x3cc: {  	[hbm4b:s19+s3] =	stream.linear.scatter [tilespmem:s22], [sflag:$0x4], $0x80, $0x38;
	[tilespmem:$0x17000] =	vst v63  }
0x3cd: {  	s26 =	sadd.s32 $0x8040, s16;
	s28 =	simm.s32 $0x147A0  }
0x3ce: {  	[hbm4b:s26+s3] =	stream.linear.scatter [tilespmem:s28], [sflag:$0x4], $0x80, $0x38;
	[tilespmem:$0x17000] =	vst v63  }
0x3cf: {  	s19 =	sadd.s32 $0x8050, s16;
	s22 =	simm.s32 $0x14828  }
0x3d0: {  	[hbm4b:s19+s3] =	stream.linear.scatter [tilespmem:s22], [sflag:$0x4], $0x80, $0x38;
	[tilespmem:$0x17000] =	vst v63  }
0x3d1: {  	s26 =	sadd.s32 $0x8060, s16;
	s28 =	simm.s32 $0x148B0  }
0x3d2: {  	[hbm4b:s26+s3] =	stream.linear.scatter [tilespmem:s28], [sflag:$0x4], $0x80, $0x38;
	[tilespmem:$0x17000] =	vst v63  }
0x3d3: {  	s19 =	sadd.s32 $0x8070, s16;
	s22 =	simm.s32 $0x14938  }
0x3d4: {  	[hbm4b:s19+s3] =	stream.linear.scatter [tilespmem:s22], [sflag:$0x4], $0x80, $0x38;
	[tilespmem:$0x17000] =	vst v63  }
0x3d5: {  	s26 =	sadd.s32 $0xC000, s16;
	s28 =	simm.s32 $0x149C0  }
0x3d6: {  	[hbm4b:s26+s3] =	stream.linear.scatter [tilespmem:s28], [sflag:$0x4], $0x80, $0x38;
	[tilespmem:$0x17000] =	vst v63  }
0x3d7: {  	s19 =	sadd.s32 $0xC010, s16;
	s22 =	simm.s32 $0x14A48  }
0x3d8: {  	[hbm4b:s19+s3] =	stream.linear.scatter [tilespmem:s22], [sflag:$0x4], $0x80, $0x38;
	[tilespmem:$0x17000] =	vst v63  }
0x3d9: {  	s26 =	sadd.s32 $0xC020, s16;
	s28 =	simm.s32 $0x14AD0  }
0x3da: {  	[hbm4b:s26+s3] =	stream.linear.scatter [tilespmem:s28], [sflag:$0x4], $0x80, $0x38;
	[tilespmem:$0x17000] =	vst v63  }
0x3db: {  	s19 =	sadd.s32 $0xC030, s16;
	s22 =	simm.s32 $0x14B58  }
0x3dc: {  	[hbm4b:s19+s3] =	stream.linear.scatter [tilespmem:s22], [sflag:$0x4], $0x80, $0x38;
	[tilespmem:$0x17000] =	vst v63  }
0x3dd: {  	s26 =	sadd.s32 $0xC040, s16;
	s28 =	simm.s32 $0x14BE0  }
0x3de: {  	[hbm4b:s26+s3] =	stream.linear.scatter [tilespmem:s28], [sflag:$0x4], $0x80, $0x38;
	[tilespmem:$0x17000] =	vst v63  }
0x3df: {  	s19 =	sadd.s32 $0xC050, s16;
	s22 =	simm.s32 $0x14C68  }
0x3e0: {  	[hbm4b:s19+s3] =	stream.linear.scatter [tilespmem:s22], [sflag:$0x4], $0x80, $0x38;
	[tilespmem:$0x17000] =	vst v63  }
0x3e1: {  	s26 =	sadd.s32 $0xC060, s16;
	s28 =	simm.s32 $0x14CF0  }
0x3e2: {  	[hbm4b:s26+s3] =	stream.linear.scatter [tilespmem:s28], [sflag:$0x4], $0x80, $0x38;
	[tilespmem:$0x17000] =	vst v63  }
0x3e3: {  	s18 =	simm.s32 $0x14D78;
	s16 =	sadd.s32 $0xC070, s16;
	s19 =	sor.u32 s11, s14  }
0x3e4: {  	[hbm4b:s16+s3] =	stream.linear.scatter [tilespmem:s18], [sflag:$0x4], $0x80, $0x38;
	[tilespmem:$0x17000] =	vst v63  }
0x3e5: {  	s16 =	sshrl.u32 s19, $0x3  }
0x3e6: {  	s22 =	simm.s32 $0x14E00;
	s16 =	sadd.s32 s2, s16  }
0x3e7: {  	[hbm4b:s16+s3] =	stream.linear.scatter [tilespmem:s22], [sflag:$0x4], $0x80, $0x38;
	[tilespmem:$0x17000] =	vst v63  }
0x3e8: {  	s28 =	simm.s32 $0x14E88;
	s26 =	sadd.s32 $0x10, s16  }
0x3e9: {  	[hbm4b:s26+s3] =	stream.linear.scatter [tilespmem:s28], [sflag:$0x4], $0x80, $0x38;
	[tilespmem:$0x17000] =	vst v63  }
0x3ea: {  	s19 =	sadd.s32 $0x20, s16;
	s22 =	simm.s32 $0x14F10  }
0x3eb: {  	[hbm4b:s19+s3] =	stream.linear.scatter [tilespmem:s22], [sflag:$0x4], $0x80, $0x38;
	[tilespmem:$0x17000] =	vst v63  }
0x3ec: {  	s26 =	sadd.s32 $0x30, s16;
	s28 =	simm.s32 $0x14F98  }
0x3ed: {  	[hbm4b:s26+s3] =	stream.linear.scatter [tilespmem:s28], [sflag:$0x4], $0x80, $0x38;
	[tilespmem:$0x17000] =	vst v63  }
0x3ee: {  	s19 =	sadd.s32 $0x40, s16;
	s22 =	simm.s32 $0x15020  }
0x3ef: {  	[hbm4b:s19+s3] =	stream.linear.scatter [tilespmem:s22], [sflag:$0x4], $0x80, $0x38;
	[tilespmem:$0x17000] =	vst v63  }
0x3f0: {  	s26 =	sadd.s32 $0x50, s16;
	s28 =	simm.s32 $0x150A8  }
0x3f1: {  	[hbm4b:s26+s3] =	stream.linear.scatter [tilespmem:s28], [sflag:$0x4], $0x80, $0x38;
	[tilespmem:$0x17000] =	vst v63  }
0x3f2: {  	s19 =	sadd.s32 $0x60, s16;
	s22 =	simm.s32 $0x15130  }
0x3f3: {  	[hbm4b:s19+s3] =	stream.linear.scatter [tilespmem:s22], [sflag:$0x4], $0x80, $0x38;
	[tilespmem:$0x17000] =	vst v63  }
0x3f4: {  	s26 =	sadd.s32 $0x70, s16;
	s28 =	simm.s32 $0x151B8  }
0x3f5: {  	[hbm4b:s26+s3] =	stream.linear.scatter [tilespmem:s28], [sflag:$0x4], $0x80, $0x38;
	[tilespmem:$0x17000] =	vst v63  }
0x3f6: {  	s19 =	sadd.s32 $0x4000, s16;
	s22 =	simm.s32 $0x15240  }
0x3f7: {  	[hbm4b:s19+s3] =	stream.linear.scatter [tilespmem:s22], [sflag:$0x4], $0x80, $0x38;
	[tilespmem:$0x17000] =	vst v63  }
0x3f8: {  	s26 =	sadd.s32 $0x4010, s16;
	s28 =	simm.s32 $0x152C8  }
0x3f9: {  	[hbm4b:s26+s3] =	stream.linear.scatter [tilespmem:s28], [sflag:$0x4], $0x80, $0x38;
	[tilespmem:$0x17000] =	vst v63  }
0x3fa: {  	s19 =	sadd.s32 $0x4020, s16;
	s22 =	simm.s32 $0x15350  }
0x3fb: {  	[hbm4b:s19+s3] =	stream.linear.scatter [tilespmem:s22], [sflag:$0x4], $0x80, $0x38;
	[tilespmem:$0x17000] =	vst v63  }
0x3fc: {  	s26 =	sadd.s32 $0x4030, s16;
	s28 =	simm.s32 $0x153D8  }
0x3fd: {  	[hbm4b:s26+s3] =	stream.linear.scatter [tilespmem:s28], [sflag:$0x4], $0x80, $0x38;
	[tilespmem:$0x17000] =	vst v63  }
0x3fe: {  	s19 =	sadd.s32 $0x4040, s16;
	s22 =	simm.s32 $0x15460  }
0x3ff: {  	[hbm4b:s19+s3] =	stream.linear.scatter [tilespmem:s22], [sflag:$0x4], $0x80, $0x38;
	[tilespmem:$0x17000] =	vst v63  }
0x400: {  	s26 =	sadd.s32 $0x4050, s16;
	s28 =	simm.s32 $0x154E8  }
0x401: {  	[hbm4b:s26+s3] =	stream.linear.scatter [tilespmem:s28], [sflag:$0x4], $0x80, $0x38;
	[tilespmem:$0x17000] =	vst v63  }
0x402: {  	s19 =	sadd.s32 $0x4060, s16;
	s22 =	simm.s32 $0x15570  }
0x403: {  	[hbm4b:s19+s3] =	stream.linear.scatter [tilespmem:s22], [sflag:$0x4], $0x80, $0x38;
	[tilespmem:$0x17000] =	vst v63  }
0x404: {  	s26 =	sadd.s32 $0x4070, s16;
	s28 =	simm.s32 $0x155F8  }
0x405: {  	[hbm4b:s26+s3] =	stream.linear.scatter [tilespmem:s28], [sflag:$0x4], $0x80, $0x38;
	[tilespmem:$0x17000] =	vst v63  }
0x406: {  	s19 =	sadd.s32 $0x8000, s16;
	s22 =	simm.s32 $0x15680  }
0x407: {  	[hbm4b:s19+s3] =	stream.linear.scatter [tilespmem:s22], [sflag:$0x4], $0x80, $0x38;
	[tilespmem:$0x17000] =	vst v63  }
0x408: {  	s26 =	sadd.s32 $0x8010, s16;
	s28 =	simm.s32 $0x15708  }
0x409: {  	[hbm4b:s26+s3] =	stream.linear.scatter [tilespmem:s28], [sflag:$0x4], $0x80, $0x38;
	[tilespmem:$0x17000] =	vst v63  }
0x40a: {  	s19 =	sadd.s32 $0x8020, s16;
	s22 =	simm.s32 $0x15790  }
0x40b: {  	[hbm4b:s19+s3] =	stream.linear.scatter [tilespmem:s22], [sflag:$0x4], $0x80, $0x38;
	[tilespmem:$0x17000] =	vst v63  }
0x40c: {  	s26 =	sadd.s32 $0x8030, s16;
	s28 =	simm.s32 $0x15818  }
0x40d: {  	[hbm4b:s26+s3] =	stream.linear.scatter [tilespmem:s28], [sflag:$0x4], $0x80, $0x38;
	[tilespmem:$0x17000] =	vst v63  }
0x40e: {  	s19 =	sadd.s32 $0x8040, s16;
	s22 =	simm.s32 $0x158A0  }
0x40f: {  	[hbm4b:s19+s3] =	stream.linear.scatter [tilespmem:s22], [sflag:$0x4], $0x80, $0x38;
	[tilespmem:$0x17000] =	vst v63  }
0x410: {  	s26 =	sadd.s32 $0x8050, s16;
	s28 =	simm.s32 $0x15928  }
0x411: {  	[hbm4b:s26+s3] =	stream.linear.scatter [tilespmem:s28], [sflag:$0x4], $0x80, $0x38;
	[tilespmem:$0x17000] =	vst v63  }
0x412: {  	s19 =	sadd.s32 $0x8060, s16;
	s22 =	simm.s32 $0x159B0  }
0x413: {  	[hbm4b:s19+s3] =	stream.linear.scatter [tilespmem:s22], [sflag:$0x4], $0x80, $0x38;
	[tilespmem:$0x17000] =	vst v63  }
0x414: {  	s26 =	sadd.s32 $0x8070, s16;
	s28 =	simm.s32 $0x15A38  }
0x415: {  	[hbm4b:s26+s3] =	stream.linear.scatter [tilespmem:s28], [sflag:$0x4], $0x80, $0x38;
	[tilespmem:$0x17000] =	vst v63  }
0x416: {  	s19 =	sadd.s32 $0xC000, s16;
	s22 =	simm.s32 $0x15AC0  }
0x417: {  	[hbm4b:s19+s3] =	stream.linear.scatter [tilespmem:s22], [sflag:$0x4], $0x80, $0x38;
	[tilespmem:$0x17000] =	vst v63  }
0x418: {  	s26 =	sadd.s32 $0xC010, s16;
	s28 =	simm.s32 $0x15B48  }
0x419: {  	[hbm4b:s26+s3] =	stream.linear.scatter [tilespmem:s28], [sflag:$0x4], $0x80, $0x38;
	[tilespmem:$0x17000] =	vst v63  }
0x41a: {  	s19 =	sadd.s32 $0xC020, s16;
	s22 =	simm.s32 $0x15BD0  }
0x41b: {  	[hbm4b:s19+s3] =	stream.linear.scatter [tilespmem:s22], [sflag:$0x4], $0x80, $0x38;
	[tilespmem:$0x17000] =	vst v63  }
0x41c: {  	s26 =	sadd.s32 $0xC030, s16;
	s28 =	simm.s32 $0x15C58  }
0x41d: {  	[hbm4b:s26+s3] =	stream.linear.scatter [tilespmem:s28], [sflag:$0x4], $0x80, $0x38;
	[tilespmem:$0x17000] =	vst v63  }
0x41e: {  	s18 =	sadd.s32 $0xC040, s16;
	s19 =	simm.s32 $0x15CE0  }
0x41f: {  	[hbm4b:s18+s3] =	stream.linear.scatter [tilespmem:s19], [sflag:$0x4], $0x80, $0x38;
	[tilespmem:$0x17000] =	vst v63  }
0x420: {  	s22 =	sadd.s32 $0xC050, s16;
	s26 =	simm.s32 $0x15D68  }
0x421: {  	[hbm4b:s22+s3] =	stream.linear.scatter [tilespmem:s26], [sflag:$0x4], $0x80, $0x38;
	[tilespmem:$0x17000] =	vst v63  }
0x422: {  	s14 =	sor.u32 s12, s14;
	s28 =	sadd.s32 $0xC060, s16  }
0x423: {  	[hbm4b:s28+s3] =	stream.linear.scatter [tilespmem:s29], [sflag:$0x4], $0x80, $0x38;
	[tilespmem:$0x17000] =	vst v63  }
0x424: {  	s14 =	sshrl.u32 s14, $0x3;
	s16 =	sadd.s32 $0xC070, s16  }
0x425: {  	[hbm4b:s16+s3] =	stream.linear.scatter [tilespmem:s30], [sflag:$0x4], $0x80, $0x38;
	[tilespmem:$0x17000] =	vst v63  }
0x426: {  	s14 =	sadd.s32 s2, s14  }
0x427: {  	[hbm4b:s14+s3] =	stream.linear.scatter [tilespmem:s31], [sflag:$0x4], $0x80, $0x38;
	[tilespmem:$0x17000] =	vst v63  }
0x428: {  	s18 =	sadd.s32 $0x10, s14  }
0x429: {  	[hbm4b:s18+s3] =	stream.linear.scatter [tilespmem:s0], [sflag:$0x4], $0x80, $0x38;
	[tilespmem:$0x17000] =	vst v63  }
0x42a: {  	s19 =	sadd.s32 $0x20, s14;
	s22 =	simm.s32 $0x16010  }
0x42b: {  	[hbm4b:s19+s3] =	stream.linear.scatter [tilespmem:s22], [sflag:$0x4], $0x80, $0x38;
	[tilespmem:$0x17000] =	vst v63  }
0x42c: {  	s26 =	sadd.s32 $0x30, s14;
	s28 =	simm.s32 $0x16098  }
0x42d: {  	[hbm4b:s26+s3] =	stream.linear.scatter [tilespmem:s28], [sflag:$0x4], $0x80, $0x38;
	[tilespmem:$0x17000] =	vst v63  }
0x42e: {  	s17 =	sadd.s32 $0x40, s14;
	s18 =	simm.s32 $0x16120  }
0x42f: {  	[hbm4b:s17+s3] =	stream.linear.scatter [tilespmem:s18], [sflag:$0x4], $0x80, $0x38;
	[tilespmem:$0x17000] =	vst v63  }
0x430: {  	s19 =	sadd.s32 $0x50, s14;
	s22 =	simm.s32 $0x161A8  }
0x431: {  	[hbm4b:s19+s3] =	stream.linear.scatter [tilespmem:s22], [sflag:$0x4], $0x80, $0x38;
	[tilespmem:$0x17000] =	vst v63  }
0x432: {  	s26 =	sadd.s32 $0x60, s14;
	s28 =	simm.s32 $0x16230  }
0x433: {  	[hbm4b:s26+s3] =	stream.linear.scatter [tilespmem:s28], [sflag:$0x4], $0x80, $0x38;
	[tilespmem:$0x17000] =	vst v63  }
0x434: {  	s17 =	sadd.s32 $0x70, s14;
	s18 =	simm.s32 $0x162B8  }
0x435: {  	[hbm4b:s17+s3] =	stream.linear.scatter [tilespmem:s18], [sflag:$0x4], $0x80, $0x38;
	[tilespmem:$0x17000] =	vst v63  }
0x436: {  	s19 =	sadd.s32 $0x4000, s14;
	s22 =	simm.s32 $0x16340  }
0x437: {  	[hbm4b:s19+s3] =	stream.linear.scatter [tilespmem:s22], [sflag:$0x4], $0x80, $0x38;
	[tilespmem:$0x17000] =	vst v63  }
0x438: {  	s26 =	sadd.s32 $0x4010, s14;
	s28 =	simm.s32 $0x163C8  }
0x439: {  	[hbm4b:s26+s3] =	stream.linear.scatter [tilespmem:s28], [sflag:$0x4], $0x80, $0x38;
	[tilespmem:$0x17000] =	vst v63  }
0x43a: {  	s17 =	sadd.s32 $0x4020, s14;
	s18 =	simm.s32 $0x16450  }
0x43b: {  	[hbm4b:s17+s3] =	stream.linear.scatter [tilespmem:s18], [sflag:$0x4], $0x80, $0x38;
	[tilespmem:$0x17000] =	vst v63  }
0x43c: {  	s19 =	sadd.s32 $0x4030, s14;
	s22 =	simm.s32 $0x164D8  }
0x43d: {  	[hbm4b:s19+s3] =	stream.linear.scatter [tilespmem:s22], [sflag:$0x4], $0x80, $0x38;
	[tilespmem:$0x17000] =	vst v63  }
0x43e: {  	s26 =	sadd.s32 $0x4040, s14;
	s28 =	simm.s32 $0x16560  }
0x43f: {  	[hbm4b:s26+s3] =	stream.linear.scatter [tilespmem:s28], [sflag:$0x4], $0x80, $0x38;
	[tilespmem:$0x17000] =	vst v63  }
0x440: {  	s17 =	sadd.s32 $0x4050, s14;
	s18 =	simm.s32 $0x165E8  }
0x441: {  	[hbm4b:s17+s3] =	stream.linear.scatter [tilespmem:s18], [sflag:$0x4], $0x80, $0x38;
	[tilespmem:$0x17000] =	vst v63  }
0x442: {  	s19 =	sadd.s32 $0x4060, s14;
	s22 =	simm.s32 $0x16670  }
0x443: {  	[hbm4b:s19+s3] =	stream.linear.scatter [tilespmem:s22], [sflag:$0x4], $0x80, $0x38;
	[tilespmem:$0x17000] =	vst v63  }
0x444: {  	s26 =	sadd.s32 $0x4070, s14;
	s28 =	simm.s32 $0x166F8  }
0x445: {  	[hbm4b:s26+s3] =	stream.linear.scatter [tilespmem:s28], [sflag:$0x4], $0x80, $0x38;
	[tilespmem:$0x17000] =	vst v63  }
0x446: {  	s17 =	sadd.s32 $0x8000, s14;
	s18 =	simm.s32 $0x16780  }
0x447: {  	[hbm4b:s17+s3] =	stream.linear.scatter [tilespmem:s18], [sflag:$0x4], $0x80, $0x38;
	[tilespmem:$0x17000] =	vst v63  }
0x448: {  	s19 =	sadd.s32 $0x8010, s14;
	s22 =	simm.s32 $0x16808  }
0x449: {  	[hbm4b:s19+s3] =	stream.linear.scatter [tilespmem:s22], [sflag:$0x4], $0x80, $0x38;
	[tilespmem:$0x17000] =	vst v63  }
0x44a: {  	s26 =	sadd.s32 $0x8020, s14;
	s28 =	simm.s32 $0x16890  }
0x44b: {  	[hbm4b:s26+s3] =	stream.linear.scatter [tilespmem:s28], [sflag:$0x4], $0x80, $0x38;
	[tilespmem:$0x17000] =	vst v63  }
0x44c: {  	s17 =	sadd.s32 $0x8030, s14;
	s18 =	simm.s32 $0x16918  }
0x44d: {  	[hbm4b:s17+s3] =	stream.linear.scatter [tilespmem:s18], [sflag:$0x4], $0x80, $0x38;
	[tilespmem:$0x17000] =	vst v63  }
0x44e: {  	s19 =	sadd.s32 $0x8040, s14;
	s22 =	simm.s32 $0x169A0  }
0x44f: {  	[hbm4b:s19+s3] =	stream.linear.scatter [tilespmem:s22], [sflag:$0x4], $0x80, $0x38;
	[tilespmem:$0x17000] =	vst v63  }
0x450: {  	s26 =	sadd.s32 $0x8050, s14;
	s28 =	simm.s32 $0x16A28  }
0x451: {  	[hbm4b:s26+s3] =	stream.linear.scatter [tilespmem:s28], [sflag:$0x4], $0x80, $0x38;
	[tilespmem:$0x17000] =	vst v63  }
0x452: {  	s17 =	sadd.s32 $0x8060, s14;
	s18 =	simm.s32 $0x16AB0  }
0x453: {  	[hbm4b:s17+s3] =	stream.linear.scatter [tilespmem:s18], [sflag:$0x4], $0x80, $0x38;
	[tilespmem:$0x17000] =	vst v63  }
0x454: {  	s19 =	sadd.s32 $0x8070, s14;
	s22 =	simm.s32 $0x16B38  }
0x455: {  	[hbm4b:s19+s3] =	stream.linear.scatter [tilespmem:s22], [sflag:$0x4], $0x80, $0x38;
	[tilespmem:$0x17000] =	vst v63  }
0x456: {  	s26 =	sadd.s32 $0xC000, s14;
	s28 =	simm.s32 $0x16BC0  }
0x457: {  	[hbm4b:s26+s3] =	stream.linear.scatter [tilespmem:s28], [sflag:$0x4], $0x80, $0x38;
	[tilespmem:$0x17000] =	vst v63  }
0x458: {  	s17 =	sadd.s32 $0xC010, s14;
	s18 =	simm.s32 $0x16C48  }
0x459: {  	[hbm4b:s17+s3] =	stream.linear.scatter [tilespmem:s18], [sflag:$0x4], $0x80, $0x38;
	[tilespmem:$0x17000] =	vst v63  }
0x45a: {  	s19 =	sadd.s32 $0xC020, s14;
	s22 =	simm.s32 $0x16CD0  }
0x45b: {  	[hbm4b:s19+s3] =	stream.linear.scatter [tilespmem:s22], [sflag:$0x4], $0x80, $0x38;
	[tilespmem:$0x17000] =	vst v63  }
0x45c: {  	s26 =	sadd.s32 $0xC030, s14;
	s28 =	simm.s32 $0x16D58  }
0x45d: {  	[hbm4b:s26+s3] =	stream.linear.scatter [tilespmem:s28], [sflag:$0x4], $0x80, $0x38;
	[tilespmem:$0x17000] =	vst v63  }
0x45e: {  	s13 =	sadd.s32 $0x1, s13;
	s17 =	sadd.s32 $0xC040, s14;
	s18 =	simm.s32 $0x16DE0  }
0x45f: {  	[hbm4b:s17+s3] =	stream.linear.scatter [tilespmem:s18], [sflag:$0x4], $0x80, $0x38;
	[tilespmem:$0x17000] =	vst v63  }
0x460: {  	p0 =	sne.s32 s13, $0x19;
	s19 =	sadd.s32 $0xC050, s14;
	s22 =	simm.s32 $0x16E68  }
0x461: {  	[hbm4b:s19+s3] =	stream.linear.scatter [tilespmem:s22], [sflag:$0x4], $0x80, $0x38;
	[tilespmem:$0x17000] =	vst v63  }
.Ltmp5:
0x462: {  	_ = 	snop;
	(pc) =	sbr.rel @p0 .LBB2_2-.Ltmp5, $4  }
0x463: {  	s26 =	sadd.s32 $0xC060, s14;
	s28 =	simm.s32 $0x16EF0  }
0x464: {  	[hbm4b:s26+s3] =	stream.linear.scatter [tilespmem:s28], [sflag:$0x4], $0x80, $0x38;
	[tilespmem:$0x17000] =	vst v63  }
0x465: {  	s14 =	sadd.s32 $0xC070, s14  }
0x466: {  	[hbm4b:s14+s3] =	stream.linear.scatter [tilespmem:s1], [sflag:$0x4], $0x80, $0x38;
	[tilespmem:$0x17000] =	vst v63  }
0x467: {  	_ =	swait.ge [sflag:s6], $0x400  }
0x468: {  	[sflag:s6] =	ssyncset.done $0x0  }
0x469: {  	[sflag:s6] =	ssyncadd.s32 $0xFFFFFC00  }
0x46a: {  	_ =	swait.ge [sflag:s6], $0x400  }
0x46b: {  	[sflag:s6] =	ssyncset.done $0x0  }
0x46c: {  	[sflag:s6] =	ssyncadd.s32 $0xFFFFFC00  }
0x46d: {  	_ =	swait.ge [sflag:s6], $0x400  }
0x46e: {  	[sflag:s6] =	ssyncset.done $0x0  }
0x46f: {  	[sflag:s6] =	ssyncadd.s32 $0xFFFFFC00  }
0x470: {  	_ =	swait.ge [sflag:s6], $0x400  }
0x471: {  	[sflag:s6] =	ssyncset.done $0x0  }
0x472: {  	[sflag:s6] =	ssyncadd.s32 $0xFFFFFC00  }
0x473: {  	_ =	swait.ge [sflag:s6], $0x400  }
0x474: {  	[sflag:s6] =	ssyncset.done $0x0  }
0x475: {  	[sflag:s6] =	ssyncadd.s32 $0xFFFFFC00  }
0x476: {  	_ =	swait.ge [sflag:s6], $0x400  }
0x477: {  	[sflag:s6] =	ssyncset.done $0x0  }
0x478: {  	[sflag:s6] =	ssyncadd.s32 $0xFFFFFC00  }
0x479: {  	_ =	swait.ge [sflag:s6], $0x400  }
0x47a: {  	[sflag:s6] =	ssyncset.done $0x0  }
0x47b: {  	[sflag:s6] =	ssyncadd.s32 $0xFFFFFC00  }
0x47c: {  	_ =	swait.ge [sflag:s6], $0x400  }
0x47d: {  	[sflag:s6] =	ssyncset.done $0x0  }
0x47e: {  	[sflag:s6] =	ssyncadd.s32 $0xFFFFFC00  }
0x47f: {  	_ =	swait.ge [sflag:s6], $0x400  }
0x480: {  	[sflag:s6] =	ssyncset.done $0x0  }
0x481: {  	[sflag:s6] =	ssyncadd.s32 $0xFFFFFC00  }
0x482: {  	_ =	swait.ge [sflag:s6], $0x400  }
0x483: {  	[sflag:s6] =	ssyncset.done $0x0  }
0x484: {  	[sflag:s6] =	ssyncadd.s32 $0xFFFFFC00  }
0x485: {  	_ =	swait.ge [sflag:s6], $0x400  }
0x486: {  	[sflag:s6] =	ssyncset.done $0x0  }
0x487: {  	[sflag:s6] =	ssyncadd.s32 $0xFFFFFC00  }
0x488: {  	_ =	swait.ge [sflag:s6], $0x400  }
0x489: {  	[sflag:s6] =	ssyncset.done $0x0  }
0x48a: {  	[sflag:s6] =	ssyncadd.s32 $0xFFFFFC00  }
0x48b: {  	_ =	swait.ge [sflag:s6], $0x400  }
0x48c: {  	[sflag:s6] =	ssyncset.done $0x0  }
0x48d: {  	[sflag:s6] =	ssyncadd.s32 $0xFFFFFC00  }
0x48e: {  	_ =	swait.ge [sflag:s6], $0x400  }
0x48f: {  	[sflag:s6] =	ssyncset.done $0x0  }
0x490: {  	[sflag:s6] =	ssyncadd.s32 $0xFFFFFC00  }
0x491: {  	_ =	swait.ge [sflag:s6], $0x400  }
0x492: {  	[sflag:s6] =	ssyncset.done $0x0  }
0x493: {  	[sflag:s6] =	ssyncadd.s32 $0xFFFFFC00  }
0x494: {  	_ =	swait.ge [sflag:s6], $0x400  }
0x495: {  	[sflag:s6] =	ssyncset.done $0x0  }
0x496: {  	[sflag:s6] =	ssyncadd.s32 $0xFFFFFC00  }
0x497: {  	_ =	swait.ge [sflag:s24], $0x400  }
0x498: {  	[sflag:s24] =	ssyncset.done $0x0  }
0x499: {  	[sflag:s24] =	ssyncadd.s32 $0xFFFFFC00  }
0x49a: {  	_ =	swait.ge [sflag:s24], $0x400  }
0x49b: {  	[sflag:s24] =	ssyncset.done $0x0  }
0x49c: {  	[sflag:s24] =	ssyncadd.s32 $0xFFFFFC00  }
0x49d: {  	_ =	swait.ge [sflag:s24], $0x400  }
0x49e: {  	[sflag:s24] =	ssyncset.done $0x0  }
0x49f: {  	[sflag:s24] =	ssyncadd.s32 $0xFFFFFC00  }
0x4a0: {  	_ =	swait.ge [sflag:s24], $0x400  }
0x4a1: {  	[sflag:s24] =	ssyncset.done $0x0  }
0x4a2: {  	[sflag:s24] =	ssyncadd.s32 $0xFFFFFC00  }
0x4a3: {  	_ =	swait.ge [sflag:s24], $0x400  }
0x4a4: {  	[sflag:s24] =	ssyncset.done $0x0  }
0x4a5: {  	[sflag:s24] =	ssyncadd.s32 $0xFFFFFC00  }
0x4a6: {  	_ =	swait.ge [sflag:s24], $0x400  }
0x4a7: {  	[sflag:s24] =	ssyncset.done $0x0  }
0x4a8: {  	[sflag:s24] =	ssyncadd.s32 $0xFFFFFC00  }
0x4a9: {  	_ =	swait.ge [sflag:s24], $0x400  }
0x4aa: {  	[sflag:s24] =	ssyncset.done $0x0  }
0x4ab: {  	[sflag:s24] =	ssyncadd.s32 $0xFFFFFC00  }
0x4ac: {  	_ =	swait.ge [sflag:s24], $0x400  }
0x4ad: {  	[sflag:s24] =	ssyncset.done $0x0  }
0x4ae: {  	[sflag:s24] =	ssyncadd.s32 $0xFFFFFC00  }
0x4af: {  	_ =	swait.ge [sflag:s24], $0x400  }
0x4b0: {  	[sflag:s24] =	ssyncset.done $0x0  }
0x4b1: {  	[sflag:s24] =	ssyncadd.s32 $0xFFFFFC00  }
0x4b2: {  	_ =	swait.ge [sflag:s24], $0x400  }
0x4b3: {  	[sflag:s24] =	ssyncset.done $0x0  }
0x4b4: {  	[sflag:s24] =	ssyncadd.s32 $0xFFFFFC00  }
0x4b5: {  	_ =	swait.ge [sflag:s24], $0x400  }
0x4b6: {  	[sflag:s24] =	ssyncset.done $0x0  }
0x4b7: {  	[sflag:s24] =	ssyncadd.s32 $0xFFFFFC00  }
0x4b8: {  	_ =	swait.ge [sflag:s24], $0x400  }
0x4b9: {  	[sflag:s24] =	ssyncset.done $0x0  }
0x4ba: {  	[sflag:s24] =	ssyncadd.s32 $0xFFFFFC00  }
0x4bb: {  	_ =	swait.ge [sflag:s24], $0x400  }
0x4bc: {  	[sflag:s24] =	ssyncset.done $0x0  }
0x4bd: {  	[sflag:s24] =	ssyncadd.s32 $0xFFFFFC00  }
0x4be: {  	_ =	swait.ge [sflag:s24], $0x400  }
0x4bf: {  	[sflag:s24] =	ssyncset.done $0x0  }
0x4c0: {  	[sflag:s24] =	ssyncadd.s32 $0xFFFFFC00  }
0x4c1: {  	_ =	swait.ge [sflag:s24], $0x400  }
0x4c2: {  	[sflag:s24] =	ssyncset.done $0x0  }
0x4c3: {  	[sflag:s24] =	ssyncadd.s32 $0xFFFFFC00  }
0x4c4: {  	_ =	swait.ge [sflag:s24], $0x400  }
0x4c5: {  	s14 =	rddreg [dreg:$0x6]  }
0x4c6: {  	s13 =	rddreg [dreg:$0x5];
	s14 =	sadd.s32 $0x1, s14  }
0x4c7: {  	p0 =	sne.s32 s14, s13  }
.Ltmp6:
0x4c8: {  	_ = 	snop;
	(pc) =	sbr.rel @p0 .LBB2_1-.Ltmp6, $3  }
0x4c9: {  	_ =	sdelay $0x1  }
0x4ca: {  	[sflag:s24] =	ssyncset.done $0x0  }
0x4cb: {  	[sflag:s24] =	ssyncadd.s32 $0xFFFFFC00  }
0x4cc: {  	_ =	sfence.sel $0x180000  }
0x4cd: {  	[bflag:$0x0] =	sbarrier.arrive $0xFFFF  }
0x4ce: {  	_ =	strace $0x90000047  }
0x4cf: {  	s0 =	stileid.u32;
	[bflag:$0x2] =	sbarrier.arrive $0xFFFF  }
0x4d0: {  	p0 =	sne.s32 s0, $0x0;
	s0 =	rddreg [dreg:$0x3]  }
0x4d1: {  	s0 =	sadd.s32 @!p0 $0x100000, s0  }
0x4d2: {  	[sflag:s0] =	ssyncadd.tile.s32 @!p0 $0x1;
	_ =	shalt  }
.Lfunc_end2:
_tile_overlayer_lowered:
.L_overlay_start_2:
0x4d3: {  	(tag) =	ssettag $0x2  }
0x4d4: {  	s0 =	rddreg [dreg:$0x0];
	s2 =	stileid.u32  }
0x4d5: {  	s1 =	rddreg [dreg:$0x1];
	p0 =	sne.s32 s2, $0x0  }
0x4d6: {  	s3 =	rddreg [dreg:$0x2];
	[bflag:$0x3] =	sbarrier.arrive $0xFFFF;
	s2 =	simm.s32 @!p0 $0x1C05  }
0x4d7: {  	[timem:s3], [sflag:s2] =	dma.local @!p0 [hbm:s0], s1  }
0x4d8: {  	s0 =	simm.s32 @!p0 $0x5  }
0x4d9: {  	_ =	swait.ge @!p0 [sflag:s0], s1  }
0x4da: {  	s1 =	ssub.s32 @!p0 $0x0, s1;
	[sflag:s0] =	ssyncset.done @!p0 $0x0  }
0x4db: {  	[sflag:s0] =	ssyncadd.s32 @!p0 s1  }
0x4dc: {  	[bflag:$0x3] =	sbarrier.arrive $0xFFFF  }
0x4dd: {  	_ =	shalt  }

</sc_bundles>
